<compile_context>
chip_gen: v7x
topology: tpu7x:2x2x1
jax: 0.10.2.dev20260603
libtpu: 0.0.44.dev20260713+nightly
codegen_flags: <defaults>
</compile_context>

<pallas_src>
import functools

import jax
import jax.numpy as jnp
from jax import lax
from jax.experimental import pallas as pl
from jax.experimental.pallas import tpu as pltpu
from jax.experimental.pallas import tpu_sc as plsc

NC = 2
NS = 16
NW = NC * NS
CHUNK = 120
GROUPS = 64

_mesh = lambda: plsc.VectorSubcoreMesh(core_axis_name="c", subcore_axis_name="s")


DCHUNK = 128


def _make_deg(n_pad, nchunk):
    rpt = n_pad // NS

    @functools.partial(
        pl.kernel,
        out_type=jax.ShapeDtypeStruct((NC, n_pad), jnp.float32),
        mesh=_mesh(),
        scratch_types=[
            pltpu.VMEM((nchunk, DCHUNK), jnp.int32),
            pltpu.VMEM((DCHUNK,), jnp.float32),
            pltpu.VMEM_SHARED((n_pad,), jnp.float32),
        ],
    )
    def deg_kernel(dst_hbm, ones_hbm, z_hbm, out_hbm, dstv, onesv, acc):
        c = lax.axis_index("c")
        s = lax.axis_index("s")
        wid = c * NS + s
        pltpu.sync_copy(z_hbm.at[wid], acc.at[pl.ds(s * rpt, rpt)])
        pltpu.sync_copy(dst_hbm.at[wid], dstv)
        pltpu.sync_copy(ones_hbm.at[wid], onesv)
        plsc.subcore_barrier()

        def body(j, carry):
            pltpu.sync_copy(onesv, acc.at[dstv.at[j]], add=True)
            return carry

        lax.fori_loop(0, nchunk, body, 0)
        plsc.subcore_barrier()
        pltpu.sync_copy(acc.at[pl.ds(s * rpt, rpt)],
                        out_hbm.at[c, pl.ds(s * rpt, rpt)])

    return deg_kernel


def _make_scatter(n_pad, hw, nchunk):
    rpt = n_pad // NS

    @functools.partial(
        pl.kernel,
        out_type=jax.ShapeDtypeStruct((NC, n_pad, hw), jnp.float32),
        mesh=_mesh(),
        scratch_types=[pltpu.VMEM((1, CHUNK), jnp.int32)] * 12 + [
            pltpu.VMEM((CHUNK, hw), jnp.float32),
            pltpu.VMEM((CHUNK, hw), jnp.float32),
            pltpu.VMEM((CHUNK, hw), jnp.float32),
            pltpu.VMEM_SHARED((n_pad, hw), jnp.float32),
        ] + [pltpu.SemaphoreType.DMA] * 18,
    )
    def scat_kernel(h_hbm, src_hbm, dst_hbm, z_hbm, out_hbm, *refs):
        srcx = refs[0:6]
        dstx = refs[6:12]
        rows0, rows1, rows2, acc = refs[12:16]
        sems = refs[16:]
        semsi = sems[0:6]
        semdi = sems[6:12]
        semg = sems[12:15]
        semss = sems[15:18]
        rows = (rows0, rows1, rows2)
        c = lax.axis_index("c")
        s = lax.axis_index("s")
        wid = c * NS + s
        pltpu.sync_copy(z_hbm.at[wid], acc.at[pl.ds(s * rpt, rpt)])
        plsc.subcore_barrier()

        for u in range(6):
            pltpu.async_copy(src_hbm.at[wid, u], srcx[u], semsi[u])
            pltpu.async_copy(dst_hbm.at[wid, u], dstx[u], semdi[u])
        for t in range(2):
            pltpu.make_async_copy(src_hbm.at[wid, t], srcx[t],
                                  semsi[t]).wait()
            pltpu.async_copy(h_hbm.at[srcx[t].at[0]], rows[t], semg[t])

        def body(k, carry):
            for off in range(6):
                j = 6 * k + off
                t = off % 3
                u = off
                t2 = (off + 2) % 3
                u2 = (off + 2) % 6
                up = (off + 5) % 6
                pltpu.make_async_copy(h_hbm.at[srcx[u].at[0]], rows[t],
                                      semg[t]).wait()
                pltpu.make_async_copy(dst_hbm.at[wid, j], dstx[u],
                                      semdi[u]).wait()
                pltpu.async_copy(rows[t], acc.at[dstx[u].at[0]], semss[t],
                                 add=True)

                @pl.when(j >= 1)
                def _free_and_refetch():
                    pltpu.make_async_copy(rows[t2], acc.at[dstx[up].at[0]],
                                          semss[t2]).wait()

                    @pl.when(j + 5 < nchunk)
                    def _refetch_idx():
                        pltpu.async_copy(src_hbm.at[wid, j + 5],
                                         srcx[up], semsi[up])
                        pltpu.async_copy(dst_hbm.at[wid, j + 5],
                                         dstx[up], semdi[up])

                @pl.when(j + 2 < nchunk)
                def _launch_gather():
                    pltpu.make_async_copy(src_hbm.at[wid, j + 2],
                                          srcx[u2], semsi[u2]).wait()
                    pltpu.async_copy(h_hbm.at[srcx[u2].at[0]], rows[t2],
                                     semg[t2])

            return carry

        lax.fori_loop(0, nchunk // 6, body, 0)
        pltpu.make_async_copy(rows[2], acc.at[dstx[5].at[0]], semss[2]).wait()
        plsc.subcore_barrier()
        pltpu.sync_copy(acc.at[pl.ds(s * rpt, rpt)],
                        out_hbm.at[c, pl.ds(s * rpt, rpt)])

    return scat_kernel


def _make_scatter_narrow(n_pad, hw, nchunk):
    rpt = n_pad // NS

    @functools.partial(
        pl.kernel,
        out_type=jax.ShapeDtypeStruct((NC, n_pad, hw), jnp.float32),
        mesh=_mesh(),
        compiler_params=pltpu.CompilerParams(use_tc_tiling_on_sc=False),
        scratch_types=[
            pltpu.VMEM((nchunk, CHUNK), jnp.int32),
            pltpu.VMEM((nchunk, CHUNK), jnp.int32),
            pltpu.VMEM((CHUNK, hw), jnp.float32),
            pltpu.VMEM((CHUNK, hw), jnp.float32),
            pltpu.VMEM((CHUNK, hw), jnp.float32),
            pltpu.VMEM_SHARED((n_pad, hw), jnp.float32),
        ] + [pltpu.SemaphoreType.DMA] * 6,
    )
    def scatn_kernel(h_hbm, src_hbm, dst_hbm, z_hbm, out_hbm,
                     srcv, dstv, rows0, rows1, rows2, acc, *sems):
        semg = sems[0:3]
        semss = sems[3:6]
        rows = (rows0, rows1, rows2)
        c = lax.axis_index("c")
        s = lax.axis_index("s")
        wid = c * NS + s
        pltpu.sync_copy(z_hbm.at[wid], acc.at[pl.ds(s * rpt, rpt)])
        pltpu.sync_copy(src_hbm.at[wid], srcv)
        pltpu.sync_copy(dst_hbm.at[wid], dstv)
        plsc.subcore_barrier()

        for t in range(2):
            pltpu.async_copy(h_hbm.at[srcv.at[t]], rows[t], semg[t])

        def body(k, carry):
            for off in range(3):
                j = 3 * k + off
                t = off
                t2 = (off + 2) % 3
                pltpu.make_async_copy(h_hbm.at[srcv.at[j]], rows[t],
                                      semg[t]).wait()
                pltpu.async_copy(rows[t], acc.at[dstv.at[j]], semss[t],
                                 add=True)

                @pl.when(j >= 1)
                def _free_prev():
                    pltpu.make_async_copy(rows[t2], acc.at[dstv.at[j]],
                                          semss[t2]).wait()

                @pl.when(j + 2 < nchunk)
                def _launch_gather():
                    pltpu.async_copy(h_hbm.at[srcv.at[j + 2]], rows[t2],
                                     semg[t2])

            return carry

        lax.fori_loop(0, nchunk // 3, body, 0)
        pltpu.make_async_copy(rows[2], acc.at[dstv.at[0]], semss[2]).wait()
        plsc.subcore_barrier()
        pltpu.sync_copy(acc.at[pl.ds(s * rpt, rpt)],
                        out_hbm.at[c, pl.ds(s * rpt, rpt)])

    return scatn_kernel


def _ka_body(deg_ref, x_ref, w_ref, dinv_ref, g_ref):
    n = x_ref.shape[0]
    deg = deg_ref[0] + deg_ref[1] + 1.0
    dinv = lax.rsqrt(deg)[:, None]
    dinv_ref[...] = dinv
    g_ref[...] = (x_ref[...] @ w_ref[...]) * dinv[:n]


def _kmid_body(p_ref, g_ref, dinv_ref, b_ref, w_ref, gout_ref):
    n = g_ref.shape[0]
    dinv = dinv_ref[...][:n]
    agg = p_ref[0, :n, :] + p_ref[1, :n, :] + g_ref[...]
    h = jnp.maximum(agg * dinv + b_ref[...][None, :], 0.0)
    u = h @ w_ref[...]
    pad = gout_ref.shape[1] - u.shape[1]
    if pad:
        u = jnp.concatenate([u, jnp.zeros((n, pad), u.dtype)], axis=1)
    gout_ref[...] = u * dinv


def _kd_body(p_ref, g_ref, dinv_ref, b_ref, batch_ref, out_ref):
    n = g_ref.shape[0]
    c = b_ref.shape[0]
    g = out_ref.shape[0]
    dinv = dinv_ref[...][:n]
    agg = p_ref[0, :n, :] + p_ref[1, :n, :] + g_ref[...]
    h = agg[:, :c] * dinv + b_ref[...][None, :]
    bt = batch_ref[...]
    oh = (bt[:, None] == lax.broadcasted_iota(jnp.int32, (n, g), 1))
    oh = oh.astype(jnp.float32)
    sums = lax.dot_general(oh, h, (((0,), (0,)), ((), ())))
    cnt = jnp.sum(oh, axis=0)[:, None]
    pooled = sums / jnp.maximum(cnt, 1.0)
    m = jnp.max(pooled, axis=1, keepdims=True)
    e = jnp.exp(pooled - m)
    out_ref[...] = e / jnp.sum(e, axis=1, keepdims=True)


def kernel(x, edge_index, batch, W1, b1, W2, b2, W3, b3):
    n, f_in = x.shape
    h_dim = W1.shape[1]
    c_dim = W3.shape[1]
    cp = 64
    e = edge_index.shape[1]

    epw = -(-e // NW)
    nchunk = -(-epw // CHUNK)
    nchunk = -(-nchunk // 6) * 6
    e_pad = NW * nchunk * CHUNK
    rpt = -(-(n + NW) // NS)
    rpt = -(-rpt // 128) * 128
    n_pad = NS * rpt

    src = edge_index[0]
    dst = edge_index[1]
    pad = e_pad - e
    pidx = jnp.arange(pad, dtype=jnp.int32)
    src_p = jnp.concatenate([src, pidx % n])
    dst_p = jnp.concatenate([dst, n + pidx % (n_pad - n)])
    src_r = src_p.reshape(NW, nchunk, CHUNK)
    dst_r = dst_p.reshape(NW, nchunk, CHUNK)

    nchunk_d = -(-epw // DCHUNK)
    nchunk_d += nchunk_d % 2
    e_pad_d = NW * nchunk_d * DCHUNK
    pad_d = e_pad_d - e
    pidx_d = jnp.arange(pad_d, dtype=jnp.int32)
    dst_rd = jnp.concatenate([dst, n + pidx_d % (n_pad - n)])
    dst_rd = dst_rd.reshape(NW, nchunk_d, DCHUNK)

    ones_col = jnp.ones((NW, DCHUNK), jnp.float32)
    z_col = jnp.zeros((NW, rpt), jnp.float32)
    z_h = jnp.zeros((NW, rpt, h_dim), jnp.float32)

    deg_fn = _make_deg(n_pad, nchunk_d)
    scat_h = _make_scatter(n_pad, h_dim, nchunk)
    scat_c = scat_h if cp == h_dim else _make_scatter_narrow(n_pad, cp,
                                                             nchunk)

    degp = deg_fn(dst_rd, ones_col, z_col)

    dinv, g1 = pl.pallas_call(
        _ka_body,
        out_shape=(jax.ShapeDtypeStruct((n_pad, 1), jnp.float32),
                   jax.ShapeDtypeStruct((n, h_dim), jnp.float32)),
    )(degp, x, W1)

    src_r4 = src_r.reshape(NW, nchunk, 1, CHUNK)
    dst_r4 = dst_r.reshape(NW, nchunk, 1, CHUNK)
    p1 = scat_h(g1, src_r4, dst_r4, z_h)

    g2 = pl.pallas_call(
        _kmid_body,
        out_shape=jax.ShapeDtypeStruct((n, h_dim), jnp.float32),
    )(p1, g1, dinv, b1, W2)

    p2 = scat_h(g2, src_r4, dst_r4, z_h)

    g3 = pl.pallas_call(
        _kmid_body,
        out_shape=jax.ShapeDtypeStruct((n, cp), jnp.float32),
    )(p2, g2, dinv, b2, W3)

    z_c = jnp.zeros((NW, rpt, cp), jnp.float32)
    p3 = scat_c(g3, src_r, dst_r, z_c)

    out = pl.pallas_call(
        _kd_body,
        out_shape=jax.ShapeDtypeStruct((GROUPS, c_dim), jnp.float32),
    )(p3, g3, dinv, b3, batch)
    return out

# --- scband reference (transcript-rebuilt; emitter-appended) ---
"""Pipeline reference for scband-multi-layer-gcn-49185965473826 (READ-ONLY COPY).

The authoritative reference and input builder live on the scoring server;
editing this copy changes nothing except your own understanding.
"""

import jax, jax.numpy as jnp
import numpy as np

N = 10000
E = 320000
F_IN = 128
H = 128
C = 40
G = 64


def setup_inputs(seed: int = 0) -> dict:
    key = jax.random.key(seed)
    ks = jax.random.split(key, 10)
    x = jax.random.normal(ks[0], (N, F_IN), dtype=jnp.float32)
    edge_index = jax.random.randint(ks[1], (2, E), 0, N, dtype=jnp.int32)
    batch = jnp.sort(jax.random.randint(ks[2], (N,), 0, G, dtype=jnp.int32))
    W1 = jax.random.normal(ks[3], (F_IN, H), dtype=jnp.float32) * 0.05
    b1 = jnp.zeros((H,), dtype=jnp.float32)
    W2 = jax.random.normal(ks[4], (H, H), dtype=jnp.float32) * 0.05
    b2 = jnp.zeros((H,), dtype=jnp.float32)
    W3 = jax.random.normal(ks[5], (H, C), dtype=jnp.float32) * 0.05
    b3 = jnp.zeros((C,), dtype=jnp.float32)
    return {"x": x, "edge_index": edge_index, "batch": batch,
            "W1": W1, "b1": b1, "W2": W2, "b2": b2, "W3": W3, "b3": b3}


def _gcn_conv(x, src, dst, W, b):
    # GCNConv: D^{-1/2} (A + I) D^{-1/2} X W + b
    n = x.shape[0]
    loop = jnp.arange(n, dtype=src.dtype)
    s = jnp.concatenate([src, loop])
    d = jnp.concatenate([dst, loop])
    deg = jnp.zeros((n,), x.dtype).at[d].add(1.0)
    dinv = jnp.where(deg > 0, jax.lax.rsqrt(jnp.maximum(deg, 1e-12)), 0.0)
    norm = dinv[s] * dinv[d]
    h = x @ W
    out = jnp.zeros((n, W.shape[1]), x.dtype).at[d].add(h[s] * norm[:, None])
    return out + b


def reference(x, edge_index, batch, W1, b1, W2, b2, W3, b3):
    src, dst = edge_index[0], edge_index[1]
    h = jax.nn.relu(_gcn_conv(x, src, dst, W1, b1))
    # dropout is identity in eval mode
    h = jax.nn.relu(_gcn_conv(h, src, dst, W2, b2))
    h = _gcn_conv(h, src, dst, W3, b3)
    sums = jax.ops.segment_sum(h, batch, num_segments=G)
    cnt = jax.ops.segment_sum(jnp.ones((h.shape[0], 1), h.dtype), batch, num_segments=G)
    pooled = sums / jnp.clip(cnt, 1.0)
    return jax.nn.softmax(pooled, axis=1)

if __name__ == "__main__":
    import jax
    _d = setup_inputs()
    print(jax.jit(kernel)(*tuple(_d.values())))

</pallas_src>

<mosaic_0001>
#map = affine_map<(d0, d1) -> (0, 0)>
#map1 = affine_map<(d0, d1) -> (0, 0, 0, 0)>
#map2 = affine_map<(d0, d1) -> (0, 0, 0)>
module attributes {stable_mosaic.version = 14 : i64} {
  func.func @scat_kernel(%arg0: i32, %arg1: i32, %arg2: memref<10000x128xf32, #tpu.memory_space<hbm>>, %arg3: memref<32x84x1x120xi32, #tpu.memory_space<hbm>>, %arg4: memref<32x84x1x120xi32, #tpu.memory_space<hbm>>, %arg5: memref<32x640x128xf32, #tpu.memory_space<hbm>>, %arg6: memref<2x10240x128xf32, #tpu.memory_space<hbm>>, %arg7: memref<1x120xi32, #tpu.memory_space<vmem>>, %arg8: memref<1x120xi32, #tpu.memory_space<vmem>>, %arg9: memref<1x120xi32, #tpu.memory_space<vmem>>, %arg10: memref<1x120xi32, #tpu.memory_space<vmem>>, %arg11: memref<1x120xi32, #tpu.memory_space<vmem>>, %arg12: memref<1x120xi32, #tpu.memory_space<vmem>>, %arg13: memref<1x120xi32, #tpu.memory_space<vmem>>, %arg14: memref<1x120xi32, #tpu.memory_space<vmem>>, %arg15: memref<1x120xi32, #tpu.memory_space<vmem>>, %arg16: memref<1x120xi32, #tpu.memory_space<vmem>>, %arg17: memref<1x120xi32, #tpu.memory_space<vmem>>, %arg18: memref<1x120xi32, #tpu.memory_space<vmem>>, %arg19: memref<120x128xf32, #tpu.memory_space<vmem>>, %arg20: memref<120x128xf32, #tpu.memory_space<vmem>>, %arg21: memref<120x128xf32, #tpu.memory_space<vmem>>, %arg22: memref<10240x128xf32, #tpu.memory_space<vmem_shared>>, %arg23: memref<!tpu.dma_semaphore, #tpu.memory_space<semaphore_mem>>, %arg24: memref<!tpu.dma_semaphore, #tpu.memory_space<semaphore_mem>>, %arg25: memref<!tpu.dma_semaphore, #tpu.memory_space<semaphore_mem>>, %arg26: memref<!tpu.dma_semaphore, #tpu.memory_space<semaphore_mem>>, %arg27: memref<!tpu.dma_semaphore, #tpu.memory_space<semaphore_mem>>, %arg28: memref<!tpu.dma_semaphore, #tpu.memory_space<semaphore_mem>>, %arg29: memref<!tpu.dma_semaphore, #tpu.memory_space<semaphore_mem>>, %arg30: memref<!tpu.dma_semaphore, #tpu.memory_space<semaphore_mem>>, %arg31: memref<!tpu.dma_semaphore, #tpu.memory_space<semaphore_mem>>, %arg32: memref<!tpu.dma_semaphore, #tpu.memory_space<semaphore_mem>>, %arg33: memref<!tpu.dma_semaphore, #tpu.memory_space<semaphore_mem>>, %arg34: memref<!tpu.dma_semaphore, #tpu.memory_space<semaphore_mem>>, %arg35: memref<!tpu.dma_semaphore, #tpu.memory_space<semaphore_mem>>, %arg36: memref<!tpu.dma_semaphore, #tpu.memory_space<semaphore_mem>>, %arg37: memref<!tpu.dma_semaphore, #tpu.memory_space<semaphore_mem>>, %arg38: memref<!tpu.dma_semaphore, #tpu.memory_space<semaphore_mem>>, %arg39: memref<!tpu.dma_semaphore, #tpu.memory_space<semaphore_mem>>, %arg40: memref<!tpu.dma_semaphore, #tpu.memory_space<semaphore_mem>>) attributes {dimension_semantics = [#tpu.dimension_semantics<core_parallel>, #tpu.dimension_semantics<subcore_parallel>], iteration_bounds = array<i64: 2, 16>, scalar_prefetch = 0 : i64, scratch_operands = 34 : i64, tpu.core_type = #tpu.core_type<sc_vector_subcore>, window_params = [{transform_indices = #map}, {transform_indices = #map1}, {transform_indices = #map1}, {transform_indices = #map2}, {transform_indices = #map2}]} {
    %mul3A = arith.constant 16 : i32
    %mul3A_0 = arith.muli %arg0, %mul3A : i32
    %add3A = arith.addi %mul3A_0, %arg1 : i32
    %mul3A_1 = arith.constant 640 : i32
    %mul3A_2 = arith.muli %arg1, %mul3A_1 : i32
    "tpu.region"() ({
      %run_scoped3A = tpu.sem_alloc : memref<!tpu.dma_semaphore, #tpu.memory_space<semaphore_mem>>
      %dma_start3A_158 = arith.constant 0 : i32
      %dma_start3A_159 = tpu.memref_slice %arg22[%mul3A_2, %dma_start3A_158] : memref<10240x128xf32, #tpu.memory_space<vmem_shared>> -> memref<640x128xf32, #tpu.memory_space<vmem_shared>>
      %dma_start3A_160 = arith.constant 0 : i32
      %dma_start3A_161 = arith.constant 0 : i32
      %dma_start3A_162 = tpu.memref_slice %arg5[%add3A, %dma_start3A_160, %dma_start3A_161] : memref<32x640x128xf32, #tpu.memory_space<hbm>> -> memref<1x640x128xf32, #tpu.memory_space<hbm>>
      %dma_start3A_163 = tpu.memref_squeeze %dma_start3A_162 : memref<1x640x128xf32, #tpu.memory_space<hbm>> -> memref<640x128xf32, #tpu.memory_space<hbm>>
      tpu.enqueue_dma source(%dma_start3A_163 : memref<640x128xf32, #tpu.memory_space<hbm>>) target(%dma_start3A_159 : memref<640x128xf32, #tpu.memory_space<vmem_shared>>) target_semaphore(%run_scoped3A : memref<!tpu.dma_semaphore, #tpu.memory_space<semaphore_mem>>)
      %dma_wait3A_164 = arith.constant 0 : i32
      %dma_wait3A_165 = tpu.memref_slice %arg22[%mul3A_2, %dma_wait3A_164] : memref<10240x128xf32, #tpu.memory_space<vmem_shared>> -> memref<640x128xf32, #tpu.memory_space<vmem_shared>>
      %dma_wait3A_166 = arith.constant 0 : i32
      %dma_wait3A_167 = arith.constant 0 : i32
      %dma_wait3A_168 = tpu.memref_slice %arg5[%add3A, %dma_wait3A_166, %dma_wait3A_167] : memref<32x640x128xf32, #tpu.memory_space<hbm>> -> memref<1x640x128xf32, #tpu.memory_space<hbm>>
      %dma_wait3A_169 = tpu.memref_squeeze %dma_wait3A_168 : memref<1x640x128xf32, #tpu.memory_space<hbm>> -> memref<640x128xf32, #tpu.memory_space<hbm>>
      tpu.wait_dma2 semaphore(%run_scoped3A : memref<!tpu.dma_semaphore, #tpu.memory_space<semaphore_mem>>) src(%dma_wait3A_169 : memref<640x128xf32, #tpu.memory_space<hbm>>) dst(%dma_wait3A_165 : memref<640x128xf32, #tpu.memory_space<vmem_shared>>)
      tpu.yield
    }) : () -> ()
    %barrier3A = arith.constant 0 : index
    tpu.barrier barrier_id(%barrier3A)
    %dma_start3A = arith.constant 0 : i32
    %dma_start3A_3 = arith.constant 0 : i32
    %dma_start3A_4 = arith.constant 0 : i32
    %dma_start3A_5 = tpu.memref_slice %arg3[%add3A, %dma_start3A, %dma_start3A_3, %dma_start3A_4] : memref<32x84x1x120xi32, #tpu.memory_space<hbm>> -> memref<1x1x1x120xi32, #tpu.memory_space<hbm>>
    %dma_start3A_6 = tpu.memref_squeeze %dma_start3A_5 : memref<1x1x1x120xi32, #tpu.memory_space<hbm>> -> memref<1x120xi32, #tpu.memory_space<hbm>>
    %dma_start3A_7 = arith.constant 0 : i32
    %dma_start3A_8 = arith.constant 0 : i32
    %dma_start3A_9 = tpu.memref_slice %arg3[%add3A, %dma_start3A, %dma_start3A_7, %dma_start3A_8] : memref<32x84x1x120xi32, #tpu.memory_space<hbm>> -> memref<1x1x1x120xi32, #tpu.memory_space<hbm>>
    %dma_start3A_10 = tpu.memref_squeeze %dma_start3A_9 : memref<1x1x1x120xi32, #tpu.memory_space<hbm>> -> memref<1x120xi32, #tpu.memory_space<hbm>>
    tpu.enqueue_dma source(%dma_start3A_10 : memref<1x120xi32, #tpu.memory_space<hbm>>) target(%arg7 : memref<1x120xi32, #tpu.memory_space<vmem>>) target_semaphore(%arg23 : memref<!tpu.dma_semaphore, #tpu.memory_space<semaphore_mem>>)
    %dma_start3A_11 = arith.constant 0 : i32
    %dma_start3A_12 = arith.constant 0 : i32
    %dma_start3A_13 = arith.constant 0 : i32
    %dma_start3A_14 = tpu.memref_slice %arg4[%add3A, %dma_start3A_11, %dma_start3A_12, %dma_start3A_13] : memref<32x84x1x120xi32, #tpu.memory_space<hbm>> -> memref<1x1x1x120xi32, #tpu.memory_space<hbm>>
    %dma_start3A_15 = tpu.memref_squeeze %dma_start3A_14 : memref<1x1x1x120xi32, #tpu.memory_space<hbm>> -> memref<1x120xi32, #tpu.memory_space<hbm>>
    %dma_start3A_16 = arith.constant 0 : i32
    %dma_start3A_17 = arith.constant 0 : i32
    %dma_start3A_18 = tpu.memref_slice %arg4[%add3A, %dma_start3A_11, %dma_start3A_16, %dma_start3A_17] : memref<32x84x1x120xi32, #tpu.memory_space<hbm>> -> memref<1x1x1x120xi32, #tpu.memory_space<hbm>>
    %dma_start3A_19 = tpu.memref_squeeze %dma_start3A_18 : memref<1x1x1x120xi32, #tpu.memory_space<hbm>> -> memref<1x120xi32, #tpu.memory_space<hbm>>
    tpu.enqueue_dma source(%dma_start3A_19 : memref<1x120xi32, #tpu.memory_space<hbm>>) target(%arg13 : memref<1x120xi32, #tpu.memory_space<vmem>>) target_semaphore(%arg29 : memref<!tpu.dma_semaphore, #tpu.memory_space<semaphore_mem>>)
    %dma_start3A_20 = arith.constant 1 : i32
    %dma_start3A_21 = arith.constant 0 : i32
    %dma_start3A_22 = arith.constant 0 : i32
    %dma_start3A_23 = tpu.memref_slice %arg3[%add3A, %dma_start3A_20, %dma_start3A_21, %dma_start3A_22] : memref<32x84x1x120xi32, #tpu.memory_space<hbm>> -> memref<1x1x1x120xi32, #tpu.memory_space<hbm>>
    %dma_start3A_24 = tpu.memref_squeeze %dma_start3A_23 : memref<1x1x1x120xi32, #tpu.memory_space<hbm>> -> memref<1x120xi32, #tpu.memory_space<hbm>>
    %dma_start3A_25 = arith.constant 0 : i32
    %dma_start3A_26 = arith.constant 0 : i32
    %dma_start3A_27 = tpu.memref_slice %arg3[%add3A, %dma_start3A_20, %dma_start3A_25, %dma_start3A_26] : memref<32x84x1x120xi32, #tpu.memory_space<hbm>> -> memref<1x1x1x120xi32, #tpu.memory_space<hbm>>
    %dma_start3A_28 = tpu.memref_squeeze %dma_start3A_27 : memref<1x1x1x120xi32, #tpu.memory_space<hbm>> -> memref<1x120xi32, #tpu.memory_space<hbm>>
    tpu.enqueue_dma source(%dma_start3A_28 : memref<1x120xi32, #tpu.memory_space<hbm>>) target(%arg8 : memref<1x120xi32, #tpu.memory_space<vmem>>) target_semaphore(%arg24 : memref<!tpu.dma_semaphore, #tpu.memory_space<semaphore_mem>>)
    %dma_start3A_29 = arith.constant 1 : i32
    %dma_start3A_30 = arith.constant 0 : i32
    %dma_start3A_31 = arith.constant 0 : i32
    %dma_start3A_32 = tpu.memref_slice %arg4[%add3A, %dma_start3A_29, %dma_start3A_30, %dma_start3A_31] : memref<32x84x1x120xi32, #tpu.memory_space<hbm>> -> memref<1x1x1x120xi32, #tpu.memory_space<hbm>>
    %dma_start3A_33 = tpu.memref_squeeze %dma_start3A_32 : memref<1x1x1x120xi32, #tpu.memory_space<hbm>> -> memref<1x120xi32, #tpu.memory_space<hbm>>
    %dma_start3A_34 = arith.constant 0 : i32
    %dma_start3A_35 = arith.constant 0 : i32
    %dma_start3A_36 = tpu.memref_slice %arg4[%add3A, %dma_start3A_29, %dma_start3A_34, %dma_start3A_35] : memref<32x84x1x120xi32, #tpu.memory_space<hbm>> -> memref<1x1x1x120xi32, #tpu.memory_space<hbm>>
    %dma_start3A_37 = tpu.memref_squeeze %dma_start3A_36 : memref<1x1x1x120xi32, #tpu.memory_space<hbm>> -> memref<1x120xi32, #tpu.memory_space<hbm>>
    tpu.enqueue_dma source(%dma_start3A_37 : memref<1x120xi32, #tpu.memory_space<hbm>>) target(%arg14 : memref<1x120xi32, #tpu.memory_space<vmem>>) target_semaphore(%arg30 : memref<!tpu.dma_semaphore, #tpu.memory_space<semaphore_mem>>)
    %dma_start3A_38 = arith.constant 2 : i32
    %dma_start3A_39 = arith.constant 0 : i32
    %dma_start3A_40 = arith.constant 0 : i32
    %dma_start3A_41 = tpu.memref_slice %arg3[%add3A, %dma_start3A_38, %dma_start3A_39, %dma_start3A_40] : memref<32x84x1x120xi32, #tpu.memory_space<hbm>> -> memref<1x1x1x120xi32, #tpu.memory_space<hbm>>
    %dma_start3A_42 = tpu.memref_squeeze %dma_start3A_41 : memref<1x1x1x120xi32, #tpu.memory_space<hbm>> -> memref<1x120xi32, #tpu.memory_space<hbm>>
    %dma_start3A_43 = arith.constant 0 : i32
    %dma_start3A_44 = arith.constant 0 : i32
    %dma_start3A_45 = tpu.memref_slice %arg3[%add3A, %dma_start3A_38, %dma_start3A_43, %dma_start3A_44] : memref<32x84x1x120xi32, #tpu.memory_space<hbm>> -> memref<1x1x1x120xi32, #tpu.memory_space<hbm>>
    %dma_start3A_46 = tpu.memref_squeeze %dma_start3A_45 : memref<1x1x1x120xi32, #tpu.memory_space<hbm>> -> memref<1x120xi32, #tpu.memory_space<hbm>>
    tpu.enqueue_dma source(%dma_start3A_46 : memref<1x120xi32, #tpu.memory_space<hbm>>) target(%arg9 : memref<1x120xi32, #tpu.memory_space<vmem>>) target_semaphore(%arg25 : memref<!tpu.dma_semaphore, #tpu.memory_space<semaphore_mem>>)
    %dma_start3A_47 = arith.constant 2 : i32
    %dma_start3A_48 = arith.constant 0 : i32
    %dma_start3A_49 = arith.constant 0 : i32
    %dma_start3A_50 = tpu.memref_slice %arg4[%add3A, %dma_start3A_47, %dma_start3A_48, %dma_start3A_49] : memref<32x84x1x120xi32, #tpu.memory_space<hbm>> -> memref<1x1x1x120xi32, #tpu.memory_space<hbm>>
    %dma_start3A_51 = tpu.memref_squeeze %dma_start3A_50 : memref<1x1x1x120xi32, #tpu.memory_space<hbm>> -> memref<1x120xi32, #tpu.memory_space<hbm>>
    %dma_start3A_52 = arith.constant 0 : i32
    %dma_start3A_53 = arith.constant 0 : i32
    %dma_start3A_54 = tpu.memref_slice %arg4[%add3A, %dma_start3A_47, %dma_start3A_52, %dma_start3A_53] : memref<32x84x1x120xi32, #tpu.memory_space<hbm>> -> memref<1x1x1x120xi32, #tpu.memory_space<hbm>>
    %dma_start3A_55 = tpu.memref_squeeze %dma_start3A_54 : memref<1x1x1x120xi32, #tpu.memory_space<hbm>> -> memref<1x120xi32, #tpu.memory_space<hbm>>
    tpu.enqueue_dma source(%dma_start3A_55 : memref<1x120xi32, #tpu.memory_space<hbm>>) target(%arg15 : memref<1x120xi32, #tpu.memory_space<vmem>>) target_semaphore(%arg31 : memref<!tpu.dma_semaphore, #tpu.memory_space<semaphore_mem>>)
    %dma_start3A_56 = arith.constant 3 : i32
    %dma_start3A_57 = arith.constant 0 : i32
    %dma_start3A_58 = arith.constant 0 : i32
    %dma_start3A_59 = tpu.memref_slice %arg3[%add3A, %dma_start3A_56, %dma_start3A_57, %dma_start3A_58] : memref<32x84x1x120xi32, #tpu.memory_space<hbm>> -> memref<1x1x1x120xi32, #tpu.memory_space<hbm>>
    %dma_start3A_60 = tpu.memref_squeeze %dma_start3A_59 : memref<1x1x1x120xi32, #tpu.memory_space<hbm>> -> memref<1x120xi32, #tpu.memory_space<hbm>>
    %dma_start3A_61 = arith.constant 0 : i32
    %dma_start3A_62 = arith.constant 0 : i32
    %dma_start3A_63 = tpu.memref_slice %arg3[%add3A, %dma_start3A_56, %dma_start3A_61, %dma_start3A_62] : memref<32x84x1x120xi32, #tpu.memory_space<hbm>> -> memref<1x1x1x120xi32, #tpu.memory_space<hbm>>
    %dma_start3A_64 = tpu.memref_squeeze %dma_start3A_63 : memref<1x1x1x120xi32, #tpu.memory_space<hbm>> -> memref<1x120xi32, #tpu.memory_space<hbm>>
    tpu.enqueue_dma source(%dma_start3A_64 : memref<1x120xi32, #tpu.memory_space<hbm>>) target(%arg10 : memref<1x120xi32, #tpu.memory_space<vmem>>) target_semaphore(%arg26 : memref<!tpu.dma_semaphore, #tpu.memory_space<semaphore_mem>>)
    %dma_start3A_65 = arith.constant 3 : i32
    %dma_start3A_66 = arith.constant 0 : i32
    %dma_start3A_67 = arith.constant 0 : i32
    %dma_start3A_68 = tpu.memref_slice %arg4[%add3A, %dma_start3A_65, %dma_start3A_66, %dma_start3A_67] : memref<32x84x1x120xi32, #tpu.memory_space<hbm>> -> memref<1x1x1x120xi32, #tpu.memory_space<hbm>>
    %dma_start3A_69 = tpu.memref_squeeze %dma_start3A_68 : memref<1x1x1x120xi32, #tpu.memory_space<hbm>> -> memref<1x120xi32, #tpu.memory_space<hbm>>
    %dma_start3A_70 = arith.constant 0 : i32
    %dma_start3A_71 = arith.constant 0 : i32
    %dma_start3A_72 = tpu.memref_slice %arg4[%add3A, %dma_start3A_65, %dma_start3A_70, %dma_start3A_71] : memref<32x84x1x120xi32, #tpu.memory_space<hbm>> -> memref<1x1x1x120xi32, #tpu.memory_space<hbm>>
    %dma_start3A_73 = tpu.memref_squeeze %dma_start3A_72 : memref<1x1x1x120xi32, #tpu.memory_space<hbm>> -> memref<1x120xi32, #tpu.memory_space<hbm>>
    tpu.enqueue_dma source(%dma_start3A_73 : memref<1x120xi32, #tpu.memory_space<hbm>>) target(%arg16 : memref<1x120xi32, #tpu.memory_space<vmem>>) target_semaphore(%arg32 : memref<!tpu.dma_semaphore, #tpu.memory_space<semaphore_mem>>)
    %dma_start3A_74 = arith.constant 4 : i32
    %dma_start3A_75 = arith.constant 0 : i32
    %dma_start3A_76 = arith.constant 0 : i32
    %dma_start3A_77 = tpu.memref_slice %arg3[%add3A, %dma_start3A_74, %dma_start3A_75, %dma_start3A_76] : memref<32x84x1x120xi32, #tpu.memory_space<hbm>> -> memref<1x1x1x120xi32, #tpu.memory_space<hbm>>
    %dma_start3A_78 = tpu.memref_squeeze %dma_start3A_77 : memref<1x1x1x120xi32, #tpu.memory_space<hbm>> -> memref<1x120xi32, #tpu.memory_space<hbm>>
    %dma_start3A_79 = arith.constant 0 : i32
    %dma_start3A_80 = arith.constant 0 : i32
    %dma_start3A_81 = tpu.memref_slice %arg3[%add3A, %dma_start3A_74, %dma_start3A_79, %dma_start3A_80] : memref<32x84x1x120xi32, #tpu.memory_space<hbm>> -> memref<1x1x1x120xi32, #tpu.memory_space<hbm>>
    %dma_start3A_82 = tpu.memref_squeeze %dma_start3A_81 : memref<1x1x1x120xi32, #tpu.memory_space<hbm>> -> memref<1x120xi32, #tpu.memory_space<hbm>>
    tpu.enqueue_dma source(%dma_start3A_82 : memref<1x120xi32, #tpu.memory_space<hbm>>) target(%arg11 : memref<1x120xi32, #tpu.memory_space<vmem>>) target_semaphore(%arg27 : memref<!tpu.dma_semaphore, #tpu.memory_space<semaphore_mem>>)
    %dma_start3A_83 = arith.constant 4 : i32
    %dma_start3A_84 = arith.constant 0 : i32
    %dma_start3A_85 = arith.constant 0 : i32
    %dma_start3A_86 = tpu.memref_slice %arg4[%add3A, %dma_start3A_83, %dma_start3A_84, %dma_start3A_85] : memref<32x84x1x120xi32, #tpu.memory_space<hbm>> -> memref<1x1x1x120xi32, #tpu.memory_space<hbm>>
    %dma_start3A_87 = tpu.memref_squeeze %dma_start3A_86 : memref<1x1x1x120xi32, #tpu.memory_space<hbm>> -> memref<1x120xi32, #tpu.memory_space<hbm>>
    %dma_start3A_88 = arith.constant 0 : i32
    %dma_start3A_89 = arith.constant 0 : i32
    %dma_start3A_90 = tpu.memref_slice %arg4[%add3A, %dma_start3A_83, %dma_start3A_88, %dma_start3A_89] : memref<32x84x1x120xi32, #tpu.memory_space<hbm>> -> memref<1x1x1x120xi32, #tpu.memory_space<hbm>>
    %dma_start3A_91 = tpu.memref_squeeze %dma_start3A_90 : memref<1x1x1x120xi32, #tpu.memory_space<hbm>> -> memref<1x120xi32, #tpu.memory_space<hbm>>
    tpu.enqueue_dma source(%dma_start3A_91 : memref<1x120xi32, #tpu.memory_space<hbm>>) target(%arg17 : memref<1x120xi32, #tpu.memory_space<vmem>>) target_semaphore(%arg33 : memref<!tpu.dma_semaphore, #tpu.memory_space<semaphore_mem>>)
    %dma_start3A_92 = arith.constant 5 : i32
    %dma_start3A_93 = arith.constant 0 : i32
    %dma_start3A_94 = arith.constant 0 : i32
    %dma_start3A_95 = tpu.memref_slice %arg3[%add3A, %dma_start3A_92, %dma_start3A_93, %dma_start3A_94] : memref<32x84x1x120xi32, #tpu.memory_space<hbm>> -> memref<1x1x1x120xi32, #tpu.memory_space<hbm>>
    %dma_start3A_96 = tpu.memref_squeeze %dma_start3A_95 : memref<1x1x1x120xi32, #tpu.memory_space<hbm>> -> memref<1x120xi32, #tpu.memory_space<hbm>>
    %dma_start3A_97 = arith.constant 0 : i32
    %dma_start3A_98 = arith.constant 0 : i32
    %dma_start3A_99 = tpu.memref_slice %arg3[%add3A, %dma_start3A_92, %dma_start3A_97, %dma_start3A_98] : memref<32x84x1x120xi32, #tpu.memory_space<hbm>> -> memref<1x1x1x120xi32, #tpu.memory_space<hbm>>
    %dma_start3A_100 = tpu.memref_squeeze %dma_start3A_99 : memref<1x1x1x120xi32, #tpu.memory_space<hbm>> -> memref<1x120xi32, #tpu.memory_space<hbm>>
    tpu.enqueue_dma source(%dma_start3A_100 : memref<1x120xi32, #tpu.memory_space<hbm>>) target(%arg12 : memref<1x120xi32, #tpu.memory_space<vmem>>) target_semaphore(%arg28 : memref<!tpu.dma_semaphore, #tpu.memory_space<semaphore_mem>>)
    %dma_start3A_101 = arith.constant 5 : i32
    %dma_start3A_102 = arith.constant 0 : i32
    %dma_start3A_103 = arith.constant 0 : i32
    %dma_start3A_104 = tpu.memref_slice %arg4[%add3A, %dma_start3A_101, %dma_start3A_102, %dma_start3A_103] : memref<32x84x1x120xi32, #tpu.memory_space<hbm>> -> memref<1x1x1x120xi32, #tpu.memory_space<hbm>>
    %dma_start3A_105 = tpu.memref_squeeze %dma_start3A_104 : memref<1x1x1x120xi32, #tpu.memory_space<hbm>> -> memref<1x120xi32, #tpu.memory_space<hbm>>
    %dma_start3A_106 = arith.constant 0 : i32
    %dma_start3A_107 = arith.constant 0 : i32
    %dma_start3A_108 = tpu.memref_slice %arg4[%add3A, %dma_start3A_101, %dma_start3A_106, %dma_start3A_107] : memref<32x84x1x120xi32, #tpu.memory_space<hbm>> -> memref<1x1x1x120xi32, #tpu.memory_space<hbm>>
    %dma_start3A_109 = tpu.memref_squeeze %dma_start3A_108 : memref<1x1x1x120xi32, #tpu.memory_space<hbm>> -> memref<1x120xi32, #tpu.memory_space<hbm>>
    tpu.enqueue_dma source(%dma_start3A_109 : memref<1x120xi32, #tpu.memory_space<hbm>>) target(%arg18 : memref<1x120xi32, #tpu.memory_space<vmem>>) target_semaphore(%arg34 : memref<!tpu.dma_semaphore, #tpu.memory_space<semaphore_mem>>)
    %dma_wait3A = arith.constant 0 : i32
    %dma_wait3A_110 = arith.constant 0 : i32
    %dma_wait3A_111 = arith.constant 0 : i32
    %dma_wait3A_112 = tpu.memref_slice %arg3[%add3A, %dma_wait3A, %dma_wait3A_110, %dma_wait3A_111] : memref<32x84x1x120xi32, #tpu.memory_space<hbm>> -> memref<1x1x1x120xi32, #tpu.memory_space<hbm>>
    %dma_wait3A_113 = tpu.memref_squeeze %dma_wait3A_112 : memref<1x1x1x120xi32, #tpu.memory_space<hbm>> -> memref<1x120xi32, #tpu.memory_space<hbm>>
    %dma_wait3A_114 = arith.constant 0 : i32
    %dma_wait3A_115 = arith.constant 0 : i32
    %dma_wait3A_116 = tpu.memref_slice %arg3[%add3A, %dma_wait3A, %dma_wait3A_114, %dma_wait3A_115] : memref<32x84x1x120xi32, #tpu.memory_space<hbm>> -> memref<1x1x1x120xi32, #tpu.memory_space<hbm>>
    %dma_wait3A_117 = tpu.memref_squeeze %dma_wait3A_116 : memref<1x1x1x120xi32, #tpu.memory_space<hbm>> -> memref<1x120xi32, #tpu.memory_space<hbm>>
    tpu.wait_dma2 semaphore(%arg23 : memref<!tpu.dma_semaphore, #tpu.memory_space<semaphore_mem>>) src(%dma_wait3A_117 : memref<1x120xi32, #tpu.memory_space<hbm>>) dst(%arg7 : memref<1x120xi32, #tpu.memory_space<vmem>>)
    %dma_start3A_118 = arith.constant 0 : i32
    %dma_start3A_119 = arith.constant 0 : i32
    %dma_start3A_120 = tpu.memref_slice %arg7[%dma_start3A_118, %dma_start3A_119] : memref<1x120xi32, #tpu.memory_space<vmem>> -> memref<1x120xi32, #tpu.memory_space<vmem>>
    %dma_start3A_121 = tpu.memref_squeeze %dma_start3A_120 : memref<1x120xi32, #tpu.memory_space<vmem>> -> memref<120xi32, #tpu.memory_space<vmem>>
    %dma_start3A_122 = arith.constant 0 : i32
    %dma_start3A_123 = arith.constant 0 : i32
    %dma_start3A_124 = tpu.memref_slice %arg2[%dma_start3A_122, %dma_start3A_123] : memref<10000x128xf32, #tpu.memory_space<hbm>> -> memref<10000x128xf32, #tpu.memory_space<hbm>>
    tpu.enqueue_indirect_dma source(%dma_start3A_124 : memref<10000x128xf32, #tpu.memory_space<hbm>>) target(%arg19 : memref<120x128xf32, #tpu.memory_space<vmem>>) offsets(%dma_start3A_121 : memref<120xi32, #tpu.memory_space<vmem>>) semaphore(%arg35 : memref<!tpu.dma_semaphore, #tpu.memory_space<semaphore_mem>>)
    %dma_wait3A_125 = arith.constant 1 : i32
    %dma_wait3A_126 = arith.constant 0 : i32
    %dma_wait3A_127 = arith.constant 0 : i32
    %dma_wait3A_128 = tpu.memref_slice %arg3[%add3A, %dma_wait3A_125, %dma_wait3A_126, %dma_wait3A_127] : memref<32x84x1x120xi32, #tpu.memory_space<hbm>> -> memref<1x1x1x120xi32, #tpu.memory_space<hbm>>
    %dma_wait3A_129 = tpu.memref_squeeze %dma_wait3A_128 : memref<1x1x1x120xi32, #tpu.memory_space<hbm>> -> memref<1x120xi32, #tpu.memory_space<hbm>>
    %dma_wait3A_130 = arith.constant 0 : i32
    %dma_wait3A_131 = arith.constant 0 : i32
    %dma_wait3A_132 = tpu.memref_slice %arg3[%add3A, %dma_wait3A_125, %dma_wait3A_130, %dma_wait3A_131] : memref<32x84x1x120xi32, #tpu.memory_space<hbm>> -> memref<1x1x1x120xi32, #tpu.memory_space<hbm>>
    %dma_wait3A_133 = tpu.memref_squeeze %dma_wait3A_132 : memref<1x1x1x120xi32, #tpu.memory_space<hbm>> -> memref<1x120xi32, #tpu.memory_space<hbm>>
    tpu.wait_dma2 semaphore(%arg24 : memref<!tpu.dma_semaphore, #tpu.memory_space<semaphore_mem>>) src(%dma_wait3A_133 : memref<1x120xi32, #tpu.memory_space<hbm>>) dst(%arg8 : memref<1x120xi32, #tpu.memory_space<vmem>>)
    %dma_start3A_134 = arith.constant 0 : i32
    %dma_start3A_135 = arith.constant 0 : i32
    %dma_start3A_136 = tpu.memref_slice %arg8[%dma_start3A_134, %dma_start3A_135] : memref<1x120xi32, #tpu.memory_space<vmem>> -> memref<1x120xi32, #tpu.memory_space<vmem>>
    %dma_start3A_137 = tpu.memref_squeeze %dma_start3A_136 : memref<1x120xi32, #tpu.memory_space<vmem>> -> memref<120xi32, #tpu.memory_space<vmem>>
    %dma_start3A_138 = arith.constant 0 : i32
    %dma_start3A_139 = arith.constant 0 : i32
    %dma_start3A_140 = tpu.memref_slice %arg2[%dma_start3A_138, %dma_start3A_139] : memref<10000x128xf32, #tpu.memory_space<hbm>> -> memref<10000x128xf32, #tpu.memory_space<hbm>>
    tpu.enqueue_indirect_dma source(%dma_start3A_140 : memref<10000x128xf32, #tpu.memory_space<hbm>>) target(%arg20 : memref<120x128xf32, #tpu.memory_space<vmem>>) offsets(%dma_start3A_137 : memref<120xi32, #tpu.memory_space<vmem>>) semaphore(%arg36 : memref<!tpu.dma_semaphore, #tpu.memory_space<semaphore_mem>>)
    %scan3A = arith.constant 0 : i32
    %scan3A_141 = arith.constant 0 : i32
    %scan3A_142 = arith.constant 14 : i32
    %scan3A_143 = arith.addi %scan3A_141, %scan3A_142 : i32
    %scan3A_144 = arith.constant 1 : i32
    scf.for %scan3A_158 = %scan3A_141 to %scan3A_143 step %scan3A_144  : i32 {
      %mul3A_159 = arith.constant 6 : i32
      %mul3A_160 = arith.muli %mul3A_159, %scan3A_158 : i32
      %add3A_161 = arith.constant 0 : i32
      %add3A_162 = arith.addi %mul3A_160, %add3A_161 : i32
      %dma_wait3A_163 = arith.constant 0 : i32
      %dma_wait3A_164 = arith.constant 0 : i32
      %dma_wait3A_165 = tpu.memref_slice %arg7[%dma_wait3A_163, %dma_wait3A_164] : memref<1x120xi32, #tpu.memory_space<vmem>> -> memref<1x120xi32, #tpu.memory_space<vmem>>
      %dma_wait3A_166 = tpu.memref_squeeze %dma_wait3A_165 : memref<1x120xi32, #tpu.memory_space<vmem>> -> memref<120xi32, #tpu.memory_space<vmem>>
      %dma_wait3A_167 = arith.constant 0 : i32
      %dma_wait3A_168 = arith.constant 0 : i32
      %dma_wait3A_169 = tpu.memref_slice %arg2[%dma_wait3A_167, %dma_wait3A_168] : memref<10000x128xf32, #tpu.memory_space<hbm>> -> memref<10000x128xf32, #tpu.memory_space<hbm>>
      tpu.wait_indirect_dma semaphore(%arg35 : memref<!tpu.dma_semaphore, #tpu.memory_space<semaphore_mem>>) src(%dma_wait3A_169 : memref<10000x128xf32, #tpu.memory_space<hbm>>) dst(%arg19 : memref<120x128xf32, #tpu.memory_space<vmem>>)
      %dma_wait3A_170 = arith.constant 0 : i32
      %dma_wait3A_171 = arith.constant 0 : i32
      %dma_wait3A_172 = tpu.memref_slice %arg4[%add3A, %add3A_162, %dma_wait3A_170, %dma_wait3A_171] : memref<32x84x1x120xi32, #tpu.memory_space<hbm>> -> memref<1x1x1x120xi32, #tpu.memory_space<hbm>>
      %dma_wait3A_173 = tpu.memref_squeeze %dma_wait3A_172 : memref<1x1x1x120xi32, #tpu.memory_space<hbm>> -> memref<1x120xi32, #tpu.memory_space<hbm>>
      %dma_wait3A_174 = arith.constant 0 : i32
      %dma_wait3A_175 = arith.constant 0 : i32
      %dma_wait3A_176 = tpu.memref_slice %arg4[%add3A, %add3A_162, %dma_wait3A_174, %dma_wait3A_175] : memref<32x84x1x120xi32, #tpu.memory_space<hbm>> -> memref<1x1x1x120xi32, #tpu.memory_space<hbm>>
      %dma_wait3A_177 = tpu.memref_squeeze %dma_wait3A_176 : memref<1x1x1x120xi32, #tpu.memory_space<hbm>> -> memref<1x120xi32, #tpu.memory_space<hbm>>
      tpu.wait_dma2 semaphore(%arg29 : memref<!tpu.dma_semaphore, #tpu.memory_space<semaphore_mem>>) src(%dma_wait3A_177 : memref<1x120xi32, #tpu.memory_space<hbm>>) dst(%arg13 : memref<1x120xi32, #tpu.memory_space<vmem>>)
      %dma_start3A_178 = arith.constant 0 : i32
      %dma_start3A_179 = arith.constant 0 : i32
      %dma_start3A_180 = tpu.memref_slice %arg13[%dma_start3A_178, %dma_start3A_179] : memref<1x120xi32, #tpu.memory_space<vmem>> -> memref<1x120xi32, #tpu.memory_space<vmem>>
      %dma_start3A_181 = tpu.memref_squeeze %dma_start3A_180 : memref<1x120xi32, #tpu.memory_space<vmem>> -> memref<120xi32, #tpu.memory_space<vmem>>
      %dma_start3A_182 = arith.constant 0 : i32
      %dma_start3A_183 = arith.constant 0 : i32
      %dma_start3A_184 = tpu.memref_slice %arg22[%dma_start3A_182, %dma_start3A_183] : memref<10240x128xf32, #tpu.memory_space<vmem_shared>> -> memref<10240x128xf32, #tpu.memory_space<vmem_shared>>
      tpu.enqueue_indirect_dma source(%arg19 : memref<120x128xf32, #tpu.memory_space<vmem>>) target(%dma_start3A_184 : memref<10240x128xf32, #tpu.memory_space<vmem_shared>>) offsets(%dma_start3A_181 : memref<120xi32, #tpu.memory_space<vmem>>) semaphore(%arg38 : memref<!tpu.dma_semaphore, #tpu.memory_space<semaphore_mem>>) {add = true}
      %ge3A = arith.constant 1 : i32
      %ge3A_185 = arith.cmpi sge, %add3A_162, %ge3A : i32
      %convert_element_type3A = arith.extui %ge3A_185 : i1 to i32
      %cond3A = arith.constant 0 : i32
      %cond3A_186 = arith.cmpi ne, %convert_element_type3A, %cond3A : i32
      scf.if %cond3A_186 {
        %dma_wait3A_383 = arith.constant 0 : i32
        %dma_wait3A_384 = arith.constant 0 : i32
        %dma_wait3A_385 = tpu.memref_slice %arg18[%dma_wait3A_383, %dma_wait3A_384] : memref<1x120xi32, #tpu.memory_space<vmem>> -> memref<1x120xi32, #tpu.memory_space<vmem>>
        %dma_wait3A_386 = tpu.memref_squeeze %dma_wait3A_385 : memref<1x120xi32, #tpu.memory_space<vmem>> -> memref<120xi32, #tpu.memory_space<vmem>>
        %dma_wait3A_387 = arith.constant 0 : i32
        %dma_wait3A_388 = arith.constant 0 : i32
        %dma_wait3A_389 = tpu.memref_slice %arg22[%dma_wait3A_387, %dma_wait3A_388] : memref<10240x128xf32, #tpu.memory_space<vmem_shared>> -> memref<10240x128xf32, #tpu.memory_space<vmem_shared>>
        tpu.wait_indirect_dma semaphore(%arg40 : memref<!tpu.dma_semaphore, #tpu.memory_space<semaphore_mem>>) src(%arg21 : memref<120x128xf32, #tpu.memory_space<vmem>>) dst(%dma_wait3A_389 : memref<10240x128xf32, #tpu.memory_space<vmem_shared>>)
        %add3A_390 = arith.constant 5 : i32
        %add3A_391 = arith.addi %add3A_162, %add3A_390 : i32
        %lt3A_392 = arith.constant 84 : i32
        %lt3A_393 = arith.cmpi slt, %add3A_391, %lt3A_392 : i32
        %convert_element_type3A_394 = arith.extui %lt3A_393 : i1 to i32
        %cond3A_395 = arith.constant 0 : i32
        %cond3A_396 = arith.cmpi ne, %convert_element_type3A_394, %cond3A_395 : i32
        scf.if %cond3A_396 {
          %add3A_397 = arith.constant 5 : i32
          %add3A_398 = arith.addi %add3A_162, %add3A_397 : i32
          %dma_start3A_399 = arith.constant 0 : i32
          %dma_start3A_400 = arith.constant 0 : i32
          %dma_start3A_401 = tpu.memref_slice %arg3[%add3A, %add3A_398, %dma_start3A_399, %dma_start3A_400] : memref<32x84x1x120xi32, #tpu.memory_space<hbm>> -> memref<1x1x1x120xi32, #tpu.memory_space<hbm>>
          %dma_start3A_402 = tpu.memref_squeeze %dma_start3A_401 : memref<1x1x1x120xi32, #tpu.memory_space<hbm>> -> memref<1x120xi32, #tpu.memory_space<hbm>>
          %dma_start3A_403 = arith.constant 0 : i32
          %dma_start3A_404 = arith.constant 0 : i32
          %dma_start3A_405 = tpu.memref_slice %arg3[%add3A, %add3A_398, %dma_start3A_403, %dma_start3A_404] : memref<32x84x1x120xi32, #tpu.memory_space<hbm>> -> memref<1x1x1x120xi32, #tpu.memory_space<hbm>>
          %dma_start3A_406 = tpu.memref_squeeze %dma_start3A_405 : memref<1x1x1x120xi32, #tpu.memory_space<hbm>> -> memref<1x120xi32, #tpu.memory_space<hbm>>
          tpu.enqueue_dma source(%dma_start3A_406 : memref<1x120xi32, #tpu.memory_space<hbm>>) target(%arg12 : memref<1x120xi32, #tpu.memory_space<vmem>>) target_semaphore(%arg28 : memref<!tpu.dma_semaphore, #tpu.memory_space<semaphore_mem>>)
          %add3A_407 = arith.constant 5 : i32
          %add3A_408 = arith.addi %add3A_162, %add3A_407 : i32
          %dma_start3A_409 = arith.constant 0 : i32
          %dma_start3A_410 = arith.constant 0 : i32
          %dma_start3A_411 = tpu.memref_slice %arg4[%add3A, %add3A_408, %dma_start3A_409, %dma_start3A_410] : memref<32x84x1x120xi32, #tpu.memory_space<hbm>> -> memref<1x1x1x120xi32, #tpu.memory_space<hbm>>
          %dma_start3A_412 = tpu.memref_squeeze %dma_start3A_411 : memref<1x1x1x120xi32, #tpu.memory_space<hbm>> -> memref<1x120xi32, #tpu.memory_space<hbm>>
          %dma_start3A_413 = arith.constant 0 : i32
          %dma_start3A_414 = arith.constant 0 : i32
          %dma_start3A_415 = tpu.memref_slice %arg4[%add3A, %add3A_408, %dma_start3A_413, %dma_start3A_414] : memref<32x84x1x120xi32, #tpu.memory_space<hbm>> -> memref<1x1x1x120xi32, #tpu.memory_space<hbm>>
          %dma_start3A_416 = tpu.memref_squeeze %dma_start3A_415 : memref<1x1x1x120xi32, #tpu.memory_space<hbm>> -> memref<1x120xi32, #tpu.memory_space<hbm>>
          tpu.enqueue_dma source(%dma_start3A_416 : memref<1x120xi32, #tpu.memory_space<hbm>>) target(%arg18 : memref<1x120xi32, #tpu.memory_space<vmem>>) target_semaphore(%arg34 : memref<!tpu.dma_semaphore, #tpu.memory_space<semaphore_mem>>)
        } else {
        }
      } else {
      }
      %add3A_187 = arith.constant 2 : i32
      %add3A_188 = arith.addi %add3A_162, %add3A_187 : i32
      %lt3A = arith.constant 84 : i32
      %lt3A_189 = arith.cmpi slt, %add3A_188, %lt3A : i32
      %convert_element_type3A_190 = arith.extui %lt3A_189 : i1 to i32
      %cond3A_191 = arith.constant 0 : i32
      %cond3A_192 = arith.cmpi ne, %convert_element_type3A_190, %cond3A_191 : i32
      scf.if %cond3A_192 {
        %add3A_383 = arith.constant 2 : i32
        %add3A_384 = arith.addi %add3A_162, %add3A_383 : i32
        %dma_wait3A_385 = arith.constant 0 : i32
        %dma_wait3A_386 = arith.constant 0 : i32
        %dma_wait3A_387 = tpu.memref_slice %arg3[%add3A, %add3A_384, %dma_wait3A_385, %dma_wait3A_386] : memref<32x84x1x120xi32, #tpu.memory_space<hbm>> -> memref<1x1x1x120xi32, #tpu.memory_space<hbm>>
        %dma_wait3A_388 = tpu.memref_squeeze %dma_wait3A_387 : memref<1x1x1x120xi32, #tpu.memory_space<hbm>> -> memref<1x120xi32, #tpu.memory_space<hbm>>
        %dma_wait3A_389 = arith.constant 0 : i32
        %dma_wait3A_390 = arith.constant 0 : i32
        %dma_wait3A_391 = tpu.memref_slice %arg3[%add3A, %add3A_384, %dma_wait3A_389, %dma_wait3A_390] : memref<32x84x1x120xi32, #tpu.memory_space<hbm>> -> memref<1x1x1x120xi32, #tpu.memory_space<hbm>>
        %dma_wait3A_392 = tpu.memref_squeeze %dma_wait3A_391 : memref<1x1x1x120xi32, #tpu.memory_space<hbm>> -> memref<1x120xi32, #tpu.memory_space<hbm>>
        tpu.wait_dma2 semaphore(%arg25 : memref<!tpu.dma_semaphore, #tpu.memory_space<semaphore_mem>>) src(%dma_wait3A_392 : memref<1x120xi32, #tpu.memory_space<hbm>>) dst(%arg9 : memref<1x120xi32, #tpu.memory_space<vmem>>)
        %dma_start3A_393 = arith.constant 0 : i32
        %dma_start3A_394 = arith.constant 0 : i32
        %dma_start3A_395 = tpu.memref_slice %arg9[%dma_start3A_393, %dma_start3A_394] : memref<1x120xi32, #tpu.memory_space<vmem>> -> memref<1x120xi32, #tpu.memory_space<vmem>>
        %dma_start3A_396 = tpu.memref_squeeze %dma_start3A_395 : memref<1x120xi32, #tpu.memory_space<vmem>> -> memref<120xi32, #tpu.memory_space<vmem>>
        %dma_start3A_397 = arith.constant 0 : i32
        %dma_start3A_398 = arith.constant 0 : i32
        %dma_start3A_399 = tpu.memref_slice %arg2[%dma_start3A_397, %dma_start3A_398] : memref<10000x128xf32, #tpu.memory_space<hbm>> -> memref<10000x128xf32, #tpu.memory_space<hbm>>
        tpu.enqueue_indirect_dma source(%dma_start3A_399 : memref<10000x128xf32, #tpu.memory_space<hbm>>) target(%arg21 : memref<120x128xf32, #tpu.memory_space<vmem>>) offsets(%dma_start3A_396 : memref<120xi32, #tpu.memory_space<vmem>>) semaphore(%arg37 : memref<!tpu.dma_semaphore, #tpu.memory_space<semaphore_mem>>)
      } else {
      }
      %mul3A_193 = arith.constant 6 : i32
      %mul3A_194 = arith.muli %mul3A_193, %scan3A_158 : i32
      %add3A_195 = arith.constant 1 : i32
      %add3A_196 = arith.addi %mul3A_194, %add3A_195 : i32
      %dma_wait3A_197 = arith.constant 0 : i32
      %dma_wait3A_198 = arith.constant 0 : i32
      %dma_wait3A_199 = tpu.memref_slice %arg8[%dma_wait3A_197, %dma_wait3A_198] : memref<1x120xi32, #tpu.memory_space<vmem>> -> memref<1x120xi32, #tpu.memory_space<vmem>>
      %dma_wait3A_200 = tpu.memref_squeeze %dma_wait3A_199 : memref<1x120xi32, #tpu.memory_space<vmem>> -> memref<120xi32, #tpu.memory_space<vmem>>
      %dma_wait3A_201 = arith.constant 0 : i32
      %dma_wait3A_202 = arith.constant 0 : i32
      %dma_wait3A_203 = tpu.memref_slice %arg2[%dma_wait3A_201, %dma_wait3A_202] : memref<10000x128xf32, #tpu.memory_space<hbm>> -> memref<10000x128xf32, #tpu.memory_space<hbm>>
      tpu.wait_indirect_dma semaphore(%arg36 : memref<!tpu.dma_semaphore, #tpu.memory_space<semaphore_mem>>) src(%dma_wait3A_203 : memref<10000x128xf32, #tpu.memory_space<hbm>>) dst(%arg20 : memref<120x128xf32, #tpu.memory_space<vmem>>)
      %dma_wait3A_204 = arith.constant 0 : i32
      %dma_wait3A_205 = arith.constant 0 : i32
      %dma_wait3A_206 = tpu.memref_slice %arg4[%add3A, %add3A_196, %dma_wait3A_204, %dma_wait3A_205] : memref<32x84x1x120xi32, #tpu.memory_space<hbm>> -> memref<1x1x1x120xi32, #tpu.memory_space<hbm>>
      %dma_wait3A_207 = tpu.memref_squeeze %dma_wait3A_206 : memref<1x1x1x120xi32, #tpu.memory_space<hbm>> -> memref<1x120xi32, #tpu.memory_space<hbm>>
      %dma_wait3A_208 = arith.constant 0 : i32
      %dma_wait3A_209 = arith.constant 0 : i32
      %dma_wait3A_210 = tpu.memref_slice %arg4[%add3A, %add3A_196, %dma_wait3A_208, %dma_wait3A_209] : memref<32x84x1x120xi32, #tpu.memory_space<hbm>> -> memref<1x1x1x120xi32, #tpu.memory_space<hbm>>
      %dma_wait3A_211 = tpu.memref_squeeze %dma_wait3A_210 : memref<1x1x1x120xi32, #tpu.memory_space<hbm>> -> memref<1x120xi32, #tpu.memory_space<hbm>>
      tpu.wait_dma2 semaphore(%arg30 : memref<!tpu.dma_semaphore, #tpu.memory_space<semaphore_mem>>) src(%dma_wait3A_211 : memref<1x120xi32, #tpu.memory_space<hbm>>) dst(%arg14 : memref<1x120xi32, #tpu.memory_space<vmem>>)
      %dma_start3A_212 = arith.constant 0 : i32
      %dma_start3A_213 = arith.constant 0 : i32
      %dma_start3A_214 = tpu.memref_slice %arg14[%dma_start3A_212, %dma_start3A_213] : memref<1x120xi32, #tpu.memory_space<vmem>> -> memref<1x120xi32, #tpu.memory_space<vmem>>
      %dma_start3A_215 = tpu.memref_squeeze %dma_start3A_214 : memref<1x120xi32, #tpu.memory_space<vmem>> -> memref<120xi32, #tpu.memory_space<vmem>>
      %dma_start3A_216 = arith.constant 0 : i32
      %dma_start3A_217 = arith.constant 0 : i32
      %dma_start3A_218 = tpu.memref_slice %arg22[%dma_start3A_216, %dma_start3A_217] : memref<10240x128xf32, #tpu.memory_space<vmem_shared>> -> memref<10240x128xf32, #tpu.memory_space<vmem_shared>>
      tpu.enqueue_indirect_dma source(%arg20 : memref<120x128xf32, #tpu.memory_space<vmem>>) target(%dma_start3A_218 : memref<10240x128xf32, #tpu.memory_space<vmem_shared>>) offsets(%dma_start3A_215 : memref<120xi32, #tpu.memory_space<vmem>>) semaphore(%arg39 : memref<!tpu.dma_semaphore, #tpu.memory_space<semaphore_mem>>) {add = true}
      %ge3A_219 = arith.constant 1 : i32
      %ge3A_220 = arith.cmpi sge, %add3A_196, %ge3A_219 : i32
      %convert_element_type3A_221 = arith.extui %ge3A_220 : i1 to i32
      %cond3A_222 = arith.constant 0 : i32
      %cond3A_223 = arith.cmpi ne, %convert_element_type3A_221, %cond3A_222 : i32
      scf.if %cond3A_223 {
        %dma_wait3A_383 = arith.constant 0 : i32
        %dma_wait3A_384 = arith.constant 0 : i32
        %dma_wait3A_385 = tpu.memref_slice %arg13[%dma_wait3A_383, %dma_wait3A_384] : memref<1x120xi32, #tpu.memory_space<vmem>> -> memref<1x120xi32, #tpu.memory_space<vmem>>
        %dma_wait3A_386 = tpu.memref_squeeze %dma_wait3A_385 : memref<1x120xi32, #tpu.memory_space<vmem>> -> memref<120xi32, #tpu.memory_space<vmem>>
        %dma_wait3A_387 = arith.constant 0 : i32
        %dma_wait3A_388 = arith.constant 0 : i32
        %dma_wait3A_389 = tpu.memref_slice %arg22[%dma_wait3A_387, %dma_wait3A_388] : memref<10240x128xf32, #tpu.memory_space<vmem_shared>> -> memref<10240x128xf32, #tpu.memory_space<vmem_shared>>
        tpu.wait_indirect_dma semaphore(%arg38 : memref<!tpu.dma_semaphore, #tpu.memory_space<semaphore_mem>>) src(%arg19 : memref<120x128xf32, #tpu.memory_space<vmem>>) dst(%dma_wait3A_389 : memref<10240x128xf32, #tpu.memory_space<vmem_shared>>)
        %add3A_390 = arith.constant 5 : i32
        %add3A_391 = arith.addi %add3A_196, %add3A_390 : i32
        %lt3A_392 = arith.constant 84 : i32
        %lt3A_393 = arith.cmpi slt, %add3A_391, %lt3A_392 : i32
        %convert_element_type3A_394 = arith.extui %lt3A_393 : i1 to i32
        %cond3A_395 = arith.constant 0 : i32
        %cond3A_396 = arith.cmpi ne, %convert_element_type3A_394, %cond3A_395 : i32
        scf.if %cond3A_396 {
          %add3A_397 = arith.constant 5 : i32
          %add3A_398 = arith.addi %add3A_196, %add3A_397 : i32
          %dma_start3A_399 = arith.constant 0 : i32
          %dma_start3A_400 = arith.constant 0 : i32
          %dma_start3A_401 = tpu.memref_slice %arg3[%add3A, %add3A_398, %dma_start3A_399, %dma_start3A_400] : memref<32x84x1x120xi32, #tpu.memory_space<hbm>> -> memref<1x1x1x120xi32, #tpu.memory_space<hbm>>
          %dma_start3A_402 = tpu.memref_squeeze %dma_start3A_401 : memref<1x1x1x120xi32, #tpu.memory_space<hbm>> -> memref<1x120xi32, #tpu.memory_space<hbm>>
          %dma_start3A_403 = arith.constant 0 : i32
          %dma_start3A_404 = arith.constant 0 : i32
          %dma_start3A_405 = tpu.memref_slice %arg3[%add3A, %add3A_398, %dma_start3A_403, %dma_start3A_404] : memref<32x84x1x120xi32, #tpu.memory_space<hbm>> -> memref<1x1x1x120xi32, #tpu.memory_space<hbm>>
          %dma_start3A_406 = tpu.memref_squeeze %dma_start3A_405 : memref<1x1x1x120xi32, #tpu.memory_space<hbm>> -> memref<1x120xi32, #tpu.memory_space<hbm>>
          tpu.enqueue_dma source(%dma_start3A_406 : memref<1x120xi32, #tpu.memory_space<hbm>>) target(%arg7 : memref<1x120xi32, #tpu.memory_space<vmem>>) target_semaphore(%arg23 : memref<!tpu.dma_semaphore, #tpu.memory_space<semaphore_mem>>)
          %add3A_407 = arith.constant 5 : i32
          %add3A_408 = arith.addi %add3A_196, %add3A_407 : i32
          %dma_start3A_409 = arith.constant 0 : i32
          %dma_start3A_410 = arith.constant 0 : i32
          %dma_start3A_411 = tpu.memref_slice %arg4[%add3A, %add3A_408, %dma_start3A_409, %dma_start3A_410] : memref<32x84x1x120xi32, #tpu.memory_space<hbm>> -> memref<1x1x1x120xi32, #tpu.memory_space<hbm>>
          %dma_start3A_412 = tpu.memref_squeeze %dma_start3A_411 : memref<1x1x1x120xi32, #tpu.memory_space<hbm>> -> memref<1x120xi32, #tpu.memory_space<hbm>>
          %dma_start3A_413 = arith.constant 0 : i32
          %dma_start3A_414 = arith.constant 0 : i32
          %dma_start3A_415 = tpu.memref_slice %arg4[%add3A, %add3A_408, %dma_start3A_413, %dma_start3A_414] : memref<32x84x1x120xi32, #tpu.memory_space<hbm>> -> memref<1x1x1x120xi32, #tpu.memory_space<hbm>>
          %dma_start3A_416 = tpu.memref_squeeze %dma_start3A_415 : memref<1x1x1x120xi32, #tpu.memory_space<hbm>> -> memref<1x120xi32, #tpu.memory_space<hbm>>
          tpu.enqueue_dma source(%dma_start3A_416 : memref<1x120xi32, #tpu.memory_space<hbm>>) target(%arg13 : memref<1x120xi32, #tpu.memory_space<vmem>>) target_semaphore(%arg29 : memref<!tpu.dma_semaphore, #tpu.memory_space<semaphore_mem>>)
        } else {
        }
      } else {
      }
      %add3A_224 = arith.constant 2 : i32
      %add3A_225 = arith.addi %add3A_196, %add3A_224 : i32
      %lt3A_226 = arith.constant 84 : i32
      %lt3A_227 = arith.cmpi slt, %add3A_225, %lt3A_226 : i32
      %convert_element_type3A_228 = arith.extui %lt3A_227 : i1 to i32
      %cond3A_229 = arith.constant 0 : i32
      %cond3A_230 = arith.cmpi ne, %convert_element_type3A_228, %cond3A_229 : i32
      scf.if %cond3A_230 {
        %add3A_383 = arith.constant 2 : i32
        %add3A_384 = arith.addi %add3A_196, %add3A_383 : i32
        %dma_wait3A_385 = arith.constant 0 : i32
        %dma_wait3A_386 = arith.constant 0 : i32
        %dma_wait3A_387 = tpu.memref_slice %arg3[%add3A, %add3A_384, %dma_wait3A_385, %dma_wait3A_386] : memref<32x84x1x120xi32, #tpu.memory_space<hbm>> -> memref<1x1x1x120xi32, #tpu.memory_space<hbm>>
        %dma_wait3A_388 = tpu.memref_squeeze %dma_wait3A_387 : memref<1x1x1x120xi32, #tpu.memory_space<hbm>> -> memref<1x120xi32, #tpu.memory_space<hbm>>
        %dma_wait3A_389 = arith.constant 0 : i32
        %dma_wait3A_390 = arith.constant 0 : i32
        %dma_wait3A_391 = tpu.memref_slice %arg3[%add3A, %add3A_384, %dma_wait3A_389, %dma_wait3A_390] : memref<32x84x1x120xi32, #tpu.memory_space<hbm>> -> memref<1x1x1x120xi32, #tpu.memory_space<hbm>>
        %dma_wait3A_392 = tpu.memref_squeeze %dma_wait3A_391 : memref<1x1x1x120xi32, #tpu.memory_space<hbm>> -> memref<1x120xi32, #tpu.memory_space<hbm>>
        tpu.wait_dma2 semaphore(%arg26 : memref<!tpu.dma_semaphore, #tpu.memory_space<semaphore_mem>>) src(%dma_wait3A_392 : memref<1x120xi32, #tpu.memory_space<hbm>>) dst(%arg10 : memref<1x120xi32, #tpu.memory_space<vmem>>)
        %dma_start3A_393 = arith.constant 0 : i32
        %dma_start3A_394 = arith.constant 0 : i32
        %dma_start3A_395 = tpu.memref_slice %arg10[%dma_start3A_393, %dma_start3A_394] : memref<1x120xi32, #tpu.memory_space<vmem>> -> memref<1x120xi32, #tpu.memory_space<vmem>>
        %dma_start3A_396 = tpu.memref_squeeze %dma_start3A_395 : memref<1x120xi32, #tpu.memory_space<vmem>> -> memref<120xi32, #tpu.memory_space<vmem>>
        %dma_start3A_397 = arith.constant 0 : i32
        %dma_start3A_398 = arith.constant 0 : i32
        %dma_start3A_399 = tpu.memref_slice %arg2[%dma_start3A_397, %dma_start3A_398] : memref<10000x128xf32, #tpu.memory_space<hbm>> -> memref<10000x128xf32, #tpu.memory_space<hbm>>
        tpu.enqueue_indirect_dma source(%dma_start3A_399 : memref<10000x128xf32, #tpu.memory_space<hbm>>) target(%arg19 : memref<120x128xf32, #tpu.memory_space<vmem>>) offsets(%dma_start3A_396 : memref<120xi32, #tpu.memory_space<vmem>>) semaphore(%arg35 : memref<!tpu.dma_semaphore, #tpu.memory_space<semaphore_mem>>)
      } else {
      }
      %mul3A_231 = arith.constant 6 : i32
      %mul3A_232 = arith.muli %mul3A_231, %scan3A_158 : i32
      %add3A_233 = arith.constant 2 : i32
      %add3A_234 = arith.addi %mul3A_232, %add3A_233 : i32
      %dma_wait3A_235 = arith.constant 0 : i32
      %dma_wait3A_236 = arith.constant 0 : i32
      %dma_wait3A_237 = tpu.memref_slice %arg9[%dma_wait3A_235, %dma_wait3A_236] : memref<1x120xi32, #tpu.memory_space<vmem>> -> memref<1x120xi32, #tpu.memory_space<vmem>>
      %dma_wait3A_238 = tpu.memref_squeeze %dma_wait3A_237 : memref<1x120xi32, #tpu.memory_space<vmem>> -> memref<120xi32, #tpu.memory_space<vmem>>
      %dma_wait3A_239 = arith.constant 0 : i32
      %dma_wait3A_240 = arith.constant 0 : i32
      %dma_wait3A_241 = tpu.memref_slice %arg2[%dma_wait3A_239, %dma_wait3A_240] : memref<10000x128xf32, #tpu.memory_space<hbm>> -> memref<10000x128xf32, #tpu.memory_space<hbm>>
      tpu.wait_indirect_dma semaphore(%arg37 : memref<!tpu.dma_semaphore, #tpu.memory_space<semaphore_mem>>) src(%dma_wait3A_241 : memref<10000x128xf32, #tpu.memory_space<hbm>>) dst(%arg21 : memref<120x128xf32, #tpu.memory_space<vmem>>)
      %dma_wait3A_242 = arith.constant 0 : i32
      %dma_wait3A_243 = arith.constant 0 : i32
      %dma_wait3A_244 = tpu.memref_slice %arg4[%add3A, %add3A_234, %dma_wait3A_242, %dma_wait3A_243] : memref<32x84x1x120xi32, #tpu.memory_space<hbm>> -> memref<1x1x1x120xi32, #tpu.memory_space<hbm>>
      %dma_wait3A_245 = tpu.memref_squeeze %dma_wait3A_244 : memref<1x1x1x120xi32, #tpu.memory_space<hbm>> -> memref<1x120xi32, #tpu.memory_space<hbm>>
      %dma_wait3A_246 = arith.constant 0 : i32
      %dma_wait3A_247 = arith.constant 0 : i32
      %dma_wait3A_248 = tpu.memref_slice %arg4[%add3A, %add3A_234, %dma_wait3A_246, %dma_wait3A_247] : memref<32x84x1x120xi32, #tpu.memory_space<hbm>> -> memref<1x1x1x120xi32, #tpu.memory_space<hbm>>
      %dma_wait3A_249 = tpu.memref_squeeze %dma_wait3A_248 : memref<1x1x1x120xi32, #tpu.memory_space<hbm>> -> memref<1x120xi32, #tpu.memory_space<hbm>>
      tpu.wait_dma2 semaphore(%arg31 : memref<!tpu.dma_semaphore, #tpu.memory_space<semaphore_mem>>) src(%dma_wait3A_249 : memref<1x120xi32, #tpu.memory_space<hbm>>) dst(%arg15 : memref<1x120xi32, #tpu.memory_space<vmem>>)
      %dma_start3A_250 = arith.constant 0 : i32
      %dma_start3A_251 = arith.constant 0 : i32
      %dma_start3A_252 = tpu.memref_slice %arg15[%dma_start3A_250, %dma_start3A_251] : memref<1x120xi32, #tpu.memory_space<vmem>> -> memref<1x120xi32, #tpu.memory_space<vmem>>
      %dma_start3A_253 = tpu.memref_squeeze %dma_start3A_252 : memref<1x120xi32, #tpu.memory_space<vmem>> -> memref<120xi32, #tpu.memory_space<vmem>>
      %dma_start3A_254 = arith.constant 0 : i32
      %dma_start3A_255 = arith.constant 0 : i32
      %dma_start3A_256 = tpu.memref_slice %arg22[%dma_start3A_254, %dma_start3A_255] : memref<10240x128xf32, #tpu.memory_space<vmem_shared>> -> memref<10240x128xf32, #tpu.memory_space<vmem_shared>>
      tpu.enqueue_indirect_dma source(%arg21 : memref<120x128xf32, #tpu.memory_space<vmem>>) target(%dma_start3A_256 : memref<10240x128xf32, #tpu.memory_space<vmem_shared>>) offsets(%dma_start3A_253 : memref<120xi32, #tpu.memory_space<vmem>>) semaphore(%arg40 : memref<!tpu.dma_semaphore, #tpu.memory_space<semaphore_mem>>) {add = true}
      %ge3A_257 = arith.constant 1 : i32
      %ge3A_258 = arith.cmpi sge, %add3A_234, %ge3A_257 : i32
      %convert_element_type3A_259 = arith.extui %ge3A_258 : i1 to i32
      %cond3A_260 = arith.constant 0 : i32
      %cond3A_261 = arith.cmpi ne, %convert_element_type3A_259, %cond3A_260 : i32
      scf.if %cond3A_261 {
        %dma_wait3A_383 = arith.constant 0 : i32
        %dma_wait3A_384 = arith.constant 0 : i32
        %dma_wait3A_385 = tpu.memref_slice %arg14[%dma_wait3A_383, %dma_wait3A_384] : memref<1x120xi32, #tpu.memory_space<vmem>> -> memref<1x120xi32, #tpu.memory_space<vmem>>
        %dma_wait3A_386 = tpu.memref_squeeze %dma_wait3A_385 : memref<1x120xi32, #tpu.memory_space<vmem>> -> memref<120xi32, #tpu.memory_space<vmem>>
        %dma_wait3A_387 = arith.constant 0 : i32
        %dma_wait3A_388 = arith.constant 0 : i32
        %dma_wait3A_389 = tpu.memref_slice %arg22[%dma_wait3A_387, %dma_wait3A_388] : memref<10240x128xf32, #tpu.memory_space<vmem_shared>> -> memref<10240x128xf32, #tpu.memory_space<vmem_shared>>
        tpu.wait_indirect_dma semaphore(%arg39 : memref<!tpu.dma_semaphore, #tpu.memory_space<semaphore_mem>>) src(%arg20 : memref<120x128xf32, #tpu.memory_space<vmem>>) dst(%dma_wait3A_389 : memref<10240x128xf32, #tpu.memory_space<vmem_shared>>)
        %add3A_390 = arith.constant 5 : i32
        %add3A_391 = arith.addi %add3A_234, %add3A_390 : i32
        %lt3A_392 = arith.constant 84 : i32
        %lt3A_393 = arith.cmpi slt, %add3A_391, %lt3A_392 : i32
        %convert_element_type3A_394 = arith.extui %lt3A_393 : i1 to i32
        %cond3A_395 = arith.constant 0 : i32
        %cond3A_396 = arith.cmpi ne, %convert_element_type3A_394, %cond3A_395 : i32
        scf.if %cond3A_396 {
          %add3A_397 = arith.constant 5 : i32
          %add3A_398 = arith.addi %add3A_234, %add3A_397 : i32
          %dma_start3A_399 = arith.constant 0 : i32
          %dma_start3A_400 = arith.constant 0 : i32
          %dma_start3A_401 = tpu.memref_slice %arg3[%add3A, %add3A_398, %dma_start3A_399, %dma_start3A_400] : memref<32x84x1x120xi32, #tpu.memory_space<hbm>> -> memref<1x1x1x120xi32, #tpu.memory_space<hbm>>
          %dma_start3A_402 = tpu.memref_squeeze %dma_start3A_401 : memref<1x1x1x120xi32, #tpu.memory_space<hbm>> -> memref<1x120xi32, #tpu.memory_space<hbm>>
          %dma_start3A_403 = arith.constant 0 : i32
          %dma_start3A_404 = arith.constant 0 : i32
          %dma_start3A_405 = tpu.memref_slice %arg3[%add3A, %add3A_398, %dma_start3A_403, %dma_start3A_404] : memref<32x84x1x120xi32, #tpu.memory_space<hbm>> -> memref<1x1x1x120xi32, #tpu.memory_space<hbm>>
          %dma_start3A_406 = tpu.memref_squeeze %dma_start3A_405 : memref<1x1x1x120xi32, #tpu.memory_space<hbm>> -> memref<1x120xi32, #tpu.memory_space<hbm>>
          tpu.enqueue_dma source(%dma_start3A_406 : memref<1x120xi32, #tpu.memory_space<hbm>>) target(%arg8 : memref<1x120xi32, #tpu.memory_space<vmem>>) target_semaphore(%arg24 : memref<!tpu.dma_semaphore, #tpu.memory_space<semaphore_mem>>)
          %add3A_407 = arith.constant 5 : i32
          %add3A_408 = arith.addi %add3A_234, %add3A_407 : i32
          %dma_start3A_409 = arith.constant 0 : i32
          %dma_start3A_410 = arith.constant 0 : i32
          %dma_start3A_411 = tpu.memref_slice %arg4[%add3A, %add3A_408, %dma_start3A_409, %dma_start3A_410] : memref<32x84x1x120xi32, #tpu.memory_space<hbm>> -> memref<1x1x1x120xi32, #tpu.memory_space<hbm>>
          %dma_start3A_412 = tpu.memref_squeeze %dma_start3A_411 : memref<1x1x1x120xi32, #tpu.memory_space<hbm>> -> memref<1x120xi32, #tpu.memory_space<hbm>>
          %dma_start3A_413 = arith.constant 0 : i32
          %dma_start3A_414 = arith.constant 0 : i32
          %dma_start3A_415 = tpu.memref_slice %arg4[%add3A, %add3A_408, %dma_start3A_413, %dma_start3A_414] : memref<32x84x1x120xi32, #tpu.memory_space<hbm>> -> memref<1x1x1x120xi32, #tpu.memory_space<hbm>>
          %dma_start3A_416 = tpu.memref_squeeze %dma_start3A_415 : memref<1x1x1x120xi32, #tpu.memory_space<hbm>> -> memref<1x120xi32, #tpu.memory_space<hbm>>
          tpu.enqueue_dma source(%dma_start3A_416 : memref<1x120xi32, #tpu.memory_space<hbm>>) target(%arg14 : memref<1x120xi32, #tpu.memory_space<vmem>>) target_semaphore(%arg30 : memref<!tpu.dma_semaphore, #tpu.memory_space<semaphore_mem>>)
        } else {
        }
      } else {
      }
      %add3A_262 = arith.constant 2 : i32
      %add3A_263 = arith.addi %add3A_234, %add3A_262 : i32
      %lt3A_264 = arith.constant 84 : i32
      %lt3A_265 = arith.cmpi slt, %add3A_263, %lt3A_264 : i32
      %convert_element_type3A_266 = arith.extui %lt3A_265 : i1 to i32
      %cond3A_267 = arith.constant 0 : i32
      %cond3A_268 = arith.cmpi ne, %convert_element_type3A_266, %cond3A_267 : i32
      scf.if %cond3A_268 {
        %add3A_383 = arith.constant 2 : i32
        %add3A_384 = arith.addi %add3A_234, %add3A_383 : i32
        %dma_wait3A_385 = arith.constant 0 : i32
        %dma_wait3A_386 = arith.constant 0 : i32
        %dma_wait3A_387 = tpu.memref_slice %arg3[%add3A, %add3A_384, %dma_wait3A_385, %dma_wait3A_386] : memref<32x84x1x120xi32, #tpu.memory_space<hbm>> -> memref<1x1x1x120xi32, #tpu.memory_space<hbm>>
        %dma_wait3A_388 = tpu.memref_squeeze %dma_wait3A_387 : memref<1x1x1x120xi32, #tpu.memory_space<hbm>> -> memref<1x120xi32, #tpu.memory_space<hbm>>
        %dma_wait3A_389 = arith.constant 0 : i32
        %dma_wait3A_390 = arith.constant 0 : i32
        %dma_wait3A_391 = tpu.memref_slice %arg3[%add3A, %add3A_384, %dma_wait3A_389, %dma_wait3A_390] : memref<32x84x1x120xi32, #tpu.memory_space<hbm>> -> memref<1x1x1x120xi32, #tpu.memory_space<hbm>>
        %dma_wait3A_392 = tpu.memref_squeeze %dma_wait3A_391 : memref<1x1x1x120xi32, #tpu.memory_space<hbm>> -> memref<1x120xi32, #tpu.memory_space<hbm>>
        tpu.wait_dma2 semaphore(%arg27 : memref<!tpu.dma_semaphore, #tpu.memory_space<semaphore_mem>>) src(%dma_wait3A_392 : memref<1x120xi32, #tpu.memory_space<hbm>>) dst(%arg11 : memref<1x120xi32, #tpu.memory_space<vmem>>)
        %dma_start3A_393 = arith.constant 0 : i32
        %dma_start3A_394 = arith.constant 0 : i32
        %dma_start3A_395 = tpu.memref_slice %arg11[%dma_start3A_393, %dma_start3A_394] : memref<1x120xi32, #tpu.memory_space<vmem>> -> memref<1x120xi32, #tpu.memory_space<vmem>>
        %dma_start3A_396 = tpu.memref_squeeze %dma_start3A_395 : memref<1x120xi32, #tpu.memory_space<vmem>> -> memref<120xi32, #tpu.memory_space<vmem>>
        %dma_start3A_397 = arith.constant 0 : i32
        %dma_start3A_398 = arith.constant 0 : i32
        %dma_start3A_399 = tpu.memref_slice %arg2[%dma_start3A_397, %dma_start3A_398] : memref<10000x128xf32, #tpu.memory_space<hbm>> -> memref<10000x128xf32, #tpu.memory_space<hbm>>
        tpu.enqueue_indirect_dma source(%dma_start3A_399 : memref<10000x128xf32, #tpu.memory_space<hbm>>) target(%arg20 : memref<120x128xf32, #tpu.memory_space<vmem>>) offsets(%dma_start3A_396 : memref<120xi32, #tpu.memory_space<vmem>>) semaphore(%arg36 : memref<!tpu.dma_semaphore, #tpu.memory_space<semaphore_mem>>)
      } else {
      }
      %mul3A_269 = arith.constant 6 : i32
      %mul3A_270 = arith.muli %mul3A_269, %scan3A_158 : i32
      %add3A_271 = arith.constant 3 : i32
      %add3A_272 = arith.addi %mul3A_270, %add3A_271 : i32
      %dma_wait3A_273 = arith.constant 0 : i32
      %dma_wait3A_274 = arith.constant 0 : i32
      %dma_wait3A_275 = tpu.memref_slice %arg10[%dma_wait3A_273, %dma_wait3A_274] : memref<1x120xi32, #tpu.memory_space<vmem>> -> memref<1x120xi32, #tpu.memory_space<vmem>>
      %dma_wait3A_276 = tpu.memref_squeeze %dma_wait3A_275 : memref<1x120xi32, #tpu.memory_space<vmem>> -> memref<120xi32, #tpu.memory_space<vmem>>
      %dma_wait3A_277 = arith.constant 0 : i32
      %dma_wait3A_278 = arith.constant 0 : i32
      %dma_wait3A_279 = tpu.memref_slice %arg2[%dma_wait3A_277, %dma_wait3A_278] : memref<10000x128xf32, #tpu.memory_space<hbm>> -> memref<10000x128xf32, #tpu.memory_space<hbm>>
      tpu.wait_indirect_dma semaphore(%arg35 : memref<!tpu.dma_semaphore, #tpu.memory_space<semaphore_mem>>) src(%dma_wait3A_279 : memref<10000x128xf32, #tpu.memory_space<hbm>>) dst(%arg19 : memref<120x128xf32, #tpu.memory_space<vmem>>)
      %dma_wait3A_280 = arith.constant 0 : i32
      %dma_wait3A_281 = arith.constant 0 : i32
      %dma_wait3A_282 = tpu.memref_slice %arg4[%add3A, %add3A_272, %dma_wait3A_280, %dma_wait3A_281] : memref<32x84x1x120xi32, #tpu.memory_space<hbm>> -> memref<1x1x1x120xi32, #tpu.memory_space<hbm>>
      %dma_wait3A_283 = tpu.memref_squeeze %dma_wait3A_282 : memref<1x1x1x120xi32, #tpu.memory_space<hbm>> -> memref<1x120xi32, #tpu.memory_space<hbm>>
      %dma_wait3A_284 = arith.constant 0 : i32
      %dma_wait3A_285 = arith.constant 0 : i32
      %dma_wait3A_286 = tpu.memref_slice %arg4[%add3A, %add3A_272, %dma_wait3A_284, %dma_wait3A_285] : memref<32x84x1x120xi32, #tpu.memory_space<hbm>> -> memref<1x1x1x120xi32, #tpu.memory_space<hbm>>
      %dma_wait3A_287 = tpu.memref_squeeze %dma_wait3A_286 : memref<1x1x1x120xi32, #tpu.memory_space<hbm>> -> memref<1x120xi32, #tpu.memory_space<hbm>>
      tpu.wait_dma2 semaphore(%arg32 : memref<!tpu.dma_semaphore, #tpu.memory_space<semaphore_mem>>) src(%dma_wait3A_287 : memref<1x120xi32, #tpu.memory_space<hbm>>) dst(%arg16 : memref<1x120xi32, #tpu.memory_space<vmem>>)
      %dma_start3A_288 = arith.constant 0 : i32
      %dma_start3A_289 = arith.constant 0 : i32
      %dma_start3A_290 = tpu.memref_slice %arg16[%dma_start3A_288, %dma_start3A_289] : memref<1x120xi32, #tpu.memory_space<vmem>> -> memref<1x120xi32, #tpu.memory_space<vmem>>
      %dma_start3A_291 = tpu.memref_squeeze %dma_start3A_290 : memref<1x120xi32, #tpu.memory_space<vmem>> -> memref<120xi32, #tpu.memory_space<vmem>>
      %dma_start3A_292 = arith.constant 0 : i32
      %dma_start3A_293 = arith.constant 0 : i32
      %dma_start3A_294 = tpu.memref_slice %arg22[%dma_start3A_292, %dma_start3A_293] : memref<10240x128xf32, #tpu.memory_space<vmem_shared>> -> memref<10240x128xf32, #tpu.memory_space<vmem_shared>>
      tpu.enqueue_indirect_dma source(%arg19 : memref<120x128xf32, #tpu.memory_space<vmem>>) target(%dma_start3A_294 : memref<10240x128xf32, #tpu.memory_space<vmem_shared>>) offsets(%dma_start3A_291 : memref<120xi32, #tpu.memory_space<vmem>>) semaphore(%arg38 : memref<!tpu.dma_semaphore, #tpu.memory_space<semaphore_mem>>) {add = true}
      %ge3A_295 = arith.constant 1 : i32
      %ge3A_296 = arith.cmpi sge, %add3A_272, %ge3A_295 : i32
      %convert_element_type3A_297 = arith.extui %ge3A_296 : i1 to i32
      %cond3A_298 = arith.constant 0 : i32
      %cond3A_299 = arith.cmpi ne, %convert_element_type3A_297, %cond3A_298 : i32
      scf.if %cond3A_299 {
        %dma_wait3A_383 = arith.constant 0 : i32
        %dma_wait3A_384 = arith.constant 0 : i32
        %dma_wait3A_385 = tpu.memref_slice %arg15[%dma_wait3A_383, %dma_wait3A_384] : memref<1x120xi32, #tpu.memory_space<vmem>> -> memref<1x120xi32, #tpu.memory_space<vmem>>
        %dma_wait3A_386 = tpu.memref_squeeze %dma_wait3A_385 : memref<1x120xi32, #tpu.memory_space<vmem>> -> memref<120xi32, #tpu.memory_space<vmem>>
        %dma_wait3A_387 = arith.constant 0 : i32
        %dma_wait3A_388 = arith.constant 0 : i32
        %dma_wait3A_389 = tpu.memref_slice %arg22[%dma_wait3A_387, %dma_wait3A_388] : memref<10240x128xf32, #tpu.memory_space<vmem_shared>> -> memref<10240x128xf32, #tpu.memory_space<vmem_shared>>
        tpu.wait_indirect_dma semaphore(%arg40 : memref<!tpu.dma_semaphore, #tpu.memory_space<semaphore_mem>>) src(%arg21 : memref<120x128xf32, #tpu.memory_space<vmem>>) dst(%dma_wait3A_389 : memref<10240x128xf32, #tpu.memory_space<vmem_shared>>)
        %add3A_390 = arith.constant 5 : i32
        %add3A_391 = arith.addi %add3A_272, %add3A_390 : i32
        %lt3A_392 = arith.constant 84 : i32
        %lt3A_393 = arith.cmpi slt, %add3A_391, %lt3A_392 : i32
        %convert_element_type3A_394 = arith.extui %lt3A_393 : i1 to i32
        %cond3A_395 = arith.constant 0 : i32
        %cond3A_396 = arith.cmpi ne, %convert_element_type3A_394, %cond3A_395 : i32
        scf.if %cond3A_396 {
          %add3A_397 = arith.constant 5 : i32
          %add3A_398 = arith.addi %add3A_272, %add3A_397 : i32
          %dma_start3A_399 = arith.constant 0 : i32
          %dma_start3A_400 = arith.constant 0 : i32
          %dma_start3A_401 = tpu.memref_slice %arg3[%add3A, %add3A_398, %dma_start3A_399, %dma_start3A_400] : memref<32x84x1x120xi32, #tpu.memory_space<hbm>> -> memref<1x1x1x120xi32, #tpu.memory_space<hbm>>
          %dma_start3A_402 = tpu.memref_squeeze %dma_start3A_401 : memref<1x1x1x120xi32, #tpu.memory_space<hbm>> -> memref<1x120xi32, #tpu.memory_space<hbm>>
          %dma_start3A_403 = arith.constant 0 : i32
          %dma_start3A_404 = arith.constant 0 : i32
          %dma_start3A_405 = tpu.memref_slice %arg3[%add3A, %add3A_398, %dma_start3A_403, %dma_start3A_404] : memref<32x84x1x120xi32, #tpu.memory_space<hbm>> -> memref<1x1x1x120xi32, #tpu.memory_space<hbm>>
          %dma_start3A_406 = tpu.memref_squeeze %dma_start3A_405 : memref<1x1x1x120xi32, #tpu.memory_space<hbm>> -> memref<1x120xi32, #tpu.memory_space<hbm>>
          tpu.enqueue_dma source(%dma_start3A_406 : memref<1x120xi32, #tpu.memory_space<hbm>>) target(%arg9 : memref<1x120xi32, #tpu.memory_space<vmem>>) target_semaphore(%arg25 : memref<!tpu.dma_semaphore, #tpu.memory_space<semaphore_mem>>)
          %add3A_407 = arith.constant 5 : i32
          %add3A_408 = arith.addi %add3A_272, %add3A_407 : i32
          %dma_start3A_409 = arith.constant 0 : i32
          %dma_start3A_410 = arith.constant 0 : i32
          %dma_start3A_411 = tpu.memref_slice %arg4[%add3A, %add3A_408, %dma_start3A_409, %dma_start3A_410] : memref<32x84x1x120xi32, #tpu.memory_space<hbm>> -> memref<1x1x1x120xi32, #tpu.memory_space<hbm>>
          %dma_start3A_412 = tpu.memref_squeeze %dma_start3A_411 : memref<1x1x1x120xi32, #tpu.memory_space<hbm>> -> memref<1x120xi32, #tpu.memory_space<hbm>>
          %dma_start3A_413 = arith.constant 0 : i32
          %dma_start3A_414 = arith.constant 0 : i32
          %dma_start3A_415 = tpu.memref_slice %arg4[%add3A, %add3A_408, %dma_start3A_413, %dma_start3A_414] : memref<32x84x1x120xi32, #tpu.memory_space<hbm>> -> memref<1x1x1x120xi32, #tpu.memory_space<hbm>>
          %dma_start3A_416 = tpu.memref_squeeze %dma_start3A_415 : memref<1x1x1x120xi32, #tpu.memory_space<hbm>> -> memref<1x120xi32, #tpu.memory_space<hbm>>
          tpu.enqueue_dma source(%dma_start3A_416 : memref<1x120xi32, #tpu.memory_space<hbm>>) target(%arg15 : memref<1x120xi32, #tpu.memory_space<vmem>>) target_semaphore(%arg31 : memref<!tpu.dma_semaphore, #tpu.memory_space<semaphore_mem>>)
        } else {
        }
      } else {
      }
      %add3A_300 = arith.constant 2 : i32
      %add3A_301 = arith.addi %add3A_272, %add3A_300 : i32
      %lt3A_302 = arith.constant 84 : i32
      %lt3A_303 = arith.cmpi slt, %add3A_301, %lt3A_302 : i32
      %convert_element_type3A_304 = arith.extui %lt3A_303 : i1 to i32
      %cond3A_305 = arith.constant 0 : i32
      %cond3A_306 = arith.cmpi ne, %convert_element_type3A_304, %cond3A_305 : i32
      scf.if %cond3A_306 {
        %add3A_383 = arith.constant 2 : i32
        %add3A_384 = arith.addi %add3A_272, %add3A_383 : i32
        %dma_wait3A_385 = arith.constant 0 : i32
        %dma_wait3A_386 = arith.constant 0 : i32
        %dma_wait3A_387 = tpu.memref_slice %arg3[%add3A, %add3A_384, %dma_wait3A_385, %dma_wait3A_386] : memref<32x84x1x120xi32, #tpu.memory_space<hbm>> -> memref<1x1x1x120xi32, #tpu.memory_space<hbm>>
        %dma_wait3A_388 = tpu.memref_squeeze %dma_wait3A_387 : memref<1x1x1x120xi32, #tpu.memory_space<hbm>> -> memref<1x120xi32, #tpu.memory_space<hbm>>
        %dma_wait3A_389 = arith.constant 0 : i32
        %dma_wait3A_390 = arith.constant 0 : i32
        %dma_wait3A_391 = tpu.memref_slice %arg3[%add3A, %add3A_384, %dma_wait3A_389, %dma_wait3A_390] : memref<32x84x1x120xi32, #tpu.memory_space<hbm>> -> memref<1x1x1x120xi32, #tpu.memory_space<hbm>>
        %dma_wait3A_392 = tpu.memref_squeeze %dma_wait3A_391 : memref<1x1x1x120xi32, #tpu.memory_space<hbm>> -> memref<1x120xi32, #tpu.memory_space<hbm>>
        tpu.wait_dma2 semaphore(%arg28 : memref<!tpu.dma_semaphore, #tpu.memory_space<semaphore_mem>>) src(%dma_wait3A_392 : memref<1x120xi32, #tpu.memory_space<hbm>>) dst(%arg12 : memref<1x120xi32, #tpu.memory_space<vmem>>)
        %dma_start3A_393 = arith.constant 0 : i32
        %dma_start3A_394 = arith.constant 0 : i32
        %dma_start3A_395 = tpu.memref_slice %arg12[%dma_start3A_393, %dma_start3A_394] : memref<1x120xi32, #tpu.memory_space<vmem>> -> memref<1x120xi32, #tpu.memory_space<vmem>>
        %dma_start3A_396 = tpu.memref_squeeze %dma_start3A_395 : memref<1x120xi32, #tpu.memory_space<vmem>> -> memref<120xi32, #tpu.memory_space<vmem>>
        %dma_start3A_397 = arith.constant 0 : i32
        %dma_start3A_398 = arith.constant 0 : i32
        %dma_start3A_399 = tpu.memref_slice %arg2[%dma_start3A_397, %dma_start3A_398] : memref<10000x128xf32, #tpu.memory_space<hbm>> -> memref<10000x128xf32, #tpu.memory_space<hbm>>
        tpu.enqueue_indirect_dma source(%dma_start3A_399 : memref<10000x128xf32, #tpu.memory_space<hbm>>) target(%arg21 : memref<120x128xf32, #tpu.memory_space<vmem>>) offsets(%dma_start3A_396 : memref<120xi32, #tpu.memory_space<vmem>>) semaphore(%arg37 : memref<!tpu.dma_semaphore, #tpu.memory_space<semaphore_mem>>)
      } else {
      }
      %mul3A_307 = arith.constant 6 : i32
      %mul3A_308 = arith.muli %mul3A_307, %scan3A_158 : i32
      %add3A_309 = arith.constant 4 : i32
      %add3A_310 = arith.addi %mul3A_308, %add3A_309 : i32
      %dma_wait3A_311 = arith.constant 0 : i32
      %dma_wait3A_312 = arith.constant 0 : i32
      %dma_wait3A_313 = tpu.memref_slice %arg11[%dma_wait3A_311, %dma_wait3A_312] : memref<1x120xi32, #tpu.memory_space<vmem>> -> memref<1x120xi32, #tpu.memory_space<vmem>>
      %dma_wait3A_314 = tpu.memref_squeeze %dma_wait3A_313 : memref<1x120xi32, #tpu.memory_space<vmem>> -> memref<120xi32, #tpu.memory_space<vmem>>
      %dma_wait3A_315 = arith.constant 0 : i32
      %dma_wait3A_316 = arith.constant 0 : i32
      %dma_wait3A_317 = tpu.memref_slice %arg2[%dma_wait3A_315, %dma_wait3A_316] : memref<10000x128xf32, #tpu.memory_space<hbm>> -> memref<10000x128xf32, #tpu.memory_space<hbm>>
      tpu.wait_indirect_dma semaphore(%arg36 : memref<!tpu.dma_semaphore, #tpu.memory_space<semaphore_mem>>) src(%dma_wait3A_317 : memref<10000x128xf32, #tpu.memory_space<hbm>>) dst(%arg20 : memref<120x128xf32, #tpu.memory_space<vmem>>)
      %dma_wait3A_318 = arith.constant 0 : i32
      %dma_wait3A_319 = arith.constant 0 : i32
      %dma_wait3A_320 = tpu.memref_slice %arg4[%add3A, %add3A_310, %dma_wait3A_318, %dma_wait3A_319] : memref<32x84x1x120xi32, #tpu.memory_space<hbm>> -> memref<1x1x1x120xi32, #tpu.memory_space<hbm>>
      %dma_wait3A_321 = tpu.memref_squeeze %dma_wait3A_320 : memref<1x1x1x120xi32, #tpu.memory_space<hbm>> -> memref<1x120xi32, #tpu.memory_space<hbm>>
      %dma_wait3A_322 = arith.constant 0 : i32
      %dma_wait3A_323 = arith.constant 0 : i32
      %dma_wait3A_324 = tpu.memref_slice %arg4[%add3A, %add3A_310, %dma_wait3A_322, %dma_wait3A_323] : memref<32x84x1x120xi32, #tpu.memory_space<hbm>> -> memref<1x1x1x120xi32, #tpu.memory_space<hbm>>
      %dma_wait3A_325 = tpu.memref_squeeze %dma_wait3A_324 : memref<1x1x1x120xi32, #tpu.memory_space<hbm>> -> memref<1x120xi32, #tpu.memory_space<hbm>>
      tpu.wait_dma2 semaphore(%arg33 : memref<!tpu.dma_semaphore, #tpu.memory_space<semaphore_mem>>) src(%dma_wait3A_325 : memref<1x120xi32, #tpu.memory_space<hbm>>) dst(%arg17 : memref<1x120xi32, #tpu.memory_space<vmem>>)
      %dma_start3A_326 = arith.constant 0 : i32
      %dma_start3A_327 = arith.constant 0 : i32
      %dma_start3A_328 = tpu.memref_slice %arg17[%dma_start3A_326, %dma_start3A_327] : memref<1x120xi32, #tpu.memory_space<vmem>> -> memref<1x120xi32, #tpu.memory_space<vmem>>
      %dma_start3A_329 = tpu.memref_squeeze %dma_start3A_328 : memref<1x120xi32, #tpu.memory_space<vmem>> -> memref<120xi32, #tpu.memory_space<vmem>>
      %dma_start3A_330 = arith.constant 0 : i32
      %dma_start3A_331 = arith.constant 0 : i32
      %dma_start3A_332 = tpu.memref_slice %arg22[%dma_start3A_330, %dma_start3A_331] : memref<10240x128xf32, #tpu.memory_space<vmem_shared>> -> memref<10240x128xf32, #tpu.memory_space<vmem_shared>>
      tpu.enqueue_indirect_dma source(%arg20 : memref<120x128xf32, #tpu.memory_space<vmem>>) target(%dma_start3A_332 : memref<10240x128xf32, #tpu.memory_space<vmem_shared>>) offsets(%dma_start3A_329 : memref<120xi32, #tpu.memory_space<vmem>>) semaphore(%arg39 : memref<!tpu.dma_semaphore, #tpu.memory_space<semaphore_mem>>) {add = true}
      %ge3A_333 = arith.constant 1 : i32
      %ge3A_334 = arith.cmpi sge, %add3A_310, %ge3A_333 : i32
      %convert_element_type3A_335 = arith.extui %ge3A_334 : i1 to i32
      %cond3A_336 = arith.constant 0 : i32
      %cond3A_337 = arith.cmpi ne, %convert_element_type3A_335, %cond3A_336 : i32
      scf.if %cond3A_337 {
        %dma_wait3A_383 = arith.constant 0 : i32
        %dma_wait3A_384 = arith.constant 0 : i32
        %dma_wait3A_385 = tpu.memref_slice %arg16[%dma_wait3A_383, %dma_wait3A_384] : memref<1x120xi32, #tpu.memory_space<vmem>> -> memref<1x120xi32, #tpu.memory_space<vmem>>
        %dma_wait3A_386 = tpu.memref_squeeze %dma_wait3A_385 : memref<1x120xi32, #tpu.memory_space<vmem>> -> memref<120xi32, #tpu.memory_space<vmem>>
        %dma_wait3A_387 = arith.constant 0 : i32
        %dma_wait3A_388 = arith.constant 0 : i32
        %dma_wait3A_389 = tpu.memref_slice %arg22[%dma_wait3A_387, %dma_wait3A_388] : memref<10240x128xf32, #tpu.memory_space<vmem_shared>> -> memref<10240x128xf32, #tpu.memory_space<vmem_shared>>
        tpu.wait_indirect_dma semaphore(%arg38 : memref<!tpu.dma_semaphore, #tpu.memory_space<semaphore_mem>>) src(%arg19 : memref<120x128xf32, #tpu.memory_space<vmem>>) dst(%dma_wait3A_389 : memref<10240x128xf32, #tpu.memory_space<vmem_shared>>)
        %add3A_390 = arith.constant 5 : i32
        %add3A_391 = arith.addi %add3A_310, %add3A_390 : i32
        %lt3A_392 = arith.constant 84 : i32
        %lt3A_393 = arith.cmpi slt, %add3A_391, %lt3A_392 : i32
        %convert_element_type3A_394 = arith.extui %lt3A_393 : i1 to i32
        %cond3A_395 = arith.constant 0 : i32
        %cond3A_396 = arith.cmpi ne, %convert_element_type3A_394, %cond3A_395 : i32
        scf.if %cond3A_396 {
          %add3A_397 = arith.constant 5 : i32
          %add3A_398 = arith.addi %add3A_310, %add3A_397 : i32
          %dma_start3A_399 = arith.constant 0 : i32
          %dma_start3A_400 = arith.constant 0 : i32
          %dma_start3A_401 = tpu.memref_slice %arg3[%add3A, %add3A_398, %dma_start3A_399, %dma_start3A_400] : memref<32x84x1x120xi32, #tpu.memory_space<hbm>> -> memref<1x1x1x120xi32, #tpu.memory_space<hbm>>
          %dma_start3A_402 = tpu.memref_squeeze %dma_start3A_401 : memref<1x1x1x120xi32, #tpu.memory_space<hbm>> -> memref<1x120xi32, #tpu.memory_space<hbm>>
          %dma_start3A_403 = arith.constant 0 : i32
          %dma_start3A_404 = arith.constant 0 : i32
          %dma_start3A_405 = tpu.memref_slice %arg3[%add3A, %add3A_398, %dma_start3A_403, %dma_start3A_404] : memref<32x84x1x120xi32, #tpu.memory_space<hbm>> -> memref<1x1x1x120xi32, #tpu.memory_space<hbm>>
          %dma_start3A_406 = tpu.memref_squeeze %dma_start3A_405 : memref<1x1x1x120xi32, #tpu.memory_space<hbm>> -> memref<1x120xi32, #tpu.memory_space<hbm>>
          tpu.enqueue_dma source(%dma_start3A_406 : memref<1x120xi32, #tpu.memory_space<hbm>>) target(%arg10 : memref<1x120xi32, #tpu.memory_space<vmem>>) target_semaphore(%arg26 : memref<!tpu.dma_semaphore, #tpu.memory_space<semaphore_mem>>)
          %add3A_407 = arith.constant 5 : i32
          %add3A_408 = arith.addi %add3A_310, %add3A_407 : i32
          %dma_start3A_409 = arith.constant 0 : i32
          %dma_start3A_410 = arith.constant 0 : i32
          %dma_start3A_411 = tpu.memref_slice %arg4[%add3A, %add3A_408, %dma_start3A_409, %dma_start3A_410] : memref<32x84x1x120xi32, #tpu.memory_space<hbm>> -> memref<1x1x1x120xi32, #tpu.memory_space<hbm>>
          %dma_start3A_412 = tpu.memref_squeeze %dma_start3A_411 : memref<1x1x1x120xi32, #tpu.memory_space<hbm>> -> memref<1x120xi32, #tpu.memory_space<hbm>>
          %dma_start3A_413 = arith.constant 0 : i32
          %dma_start3A_414 = arith.constant 0 : i32
          %dma_start3A_415 = tpu.memref_slice %arg4[%add3A, %add3A_408, %dma_start3A_413, %dma_start3A_414] : memref<32x84x1x120xi32, #tpu.memory_space<hbm>> -> memref<1x1x1x120xi32, #tpu.memory_space<hbm>>
          %dma_start3A_416 = tpu.memref_squeeze %dma_start3A_415 : memref<1x1x1x120xi32, #tpu.memory_space<hbm>> -> memref<1x120xi32, #tpu.memory_space<hbm>>
          tpu.enqueue_dma source(%dma_start3A_416 : memref<1x120xi32, #tpu.memory_space<hbm>>) target(%arg16 : memref<1x120xi32, #tpu.memory_space<vmem>>) target_semaphore(%arg32 : memref<!tpu.dma_semaphore, #tpu.memory_space<semaphore_mem>>)
        } else {
        }
      } else {
      }
      %add3A_338 = arith.constant 2 : i32
      %add3A_339 = arith.addi %add3A_310, %add3A_338 : i32
      %lt3A_340 = arith.constant 84 : i32
      %lt3A_341 = arith.cmpi slt, %add3A_339, %lt3A_340 : i32
      %convert_element_type3A_342 = arith.extui %lt3A_341 : i1 to i32
      %cond3A_343 = arith.constant 0 : i32
      %cond3A_344 = arith.cmpi ne, %convert_element_type3A_342, %cond3A_343 : i32
      scf.if %cond3A_344 {
        %add3A_383 = arith.constant 2 : i32
        %add3A_384 = arith.addi %add3A_310, %add3A_383 : i32
        %dma_wait3A_385 = arith.constant 0 : i32
        %dma_wait3A_386 = arith.constant 0 : i32
        %dma_wait3A_387 = tpu.memref_slice %arg3[%add3A, %add3A_384, %dma_wait3A_385, %dma_wait3A_386] : memref<32x84x1x120xi32, #tpu.memory_space<hbm>> -> memref<1x1x1x120xi32, #tpu.memory_space<hbm>>
        %dma_wait3A_388 = tpu.memref_squeeze %dma_wait3A_387 : memref<1x1x1x120xi32, #tpu.memory_space<hbm>> -> memref<1x120xi32, #tpu.memory_space<hbm>>
        %dma_wait3A_389 = arith.constant 0 : i32
        %dma_wait3A_390 = arith.constant 0 : i32
        %dma_wait3A_391 = tpu.memref_slice %arg3[%add3A, %add3A_384, %dma_wait3A_389, %dma_wait3A_390] : memref<32x84x1x120xi32, #tpu.memory_space<hbm>> -> memref<1x1x1x120xi32, #tpu.memory_space<hbm>>
        %dma_wait3A_392 = tpu.memref_squeeze %dma_wait3A_391 : memref<1x1x1x120xi32, #tpu.memory_space<hbm>> -> memref<1x120xi32, #tpu.memory_space<hbm>>
        tpu.wait_dma2 semaphore(%arg23 : memref<!tpu.dma_semaphore, #tpu.memory_space<semaphore_mem>>) src(%dma_wait3A_392 : memref<1x120xi32, #tpu.memory_space<hbm>>) dst(%arg7 : memref<1x120xi32, #tpu.memory_space<vmem>>)
        %dma_start3A_393 = arith.constant 0 : i32
        %dma_start3A_394 = arith.constant 0 : i32
        %dma_start3A_395 = tpu.memref_slice %arg7[%dma_start3A_393, %dma_start3A_394] : memref<1x120xi32, #tpu.memory_space<vmem>> -> memref<1x120xi32, #tpu.memory_space<vmem>>
        %dma_start3A_396 = tpu.memref_squeeze %dma_start3A_395 : memref<1x120xi32, #tpu.memory_space<vmem>> -> memref<120xi32, #tpu.memory_space<vmem>>
        %dma_start3A_397 = arith.constant 0 : i32
        %dma_start3A_398 = arith.constant 0 : i32
        %dma_start3A_399 = tpu.memref_slice %arg2[%dma_start3A_397, %dma_start3A_398] : memref<10000x128xf32, #tpu.memory_space<hbm>> -> memref<10000x128xf32, #tpu.memory_space<hbm>>
        tpu.enqueue_indirect_dma source(%dma_start3A_399 : memref<10000x128xf32, #tpu.memory_space<hbm>>) target(%arg19 : memref<120x128xf32, #tpu.memory_space<vmem>>) offsets(%dma_start3A_396 : memref<120xi32, #tpu.memory_space<vmem>>) semaphore(%arg35 : memref<!tpu.dma_semaphore, #tpu.memory_space<semaphore_mem>>)
      } else {
      }
      %mul3A_345 = arith.constant 6 : i32
      %mul3A_346 = arith.muli %mul3A_345, %scan3A_158 : i32
      %add3A_347 = arith.constant 5 : i32
      %add3A_348 = arith.addi %mul3A_346, %add3A_347 : i32
      %dma_wait3A_349 = arith.constant 0 : i32
      %dma_wait3A_350 = arith.constant 0 : i32
      %dma_wait3A_351 = tpu.memref_slice %arg12[%dma_wait3A_349, %dma_wait3A_350] : memref<1x120xi32, #tpu.memory_space<vmem>> -> memref<1x120xi32, #tpu.memory_space<vmem>>
      %dma_wait3A_352 = tpu.memref_squeeze %dma_wait3A_351 : memref<1x120xi32, #tpu.memory_space<vmem>> -> memref<120xi32, #tpu.memory_space<vmem>>
      %dma_wait3A_353 = arith.constant 0 : i32
      %dma_wait3A_354 = arith.constant 0 : i32
      %dma_wait3A_355 = tpu.memref_slice %arg2[%dma_wait3A_353, %dma_wait3A_354] : memref<10000x128xf32, #tpu.memory_space<hbm>> -> memref<10000x128xf32, #tpu.memory_space<hbm>>
      tpu.wait_indirect_dma semaphore(%arg37 : memref<!tpu.dma_semaphore, #tpu.memory_space<semaphore_mem>>) src(%dma_wait3A_355 : memref<10000x128xf32, #tpu.memory_space<hbm>>) dst(%arg21 : memref<120x128xf32, #tpu.memory_space<vmem>>)
      %dma_wait3A_356 = arith.constant 0 : i32
      %dma_wait3A_357 = arith.constant 0 : i32
      %dma_wait3A_358 = tpu.memref_slice %arg4[%add3A, %add3A_348, %dma_wait3A_356, %dma_wait3A_357] : memref<32x84x1x120xi32, #tpu.memory_space<hbm>> -> memref<1x1x1x120xi32, #tpu.memory_space<hbm>>
      %dma_wait3A_359 = tpu.memref_squeeze %dma_wait3A_358 : memref<1x1x1x120xi32, #tpu.memory_space<hbm>> -> memref<1x120xi32, #tpu.memory_space<hbm>>
      %dma_wait3A_360 = arith.constant 0 : i32
      %dma_wait3A_361 = arith.constant 0 : i32
      %dma_wait3A_362 = tpu.memref_slice %arg4[%add3A, %add3A_348, %dma_wait3A_360, %dma_wait3A_361] : memref<32x84x1x120xi32, #tpu.memory_space<hbm>> -> memref<1x1x1x120xi32, #tpu.memory_space<hbm>>
      %dma_wait3A_363 = tpu.memref_squeeze %dma_wait3A_362 : memref<1x1x1x120xi32, #tpu.memory_space<hbm>> -> memref<1x120xi32, #tpu.memory_space<hbm>>
      tpu.wait_dma2 semaphore(%arg34 : memref<!tpu.dma_semaphore, #tpu.memory_space<semaphore_mem>>) src(%dma_wait3A_363 : memref<1x120xi32, #tpu.memory_space<hbm>>) dst(%arg18 : memref<1x120xi32, #tpu.memory_space<vmem>>)
      %dma_start3A_364 = arith.constant 0 : i32
      %dma_start3A_365 = arith.constant 0 : i32
      %dma_start3A_366 = tpu.memref_slice %arg18[%dma_start3A_364, %dma_start3A_365] : memref<1x120xi32, #tpu.memory_space<vmem>> -> memref<1x120xi32, #tpu.memory_space<vmem>>
      %dma_start3A_367 = tpu.memref_squeeze %dma_start3A_366 : memref<1x120xi32, #tpu.memory_space<vmem>> -> memref<120xi32, #tpu.memory_space<vmem>>
      %dma_start3A_368 = arith.constant 0 : i32
      %dma_start3A_369 = arith.constant 0 : i32
      %dma_start3A_370 = tpu.memref_slice %arg22[%dma_start3A_368, %dma_start3A_369] : memref<10240x128xf32, #tpu.memory_space<vmem_shared>> -> memref<10240x128xf32, #tpu.memory_space<vmem_shared>>
      tpu.enqueue_indirect_dma source(%arg21 : memref<120x128xf32, #tpu.memory_space<vmem>>) target(%dma_start3A_370 : memref<10240x128xf32, #tpu.memory_space<vmem_shared>>) offsets(%dma_start3A_367 : memref<120xi32, #tpu.memory_space<vmem>>) semaphore(%arg40 : memref<!tpu.dma_semaphore, #tpu.memory_space<semaphore_mem>>) {add = true}
      %ge3A_371 = arith.constant 1 : i32
      %ge3A_372 = arith.cmpi sge, %add3A_348, %ge3A_371 : i32
      %convert_element_type3A_373 = arith.extui %ge3A_372 : i1 to i32
      %cond3A_374 = arith.constant 0 : i32
      %cond3A_375 = arith.cmpi ne, %convert_element_type3A_373, %cond3A_374 : i32
      scf.if %cond3A_375 {
        %dma_wait3A_383 = arith.constant 0 : i32
        %dma_wait3A_384 = arith.constant 0 : i32
        %dma_wait3A_385 = tpu.memref_slice %arg17[%dma_wait3A_383, %dma_wait3A_384] : memref<1x120xi32, #tpu.memory_space<vmem>> -> memref<1x120xi32, #tpu.memory_space<vmem>>
        %dma_wait3A_386 = tpu.memref_squeeze %dma_wait3A_385 : memref<1x120xi32, #tpu.memory_space<vmem>> -> memref<120xi32, #tpu.memory_space<vmem>>
        %dma_wait3A_387 = arith.constant 0 : i32
        %dma_wait3A_388 = arith.constant 0 : i32
        %dma_wait3A_389 = tpu.memref_slice %arg22[%dma_wait3A_387, %dma_wait3A_388] : memref<10240x128xf32, #tpu.memory_space<vmem_shared>> -> memref<10240x128xf32, #tpu.memory_space<vmem_shared>>
        tpu.wait_indirect_dma semaphore(%arg39 : memref<!tpu.dma_semaphore, #tpu.memory_space<semaphore_mem>>) src(%arg20 : memref<120x128xf32, #tpu.memory_space<vmem>>) dst(%dma_wait3A_389 : memref<10240x128xf32, #tpu.memory_space<vmem_shared>>)
        %add3A_390 = arith.constant 5 : i32
        %add3A_391 = arith.addi %add3A_348, %add3A_390 : i32
        %lt3A_392 = arith.constant 84 : i32
        %lt3A_393 = arith.cmpi slt, %add3A_391, %lt3A_392 : i32
        %convert_element_type3A_394 = arith.extui %lt3A_393 : i1 to i32
        %cond3A_395 = arith.constant 0 : i32
        %cond3A_396 = arith.cmpi ne, %convert_element_type3A_394, %cond3A_395 : i32
        scf.if %cond3A_396 {
          %add3A_397 = arith.constant 5 : i32
          %add3A_398 = arith.addi %add3A_348, %add3A_397 : i32
          %dma_start3A_399 = arith.constant 0 : i32
          %dma_start3A_400 = arith.constant 0 : i32
          %dma_start3A_401 = tpu.memref_slice %arg3[%add3A, %add3A_398, %dma_start3A_399, %dma_start3A_400] : memref<32x84x1x120xi32, #tpu.memory_space<hbm>> -> memref<1x1x1x120xi32, #tpu.memory_space<hbm>>
          %dma_start3A_402 = tpu.memref_squeeze %dma_start3A_401 : memref<1x1x1x120xi32, #tpu.memory_space<hbm>> -> memref<1x120xi32, #tpu.memory_space<hbm>>
          %dma_start3A_403 = arith.constant 0 : i32
          %dma_start3A_404 = arith.constant 0 : i32
          %dma_start3A_405 = tpu.memref_slice %arg3[%add3A, %add3A_398, %dma_start3A_403, %dma_start3A_404] : memref<32x84x1x120xi32, #tpu.memory_space<hbm>> -> memref<1x1x1x120xi32, #tpu.memory_space<hbm>>
          %dma_start3A_406 = tpu.memref_squeeze %dma_start3A_405 : memref<1x1x1x120xi32, #tpu.memory_space<hbm>> -> memref<1x120xi32, #tpu.memory_space<hbm>>
          tpu.enqueue_dma source(%dma_start3A_406 : memref<1x120xi32, #tpu.memory_space<hbm>>) target(%arg11 : memref<1x120xi32, #tpu.memory_space<vmem>>) target_semaphore(%arg27 : memref<!tpu.dma_semaphore, #tpu.memory_space<semaphore_mem>>)
          %add3A_407 = arith.constant 5 : i32
          %add3A_408 = arith.addi %add3A_348, %add3A_407 : i32
          %dma_start3A_409 = arith.constant 0 : i32
          %dma_start3A_410 = arith.constant 0 : i32
          %dma_start3A_411 = tpu.memref_slice %arg4[%add3A, %add3A_408, %dma_start3A_409, %dma_start3A_410] : memref<32x84x1x120xi32, #tpu.memory_space<hbm>> -> memref<1x1x1x120xi32, #tpu.memory_space<hbm>>
          %dma_start3A_412 = tpu.memref_squeeze %dma_start3A_411 : memref<1x1x1x120xi32, #tpu.memory_space<hbm>> -> memref<1x120xi32, #tpu.memory_space<hbm>>
          %dma_start3A_413 = arith.constant 0 : i32
          %dma_start3A_414 = arith.constant 0 : i32
          %dma_start3A_415 = tpu.memref_slice %arg4[%add3A, %add3A_408, %dma_start3A_413, %dma_start3A_414] : memref<32x84x1x120xi32, #tpu.memory_space<hbm>> -> memref<1x1x1x120xi32, #tpu.memory_space<hbm>>
          %dma_start3A_416 = tpu.memref_squeeze %dma_start3A_415 : memref<1x1x1x120xi32, #tpu.memory_space<hbm>> -> memref<1x120xi32, #tpu.memory_space<hbm>>
          tpu.enqueue_dma source(%dma_start3A_416 : memref<1x120xi32, #tpu.memory_space<hbm>>) target(%arg17 : memref<1x120xi32, #tpu.memory_space<vmem>>) target_semaphore(%arg33 : memref<!tpu.dma_semaphore, #tpu.memory_space<semaphore_mem>>)
        } else {
        }
      } else {
      }
      %add3A_376 = arith.constant 2 : i32
      %add3A_377 = arith.addi %add3A_348, %add3A_376 : i32
      %lt3A_378 = arith.constant 84 : i32
      %lt3A_379 = arith.cmpi slt, %add3A_377, %lt3A_378 : i32
      %convert_element_type3A_380 = arith.extui %lt3A_379 : i1 to i32
      %cond3A_381 = arith.constant 0 : i32
      %cond3A_382 = arith.cmpi ne, %convert_element_type3A_380, %cond3A_381 : i32
      scf.if %cond3A_382 {
        %add3A_383 = arith.constant 2 : i32
        %add3A_384 = arith.addi %add3A_348, %add3A_383 : i32
        %dma_wait3A_385 = arith.constant 0 : i32
        %dma_wait3A_386 = arith.constant 0 : i32
        %dma_wait3A_387 = tpu.memref_slice %arg3[%add3A, %add3A_384, %dma_wait3A_385, %dma_wait3A_386] : memref<32x84x1x120xi32, #tpu.memory_space<hbm>> -> memref<1x1x1x120xi32, #tpu.memory_space<hbm>>
        %dma_wait3A_388 = tpu.memref_squeeze %dma_wait3A_387 : memref<1x1x1x120xi32, #tpu.memory_space<hbm>> -> memref<1x120xi32, #tpu.memory_space<hbm>>
        %dma_wait3A_389 = arith.constant 0 : i32
        %dma_wait3A_390 = arith.constant 0 : i32
        %dma_wait3A_391 = tpu.memref_slice %arg3[%add3A, %add3A_384, %dma_wait3A_389, %dma_wait3A_390] : memref<32x84x1x120xi32, #tpu.memory_space<hbm>> -> memref<1x1x1x120xi32, #tpu.memory_space<hbm>>
        %dma_wait3A_392 = tpu.memref_squeeze %dma_wait3A_391 : memref<1x1x1x120xi32, #tpu.memory_space<hbm>> -> memref<1x120xi32, #tpu.memory_space<hbm>>
        tpu.wait_dma2 semaphore(%arg24 : memref<!tpu.dma_semaphore, #tpu.memory_space<semaphore_mem>>) src(%dma_wait3A_392 : memref<1x120xi32, #tpu.memory_space<hbm>>) dst(%arg8 : memref<1x120xi32, #tpu.memory_space<vmem>>)
        %dma_start3A_393 = arith.constant 0 : i32
        %dma_start3A_394 = arith.constant 0 : i32
        %dma_start3A_395 = tpu.memref_slice %arg8[%dma_start3A_393, %dma_start3A_394] : memref<1x120xi32, #tpu.memory_space<vmem>> -> memref<1x120xi32, #tpu.memory_space<vmem>>
        %dma_start3A_396 = tpu.memref_squeeze %dma_start3A_395 : memref<1x120xi32, #tpu.memory_space<vmem>> -> memref<120xi32, #tpu.memory_space<vmem>>
        %dma_start3A_397 = arith.constant 0 : i32
        %dma_start3A_398 = arith.constant 0 : i32
        %dma_start3A_399 = tpu.memref_slice %arg2[%dma_start3A_397, %dma_start3A_398] : memref<10000x128xf32, #tpu.memory_space<hbm>> -> memref<10000x128xf32, #tpu.memory_space<hbm>>
        tpu.enqueue_indirect_dma source(%dma_start3A_399 : memref<10000x128xf32, #tpu.memory_space<hbm>>) target(%arg20 : memref<120x128xf32, #tpu.memory_space<vmem>>) offsets(%dma_start3A_396 : memref<120xi32, #tpu.memory_space<vmem>>) semaphore(%arg36 : memref<!tpu.dma_semaphore, #tpu.memory_space<semaphore_mem>>)
      } else {
      }
    }
    %scan3A_145 = arith.constant 14 : i32
    %dma_wait3A_146 = arith.constant 0 : i32
    %dma_wait3A_147 = arith.constant 0 : i32
    %dma_wait3A_148 = tpu.memref_slice %arg18[%dma_wait3A_146, %dma_wait3A_147] : memref<1x120xi32, #tpu.memory_space<vmem>> -> memref<1x120xi32, #tpu.memory_space<vmem>>
    %dma_wait3A_149 = tpu.memref_squeeze %dma_wait3A_148 : memref<1x120xi32, #tpu.memory_space<vmem>> -> memref<120xi32, #tpu.memory_space<vmem>>
    %dma_wait3A_150 = arith.constant 0 : i32
    %dma_wait3A_151 = arith.constant 0 : i32
    %dma_wait3A_152 = tpu.memref_slice %arg22[%dma_wait3A_150, %dma_wait3A_151] : memref<10240x128xf32, #tpu.memory_space<vmem_shared>> -> memref<10240x128xf32, #tpu.memory_space<vmem_shared>>
    tpu.wait_indirect_dma semaphore(%arg40 : memref<!tpu.dma_semaphore, #tpu.memory_space<semaphore_mem>>) src(%arg21 : memref<120x128xf32, #tpu.memory_space<vmem>>) dst(%dma_wait3A_152 : memref<10240x128xf32, #tpu.memory_space<vmem_shared>>)
    %barrier3A_153 = arith.constant 0 : index
    tpu.barrier barrier_id(%barrier3A_153)
    %mul3A_154 = arith.constant 640 : i32
    %mul3A_155 = arith.muli %arg1, %mul3A_154 : i32
    %mul3A_156 = arith.constant 640 : i32
    %mul3A_157 = arith.muli %arg1, %mul3A_156 : i32
    "tpu.region"() ({
      %run_scoped3A = tpu.sem_alloc : memref<!tpu.dma_semaphore, #tpu.memory_space<semaphore_mem>>
      %dma_start3A_158 = arith.constant 0 : i32
      %dma_start3A_159 = tpu.memref_slice %arg6[%arg0, %mul3A_157, %dma_start3A_158] : memref<2x10240x128xf32, #tpu.memory_space<hbm>> -> memref<1x640x128xf32, #tpu.memory_space<hbm>>
      %dma_start3A_160 = tpu.memref_squeeze %dma_start3A_159 : memref<1x640x128xf32, #tpu.memory_space<hbm>> -> memref<640x128xf32, #tpu.memory_space<hbm>>
      %dma_start3A_161 = arith.constant 0 : i32
      %dma_start3A_162 = tpu.memref_slice %arg22[%mul3A_155, %dma_start3A_161] : memref<10240x128xf32, #tpu.memory_space<vmem_shared>> -> memref<640x128xf32, #tpu.memory_space<vmem_shared>>
      tpu.enqueue_dma source(%dma_start3A_162 : memref<640x128xf32, #tpu.memory_space<vmem_shared>>) target(%dma_start3A_160 : memref<640x128xf32, #tpu.memory_space<hbm>>) target_semaphore(%run_scoped3A : memref<!tpu.dma_semaphore, #tpu.memory_space<semaphore_mem>>)
      %dma_wait3A_163 = arith.constant 0 : i32
      %dma_wait3A_164 = tpu.memref_slice %arg6[%arg0, %mul3A_157, %dma_wait3A_163] : memref<2x10240x128xf32, #tpu.memory_space<hbm>> -> memref<1x640x128xf32, #tpu.memory_space<hbm>>
      %dma_wait3A_165 = tpu.memref_squeeze %dma_wait3A_164 : memref<1x640x128xf32, #tpu.memory_space<hbm>> -> memref<640x128xf32, #tpu.memory_space<hbm>>
      %dma_wait3A_166 = arith.constant 0 : i32
      %dma_wait3A_167 = tpu.memref_slice %arg22[%mul3A_155, %dma_wait3A_166] : memref<10240x128xf32, #tpu.memory_space<vmem_shared>> -> memref<640x128xf32, #tpu.memory_space<vmem_shared>>
      tpu.wait_dma2 semaphore(%run_scoped3A : memref<!tpu.dma_semaphore, #tpu.memory_space<semaphore_mem>>) src(%dma_wait3A_167 : memref<640x128xf32, #tpu.memory_space<vmem_shared>>) dst(%dma_wait3A_165 : memref<640x128xf32, #tpu.memory_space<hbm>>)
      tpu.yield
    }) : () -> ()
    return
  }
}

#map = affine_map<(d0, d1) -> (0, 0, 0)>
#map1 = affine_map<(d0, d1) -> (0, 0)>
module attributes {stable_mosaic.version = 14 : i64} {
  func.func @deg_kernel(%arg0: i32, %arg1: i32, %arg2: memref<32x80x128xi32, #tpu.memory_space<hbm>>, %arg3: memref<32x128xf32, #tpu.memory_space<hbm>>, %arg4: memref<32x640xf32, #tpu.memory_space<hbm>>, %arg5: memref<2x10240xf32, #tpu.memory_space<hbm>>, %arg6: memref<80x128xi32, #tpu.memory_space<vmem>>, %arg7: memref<128xf32, #tpu.memory_space<vmem>>, %arg8: memref<10240xf32, #tpu.memory_space<vmem_shared>>) attributes {dimension_semantics = [#tpu.dimension_semantics<core_parallel>, #tpu.dimension_semantics<subcore_parallel>], iteration_bounds = array<i64: 2, 16>, scalar_prefetch = 0 : i64, scratch_operands = 3 : i64, tpu.core_type = #tpu.core_type<sc_vector_subcore>, window_params = [{transform_indices = #map}, {transform_indices = #map1}, {transform_indices = #map1}, {transform_indices = #map1}]} {
    %mul3A = arith.constant 16 : i32
    %mul3A_0 = arith.muli %arg0, %mul3A : i32
    %add3A = arith.addi %mul3A_0, %arg1 : i32
    %mul3A_1 = arith.constant 640 : i32
    %mul3A_2 = arith.muli %arg1, %mul3A_1 : i32
    "tpu.region"() ({
      %run_scoped3A = tpu.sem_alloc : memref<!tpu.dma_semaphore, #tpu.memory_space<semaphore_mem>>
      %dma_start3A = tpu.memref_slice %arg8[%mul3A_2] : memref<10240xf32, #tpu.memory_space<vmem_shared>> -> memref<640xf32, #tpu.memory_space<vmem_shared>>
      %dma_start3A_13 = arith.constant 0 : i32
      %dma_start3A_14 = tpu.memref_slice %arg4[%add3A, %dma_start3A_13] : memref<32x640xf32, #tpu.memory_space<hbm>> -> memref<1x640xf32, #tpu.memory_space<hbm>>
      %dma_start3A_15 = tpu.memref_squeeze %dma_start3A_14 : memref<1x640xf32, #tpu.memory_space<hbm>> -> memref<640xf32, #tpu.memory_space<hbm>>
      tpu.enqueue_dma source(%dma_start3A_15 : memref<640xf32, #tpu.memory_space<hbm>>) target(%dma_start3A : memref<640xf32, #tpu.memory_space<vmem_shared>>) target_semaphore(%run_scoped3A : memref<!tpu.dma_semaphore, #tpu.memory_space<semaphore_mem>>)
      %dma_wait3A = tpu.memref_slice %arg8[%mul3A_2] : memref<10240xf32, #tpu.memory_space<vmem_shared>> -> memref<640xf32, #tpu.memory_space<vmem_shared>>
      %dma_wait3A_16 = arith.constant 0 : i32
      %dma_wait3A_17 = tpu.memref_slice %arg4[%add3A, %dma_wait3A_16] : memref<32x640xf32, #tpu.memory_space<hbm>> -> memref<1x640xf32, #tpu.memory_space<hbm>>
      %dma_wait3A_18 = tpu.memref_squeeze %dma_wait3A_17 : memref<1x640xf32, #tpu.memory_space<hbm>> -> memref<640xf32, #tpu.memory_space<hbm>>
      tpu.wait_dma2 semaphore(%run_scoped3A : memref<!tpu.dma_semaphore, #tpu.memory_space<semaphore_mem>>) src(%dma_wait3A_18 : memref<640xf32, #tpu.memory_space<hbm>>) dst(%dma_wait3A : memref<640xf32, #tpu.memory_space<vmem_shared>>)
      tpu.yield
    }) : () -> ()
    "tpu.region"() ({
      %run_scoped3A = tpu.sem_alloc : memref<!tpu.dma_semaphore, #tpu.memory_space<semaphore_mem>>
      %dma_start3A = arith.constant 0 : i32
      %dma_start3A_13 = arith.constant 0 : i32
      %dma_start3A_14 = tpu.memref_slice %arg2[%add3A, %dma_start3A, %dma_start3A_13] : memref<32x80x128xi32, #tpu.memory_space<hbm>> -> memref<1x80x128xi32, #tpu.memory_space<hbm>>
      %dma_start3A_15 = tpu.memref_squeeze %dma_start3A_14 : memref<1x80x128xi32, #tpu.memory_space<hbm>> -> memref<80x128xi32, #tpu.memory_space<hbm>>
      %dma_start3A_16 = arith.constant 0 : i32
      %dma_start3A_17 = arith.constant 0 : i32
      %dma_start3A_18 = tpu.memref_slice %arg2[%add3A, %dma_start3A_16, %dma_start3A_17] : memref<32x80x128xi32, #tpu.memory_space<hbm>> -> memref<1x80x128xi32, #tpu.memory_space<hbm>>
      %dma_start3A_19 = tpu.memref_squeeze %dma_start3A_18 : memref<1x80x128xi32, #tpu.memory_space<hbm>> -> memref<80x128xi32, #tpu.memory_space<hbm>>
      tpu.enqueue_dma source(%dma_start3A_19 : memref<80x128xi32, #tpu.memory_space<hbm>>) target(%arg6 : memref<80x128xi32, #tpu.memory_space<vmem>>) target_semaphore(%run_scoped3A : memref<!tpu.dma_semaphore, #tpu.memory_space<semaphore_mem>>)
      %dma_wait3A = arith.constant 0 : i32
      %dma_wait3A_20 = arith.constant 0 : i32
      %dma_wait3A_21 = tpu.memref_slice %arg2[%add3A, %dma_wait3A, %dma_wait3A_20] : memref<32x80x128xi32, #tpu.memory_space<hbm>> -> memref<1x80x128xi32, #tpu.memory_space<hbm>>
      %dma_wait3A_22 = tpu.memref_squeeze %dma_wait3A_21 : memref<1x80x128xi32, #tpu.memory_space<hbm>> -> memref<80x128xi32, #tpu.memory_space<hbm>>
      %dma_wait3A_23 = arith.constant 0 : i32
      %dma_wait3A_24 = arith.constant 0 : i32
      %dma_wait3A_25 = tpu.memref_slice %arg2[%add3A, %dma_wait3A_23, %dma_wait3A_24] : memref<32x80x128xi32, #tpu.memory_space<hbm>> -> memref<1x80x128xi32, #tpu.memory_space<hbm>>
      %dma_wait3A_26 = tpu.memref_squeeze %dma_wait3A_25 : memref<1x80x128xi32, #tpu.memory_space<hbm>> -> memref<80x128xi32, #tpu.memory_space<hbm>>
      tpu.wait_dma2 semaphore(%run_scoped3A : memref<!tpu.dma_semaphore, #tpu.memory_space<semaphore_mem>>) src(%dma_wait3A_26 : memref<80x128xi32, #tpu.memory_space<hbm>>) dst(%arg6 : memref<80x128xi32, #tpu.memory_space<vmem>>)
      tpu.yield
    }) : () -> ()
    "tpu.region"() ({
      %run_scoped3A = tpu.sem_alloc : memref<!tpu.dma_semaphore, #tpu.memory_space<semaphore_mem>>
      %dma_start3A = arith.constant 0 : i32
      %dma_start3A_13 = tpu.memref_slice %arg3[%add3A, %dma_start3A] : memref<32x128xf32, #tpu.memory_space<hbm>> -> memref<1x128xf32, #tpu.memory_space<hbm>>
      %dma_start3A_14 = tpu.memref_squeeze %dma_start3A_13 : memref<1x128xf32, #tpu.memory_space<hbm>> -> memref<128xf32, #tpu.memory_space<hbm>>
      %dma_start3A_15 = arith.constant 0 : i32
      %dma_start3A_16 = tpu.memref_slice %arg3[%add3A, %dma_start3A_15] : memref<32x128xf32, #tpu.memory_space<hbm>> -> memref<1x128xf32, #tpu.memory_space<hbm>>
      %dma_start3A_17 = tpu.memref_squeeze %dma_start3A_16 : memref<1x128xf32, #tpu.memory_space<hbm>> -> memref<128xf32, #tpu.memory_space<hbm>>
      tpu.enqueue_dma source(%dma_start3A_17 : memref<128xf32, #tpu.memory_space<hbm>>) target(%arg7 : memref<128xf32, #tpu.memory_space<vmem>>) target_semaphore(%run_scoped3A : memref<!tpu.dma_semaphore, #tpu.memory_space<semaphore_mem>>)
      %dma_wait3A = arith.constant 0 : i32
      %dma_wait3A_18 = tpu.memref_slice %arg3[%add3A, %dma_wait3A] : memref<32x128xf32, #tpu.memory_space<hbm>> -> memref<1x128xf32, #tpu.memory_space<hbm>>
      %dma_wait3A_19 = tpu.memref_squeeze %dma_wait3A_18 : memref<1x128xf32, #tpu.memory_space<hbm>> -> memref<128xf32, #tpu.memory_space<hbm>>
      %dma_wait3A_20 = arith.constant 0 : i32
      %dma_wait3A_21 = tpu.memref_slice %arg3[%add3A, %dma_wait3A_20] : memref<32x128xf32, #tpu.memory_space<hbm>> -> memref<1x128xf32, #tpu.memory_space<hbm>>
      %dma_wait3A_22 = tpu.memref_squeeze %dma_wait3A_21 : memref<1x128xf32, #tpu.memory_space<hbm>> -> memref<128xf32, #tpu.memory_space<hbm>>
      tpu.wait_dma2 semaphore(%run_scoped3A : memref<!tpu.dma_semaphore, #tpu.memory_space<semaphore_mem>>) src(%dma_wait3A_22 : memref<128xf32, #tpu.memory_space<hbm>>) dst(%arg7 : memref<128xf32, #tpu.memory_space<vmem>>)
      tpu.yield
    }) : () -> ()
    %barrier3A = arith.constant 0 : index
    tpu.barrier barrier_id(%barrier3A)
    %scan3A = arith.constant 0 : i32
    %scan3A_3 = arith.constant 0 : i32
    %scan3A_4 = arith.constant 80 : i32
    %scan3A_5 = arith.addi %scan3A_3, %scan3A_4 : i32
    %scan3A_6 = arith.constant 1 : i32
    scf.for %scan3A_13 = %scan3A_3 to %scan3A_5 step %scan3A_6  : i32 {
      "tpu.region"() ({
        %run_scoped3A = tpu.sem_alloc : memref<!tpu.dma_semaphore, #tpu.memory_space<semaphore_mem>>
        %dma_start3A = arith.constant 0 : i32
        %dma_start3A_14 = tpu.memref_slice %arg6[%scan3A_13, %dma_start3A] : memref<80x128xi32, #tpu.memory_space<vmem>> -> memref<1x128xi32, #tpu.memory_space<vmem>>
        %dma_start3A_15 = tpu.memref_squeeze %dma_start3A_14 : memref<1x128xi32, #tpu.memory_space<vmem>> -> memref<128xi32, #tpu.memory_space<vmem>>
        %dma_start3A_16 = arith.constant 0 : i32
        %dma_start3A_17 = tpu.memref_slice %arg8[%dma_start3A_16] : memref<10240xf32, #tpu.memory_space<vmem_shared>> -> memref<10240xf32, #tpu.memory_space<vmem_shared>>
        tpu.enqueue_indirect_dma source(%arg7 : memref<128xf32, #tpu.memory_space<vmem>>) target(%dma_start3A_17 : memref<10240xf32, #tpu.memory_space<vmem_shared>>) offsets(%dma_start3A_15 : memref<128xi32, #tpu.memory_space<vmem>>) semaphore(%run_scoped3A : memref<!tpu.dma_semaphore, #tpu.memory_space<semaphore_mem>>) {add = true}
        %dma_wait3A = arith.constant 0 : i32
        %dma_wait3A_18 = tpu.memref_slice %arg6[%scan3A_13, %dma_wait3A] : memref<80x128xi32, #tpu.memory_space<vmem>> -> memref<1x128xi32, #tpu.memory_space<vmem>>
        %dma_wait3A_19 = tpu.memref_squeeze %dma_wait3A_18 : memref<1x128xi32, #tpu.memory_space<vmem>> -> memref<128xi32, #tpu.memory_space<vmem>>
        %dma_wait3A_20 = arith.constant 0 : i32
        %dma_wait3A_21 = tpu.memref_slice %arg8[%dma_wait3A_20] : memref<10240xf32, #tpu.memory_space<vmem_shared>> -> memref<10240xf32, #tpu.memory_space<vmem_shared>>
        tpu.wait_indirect_dma semaphore(%run_scoped3A : memref<!tpu.dma_semaphore, #tpu.memory_space<semaphore_mem>>) src(%arg7 : memref<128xf32, #tpu.memory_space<vmem>>) dst(%dma_wait3A_21 : memref<10240xf32, #tpu.memory_space<vmem_shared>>)
        tpu.yield
      }) : () -> ()
    }
    %scan3A_7 = arith.constant 80 : i32
    %barrier3A_8 = arith.constant 0 : index
    tpu.barrier barrier_id(%barrier3A_8)
    %mul3A_9 = arith.constant 640 : i32
    %mul3A_10 = arith.muli %arg1, %mul3A_9 : i32
    %mul3A_11 = arith.constant 640 : i32
    %mul3A_12 = arith.muli %arg1, %mul3A_11 : i32
    "tpu.region"() ({
      %run_scoped3A = tpu.sem_alloc : memref<!tpu.dma_semaphore, #tpu.memory_space<semaphore_mem>>
      %dma_start3A = tpu.memref_slice %arg5[%arg0, %mul3A_12] : memref<2x10240xf32, #tpu.memory_space<hbm>> -> memref<1x640xf32, #tpu.memory_space<hbm>>
      %dma_start3A_13 = tpu.memref_squeeze %dma_start3A : memref<1x640xf32, #tpu.memory_space<hbm>> -> memref<640xf32, #tpu.memory_space<hbm>>
      %dma_start3A_14 = tpu.memref_slice %arg8[%mul3A_10] : memref<10240xf32, #tpu.memory_space<vmem_shared>> -> memref<640xf32, #tpu.memory_space<vmem_shared>>
      tpu.enqueue_dma source(%dma_start3A_14 : memref<640xf32, #tpu.memory_space<vmem_shared>>) target(%dma_start3A_13 : memref<640xf32, #tpu.memory_space<hbm>>) target_semaphore(%run_scoped3A : memref<!tpu.dma_semaphore, #tpu.memory_space<semaphore_mem>>)
      %dma_wait3A = tpu.memref_slice %arg5[%arg0, %mul3A_12] : memref<2x10240xf32, #tpu.memory_space<hbm>> -> memref<1x640xf32, #tpu.memory_space<hbm>>
      %dma_wait3A_15 = tpu.memref_squeeze %dma_wait3A : memref<1x640xf32, #tpu.memory_space<hbm>> -> memref<640xf32, #tpu.memory_space<hbm>>
      %dma_wait3A_16 = tpu.memref_slice %arg8[%mul3A_10] : memref<10240xf32, #tpu.memory_space<vmem_shared>> -> memref<640xf32, #tpu.memory_space<vmem_shared>>
      tpu.wait_dma2 semaphore(%run_scoped3A : memref<!tpu.dma_semaphore, #tpu.memory_space<semaphore_mem>>) src(%dma_wait3A_16 : memref<640xf32, #tpu.memory_space<vmem_shared>>) dst(%dma_wait3A_15 : memref<640xf32, #tpu.memory_space<hbm>>)
      tpu.yield
    }) : () -> ()
    return
  }
}

#map = affine_map<(d0, d1) -> (0, 0)>
#map1 = affine_map<(d0, d1) -> (0, 0, 0)>
module attributes {stable_mosaic.version = 14 : i64} {
  func.func @scatn_kernel(%arg0: i32, %arg1: i32, %arg2: memref<10000x64xf32, #tpu.memory_space<hbm>>, %arg3: memref<32x84x120xi32, #tpu.memory_space<hbm>>, %arg4: memref<32x84x120xi32, #tpu.memory_space<hbm>>, %arg5: memref<32x640x64xf32, #tpu.memory_space<hbm>>, %arg6: memref<2x10240x64xf32, #tpu.memory_space<hbm>>, %arg7: memref<84x120xi32, #tpu.memory_space<vmem>>, %arg8: memref<84x120xi32, #tpu.memory_space<vmem>>, %arg9: memref<120x64xf32, #tpu.memory_space<vmem>>, %arg10: memref<120x64xf32, #tpu.memory_space<vmem>>, %arg11: memref<120x64xf32, #tpu.memory_space<vmem>>, %arg12: memref<10240x64xf32, #tpu.memory_space<vmem_shared>>, %arg13: memref<!tpu.dma_semaphore, #tpu.memory_space<semaphore_mem>>, %arg14: memref<!tpu.dma_semaphore, #tpu.memory_space<semaphore_mem>>, %arg15: memref<!tpu.dma_semaphore, #tpu.memory_space<semaphore_mem>>, %arg16: memref<!tpu.dma_semaphore, #tpu.memory_space<semaphore_mem>>, %arg17: memref<!tpu.dma_semaphore, #tpu.memory_space<semaphore_mem>>, %arg18: memref<!tpu.dma_semaphore, #tpu.memory_space<semaphore_mem>>) attributes {dimension_semantics = [#tpu.dimension_semantics<core_parallel>, #tpu.dimension_semantics<subcore_parallel>], iteration_bounds = array<i64: 2, 16>, scalar_prefetch = 0 : i64, scratch_operands = 12 : i64, tpu.core_type = #tpu.core_type<sc_vector_subcore>, window_params = [{transform_indices = #map}, {transform_indices = #map1}, {transform_indices = #map1}, {transform_indices = #map1}, {transform_indices = #map1}]} {
    %mul3A = arith.constant 16 : i32
    %mul3A_0 = arith.muli %arg0, %mul3A : i32
    %add3A = arith.addi %mul3A_0, %arg1 : i32
    %mul3A_1 = arith.constant 640 : i32
    %mul3A_2 = arith.muli %arg1, %mul3A_1 : i32
    "tpu.region"() ({
      %run_scoped3A = tpu.sem_alloc : memref<!tpu.dma_semaphore, #tpu.memory_space<semaphore_mem>>
      %dma_start3A_32 = arith.constant 0 : i32
      %dma_start3A_33 = tpu.memref_slice %arg12[%mul3A_2, %dma_start3A_32] : memref<10240x64xf32, #tpu.memory_space<vmem_shared>> -> memref<640x64xf32, #tpu.memory_space<vmem_shared>>
      %dma_start3A_34 = arith.constant 0 : i32
      %dma_start3A_35 = arith.constant 0 : i32
      %dma_start3A_36 = tpu.memref_slice %arg5[%add3A, %dma_start3A_34, %dma_start3A_35] : memref<32x640x64xf32, #tpu.memory_space<hbm>> -> memref<1x640x64xf32, #tpu.memory_space<hbm>>
      %dma_start3A_37 = tpu.memref_squeeze %dma_start3A_36 : memref<1x640x64xf32, #tpu.memory_space<hbm>> -> memref<640x64xf32, #tpu.memory_space<hbm>>
      tpu.enqueue_dma source(%dma_start3A_37 : memref<640x64xf32, #tpu.memory_space<hbm>>) target(%dma_start3A_33 : memref<640x64xf32, #tpu.memory_space<vmem_shared>>) target_semaphore(%run_scoped3A : memref<!tpu.dma_semaphore, #tpu.memory_space<semaphore_mem>>)
      %dma_wait3A_38 = arith.constant 0 : i32
      %dma_wait3A_39 = tpu.memref_slice %arg12[%mul3A_2, %dma_wait3A_38] : memref<10240x64xf32, #tpu.memory_space<vmem_shared>> -> memref<640x64xf32, #tpu.memory_space<vmem_shared>>
      %dma_wait3A_40 = arith.constant 0 : i32
      %dma_wait3A_41 = arith.constant 0 : i32
      %dma_wait3A_42 = tpu.memref_slice %arg5[%add3A, %dma_wait3A_40, %dma_wait3A_41] : memref<32x640x64xf32, #tpu.memory_space<hbm>> -> memref<1x640x64xf32, #tpu.memory_space<hbm>>
      %dma_wait3A_43 = tpu.memref_squeeze %dma_wait3A_42 : memref<1x640x64xf32, #tpu.memory_space<hbm>> -> memref<640x64xf32, #tpu.memory_space<hbm>>
      tpu.wait_dma2 semaphore(%run_scoped3A : memref<!tpu.dma_semaphore, #tpu.memory_space<semaphore_mem>>) src(%dma_wait3A_43 : memref<640x64xf32, #tpu.memory_space<hbm>>) dst(%dma_wait3A_39 : memref<640x64xf32, #tpu.memory_space<vmem_shared>>)
      tpu.yield
    }) : () -> ()
    "tpu.region"() ({
      %run_scoped3A = tpu.sem_alloc : memref<!tpu.dma_semaphore, #tpu.memory_space<semaphore_mem>>
      %dma_start3A_32 = arith.constant 0 : i32
      %dma_start3A_33 = arith.constant 0 : i32
      %dma_start3A_34 = tpu.memref_slice %arg3[%add3A, %dma_start3A_32, %dma_start3A_33] : memref<32x84x120xi32, #tpu.memory_space<hbm>> -> memref<1x84x120xi32, #tpu.memory_space<hbm>>
      %dma_start3A_35 = tpu.memref_squeeze %dma_start3A_34 : memref<1x84x120xi32, #tpu.memory_space<hbm>> -> memref<84x120xi32, #tpu.memory_space<hbm>>
      %dma_start3A_36 = arith.constant 0 : i32
      %dma_start3A_37 = arith.constant 0 : i32
      %dma_start3A_38 = tpu.memref_slice %arg3[%add3A, %dma_start3A_36, %dma_start3A_37] : memref<32x84x120xi32, #tpu.memory_space<hbm>> -> memref<1x84x120xi32, #tpu.memory_space<hbm>>
      %dma_start3A_39 = tpu.memref_squeeze %dma_start3A_38 : memref<1x84x120xi32, #tpu.memory_space<hbm>> -> memref<84x120xi32, #tpu.memory_space<hbm>>
      tpu.enqueue_dma source(%dma_start3A_39 : memref<84x120xi32, #tpu.memory_space<hbm>>) target(%arg7 : memref<84x120xi32, #tpu.memory_space<vmem>>) target_semaphore(%run_scoped3A : memref<!tpu.dma_semaphore, #tpu.memory_space<semaphore_mem>>)
      %dma_wait3A_40 = arith.constant 0 : i32
      %dma_wait3A_41 = arith.constant 0 : i32
      %dma_wait3A_42 = tpu.memref_slice %arg3[%add3A, %dma_wait3A_40, %dma_wait3A_41] : memref<32x84x120xi32, #tpu.memory_space<hbm>> -> memref<1x84x120xi32, #tpu.memory_space<hbm>>
      %dma_wait3A_43 = tpu.memref_squeeze %dma_wait3A_42 : memref<1x84x120xi32, #tpu.memory_space<hbm>> -> memref<84x120xi32, #tpu.memory_space<hbm>>
      %dma_wait3A_44 = arith.constant 0 : i32
      %dma_wait3A_45 = arith.constant 0 : i32
      %dma_wait3A_46 = tpu.memref_slice %arg3[%add3A, %dma_wait3A_44, %dma_wait3A_45] : memref<32x84x120xi32, #tpu.memory_space<hbm>> -> memref<1x84x120xi32, #tpu.memory_space<hbm>>
      %dma_wait3A_47 = tpu.memref_squeeze %dma_wait3A_46 : memref<1x84x120xi32, #tpu.memory_space<hbm>> -> memref<84x120xi32, #tpu.memory_space<hbm>>
      tpu.wait_dma2 semaphore(%run_scoped3A : memref<!tpu.dma_semaphore, #tpu.memory_space<semaphore_mem>>) src(%dma_wait3A_47 : memref<84x120xi32, #tpu.memory_space<hbm>>) dst(%arg7 : memref<84x120xi32, #tpu.memory_space<vmem>>)
      tpu.yield
    }) : () -> ()
    "tpu.region"() ({
      %run_scoped3A = tpu.sem_alloc : memref<!tpu.dma_semaphore, #tpu.memory_space<semaphore_mem>>
      %dma_start3A_32 = arith.constant 0 : i32
      %dma_start3A_33 = arith.constant 0 : i32
      %dma_start3A_34 = tpu.memref_slice %arg4[%add3A, %dma_start3A_32, %dma_start3A_33] : memref<32x84x120xi32, #tpu.memory_space<hbm>> -> memref<1x84x120xi32, #tpu.memory_space<hbm>>
      %dma_start3A_35 = tpu.memref_squeeze %dma_start3A_34 : memref<1x84x120xi32, #tpu.memory_space<hbm>> -> memref<84x120xi32, #tpu.memory_space<hbm>>
      %dma_start3A_36 = arith.constant 0 : i32
      %dma_start3A_37 = arith.constant 0 : i32
      %dma_start3A_38 = tpu.memref_slice %arg4[%add3A, %dma_start3A_36, %dma_start3A_37] : memref<32x84x120xi32, #tpu.memory_space<hbm>> -> memref<1x84x120xi32, #tpu.memory_space<hbm>>
      %dma_start3A_39 = tpu.memref_squeeze %dma_start3A_38 : memref<1x84x120xi32, #tpu.memory_space<hbm>> -> memref<84x120xi32, #tpu.memory_space<hbm>>
      tpu.enqueue_dma source(%dma_start3A_39 : memref<84x120xi32, #tpu.memory_space<hbm>>) target(%arg8 : memref<84x120xi32, #tpu.memory_space<vmem>>) target_semaphore(%run_scoped3A : memref<!tpu.dma_semaphore, #tpu.memory_space<semaphore_mem>>)
      %dma_wait3A_40 = arith.constant 0 : i32
      %dma_wait3A_41 = arith.constant 0 : i32
      %dma_wait3A_42 = tpu.memref_slice %arg4[%add3A, %dma_wait3A_40, %dma_wait3A_41] : memref<32x84x120xi32, #tpu.memory_space<hbm>> -> memref<1x84x120xi32, #tpu.memory_space<hbm>>
      %dma_wait3A_43 = tpu.memref_squeeze %dma_wait3A_42 : memref<1x84x120xi32, #tpu.memory_space<hbm>> -> memref<84x120xi32, #tpu.memory_space<hbm>>
      %dma_wait3A_44 = arith.constant 0 : i32
      %dma_wait3A_45 = arith.constant 0 : i32
      %dma_wait3A_46 = tpu.memref_slice %arg4[%add3A, %dma_wait3A_44, %dma_wait3A_45] : memref<32x84x120xi32, #tpu.memory_space<hbm>> -> memref<1x84x120xi32, #tpu.memory_space<hbm>>
      %dma_wait3A_47 = tpu.memref_squeeze %dma_wait3A_46 : memref<1x84x120xi32, #tpu.memory_space<hbm>> -> memref<84x120xi32, #tpu.memory_space<hbm>>
      tpu.wait_dma2 semaphore(%run_scoped3A : memref<!tpu.dma_semaphore, #tpu.memory_space<semaphore_mem>>) src(%dma_wait3A_47 : memref<84x120xi32, #tpu.memory_space<hbm>>) dst(%arg8 : memref<84x120xi32, #tpu.memory_space<vmem>>)
      tpu.yield
    }) : () -> ()
    %barrier3A = arith.constant 0 : index
    tpu.barrier barrier_id(%barrier3A)
    %dma_start3A = arith.constant 0 : i32
    %dma_start3A_3 = arith.constant 0 : i32
    %dma_start3A_4 = tpu.memref_slice %arg7[%dma_start3A, %dma_start3A_3] : memref<84x120xi32, #tpu.memory_space<vmem>> -> memref<1x120xi32, #tpu.memory_space<vmem>>
    %dma_start3A_5 = tpu.memref_squeeze %dma_start3A_4 : memref<1x120xi32, #tpu.memory_space<vmem>> -> memref<120xi32, #tpu.memory_space<vmem>>
    %dma_start3A_6 = arith.constant 0 : i32
    %dma_start3A_7 = arith.constant 0 : i32
    %dma_start3A_8 = tpu.memref_slice %arg2[%dma_start3A_6, %dma_start3A_7] : memref<10000x64xf32, #tpu.memory_space<hbm>> -> memref<10000x64xf32, #tpu.memory_space<hbm>>
    tpu.enqueue_indirect_dma source(%dma_start3A_8 : memref<10000x64xf32, #tpu.memory_space<hbm>>) target(%arg9 : memref<120x64xf32, #tpu.memory_space<vmem>>) offsets(%dma_start3A_5 : memref<120xi32, #tpu.memory_space<vmem>>) semaphore(%arg13 : memref<!tpu.dma_semaphore, #tpu.memory_space<semaphore_mem>>)
    %dma_start3A_9 = arith.constant 1 : i32
    %dma_start3A_10 = arith.constant 0 : i32
    %dma_start3A_11 = tpu.memref_slice %arg7[%dma_start3A_9, %dma_start3A_10] : memref<84x120xi32, #tpu.memory_space<vmem>> -> memref<1x120xi32, #tpu.memory_space<vmem>>
    %dma_start3A_12 = tpu.memref_squeeze %dma_start3A_11 : memref<1x120xi32, #tpu.memory_space<vmem>> -> memref<120xi32, #tpu.memory_space<vmem>>
    %dma_start3A_13 = arith.constant 0 : i32
    %dma_start3A_14 = arith.constant 0 : i32
    %dma_start3A_15 = tpu.memref_slice %arg2[%dma_start3A_13, %dma_start3A_14] : memref<10000x64xf32, #tpu.memory_space<hbm>> -> memref<10000x64xf32, #tpu.memory_space<hbm>>
    tpu.enqueue_indirect_dma source(%dma_start3A_15 : memref<10000x64xf32, #tpu.memory_space<hbm>>) target(%arg10 : memref<120x64xf32, #tpu.memory_space<vmem>>) offsets(%dma_start3A_12 : memref<120xi32, #tpu.memory_space<vmem>>) semaphore(%arg14 : memref<!tpu.dma_semaphore, #tpu.memory_space<semaphore_mem>>)
    %scan3A = arith.constant 0 : i32
    %scan3A_16 = arith.constant 0 : i32
    %scan3A_17 = arith.constant 28 : i32
    %scan3A_18 = arith.addi %scan3A_16, %scan3A_17 : i32
    %scan3A_19 = arith.constant 1 : i32
    scf.for %scan3A_32 = %scan3A_16 to %scan3A_18 step %scan3A_19  : i32 {
      %mul3A_33 = arith.constant 3 : i32
      %mul3A_34 = arith.muli %mul3A_33, %scan3A_32 : i32
      %add3A_35 = arith.constant 0 : i32
      %add3A_36 = arith.addi %mul3A_34, %add3A_35 : i32
      %dma_wait3A_37 = arith.constant 0 : i32
      %dma_wait3A_38 = tpu.memref_slice %arg7[%add3A_36, %dma_wait3A_37] : memref<84x120xi32, #tpu.memory_space<vmem>> -> memref<1x120xi32, #tpu.memory_space<vmem>>
      %dma_wait3A_39 = tpu.memref_squeeze %dma_wait3A_38 : memref<1x120xi32, #tpu.memory_space<vmem>> -> memref<120xi32, #tpu.memory_space<vmem>>
      %dma_wait3A_40 = arith.constant 0 : i32
      %dma_wait3A_41 = arith.constant 0 : i32
      %dma_wait3A_42 = tpu.memref_slice %arg2[%dma_wait3A_40, %dma_wait3A_41] : memref<10000x64xf32, #tpu.memory_space<hbm>> -> memref<10000x64xf32, #tpu.memory_space<hbm>>
      tpu.wait_indirect_dma semaphore(%arg13 : memref<!tpu.dma_semaphore, #tpu.memory_space<semaphore_mem>>) src(%dma_wait3A_42 : memref<10000x64xf32, #tpu.memory_space<hbm>>) dst(%arg9 : memref<120x64xf32, #tpu.memory_space<vmem>>)
      %dma_start3A_43 = arith.constant 0 : i32
      %dma_start3A_44 = tpu.memref_slice %arg8[%add3A_36, %dma_start3A_43] : memref<84x120xi32, #tpu.memory_space<vmem>> -> memref<1x120xi32, #tpu.memory_space<vmem>>
      %dma_start3A_45 = tpu.memref_squeeze %dma_start3A_44 : memref<1x120xi32, #tpu.memory_space<vmem>> -> memref<120xi32, #tpu.memory_space<vmem>>
      %dma_start3A_46 = arith.constant 0 : i32
      %dma_start3A_47 = arith.constant 0 : i32
      %dma_start3A_48 = tpu.memref_slice %arg12[%dma_start3A_46, %dma_start3A_47] : memref<10240x64xf32, #tpu.memory_space<vmem_shared>> -> memref<10240x64xf32, #tpu.memory_space<vmem_shared>>
      tpu.enqueue_indirect_dma source(%arg9 : memref<120x64xf32, #tpu.memory_space<vmem>>) target(%dma_start3A_48 : memref<10240x64xf32, #tpu.memory_space<vmem_shared>>) offsets(%dma_start3A_45 : memref<120xi32, #tpu.memory_space<vmem>>) semaphore(%arg16 : memref<!tpu.dma_semaphore, #tpu.memory_space<semaphore_mem>>) {add = true}
      %ge3A = arith.constant 1 : i32
      %ge3A_49 = arith.cmpi sge, %add3A_36, %ge3A : i32
      %convert_element_type3A = arith.extui %ge3A_49 : i1 to i32
      %cond3A = arith.constant 0 : i32
      %cond3A_50 = arith.cmpi ne, %convert_element_type3A, %cond3A : i32
      scf.if %cond3A_50 {
        %dma_wait3A_113 = arith.constant 0 : i32
        %dma_wait3A_114 = tpu.memref_slice %arg8[%add3A_36, %dma_wait3A_113] : memref<84x120xi32, #tpu.memory_space<vmem>> -> memref<1x120xi32, #tpu.memory_space<vmem>>
        %dma_wait3A_115 = tpu.memref_squeeze %dma_wait3A_114 : memref<1x120xi32, #tpu.memory_space<vmem>> -> memref<120xi32, #tpu.memory_space<vmem>>
        %dma_wait3A_116 = arith.constant 0 : i32
        %dma_wait3A_117 = arith.constant 0 : i32
        %dma_wait3A_118 = tpu.memref_slice %arg12[%dma_wait3A_116, %dma_wait3A_117] : memref<10240x64xf32, #tpu.memory_space<vmem_shared>> -> memref<10240x64xf32, #tpu.memory_space<vmem_shared>>
        tpu.wait_indirect_dma semaphore(%arg18 : memref<!tpu.dma_semaphore, #tpu.memory_space<semaphore_mem>>) src(%arg11 : memref<120x64xf32, #tpu.memory_space<vmem>>) dst(%dma_wait3A_118 : memref<10240x64xf32, #tpu.memory_space<vmem_shared>>)
      } else {
      }
      %add3A_51 = arith.constant 2 : i32
      %add3A_52 = arith.addi %add3A_36, %add3A_51 : i32
      %lt3A = arith.constant 84 : i32
      %lt3A_53 = arith.cmpi slt, %add3A_52, %lt3A : i32
      %convert_element_type3A_54 = arith.extui %lt3A_53 : i1 to i32
      %cond3A_55 = arith.constant 0 : i32
      %cond3A_56 = arith.cmpi ne, %convert_element_type3A_54, %cond3A_55 : i32
      scf.if %cond3A_56 {
        %add3A_113 = arith.constant 2 : i32
        %add3A_114 = arith.addi %add3A_36, %add3A_113 : i32
        %dma_start3A_115 = arith.constant 0 : i32
        %dma_start3A_116 = tpu.memref_slice %arg7[%add3A_114, %dma_start3A_115] : memref<84x120xi32, #tpu.memory_space<vmem>> -> memref<1x120xi32, #tpu.memory_space<vmem>>
        %dma_start3A_117 = tpu.memref_squeeze %dma_start3A_116 : memref<1x120xi32, #tpu.memory_space<vmem>> -> memref<120xi32, #tpu.memory_space<vmem>>
        %dma_start3A_118 = arith.constant 0 : i32
        %dma_start3A_119 = arith.constant 0 : i32
        %dma_start3A_120 = tpu.memref_slice %arg2[%dma_start3A_118, %dma_start3A_119] : memref<10000x64xf32, #tpu.memory_space<hbm>> -> memref<10000x64xf32, #tpu.memory_space<hbm>>
        tpu.enqueue_indirect_dma source(%dma_start3A_120 : memref<10000x64xf32, #tpu.memory_space<hbm>>) target(%arg11 : memref<120x64xf32, #tpu.memory_space<vmem>>) offsets(%dma_start3A_117 : memref<120xi32, #tpu.memory_space<vmem>>) semaphore(%arg15 : memref<!tpu.dma_semaphore, #tpu.memory_space<semaphore_mem>>)
      } else {
      }
      %mul3A_57 = arith.constant 3 : i32
      %mul3A_58 = arith.muli %mul3A_57, %scan3A_32 : i32
      %add3A_59 = arith.constant 1 : i32
      %add3A_60 = arith.addi %mul3A_58, %add3A_59 : i32
      %dma_wait3A_61 = arith.constant 0 : i32
      %dma_wait3A_62 = tpu.memref_slice %arg7[%add3A_60, %dma_wait3A_61] : memref<84x120xi32, #tpu.memory_space<vmem>> -> memref<1x120xi32, #tpu.memory_space<vmem>>
      %dma_wait3A_63 = tpu.memref_squeeze %dma_wait3A_62 : memref<1x120xi32, #tpu.memory_space<vmem>> -> memref<120xi32, #tpu.memory_space<vmem>>
      %dma_wait3A_64 = arith.constant 0 : i32
      %dma_wait3A_65 = arith.constant 0 : i32
      %dma_wait3A_66 = tpu.memref_slice %arg2[%dma_wait3A_64, %dma_wait3A_65] : memref<10000x64xf32, #tpu.memory_space<hbm>> -> memref<10000x64xf32, #tpu.memory_space<hbm>>
      tpu.wait_indirect_dma semaphore(%arg14 : memref<!tpu.dma_semaphore, #tpu.memory_space<semaphore_mem>>) src(%dma_wait3A_66 : memref<10000x64xf32, #tpu.memory_space<hbm>>) dst(%arg10 : memref<120x64xf32, #tpu.memory_space<vmem>>)
      %dma_start3A_67 = arith.constant 0 : i32
      %dma_start3A_68 = tpu.memref_slice %arg8[%add3A_60, %dma_start3A_67] : memref<84x120xi32, #tpu.memory_space<vmem>> -> memref<1x120xi32, #tpu.memory_space<vmem>>
      %dma_start3A_69 = tpu.memref_squeeze %dma_start3A_68 : memref<1x120xi32, #tpu.memory_space<vmem>> -> memref<120xi32, #tpu.memory_space<vmem>>
      %dma_start3A_70 = arith.constant 0 : i32
      %dma_start3A_71 = arith.constant 0 : i32
      %dma_start3A_72 = tpu.memref_slice %arg12[%dma_start3A_70, %dma_start3A_71] : memref<10240x64xf32, #tpu.memory_space<vmem_shared>> -> memref<10240x64xf32, #tpu.memory_space<vmem_shared>>
      tpu.enqueue_indirect_dma source(%arg10 : memref<120x64xf32, #tpu.memory_space<vmem>>) target(%dma_start3A_72 : memref<10240x64xf32, #tpu.memory_space<vmem_shared>>) offsets(%dma_start3A_69 : memref<120xi32, #tpu.memory_space<vmem>>) semaphore(%arg17 : memref<!tpu.dma_semaphore, #tpu.memory_space<semaphore_mem>>) {add = true}
      %ge3A_73 = arith.constant 1 : i32
      %ge3A_74 = arith.cmpi sge, %add3A_60, %ge3A_73 : i32
      %convert_element_type3A_75 = arith.extui %ge3A_74 : i1 to i32
      %cond3A_76 = arith.constant 0 : i32
      %cond3A_77 = arith.cmpi ne, %convert_element_type3A_75, %cond3A_76 : i32
      scf.if %cond3A_77 {
        %dma_wait3A_113 = arith.constant 0 : i32
        %dma_wait3A_114 = tpu.memref_slice %arg8[%add3A_60, %dma_wait3A_113] : memref<84x120xi32, #tpu.memory_space<vmem>> -> memref<1x120xi32, #tpu.memory_space<vmem>>
        %dma_wait3A_115 = tpu.memref_squeeze %dma_wait3A_114 : memref<1x120xi32, #tpu.memory_space<vmem>> -> memref<120xi32, #tpu.memory_space<vmem>>
        %dma_wait3A_116 = arith.constant 0 : i32
        %dma_wait3A_117 = arith.constant 0 : i32
        %dma_wait3A_118 = tpu.memref_slice %arg12[%dma_wait3A_116, %dma_wait3A_117] : memref<10240x64xf32, #tpu.memory_space<vmem_shared>> -> memref<10240x64xf32, #tpu.memory_space<vmem_shared>>
        tpu.wait_indirect_dma semaphore(%arg16 : memref<!tpu.dma_semaphore, #tpu.memory_space<semaphore_mem>>) src(%arg9 : memref<120x64xf32, #tpu.memory_space<vmem>>) dst(%dma_wait3A_118 : memref<10240x64xf32, #tpu.memory_space<vmem_shared>>)
      } else {
      }
      %add3A_78 = arith.constant 2 : i32
      %add3A_79 = arith.addi %add3A_60, %add3A_78 : i32
      %lt3A_80 = arith.constant 84 : i32
      %lt3A_81 = arith.cmpi slt, %add3A_79, %lt3A_80 : i32
      %convert_element_type3A_82 = arith.extui %lt3A_81 : i1 to i32
      %cond3A_83 = arith.constant 0 : i32
      %cond3A_84 = arith.cmpi ne, %convert_element_type3A_82, %cond3A_83 : i32
      scf.if %cond3A_84 {
        %add3A_113 = arith.constant 2 : i32
        %add3A_114 = arith.addi %add3A_60, %add3A_113 : i32
        %dma_start3A_115 = arith.constant 0 : i32
        %dma_start3A_116 = tpu.memref_slice %arg7[%add3A_114, %dma_start3A_115] : memref<84x120xi32, #tpu.memory_space<vmem>> -> memref<1x120xi32, #tpu.memory_space<vmem>>
        %dma_start3A_117 = tpu.memref_squeeze %dma_start3A_116 : memref<1x120xi32, #tpu.memory_space<vmem>> -> memref<120xi32, #tpu.memory_space<vmem>>
        %dma_start3A_118 = arith.constant 0 : i32
        %dma_start3A_119 = arith.constant 0 : i32
        %dma_start3A_120 = tpu.memref_slice %arg2[%dma_start3A_118, %dma_start3A_119] : memref<10000x64xf32, #tpu.memory_space<hbm>> -> memref<10000x64xf32, #tpu.memory_space<hbm>>
        tpu.enqueue_indirect_dma source(%dma_start3A_120 : memref<10000x64xf32, #tpu.memory_space<hbm>>) target(%arg9 : memref<120x64xf32, #tpu.memory_space<vmem>>) offsets(%dma_start3A_117 : memref<120xi32, #tpu.memory_space<vmem>>) semaphore(%arg13 : memref<!tpu.dma_semaphore, #tpu.memory_space<semaphore_mem>>)
      } else {
      }
      %mul3A_85 = arith.constant 3 : i32
      %mul3A_86 = arith.muli %mul3A_85, %scan3A_32 : i32
      %add3A_87 = arith.constant 2 : i32
      %add3A_88 = arith.addi %mul3A_86, %add3A_87 : i32
      %dma_wait3A_89 = arith.constant 0 : i32
      %dma_wait3A_90 = tpu.memref_slice %arg7[%add3A_88, %dma_wait3A_89] : memref<84x120xi32, #tpu.memory_space<vmem>> -> memref<1x120xi32, #tpu.memory_space<vmem>>
      %dma_wait3A_91 = tpu.memref_squeeze %dma_wait3A_90 : memref<1x120xi32, #tpu.memory_space<vmem>> -> memref<120xi32, #tpu.memory_space<vmem>>
      %dma_wait3A_92 = arith.constant 0 : i32
      %dma_wait3A_93 = arith.constant 0 : i32
      %dma_wait3A_94 = tpu.memref_slice %arg2[%dma_wait3A_92, %dma_wait3A_93] : memref<10000x64xf32, #tpu.memory_space<hbm>> -> memref<10000x64xf32, #tpu.memory_space<hbm>>
      tpu.wait_indirect_dma semaphore(%arg15 : memref<!tpu.dma_semaphore, #tpu.memory_space<semaphore_mem>>) src(%dma_wait3A_94 : memref<10000x64xf32, #tpu.memory_space<hbm>>) dst(%arg11 : memref<120x64xf32, #tpu.memory_space<vmem>>)
      %dma_start3A_95 = arith.constant 0 : i32
      %dma_start3A_96 = tpu.memref_slice %arg8[%add3A_88, %dma_start3A_95] : memref<84x120xi32, #tpu.memory_space<vmem>> -> memref<1x120xi32, #tpu.memory_space<vmem>>
      %dma_start3A_97 = tpu.memref_squeeze %dma_start3A_96 : memref<1x120xi32, #tpu.memory_space<vmem>> -> memref<120xi32, #tpu.memory_space<vmem>>
      %dma_start3A_98 = arith.constant 0 : i32
      %dma_start3A_99 = arith.constant 0 : i32
      %dma_start3A_100 = tpu.memref_slice %arg12[%dma_start3A_98, %dma_start3A_99] : memref<10240x64xf32, #tpu.memory_space<vmem_shared>> -> memref<10240x64xf32, #tpu.memory_space<vmem_shared>>
      tpu.enqueue_indirect_dma source(%arg11 : memref<120x64xf32, #tpu.memory_space<vmem>>) target(%dma_start3A_100 : memref<10240x64xf32, #tpu.memory_space<vmem_shared>>) offsets(%dma_start3A_97 : memref<120xi32, #tpu.memory_space<vmem>>) semaphore(%arg18 : memref<!tpu.dma_semaphore, #tpu.memory_space<semaphore_mem>>) {add = true}
      %ge3A_101 = arith.constant 1 : i32
      %ge3A_102 = arith.cmpi sge, %add3A_88, %ge3A_101 : i32
      %convert_element_type3A_103 = arith.extui %ge3A_102 : i1 to i32
      %cond3A_104 = arith.constant 0 : i32
      %cond3A_105 = arith.cmpi ne, %convert_element_type3A_103, %cond3A_104 : i32
      scf.if %cond3A_105 {
        %dma_wait3A_113 = arith.constant 0 : i32
        %dma_wait3A_114 = tpu.memref_slice %arg8[%add3A_88, %dma_wait3A_113] : memref<84x120xi32, #tpu.memory_space<vmem>> -> memref<1x120xi32, #tpu.memory_space<vmem>>
        %dma_wait3A_115 = tpu.memref_squeeze %dma_wait3A_114 : memref<1x120xi32, #tpu.memory_space<vmem>> -> memref<120xi32, #tpu.memory_space<vmem>>
        %dma_wait3A_116 = arith.constant 0 : i32
        %dma_wait3A_117 = arith.constant 0 : i32
        %dma_wait3A_118 = tpu.memref_slice %arg12[%dma_wait3A_116, %dma_wait3A_117] : memref<10240x64xf32, #tpu.memory_space<vmem_shared>> -> memref<10240x64xf32, #tpu.memory_space<vmem_shared>>
        tpu.wait_indirect_dma semaphore(%arg17 : memref<!tpu.dma_semaphore, #tpu.memory_space<semaphore_mem>>) src(%arg10 : memref<120x64xf32, #tpu.memory_space<vmem>>) dst(%dma_wait3A_118 : memref<10240x64xf32, #tpu.memory_space<vmem_shared>>)
      } else {
      }
      %add3A_106 = arith.constant 2 : i32
      %add3A_107 = arith.addi %add3A_88, %add3A_106 : i32
      %lt3A_108 = arith.constant 84 : i32
      %lt3A_109 = arith.cmpi slt, %add3A_107, %lt3A_108 : i32
      %convert_element_type3A_110 = arith.extui %lt3A_109 : i1 to i32
      %cond3A_111 = arith.constant 0 : i32
      %cond3A_112 = arith.cmpi ne, %convert_element_type3A_110, %cond3A_111 : i32
      scf.if %cond3A_112 {
        %add3A_113 = arith.constant 2 : i32
        %add3A_114 = arith.addi %add3A_88, %add3A_113 : i32
        %dma_start3A_115 = arith.constant 0 : i32
        %dma_start3A_116 = tpu.memref_slice %arg7[%add3A_114, %dma_start3A_115] : memref<84x120xi32, #tpu.memory_space<vmem>> -> memref<1x120xi32, #tpu.memory_space<vmem>>
        %dma_start3A_117 = tpu.memref_squeeze %dma_start3A_116 : memref<1x120xi32, #tpu.memory_space<vmem>> -> memref<120xi32, #tpu.memory_space<vmem>>
        %dma_start3A_118 = arith.constant 0 : i32
        %dma_start3A_119 = arith.constant 0 : i32
        %dma_start3A_120 = tpu.memref_slice %arg2[%dma_start3A_118, %dma_start3A_119] : memref<10000x64xf32, #tpu.memory_space<hbm>> -> memref<10000x64xf32, #tpu.memory_space<hbm>>
        tpu.enqueue_indirect_dma source(%dma_start3A_120 : memref<10000x64xf32, #tpu.memory_space<hbm>>) target(%arg10 : memref<120x64xf32, #tpu.memory_space<vmem>>) offsets(%dma_start3A_117 : memref<120xi32, #tpu.memory_space<vmem>>) semaphore(%arg14 : memref<!tpu.dma_semaphore, #tpu.memory_space<semaphore_mem>>)
      } else {
      }
    }
    %scan3A_20 = arith.constant 28 : i32
    %dma_wait3A = arith.constant 0 : i32
    %dma_wait3A_21 = arith.constant 0 : i32
    %dma_wait3A_22 = tpu.memref_slice %arg8[%dma_wait3A, %dma_wait3A_21] : memref<84x120xi32, #tpu.memory_space<vmem>> -> memref<1x120xi32, #tpu.memory_space<vmem>>
    %dma_wait3A_23 = tpu.memref_squeeze %dma_wait3A_22 : memref<1x120xi32, #tpu.memory_space<vmem>> -> memref<120xi32, #tpu.memory_space<vmem>>
    %dma_wait3A_24 = arith.constant 0 : i32
    %dma_wait3A_25 = arith.constant 0 : i32
    %dma_wait3A_26 = tpu.memref_slice %arg12[%dma_wait3A_24, %dma_wait3A_25] : memref<10240x64xf32, #tpu.memory_space<vmem_shared>> -> memref<10240x64xf32, #tpu.memory_space<vmem_shared>>
    tpu.wait_indirect_dma semaphore(%arg18 : memref<!tpu.dma_semaphore, #tpu.memory_space<semaphore_mem>>) src(%arg11 : memref<120x64xf32, #tpu.memory_space<vmem>>) dst(%dma_wait3A_26 : memref<10240x64xf32, #tpu.memory_space<vmem_shared>>)
    %barrier3A_27 = arith.constant 0 : index
    tpu.barrier barrier_id(%barrier3A_27)
    %mul3A_28 = arith.constant 640 : i32
    %mul3A_29 = arith.muli %arg1, %mul3A_28 : i32
    %mul3A_30 = arith.constant 640 : i32
    %mul3A_31 = arith.muli %arg1, %mul3A_30 : i32
    "tpu.region"() ({
      %run_scoped3A = tpu.sem_alloc : memref<!tpu.dma_semaphore, #tpu.memory_space<semaphore_mem>>
      %dma_start3A_32 = arith.constant 0 : i32
      %dma_start3A_33 = tpu.memref_slice %arg6[%arg0, %mul3A_31, %dma_start3A_32] : memref<2x10240x64xf32, #tpu.memory_space<hbm>> -> memref<1x640x64xf32, #tpu.memory_space<hbm>>
      %dma_start3A_34 = tpu.memref_squeeze %dma_start3A_33 : memref<1x640x64xf32, #tpu.memory_space<hbm>> -> memref<640x64xf32, #tpu.memory_space<hbm>>
      %dma_start3A_35 = arith.constant 0 : i32
      %dma_start3A_36 = tpu.memref_slice %arg12[%mul3A_29, %dma_start3A_35] : memref<10240x64xf32, #tpu.memory_space<vmem_shared>> -> memref<640x64xf32, #tpu.memory_space<vmem_shared>>
      tpu.enqueue_dma source(%dma_start3A_36 : memref<640x64xf32, #tpu.memory_space<vmem_shared>>) target(%dma_start3A_34 : memref<640x64xf32, #tpu.memory_space<hbm>>) target_semaphore(%run_scoped3A : memref<!tpu.dma_semaphore, #tpu.memory_space<semaphore_mem>>)
      %dma_wait3A_37 = arith.constant 0 : i32
      %dma_wait3A_38 = tpu.memref_slice %arg6[%arg0, %mul3A_31, %dma_wait3A_37] : memref<2x10240x64xf32, #tpu.memory_space<hbm>> -> memref<1x640x64xf32, #tpu.memory_space<hbm>>
      %dma_wait3A_39 = tpu.memref_squeeze %dma_wait3A_38 : memref<1x640x64xf32, #tpu.memory_space<hbm>> -> memref<640x64xf32, #tpu.memory_space<hbm>>
      %dma_wait3A_40 = arith.constant 0 : i32
      %dma_wait3A_41 = tpu.memref_slice %arg12[%mul3A_29, %dma_wait3A_40] : memref<10240x64xf32, #tpu.memory_space<vmem_shared>> -> memref<640x64xf32, #tpu.memory_space<vmem_shared>>
      tpu.wait_dma2 semaphore(%run_scoped3A : memref<!tpu.dma_semaphore, #tpu.memory_space<semaphore_mem>>) src(%dma_wait3A_41 : memref<640x64xf32, #tpu.memory_space<vmem_shared>>) dst(%dma_wait3A_39 : memref<640x64xf32, #tpu.memory_space<hbm>>)
      tpu.yield
    }) : () -> ()
    return
  }
}

#map = affine_map<(d0, d1) -> (0, 0)>
#map1 = affine_map<(d0, d1) -> (0, 0, 0, 0)>
#map2 = affine_map<(d0, d1) -> (0, 0, 0)>
module attributes {stable_mosaic.version = 14 : i64} {
  func.func @scat_kernel(%arg0: i32, %arg1: i32, %arg2: memref<10000x128xf32, #tpu.memory_space<hbm>>, %arg3: memref<32x84x1x120xi32, #tpu.memory_space<hbm>>, %arg4: memref<32x84x1x120xi32, #tpu.memory_space<hbm>>, %arg5: memref<32x640x128xf32, #tpu.memory_space<hbm>>, %arg6: memref<2x10240x128xf32, #tpu.memory_space<hbm>>, %arg7: memref<1x120xi32, #tpu.memory_space<vmem>>, %arg8: memref<1x120xi32, #tpu.memory_space<vmem>>, %arg9: memref<1x120xi32, #tpu.memory_space<vmem>>, %arg10: memref<1x120xi32, #tpu.memory_space<vmem>>, %arg11: memref<1x120xi32, #tpu.memory_space<vmem>>, %arg12: memref<1x120xi32, #tpu.memory_space<vmem>>, %arg13: memref<1x120xi32, #tpu.memory_space<vmem>>, %arg14: memref<1x120xi32, #tpu.memory_space<vmem>>, %arg15: memref<1x120xi32, #tpu.memory_space<vmem>>, %arg16: memref<1x120xi32, #tpu.memory_space<vmem>>, %arg17: memref<1x120xi32, #tpu.memory_space<vmem>>, %arg18: memref<1x120xi32, #tpu.memory_space<vmem>>, %arg19: memref<120x128xf32, #tpu.memory_space<vmem>>, %arg20: memref<120x128xf32, #tpu.memory_space<vmem>>, %arg21: memref<120x128xf32, #tpu.memory_space<vmem>>, %arg22: memref<10240x128xf32, #tpu.memory_space<vmem_shared>>, %arg23: memref<!tpu.dma_semaphore, #tpu.memory_space<semaphore_mem>>, %arg24: memref<!tpu.dma_semaphore, #tpu.memory_space<semaphore_mem>>, %arg25: memref<!tpu.dma_semaphore, #tpu.memory_space<semaphore_mem>>, %arg26: memref<!tpu.dma_semaphore, #tpu.memory_space<semaphore_mem>>, %arg27: memref<!tpu.dma_semaphore, #tpu.memory_space<semaphore_mem>>, %arg28: memref<!tpu.dma_semaphore, #tpu.memory_space<semaphore_mem>>, %arg29: memref<!tpu.dma_semaphore, #tpu.memory_space<semaphore_mem>>, %arg30: memref<!tpu.dma_semaphore, #tpu.memory_space<semaphore_mem>>, %arg31: memref<!tpu.dma_semaphore, #tpu.memory_space<semaphore_mem>>, %arg32: memref<!tpu.dma_semaphore, #tpu.memory_space<semaphore_mem>>, %arg33: memref<!tpu.dma_semaphore, #tpu.memory_space<semaphore_mem>>, %arg34: memref<!tpu.dma_semaphore, #tpu.memory_space<semaphore_mem>>, %arg35: memref<!tpu.dma_semaphore, #tpu.memory_space<semaphore_mem>>, %arg36: memref<!tpu.dma_semaphore, #tpu.memory_space<semaphore_mem>>, %arg37: memref<!tpu.dma_semaphore, #tpu.memory_space<semaphore_mem>>, %arg38: memref<!tpu.dma_semaphore, #tpu.memory_space<semaphore_mem>>, %arg39: memref<!tpu.dma_semaphore, #tpu.memory_space<semaphore_mem>>, %arg40: memref<!tpu.dma_semaphore, #tpu.memory_space<semaphore_mem>>) attributes {dimension_semantics = [#tpu.dimension_semantics<core_parallel>, #tpu.dimension_semantics<subcore_parallel>], iteration_bounds = array<i64: 2, 16>, scalar_prefetch = 0 : i64, scratch_operands = 34 : i64, tpu.core_type = #tpu.core_type<sc_vector_subcore>, window_params = [{transform_indices = #map}, {transform_indices = #map1}, {transform_indices = #map1}, {transform_indices = #map2}, {transform_indices = #map2}]} {
    %mul3A = arith.constant 16 : i32
    %mul3A_0 = arith.muli %arg0, %mul3A : i32
    %add3A = arith.addi %mul3A_0, %arg1 : i32
    %mul3A_1 = arith.constant 640 : i32
    %mul3A_2 = arith.muli %arg1, %mul3A_1 : i32
    "tpu.region"() ({
      %run_scoped3A = tpu.sem_alloc : memref<!tpu.dma_semaphore, #tpu.memory_space<semaphore_mem>>
      %dma_start3A_158 = arith.constant 0 : i32
      %dma_start3A_159 = tpu.memref_slice %arg22[%mul3A_2, %dma_start3A_158] : memref<10240x128xf32, #tpu.memory_space<vmem_shared>> -> memref<640x128xf32, #tpu.memory_space<vmem_shared>>
      %dma_start3A_160 = arith.constant 0 : i32
      %dma_start3A_161 = arith.constant 0 : i32
      %dma_start3A_162 = tpu.memref_slice %arg5[%add3A, %dma_start3A_160, %dma_start3A_161] : memref<32x640x128xf32, #tpu.memory_space<hbm>> -> memref<1x640x128xf32, #tpu.memory_space<hbm>>
      %dma_start3A_163 = tpu.memref_squeeze %dma_start3A_162 : memref<1x640x128xf32, #tpu.memory_space<hbm>> -> memref<640x128xf32, #tpu.memory_space<hbm>>
      tpu.enqueue_dma source(%dma_start3A_163 : memref<640x128xf32, #tpu.memory_space<hbm>>) target(%dma_start3A_159 : memref<640x128xf32, #tpu.memory_space<vmem_shared>>) target_semaphore(%run_scoped3A : memref<!tpu.dma_semaphore, #tpu.memory_space<semaphore_mem>>)
      %dma_wait3A_164 = arith.constant 0 : i32
      %dma_wait3A_165 = tpu.memref_slice %arg22[%mul3A_2, %dma_wait3A_164] : memref<10240x128xf32, #tpu.memory_space<vmem_shared>> -> memref<640x128xf32, #tpu.memory_space<vmem_shared>>
      %dma_wait3A_166 = arith.constant 0 : i32
      %dma_wait3A_167 = arith.constant 0 : i32
      %dma_wait3A_168 = tpu.memref_slice %arg5[%add3A, %dma_wait3A_166, %dma_wait3A_167] : memref<32x640x128xf32, #tpu.memory_space<hbm>> -> memref<1x640x128xf32, #tpu.memory_space<hbm>>
      %dma_wait3A_169 = tpu.memref_squeeze %dma_wait3A_168 : memref<1x640x128xf32, #tpu.memory_space<hbm>> -> memref<640x128xf32, #tpu.memory_space<hbm>>
      tpu.wait_dma2 semaphore(%run_scoped3A : memref<!tpu.dma_semaphore, #tpu.memory_space<semaphore_mem>>) src(%dma_wait3A_169 : memref<640x128xf32, #tpu.memory_space<hbm>>) dst(%dma_wait3A_165 : memref<640x128xf32, #tpu.memory_space<vmem_shared>>)
      tpu.yield
    }) : () -> ()
    %barrier3A = arith.constant 0 : index
    tpu.barrier barrier_id(%barrier3A)
    %dma_start3A = arith.constant 0 : i32
    %dma_start3A_3 = arith.constant 0 : i32
    %dma_start3A_4 = arith.constant 0 : i32
    %dma_start3A_5 = tpu.memref_slice %arg3[%add3A, %dma_start3A, %dma_start3A_3, %dma_start3A_4] : memref<32x84x1x120xi32, #tpu.memory_space<hbm>> -> memref<1x1x1x120xi32, #tpu.memory_space<hbm>>
    %dma_start3A_6 = tpu.memref_squeeze %dma_start3A_5 : memref<1x1x1x120xi32, #tpu.memory_space<hbm>> -> memref<1x120xi32, #tpu.memory_space<hbm>>
    %dma_start3A_7 = arith.constant 0 : i32
    %dma_start3A_8 = arith.constant 0 : i32
    %dma_start3A_9 = tpu.memref_slice %arg3[%add3A, %dma_start3A, %dma_start3A_7, %dma_start3A_8] : memref<32x84x1x120xi32, #tpu.memory_space<hbm>> -> memref<1x1x1x120xi32, #tpu.memory_space<hbm>>
    %dma_start3A_10 = tpu.memref_squeeze %dma_start3A_9 : memref<1x1x1x120xi32, #tpu.memory_space<hbm>> -> memref<1x120xi32, #tpu.memory_space<hbm>>
    tpu.enqueue_dma source(%dma_start3A_10 : memref<1x120xi32, #tpu.memory_space<hbm>>) target(%arg7 : memref<1x120xi32, #tpu.memory_space<vmem>>) target_semaphore(%arg23 : memref<!tpu.dma_semaphore, #tpu.memory_space<semaphore_mem>>)
    %dma_start3A_11 = arith.constant 0 : i32
    %dma_start3A_12 = arith.constant 0 : i32
    %dma_start3A_13 = arith.constant 0 : i32
    %dma_start3A_14 = tpu.memref_slice %arg4[%add3A, %dma_start3A_11, %dma_start3A_12, %dma_start3A_13] : memref<32x84x1x120xi32, #tpu.memory_space<hbm>> -> memref<1x1x1x120xi32, #tpu.memory_space<hbm>>
    %dma_start3A_15 = tpu.memref_squeeze %dma_start3A_14 : memref<1x1x1x120xi32, #tpu.memory_space<hbm>> -> memref<1x120xi32, #tpu.memory_space<hbm>>
    %dma_start3A_16 = arith.constant 0 : i32
    %dma_start3A_17 = arith.constant 0 : i32
    %dma_start3A_18 = tpu.memref_slice %arg4[%add3A, %dma_start3A_11, %dma_start3A_16, %dma_start3A_17] : memref<32x84x1x120xi32, #tpu.memory_space<hbm>> -> memref<1x1x1x120xi32, #tpu.memory_space<hbm>>
    %dma_start3A_19 = tpu.memref_squeeze %dma_start3A_18 : memref<1x1x1x120xi32, #tpu.memory_space<hbm>> -> memref<1x120xi32, #tpu.memory_space<hbm>>
    tpu.enqueue_dma source(%dma_start3A_19 : memref<1x120xi32, #tpu.memory_space<hbm>>) target(%arg13 : memref<1x120xi32, #tpu.memory_space<vmem>>) target_semaphore(%arg29 : memref<!tpu.dma_semaphore, #tpu.memory_space<semaphore_mem>>)
    %dma_start3A_20 = arith.constant 1 : i32
    %dma_start3A_21 = arith.constant 0 : i32
    %dma_start3A_22 = arith.constant 0 : i32
    %dma_start3A_23 = tpu.memref_slice %arg3[%add3A, %dma_start3A_20, %dma_start3A_21, %dma_start3A_22] : memref<32x84x1x120xi32, #tpu.memory_space<hbm>> -> memref<1x1x1x120xi32, #tpu.memory_space<hbm>>
    %dma_start3A_24 = tpu.memref_squeeze %dma_start3A_23 : memref<1x1x1x120xi32, #tpu.memory_space<hbm>> -> memref<1x120xi32, #tpu.memory_space<hbm>>
    %dma_start3A_25 = arith.constant 0 : i32
    %dma_start3A_26 = arith.constant 0 : i32
    %dma_start3A_27 = tpu.memref_slice %arg3[%add3A, %dma_start3A_20, %dma_start3A_25, %dma_start3A_26] : memref<32x84x1x120xi32, #tpu.memory_space<hbm>> -> memref<1x1x1x120xi32, #tpu.memory_space<hbm>>
    %dma_start3A_28 = tpu.memref_squeeze %dma_start3A_27 : memref<1x1x1x120xi32, #tpu.memory_space<hbm>> -> memref<1x120xi32, #tpu.memory_space<hbm>>
    tpu.enqueue_dma source(%dma_start3A_28 : memref<1x120xi32, #tpu.memory_space<hbm>>) target(%arg8 : memref<1x120xi32, #tpu.memory_space<vmem>>) target_semaphore(%arg24 : memref<!tpu.dma_semaphore, #tpu.memory_space<semaphore_mem>>)
    %dma_start3A_29 = arith.constant 1 : i32
    %dma_start3A_30 = arith.constant 0 : i32
    %dma_start3A_31 = arith.constant 0 : i32
    %dma_start3A_32 = tpu.memref_slice %arg4[%add3A, %dma_start3A_29, %dma_start3A_30, %dma_start3A_31] : memref<32x84x1x120xi32, #tpu.memory_space<hbm>> -> memref<1x1x1x120xi32, #tpu.memory_space<hbm>>
    %dma_start3A_33 = tpu.memref_squeeze %dma_start3A_32 : memref<1x1x1x120xi32, #tpu.memory_space<hbm>> -> memref<1x120xi32, #tpu.memory_space<hbm>>
    %dma_start3A_34 = arith.constant 0 : i32
    %dma_start3A_35 = arith.constant 0 : i32
    %dma_start3A_36 = tpu.memref_slice %arg4[%add3A, %dma_start3A_29, %dma_start3A_34, %dma_start3A_35] : memref<32x84x1x120xi32, #tpu.memory_space<hbm>> -> memref<1x1x1x120xi32, #tpu.memory_space<hbm>>
    %dma_start3A_37 = tpu.memref_squeeze %dma_start3A_36 : memref<1x1x1x120xi32, #tpu.memory_space<hbm>> -> memref<1x120xi32, #tpu.memory_space<hbm>>
    tpu.enqueue_dma source(%dma_start3A_37 : memref<1x120xi32, #tpu.memory_space<hbm>>) target(%arg14 : memref<1x120xi32, #tpu.memory_space<vmem>>) target_semaphore(%arg30 : memref<!tpu.dma_semaphore, #tpu.memory_space<semaphore_mem>>)
    %dma_start3A_38 = arith.constant 2 : i32
    %dma_start3A_39 = arith.constant 0 : i32
    %dma_start3A_40 = arith.constant 0 : i32
    %dma_start3A_41 = tpu.memref_slice %arg3[%add3A, %dma_start3A_38, %dma_start3A_39, %dma_start3A_40] : memref<32x84x1x120xi32, #tpu.memory_space<hbm>> -> memref<1x1x1x120xi32, #tpu.memory_space<hbm>>
    %dma_start3A_42 = tpu.memref_squeeze %dma_start3A_41 : memref<1x1x1x120xi32, #tpu.memory_space<hbm>> -> memref<1x120xi32, #tpu.memory_space<hbm>>
    %dma_start3A_43 = arith.constant 0 : i32
    %dma_start3A_44 = arith.constant 0 : i32
    %dma_start3A_45 = tpu.memref_slice %arg3[%add3A, %dma_start3A_38, %dma_start3A_43, %dma_start3A_44] : memref<32x84x1x120xi32, #tpu.memory_space<hbm>> -> memref<1x1x1x120xi32, #tpu.memory_space<hbm>>
    %dma_start3A_46 = tpu.memref_squeeze %dma_start3A_45 : memref<1x1x1x120xi32, #tpu.memory_space<hbm>> -> memref<1x120xi32, #tpu.memory_space<hbm>>
    tpu.enqueue_dma source(%dma_start3A_46 : memref<1x120xi32, #tpu.memory_space<hbm>>) target(%arg9 : memref<1x120xi32, #tpu.memory_space<vmem>>) target_semaphore(%arg25 : memref<!tpu.dma_semaphore, #tpu.memory_space<semaphore_mem>>)
    %dma_start3A_47 = arith.constant 2 : i32
    %dma_start3A_48 = arith.constant 0 : i32
    %dma_start3A_49 = arith.constant 0 : i32
    %dma_start3A_50 = tpu.memref_slice %arg4[%add3A, %dma_start3A_47, %dma_start3A_48, %dma_start3A_49] : memref<32x84x1x120xi32, #tpu.memory_space<hbm>> -> memref<1x1x1x120xi32, #tpu.memory_space<hbm>>
    %dma_start3A_51 = tpu.memref_squeeze %dma_start3A_50 : memref<1x1x1x120xi32, #tpu.memory_space<hbm>> -> memref<1x120xi32, #tpu.memory_space<hbm>>
    %dma_start3A_52 = arith.constant 0 : i32
    %dma_start3A_53 = arith.constant 0 : i32
    %dma_start3A_54 = tpu.memref_slice %arg4[%add3A, %dma_start3A_47, %dma_start3A_52, %dma_start3A_53] : memref<32x84x1x120xi32, #tpu.memory_space<hbm>> -> memref<1x1x1x120xi32, #tpu.memory_space<hbm>>
    %dma_start3A_55 = tpu.memref_squeeze %dma_start3A_54 : memref<1x1x1x120xi32, #tpu.memory_space<hbm>> -> memref<1x120xi32, #tpu.memory_space<hbm>>
    tpu.enqueue_dma source(%dma_start3A_55 : memref<1x120xi32, #tpu.memory_space<hbm>>) target(%arg15 : memref<1x120xi32, #tpu.memory_space<vmem>>) target_semaphore(%arg31 : memref<!tpu.dma_semaphore, #tpu.memory_space<semaphore_mem>>)
    %dma_start3A_56 = arith.constant 3 : i32
    %dma_start3A_57 = arith.constant 0 : i32
    %dma_start3A_58 = arith.constant 0 : i32
    %dma_start3A_59 = tpu.memref_slice %arg3[%add3A, %dma_start3A_56, %dma_start3A_57, %dma_start3A_58] : memref<32x84x1x120xi32, #tpu.memory_space<hbm>> -> memref<1x1x1x120xi32, #tpu.memory_space<hbm>>
    %dma_start3A_60 = tpu.memref_squeeze %dma_start3A_59 : memref<1x1x1x120xi32, #tpu.memory_space<hbm>> -> memref<1x120xi32, #tpu.memory_space<hbm>>
    %dma_start3A_61 = arith.constant 0 : i32
    %dma_start3A_62 = arith.constant 0 : i32
    %dma_start3A_63 = tpu.memref_slice %arg3[%add3A, %dma_start3A_56, %dma_start3A_61, %dma_start3A_62] : memref<32x84x1x120xi32, #tpu.memory_space<hbm>> -> memref<1x1x1x120xi32, #tpu.memory_space<hbm>>
    %dma_start3A_64 = tpu.memref_squeeze %dma_start3A_63 : memref<1x1x1x120xi32, #tpu.memory_space<hbm>> -> memref<1x120xi32, #tpu.memory_space<hbm>>
    tpu.enqueue_dma source(%dma_start3A_64 : memref<1x120xi32, #tpu.memory_space<hbm>>) target(%arg10 : memref<1x120xi32, #tpu.memory_space<vmem>>) target_semaphore(%arg26 : memref<!tpu.dma_semaphore, #tpu.memory_space<semaphore_mem>>)
    %dma_start3A_65 = arith.constant 3 : i32
    %dma_start3A_66 = arith.constant 0 : i32
    %dma_start3A_67 = arith.constant 0 : i32
    %dma_start3A_68 = tpu.memref_slice %arg4[%add3A, %dma_start3A_65, %dma_start3A_66, %dma_start3A_67] : memref<32x84x1x120xi32, #tpu.memory_space<hbm>> -> memref<1x1x1x120xi32, #tpu.memory_space<hbm>>
    %dma_start3A_69 = tpu.memref_squeeze %dma_start3A_68 : memref<1x1x1x120xi32, #tpu.memory_space<hbm>> -> memref<1x120xi32, #tpu.memory_space<hbm>>
    %dma_start3A_70 = arith.constant 0 : i32
    %dma_start3A_71 = arith.constant 0 : i32
    %dma_start3A_72 = tpu.memref_slice %arg4[%add3A, %dma_start3A_65, %dma_start3A_70, %dma_start3A_71] : memref<32x84x1x120xi32, #tpu.memory_space<hbm>> -> memref<1x1x1x120xi32, #tpu.memory_space<hbm>>
    %dma_start3A_73 = tpu.memref_squeeze %dma_start3A_72 : memref<1x1x1x120xi32, #tpu.memory_space<hbm>> -> memref<1x120xi32, #tpu.memory_space<hbm>>
    tpu.enqueue_dma source(%dma_start3A_73 : memref<1x120xi32, #tpu.memory_space<hbm>>) target(%arg16 : memref<1x120xi32, #tpu.memory_space<vmem>>) target_semaphore(%arg32 : memref<!tpu.dma_semaphore, #tpu.memory_space<semaphore_mem>>)
    %dma_start3A_74 = arith.constant 4 : i32
    %dma_start3A_75 = arith.constant 0 : i32
    %dma_start3A_76 = arith.constant 0 : i32
    %dma_start3A_77 = tpu.memref_slice %arg3[%add3A, %dma_start3A_74, %dma_start3A_75, %dma_start3A_76] : memref<32x84x1x120xi32, #tpu.memory_space<hbm>> -> memref<1x1x1x120xi32, #tpu.memory_space<hbm>>
    %dma_start3A_78 = tpu.memref_squeeze %dma_start3A_77 : memref<1x1x1x120xi32, #tpu.memory_space<hbm>> -> memref<1x120xi32, #tpu.memory_space<hbm>>
    %dma_start3A_79 = arith.constant 0 : i32
    %dma_start3A_80 = arith.constant 0 : i32
    %dma_start3A_81 = tpu.memref_slice %arg3[%add3A, %dma_start3A_74, %dma_start3A_79, %dma_start3A_80] : memref<32x84x1x120xi32, #tpu.memory_space<hbm>> -> memref<1x1x1x120xi32, #tpu.memory_space<hbm>>
    %dma_start3A_82 = tpu.memref_squeeze %dma_start3A_81 : memref<1x1x1x120xi32, #tpu.memory_space<hbm>> -> memref<1x120xi32, #tpu.memory_space<hbm>>
    tpu.enqueue_dma source(%dma_start3A_82 : memref<1x120xi32, #tpu.memory_space<hbm>>) target(%arg11 : memref<1x120xi32, #tpu.memory_space<vmem>>) target_semaphore(%arg27 : memref<!tpu.dma_semaphore, #tpu.memory_space<semaphore_mem>>)
    %dma_start3A_83 = arith.constant 4 : i32
    %dma_start3A_84 = arith.constant 0 : i32
    %dma_start3A_85 = arith.constant 0 : i32
    %dma_start3A_86 = tpu.memref_slice %arg4[%add3A, %dma_start3A_83, %dma_start3A_84, %dma_start3A_85] : memref<32x84x1x120xi32, #tpu.memory_space<hbm>> -> memref<1x1x1x120xi32, #tpu.memory_space<hbm>>
    %dma_start3A_87 = tpu.memref_squeeze %dma_start3A_86 : memref<1x1x1x120xi32, #tpu.memory_space<hbm>> -> memref<1x120xi32, #tpu.memory_space<hbm>>
    %dma_start3A_88 = arith.constant 0 : i32
    %dma_start3A_89 = arith.constant 0 : i32
    %dma_start3A_90 = tpu.memref_slice %arg4[%add3A, %dma_start3A_83, %dma_start3A_88, %dma_start3A_89] : memref<32x84x1x120xi32, #tpu.memory_space<hbm>> -> memref<1x1x1x120xi32, #tpu.memory_space<hbm>>
    %dma_start3A_91 = tpu.memref_squeeze %dma_start3A_90 : memref<1x1x1x120xi32, #tpu.memory_space<hbm>> -> memref<1x120xi32, #tpu.memory_space<hbm>>
    tpu.enqueue_dma source(%dma_start3A_91 : memref<1x120xi32, #tpu.memory_space<hbm>>) target(%arg17 : memref<1x120xi32, #tpu.memory_space<vmem>>) target_semaphore(%arg33 : memref<!tpu.dma_semaphore, #tpu.memory_space<semaphore_mem>>)
    %dma_start3A_92 = arith.constant 5 : i32
    %dma_start3A_93 = arith.constant 0 : i32
    %dma_start3A_94 = arith.constant 0 : i32
    %dma_start3A_95 = tpu.memref_slice %arg3[%add3A, %dma_start3A_92, %dma_start3A_93, %dma_start3A_94] : memref<32x84x1x120xi32, #tpu.memory_space<hbm>> -> memref<1x1x1x120xi32, #tpu.memory_space<hbm>>
    %dma_start3A_96 = tpu.memref_squeeze %dma_start3A_95 : memref<1x1x1x120xi32, #tpu.memory_space<hbm>> -> memref<1x120xi32, #tpu.memory_space<hbm>>
    %dma_start3A_97 = arith.constant 0 : i32
    %dma_start3A_98 = arith.constant 0 : i32
    %dma_start3A_99 = tpu.memref_slice %arg3[%add3A, %dma_start3A_92, %dma_start3A_97, %dma_start3A_98] : memref<32x84x1x120xi32, #tpu.memory_space<hbm>> -> memref<1x1x1x120xi32, #tpu.memory_space<hbm>>
    %dma_start3A_100 = tpu.memref_squeeze %dma_start3A_99 : memref<1x1x1x120xi32, #tpu.memory_space<hbm>> -> memref<1x120xi32, #tpu.memory_space<hbm>>
    tpu.enqueue_dma source(%dma_start3A_100 : memref<1x120xi32, #tpu.memory_space<hbm>>) target(%arg12 : memref<1x120xi32, #tpu.memory_space<vmem>>) target_semaphore(%arg28 : memref<!tpu.dma_semaphore, #tpu.memory_space<semaphore_mem>>)
    %dma_start3A_101 = arith.constant 5 : i32
    %dma_start3A_102 = arith.constant 0 : i32
    %dma_start3A_103 = arith.constant 0 : i32
    %dma_start3A_104 = tpu.memref_slice %arg4[%add3A, %dma_start3A_101, %dma_start3A_102, %dma_start3A_103] : memref<32x84x1x120xi32, #tpu.memory_space<hbm>> -> memref<1x1x1x120xi32, #tpu.memory_space<hbm>>
    %dma_start3A_105 = tpu.memref_squeeze %dma_start3A_104 : memref<1x1x1x120xi32, #tpu.memory_space<hbm>> -> memref<1x120xi32, #tpu.memory_space<hbm>>
    %dma_start3A_106 = arith.constant 0 : i32
    %dma_start3A_107 = arith.constant 0 : i32
    %dma_start3A_108 = tpu.memref_slice %arg4[%add3A, %dma_start3A_101, %dma_start3A_106, %dma_start3A_107] : memref<32x84x1x120xi32, #tpu.memory_space<hbm>> -> memref<1x1x1x120xi32, #tpu.memory_space<hbm>>
    %dma_start3A_109 = tpu.memref_squeeze %dma_start3A_108 : memref<1x1x1x120xi32, #tpu.memory_space<hbm>> -> memref<1x120xi32, #tpu.memory_space<hbm>>
    tpu.enqueue_dma source(%dma_start3A_109 : memref<1x120xi32, #tpu.memory_space<hbm>>) target(%arg18 : memref<1x120xi32, #tpu.memory_space<vmem>>) target_semaphore(%arg34 : memref<!tpu.dma_semaphore, #tpu.memory_space<semaphore_mem>>)
    %dma_wait3A = arith.constant 0 : i32
    %dma_wait3A_110 = arith.constant 0 : i32
    %dma_wait3A_111 = arith.constant 0 : i32
    %dma_wait3A_112 = tpu.memref_slice %arg3[%add3A, %dma_wait3A, %dma_wait3A_110, %dma_wait3A_111] : memref<32x84x1x120xi32, #tpu.memory_space<hbm>> -> memref<1x1x1x120xi32, #tpu.memory_space<hbm>>
    %dma_wait3A_113 = tpu.memref_squeeze %dma_wait3A_112 : memref<1x1x1x120xi32, #tpu.memory_space<hbm>> -> memref<1x120xi32, #tpu.memory_space<hbm>>
    %dma_wait3A_114 = arith.constant 0 : i32
    %dma_wait3A_115 = arith.constant 0 : i32
    %dma_wait3A_116 = tpu.memref_slice %arg3[%add3A, %dma_wait3A, %dma_wait3A_114, %dma_wait3A_115] : memref<32x84x1x120xi32, #tpu.memory_space<hbm>> -> memref<1x1x1x120xi32, #tpu.memory_space<hbm>>
    %dma_wait3A_117 = tpu.memref_squeeze %dma_wait3A_116 : memref<1x1x1x120xi32, #tpu.memory_space<hbm>> -> memref<1x120xi32, #tpu.memory_space<hbm>>
    tpu.wait_dma2 semaphore(%arg23 : memref<!tpu.dma_semaphore, #tpu.memory_space<semaphore_mem>>) src(%dma_wait3A_117 : memref<1x120xi32, #tpu.memory_space<hbm>>) dst(%arg7 : memref<1x120xi32, #tpu.memory_space<vmem>>)
    %dma_start3A_118 = arith.constant 0 : i32
    %dma_start3A_119 = arith.constant 0 : i32
    %dma_start3A_120 = tpu.memref_slice %arg7[%dma_start3A_118, %dma_start3A_119] : memref<1x120xi32, #tpu.memory_space<vmem>> -> memref<1x120xi32, #tpu.memory_space<vmem>>
    %dma_start3A_121 = tpu.memref_squeeze %dma_start3A_120 : memref<1x120xi32, #tpu.memory_space<vmem>> -> memref<120xi32, #tpu.memory_space<vmem>>
    %dma_start3A_122 = arith.constant 0 : i32
    %dma_start3A_123 = arith.constant 0 : i32
    %dma_start3A_124 = tpu.memref_slice %arg2[%dma_start3A_122, %dma_start3A_123] : memref<10000x128xf32, #tpu.memory_space<hbm>> -> memref<10000x128xf32, #tpu.memory_space<hbm>>
    tpu.enqueue_indirect_dma source(%dma_start3A_124 : memref<10000x128xf32, #tpu.memory_space<hbm>>) target(%arg19 : memref<120x128xf32, #tpu.memory_space<vmem>>) offsets(%dma_start3A_121 : memref<120xi32, #tpu.memory_space<vmem>>) semaphore(%arg35 : memref<!tpu.dma_semaphore, #tpu.memory_space<semaphore_mem>>)
    %dma_wait3A_125 = arith.constant 1 : i32
    %dma_wait3A_126 = arith.constant 0 : i32
    %dma_wait3A_127 = arith.constant 0 : i32
    %dma_wait3A_128 = tpu.memref_slice %arg3[%add3A, %dma_wait3A_125, %dma_wait3A_126, %dma_wait3A_127] : memref<32x84x1x120xi32, #tpu.memory_space<hbm>> -> memref<1x1x1x120xi32, #tpu.memory_space<hbm>>
    %dma_wait3A_129 = tpu.memref_squeeze %dma_wait3A_128 : memref<1x1x1x120xi32, #tpu.memory_space<hbm>> -> memref<1x120xi32, #tpu.memory_space<hbm>>
    %dma_wait3A_130 = arith.constant 0 : i32
    %dma_wait3A_131 = arith.constant 0 : i32
    %dma_wait3A_132 = tpu.memref_slice %arg3[%add3A, %dma_wait3A_125, %dma_wait3A_130, %dma_wait3A_131] : memref<32x84x1x120xi32, #tpu.memory_space<hbm>> -> memref<1x1x1x120xi32, #tpu.memory_space<hbm>>
    %dma_wait3A_133 = tpu.memref_squeeze %dma_wait3A_132 : memref<1x1x1x120xi32, #tpu.memory_space<hbm>> -> memref<1x120xi32, #tpu.memory_space<hbm>>
    tpu.wait_dma2 semaphore(%arg24 : memref<!tpu.dma_semaphore, #tpu.memory_space<semaphore_mem>>) src(%dma_wait3A_133 : memref<1x120xi32, #tpu.memory_space<hbm>>) dst(%arg8 : memref<1x120xi32, #tpu.memory_space<vmem>>)
    %dma_start3A_134 = arith.constant 0 : i32
    %dma_start3A_135 = arith.constant 0 : i32
    %dma_start3A_136 = tpu.memref_slice %arg8[%dma_start3A_134, %dma_start3A_135] : memref<1x120xi32, #tpu.memory_space<vmem>> -> memref<1x120xi32, #tpu.memory_space<vmem>>
    %dma_start3A_137 = tpu.memref_squeeze %dma_start3A_136 : memref<1x120xi32, #tpu.memory_space<vmem>> -> memref<120xi32, #tpu.memory_space<vmem>>
    %dma_start3A_138 = arith.constant 0 : i32
    %dma_start3A_139 = arith.constant 0 : i32
    %dma_start3A_140 = tpu.memref_slice %arg2[%dma_start3A_138, %dma_start3A_139] : memref<10000x128xf32, #tpu.memory_space<hbm>> -> memref<10000x128xf32, #tpu.memory_space<hbm>>
    tpu.enqueue_indirect_dma source(%dma_start3A_140 : memref<10000x128xf32, #tpu.memory_space<hbm>>) target(%arg20 : memref<120x128xf32, #tpu.memory_space<vmem>>) offsets(%dma_start3A_137 : memref<120xi32, #tpu.memory_space<vmem>>) semaphore(%arg36 : memref<!tpu.dma_semaphore, #tpu.memory_space<semaphore_mem>>)
    %scan3A = arith.constant 0 : i32
    %scan3A_141 = arith.constant 0 : i32
    %scan3A_142 = arith.constant 14 : i32
    %scan3A_143 = arith.addi %scan3A_141, %scan3A_142 : i32
    %scan3A_144 = arith.constant 1 : i32
    scf.for %scan3A_158 = %scan3A_141 to %scan3A_143 step %scan3A_144  : i32 {
      %mul3A_159 = arith.constant 6 : i32
      %mul3A_160 = arith.muli %mul3A_159, %scan3A_158 : i32
      %add3A_161 = arith.constant 0 : i32
      %add3A_162 = arith.addi %mul3A_160, %add3A_161 : i32
      %dma_wait3A_163 = arith.constant 0 : i32
      %dma_wait3A_164 = arith.constant 0 : i32
      %dma_wait3A_165 = tpu.memref_slice %arg7[%dma_wait3A_163, %dma_wait3A_164] : memref<1x120xi32, #tpu.memory_space<vmem>> -> memref<1x120xi32, #tpu.memory_space<vmem>>
      %dma_wait3A_166 = tpu.memref_squeeze %dma_wait3A_165 : memref<1x120xi32, #tpu.memory_space<vmem>> -> memref<120xi32, #tpu.memory_space<vmem>>
      %dma_wait3A_167 = arith.constant 0 : i32
      %dma_wait3A_168 = arith.constant 0 : i32
      %dma_wait3A_169 = tpu.memref_slice %arg2[%dma_wait3A_167, %dma_wait3A_168] : memref<10000x128xf32, #tpu.memory_space<hbm>> -> memref<10000x128xf32, #tpu.memory_space<hbm>>
      tpu.wait_indirect_dma semaphore(%arg35 : memref<!tpu.dma_semaphore, #tpu.memory_space<semaphore_mem>>) src(%dma_wait3A_169 : memref<10000x128xf32, #tpu.memory_space<hbm>>) dst(%arg19 : memref<120x128xf32, #tpu.memory_space<vmem>>)
      %dma_wait3A_170 = arith.constant 0 : i32
      %dma_wait3A_171 = arith.constant 0 : i32
      %dma_wait3A_172 = tpu.memref_slice %arg4[%add3A, %add3A_162, %dma_wait3A_170, %dma_wait3A_171] : memref<32x84x1x120xi32, #tpu.memory_space<hbm>> -> memref<1x1x1x120xi32, #tpu.memory_space<hbm>>
      %dma_wait3A_173 = tpu.memref_squeeze %dma_wait3A_172 : memref<1x1x1x120xi32, #tpu.memory_space<hbm>> -> memref<1x120xi32, #tpu.memory_space<hbm>>
      %dma_wait3A_174 = arith.constant 0 : i32
      %dma_wait3A_175 = arith.constant 0 : i32
      %dma_wait3A_176 = tpu.memref_slice %arg4[%add3A, %add3A_162, %dma_wait3A_174, %dma_wait3A_175] : memref<32x84x1x120xi32, #tpu.memory_space<hbm>> -> memref<1x1x1x120xi32, #tpu.memory_space<hbm>>
      %dma_wait3A_177 = tpu.memref_squeeze %dma_wait3A_176 : memref<1x1x1x120xi32, #tpu.memory_space<hbm>> -> memref<1x120xi32, #tpu.memory_space<hbm>>
      tpu.wait_dma2 semaphore(%arg29 : memref<!tpu.dma_semaphore, #tpu.memory_space<semaphore_mem>>) src(%dma_wait3A_177 : memref<1x120xi32, #tpu.memory_space<hbm>>) dst(%arg13 : memref<1x120xi32, #tpu.memory_space<vmem>>)
      %dma_start3A_178 = arith.constant 0 : i32
      %dma_start3A_179 = arith.constant 0 : i32
      %dma_start3A_180 = tpu.memref_slice %arg13[%dma_start3A_178, %dma_start3A_179] : memref<1x120xi32, #tpu.memory_space<vmem>> -> memref<1x120xi32, #tpu.memory_space<vmem>>
      %dma_start3A_181 = tpu.memref_squeeze %dma_start3A_180 : memref<1x120xi32, #tpu.memory_space<vmem>> -> memref<120xi32, #tpu.memory_space<vmem>>
      %dma_start3A_182 = arith.constant 0 : i32
      %dma_start3A_183 = arith.constant 0 : i32
      %dma_start3A_184 = tpu.memref_slice %arg22[%dma_start3A_182, %dma_start3A_183] : memref<10240x128xf32, #tpu.memory_space<vmem_shared>> -> memref<10240x128xf32, #tpu.memory_space<vmem_shared>>
      tpu.enqueue_indirect_dma source(%arg19 : memref<120x128xf32, #tpu.memory_space<vmem>>) target(%dma_start3A_184 : memref<10240x128xf32, #tpu.memory_space<vmem_shared>>) offsets(%dma_start3A_181 : memref<120xi32, #tpu.memory_space<vmem>>) semaphore(%arg38 : memref<!tpu.dma_semaphore, #tpu.memory_space<semaphore_mem>>) {add = true}
      %ge3A = arith.constant 1 : i32
      %ge3A_185 = arith.cmpi sge, %add3A_162, %ge3A : i32
      %convert_element_type3A = arith.extui %ge3A_185 : i1 to i32
      %cond3A = arith.constant 0 : i32
      %cond3A_186 = arith.cmpi ne, %convert_element_type3A, %cond3A : i32
      scf.if %cond3A_186 {
        %dma_wait3A_383 = arith.constant 0 : i32
        %dma_wait3A_384 = arith.constant 0 : i32
        %dma_wait3A_385 = tpu.memref_slice %arg18[%dma_wait3A_383, %dma_wait3A_384] : memref<1x120xi32, #tpu.memory_space<vmem>> -> memref<1x120xi32, #tpu.memory_space<vmem>>
        %dma_wait3A_386 = tpu.memref_squeeze %dma_wait3A_385 : memref<1x120xi32, #tpu.memory_space<vmem>> -> memref<120xi32, #tpu.memory_space<vmem>>
        %dma_wait3A_387 = arith.constant 0 : i32
        %dma_wait3A_388 = arith.constant 0 : i32
        %dma_wait3A_389 = tpu.memref_slice %arg22[%dma_wait3A_387, %dma_wait3A_388] : memref<10240x128xf32, #tpu.memory_space<vmem_shared>> -> memref<10240x128xf32, #tpu.memory_space<vmem_shared>>
        tpu.wait_indirect_dma semaphore(%arg40 : memref<!tpu.dma_semaphore, #tpu.memory_space<semaphore_mem>>) src(%arg21 : memref<120x128xf32, #tpu.memory_space<vmem>>) dst(%dma_wait3A_389 : memref<10240x128xf32, #tpu.memory_space<vmem_shared>>)
        %add3A_390 = arith.constant 5 : i32
        %add3A_391 = arith.addi %add3A_162, %add3A_390 : i32
        %lt3A_392 = arith.constant 84 : i32
        %lt3A_393 = arith.cmpi slt, %add3A_391, %lt3A_392 : i32
        %convert_element_type3A_394 = arith.extui %lt3A_393 : i1 to i32
        %cond3A_395 = arith.constant 0 : i32
        %cond3A_396 = arith.cmpi ne, %convert_element_type3A_394, %cond3A_395 : i32
        scf.if %cond3A_396 {
          %add3A_397 = arith.constant 5 : i32
          %add3A_398 = arith.addi %add3A_162, %add3A_397 : i32
          %dma_start3A_399 = arith.constant 0 : i32
          %dma_start3A_400 = arith.constant 0 : i32
          %dma_start3A_401 = tpu.memref_slice %arg3[%add3A, %add3A_398, %dma_start3A_399, %dma_start3A_400] : memref<32x84x1x120xi32, #tpu.memory_space<hbm>> -> memref<1x1x1x120xi32, #tpu.memory_space<hbm>>
          %dma_start3A_402 = tpu.memref_squeeze %dma_start3A_401 : memref<1x1x1x120xi32, #tpu.memory_space<hbm>> -> memref<1x120xi32, #tpu.memory_space<hbm>>
          %dma_start3A_403 = arith.constant 0 : i32
          %dma_start3A_404 = arith.constant 0 : i32
          %dma_start3A_405 = tpu.memref_slice %arg3[%add3A, %add3A_398, %dma_start3A_403, %dma_start3A_404] : memref<32x84x1x120xi32, #tpu.memory_space<hbm>> -> memref<1x1x1x120xi32, #tpu.memory_space<hbm>>
          %dma_start3A_406 = tpu.memref_squeeze %dma_start3A_405 : memref<1x1x1x120xi32, #tpu.memory_space<hbm>> -> memref<1x120xi32, #tpu.memory_space<hbm>>
          tpu.enqueue_dma source(%dma_start3A_406 : memref<1x120xi32, #tpu.memory_space<hbm>>) target(%arg12 : memref<1x120xi32, #tpu.memory_space<vmem>>) target_semaphore(%arg28 : memref<!tpu.dma_semaphore, #tpu.memory_space<semaphore_mem>>)
          %add3A_407 = arith.constant 5 : i32
          %add3A_408 = arith.addi %add3A_162, %add3A_407 : i32
          %dma_start3A_409 = arith.constant 0 : i32
          %dma_start3A_410 = arith.constant 0 : i32
          %dma_start3A_411 = tpu.memref_slice %arg4[%add3A, %add3A_408, %dma_start3A_409, %dma_start3A_410] : memref<32x84x1x120xi32, #tpu.memory_space<hbm>> -> memref<1x1x1x120xi32, #tpu.memory_space<hbm>>
          %dma_start3A_412 = tpu.memref_squeeze %dma_start3A_411 : memref<1x1x1x120xi32, #tpu.memory_space<hbm>> -> memref<1x120xi32, #tpu.memory_space<hbm>>
          %dma_start3A_413 = arith.constant 0 : i32
          %dma_start3A_414 = arith.constant 0 : i32
          %dma_start3A_415 = tpu.memref_slice %arg4[%add3A, %add3A_408, %dma_start3A_413, %dma_start3A_414] : memref<32x84x1x120xi32, #tpu.memory_space<hbm>> -> memref<1x1x1x120xi32, #tpu.memory_space<hbm>>
          %dma_start3A_416 = tpu.memref_squeeze %dma_start3A_415 : memref<1x1x1x120xi32, #tpu.memory_space<hbm>> -> memref<1x120xi32, #tpu.memory_space<hbm>>
          tpu.enqueue_dma source(%dma_start3A_416 : memref<1x120xi32, #tpu.memory_space<hbm>>) target(%arg18 : memref<1x120xi32, #tpu.memory_space<vmem>>) target_semaphore(%arg34 : memref<!tpu.dma_semaphore, #tpu.memory_space<semaphore_mem>>)
        } else {
        }
      } else {
      }
      %add3A_187 = arith.constant 2 : i32
      %add3A_188 = arith.addi %add3A_162, %add3A_187 : i32
      %lt3A = arith.constant 84 : i32
      %lt3A_189 = arith.cmpi slt, %add3A_188, %lt3A : i32
      %convert_element_type3A_190 = arith.extui %lt3A_189 : i1 to i32
      %cond3A_191 = arith.constant 0 : i32
      %cond3A_192 = arith.cmpi ne, %convert_element_type3A_190, %cond3A_191 : i32
      scf.if %cond3A_192 {
        %add3A_383 = arith.constant 2 : i32
        %add3A_384 = arith.addi %add3A_162, %add3A_383 : i32
        %dma_wait3A_385 = arith.constant 0 : i32
        %dma_wait3A_386 = arith.constant 0 : i32
        %dma_wait3A_387 = tpu.memref_slice %arg3[%add3A, %add3A_384, %dma_wait3A_385, %dma_wait3A_386] : memref<32x84x1x120xi32, #tpu.memory_space<hbm>> -> memref<1x1x1x120xi32, #tpu.memory_space<hbm>>
        %dma_wait3A_388 = tpu.memref_squeeze %dma_wait3A_387 : memref<1x1x1x120xi32, #tpu.memory_space<hbm>> -> memref<1x120xi32, #tpu.memory_space<hbm>>
        %dma_wait3A_389 = arith.constant 0 : i32
        %dma_wait3A_390 = arith.constant 0 : i32
        %dma_wait3A_391 = tpu.memref_slice %arg3[%add3A, %add3A_384, %dma_wait3A_389, %dma_wait3A_390] : memref<32x84x1x120xi32, #tpu.memory_space<hbm>> -> memref<1x1x1x120xi32, #tpu.memory_space<hbm>>
        %dma_wait3A_392 = tpu.memref_squeeze %dma_wait3A_391 : memref<1x1x1x120xi32, #tpu.memory_space<hbm>> -> memref<1x120xi32, #tpu.memory_space<hbm>>
        tpu.wait_dma2 semaphore(%arg25 : memref<!tpu.dma_semaphore, #tpu.memory_space<semaphore_mem>>) src(%dma_wait3A_392 : memref<1x120xi32, #tpu.memory_space<hbm>>) dst(%arg9 : memref<1x120xi32, #tpu.memory_space<vmem>>)
        %dma_start3A_393 = arith.constant 0 : i32
        %dma_start3A_394 = arith.constant 0 : i32
        %dma_start3A_395 = tpu.memref_slice %arg9[%dma_start3A_393, %dma_start3A_394] : memref<1x120xi32, #tpu.memory_space<vmem>> -> memref<1x120xi32, #tpu.memory_space<vmem>>
        %dma_start3A_396 = tpu.memref_squeeze %dma_start3A_395 : memref<1x120xi32, #tpu.memory_space<vmem>> -> memref<120xi32, #tpu.memory_space<vmem>>
        %dma_start3A_397 = arith.constant 0 : i32
        %dma_start3A_398 = arith.constant 0 : i32
        %dma_start3A_399 = tpu.memref_slice %arg2[%dma_start3A_397, %dma_start3A_398] : memref<10000x128xf32, #tpu.memory_space<hbm>> -> memref<10000x128xf32, #tpu.memory_space<hbm>>
        tpu.enqueue_indirect_dma source(%dma_start3A_399 : memref<10000x128xf32, #tpu.memory_space<hbm>>) target(%arg21 : memref<120x128xf32, #tpu.memory_space<vmem>>) offsets(%dma_start3A_396 : memref<120xi32, #tpu.memory_space<vmem>>) semaphore(%arg37 : memref<!tpu.dma_semaphore, #tpu.memory_space<semaphore_mem>>)
      } else {
      }
      %mul3A_193 = arith.constant 6 : i32
      %mul3A_194 = arith.muli %mul3A_193, %scan3A_158 : i32
      %add3A_195 = arith.constant 1 : i32
      %add3A_196 = arith.addi %mul3A_194, %add3A_195 : i32
      %dma_wait3A_197 = arith.constant 0 : i32
      %dma_wait3A_198 = arith.constant 0 : i32
      %dma_wait3A_199 = tpu.memref_slice %arg8[%dma_wait3A_197, %dma_wait3A_198] : memref<1x120xi32, #tpu.memory_space<vmem>> -> memref<1x120xi32, #tpu.memory_space<vmem>>
      %dma_wait3A_200 = tpu.memref_squeeze %dma_wait3A_199 : memref<1x120xi32, #tpu.memory_space<vmem>> -> memref<120xi32, #tpu.memory_space<vmem>>
      %dma_wait3A_201 = arith.constant 0 : i32
      %dma_wait3A_202 = arith.constant 0 : i32
      %dma_wait3A_203 = tpu.memref_slice %arg2[%dma_wait3A_201, %dma_wait3A_202] : memref<10000x128xf32, #tpu.memory_space<hbm>> -> memref<10000x128xf32, #tpu.memory_space<hbm>>
      tpu.wait_indirect_dma semaphore(%arg36 : memref<!tpu.dma_semaphore, #tpu.memory_space<semaphore_mem>>) src(%dma_wait3A_203 : memref<10000x128xf32, #tpu.memory_space<hbm>>) dst(%arg20 : memref<120x128xf32, #tpu.memory_space<vmem>>)
      %dma_wait3A_204 = arith.constant 0 : i32
      %dma_wait3A_205 = arith.constant 0 : i32
      %dma_wait3A_206 = tpu.memref_slice %arg4[%add3A, %add3A_196, %dma_wait3A_204, %dma_wait3A_205] : memref<32x84x1x120xi32, #tpu.memory_space<hbm>> -> memref<1x1x1x120xi32, #tpu.memory_space<hbm>>
      %dma_wait3A_207 = tpu.memref_squeeze %dma_wait3A_206 : memref<1x1x1x120xi32, #tpu.memory_space<hbm>> -> memref<1x120xi32, #tpu.memory_space<hbm>>
      %dma_wait3A_208 = arith.constant 0 : i32
      %dma_wait3A_209 = arith.constant 0 : i32
      %dma_wait3A_210 = tpu.memref_slice %arg4[%add3A, %add3A_196, %dma_wait3A_208, %dma_wait3A_209] : memref<32x84x1x120xi32, #tpu.memory_space<hbm>> -> memref<1x1x1x120xi32, #tpu.memory_space<hbm>>
      %dma_wait3A_211 = tpu.memref_squeeze %dma_wait3A_210 : memref<1x1x1x120xi32, #tpu.memory_space<hbm>> -> memref<1x120xi32, #tpu.memory_space<hbm>>
      tpu.wait_dma2 semaphore(%arg30 : memref<!tpu.dma_semaphore, #tpu.memory_space<semaphore_mem>>) src(%dma_wait3A_211 : memref<1x120xi32, #tpu.memory_space<hbm>>) dst(%arg14 : memref<1x120xi32, #tpu.memory_space<vmem>>)
      %dma_start3A_212 = arith.constant 0 : i32
      %dma_start3A_213 = arith.constant 0 : i32
      %dma_start3A_214 = tpu.memref_slice %arg14[%dma_start3A_212, %dma_start3A_213] : memref<1x120xi32, #tpu.memory_space<vmem>> -> memref<1x120xi32, #tpu.memory_space<vmem>>
      %dma_start3A_215 = tpu.memref_squeeze %dma_start3A_214 : memref<1x120xi32, #tpu.memory_space<vmem>> -> memref<120xi32, #tpu.memory_space<vmem>>
      %dma_start3A_216 = arith.constant 0 : i32
      %dma_start3A_217 = arith.constant 0 : i32
      %dma_start3A_218 = tpu.memref_slice %arg22[%dma_start3A_216, %dma_start3A_217] : memref<10240x128xf32, #tpu.memory_space<vmem_shared>> -> memref<10240x128xf32, #tpu.memory_space<vmem_shared>>
      tpu.enqueue_indirect_dma source(%arg20 : memref<120x128xf32, #tpu.memory_space<vmem>>) target(%dma_start3A_218 : memref<10240x128xf32, #tpu.memory_space<vmem_shared>>) offsets(%dma_start3A_215 : memref<120xi32, #tpu.memory_space<vmem>>) semaphore(%arg39 : memref<!tpu.dma_semaphore, #tpu.memory_space<semaphore_mem>>) {add = true}
      %ge3A_219 = arith.constant 1 : i32
      %ge3A_220 = arith.cmpi sge, %add3A_196, %ge3A_219 : i32
      %convert_element_type3A_221 = arith.extui %ge3A_220 : i1 to i32
      %cond3A_222 = arith.constant 0 : i32
      %cond3A_223 = arith.cmpi ne, %convert_element_type3A_221, %cond3A_222 : i32
      scf.if %cond3A_223 {
        %dma_wait3A_383 = arith.constant 0 : i32
        %dma_wait3A_384 = arith.constant 0 : i32
        %dma_wait3A_385 = tpu.memref_slice %arg13[%dma_wait3A_383, %dma_wait3A_384] : memref<1x120xi32, #tpu.memory_space<vmem>> -> memref<1x120xi32, #tpu.memory_space<vmem>>
        %dma_wait3A_386 = tpu.memref_squeeze %dma_wait3A_385 : memref<1x120xi32, #tpu.memory_space<vmem>> -> memref<120xi32, #tpu.memory_space<vmem>>
        %dma_wait3A_387 = arith.constant 0 : i32
        %dma_wait3A_388 = arith.constant 0 : i32
        %dma_wait3A_389 = tpu.memref_slice %arg22[%dma_wait3A_387, %dma_wait3A_388] : memref<10240x128xf32, #tpu.memory_space<vmem_shared>> -> memref<10240x128xf32, #tpu.memory_space<vmem_shared>>
        tpu.wait_indirect_dma semaphore(%arg38 : memref<!tpu.dma_semaphore, #tpu.memory_space<semaphore_mem>>) src(%arg19 : memref<120x128xf32, #tpu.memory_space<vmem>>) dst(%dma_wait3A_389 : memref<10240x128xf32, #tpu.memory_space<vmem_shared>>)
        %add3A_390 = arith.constant 5 : i32
        %add3A_391 = arith.addi %add3A_196, %add3A_390 : i32
        %lt3A_392 = arith.constant 84 : i32
        %lt3A_393 = arith.cmpi slt, %add3A_391, %lt3A_392 : i32
        %convert_element_type3A_394 = arith.extui %lt3A_393 : i1 to i32
        %cond3A_395 = arith.constant 0 : i32
        %cond3A_396 = arith.cmpi ne, %convert_element_type3A_394, %cond3A_395 : i32
        scf.if %cond3A_396 {
          %add3A_397 = arith.constant 5 : i32
          %add3A_398 = arith.addi %add3A_196, %add3A_397 : i32
          %dma_start3A_399 = arith.constant 0 : i32
          %dma_start3A_400 = arith.constant 0 : i32
          %dma_start3A_401 = tpu.memref_slice %arg3[%add3A, %add3A_398, %dma_start3A_399, %dma_start3A_400] : memref<32x84x1x120xi32, #tpu.memory_space<hbm>> -> memref<1x1x1x120xi32, #tpu.memory_space<hbm>>
          %dma_start3A_402 = tpu.memref_squeeze %dma_start3A_401 : memref<1x1x1x120xi32, #tpu.memory_space<hbm>> -> memref<1x120xi32, #tpu.memory_space<hbm>>
          %dma_start3A_403 = arith.constant 0 : i32
          %dma_start3A_404 = arith.constant 0 : i32
          %dma_start3A_405 = tpu.memref_slice %arg3[%add3A, %add3A_398, %dma_start3A_403, %dma_start3A_404] : memref<32x84x1x120xi32, #tpu.memory_space<hbm>> -> memref<1x1x1x120xi32, #tpu.memory_space<hbm>>
          %dma_start3A_406 = tpu.memref_squeeze %dma_start3A_405 : memref<1x1x1x120xi32, #tpu.memory_space<hbm>> -> memref<1x120xi32, #tpu.memory_space<hbm>>
          tpu.enqueue_dma source(%dma_start3A_406 : memref<1x120xi32, #tpu.memory_space<hbm>>) target(%arg7 : memref<1x120xi32, #tpu.memory_space<vmem>>) target_semaphore(%arg23 : memref<!tpu.dma_semaphore, #tpu.memory_space<semaphore_mem>>)
          %add3A_407 = arith.constant 5 : i32
          %add3A_408 = arith.addi %add3A_196, %add3A_407 : i32
          %dma_start3A_409 = arith.constant 0 : i32
          %dma_start3A_410 = arith.constant 0 : i32
          %dma_start3A_411 = tpu.memref_slice %arg4[%add3A, %add3A_408, %dma_start3A_409, %dma_start3A_410] : memref<32x84x1x120xi32, #tpu.memory_space<hbm>> -> memref<1x1x1x120xi32, #tpu.memory_space<hbm>>
          %dma_start3A_412 = tpu.memref_squeeze %dma_start3A_411 : memref<1x1x1x120xi32, #tpu.memory_space<hbm>> -> memref<1x120xi32, #tpu.memory_space<hbm>>
          %dma_start3A_413 = arith.constant 0 : i32
          %dma_start3A_414 = arith.constant 0 : i32
          %dma_start3A_415 = tpu.memref_slice %arg4[%add3A, %add3A_408, %dma_start3A_413, %dma_start3A_414] : memref<32x84x1x120xi32, #tpu.memory_space<hbm>> -> memref<1x1x1x120xi32, #tpu.memory_space<hbm>>
          %dma_start3A_416 = tpu.memref_squeeze %dma_start3A_415 : memref<1x1x1x120xi32, #tpu.memory_space<hbm>> -> memref<1x120xi32, #tpu.memory_space<hbm>>
          tpu.enqueue_dma source(%dma_start3A_416 : memref<1x120xi32, #tpu.memory_space<hbm>>) target(%arg13 : memref<1x120xi32, #tpu.memory_space<vmem>>) target_semaphore(%arg29 : memref<!tpu.dma_semaphore, #tpu.memory_space<semaphore_mem>>)
        } else {
        }
      } else {
      }
      %add3A_224 = arith.constant 2 : i32
      %add3A_225 = arith.addi %add3A_196, %add3A_224 : i32
      %lt3A_226 = arith.constant 84 : i32
      %lt3A_227 = arith.cmpi slt, %add3A_225, %lt3A_226 : i32
      %convert_element_type3A_228 = arith.extui %lt3A_227 : i1 to i32
      %cond3A_229 = arith.constant 0 : i32
      %cond3A_230 = arith.cmpi ne, %convert_element_type3A_228, %cond3A_229 : i32
      scf.if %cond3A_230 {
        %add3A_383 = arith.constant 2 : i32
        %add3A_384 = arith.addi %add3A_196, %add3A_383 : i32
        %dma_wait3A_385 = arith.constant 0 : i32
        %dma_wait3A_386 = arith.constant 0 : i32
        %dma_wait3A_387 = tpu.memref_slice %arg3[%add3A, %add3A_384, %dma_wait3A_385, %dma_wait3A_386] : memref<32x84x1x120xi32, #tpu.memory_space<hbm>> -> memref<1x1x1x120xi32, #tpu.memory_space<hbm>>
        %dma_wait3A_388 = tpu.memref_squeeze %dma_wait3A_387 : memref<1x1x1x120xi32, #tpu.memory_space<hbm>> -> memref<1x120xi32, #tpu.memory_space<hbm>>
        %dma_wait3A_389 = arith.constant 0 : i32
        %dma_wait3A_390 = arith.constant 0 : i32
        %dma_wait3A_391 = tpu.memref_slice %arg3[%add3A, %add3A_384, %dma_wait3A_389, %dma_wait3A_390] : memref<32x84x1x120xi32, #tpu.memory_space<hbm>> -> memref<1x1x1x120xi32, #tpu.memory_space<hbm>>
        %dma_wait3A_392 = tpu.memref_squeeze %dma_wait3A_391 : memref<1x1x1x120xi32, #tpu.memory_space<hbm>> -> memref<1x120xi32, #tpu.memory_space<hbm>>
        tpu.wait_dma2 semaphore(%arg26 : memref<!tpu.dma_semaphore, #tpu.memory_space<semaphore_mem>>) src(%dma_wait3A_392 : memref<1x120xi32, #tpu.memory_space<hbm>>) dst(%arg10 : memref<1x120xi32, #tpu.memory_space<vmem>>)
        %dma_start3A_393 = arith.constant 0 : i32
        %dma_start3A_394 = arith.constant 0 : i32
        %dma_start3A_395 = tpu.memref_slice %arg10[%dma_start3A_393, %dma_start3A_394] : memref<1x120xi32, #tpu.memory_space<vmem>> -> memref<1x120xi32, #tpu.memory_space<vmem>>
        %dma_start3A_396 = tpu.memref_squeeze %dma_start3A_395 : memref<1x120xi32, #tpu.memory_space<vmem>> -> memref<120xi32, #tpu.memory_space<vmem>>
        %dma_start3A_397 = arith.constant 0 : i32
        %dma_start3A_398 = arith.constant 0 : i32
        %dma_start3A_399 = tpu.memref_slice %arg2[%dma_start3A_397, %dma_start3A_398] : memref<10000x128xf32, #tpu.memory_space<hbm>> -> memref<10000x128xf32, #tpu.memory_space<hbm>>
        tpu.enqueue_indirect_dma source(%dma_start3A_399 : memref<10000x128xf32, #tpu.memory_space<hbm>>) target(%arg19 : memref<120x128xf32, #tpu.memory_space<vmem>>) offsets(%dma_start3A_396 : memref<120xi32, #tpu.memory_space<vmem>>) semaphore(%arg35 : memref<!tpu.dma_semaphore, #tpu.memory_space<semaphore_mem>>)
      } else {
      }
      %mul3A_231 = arith.constant 6 : i32
      %mul3A_232 = arith.muli %mul3A_231, %scan3A_158 : i32
      %add3A_233 = arith.constant 2 : i32
      %add3A_234 = arith.addi %mul3A_232, %add3A_233 : i32
      %dma_wait3A_235 = arith.constant 0 : i32
      %dma_wait3A_236 = arith.constant 0 : i32
      %dma_wait3A_237 = tpu.memref_slice %arg9[%dma_wait3A_235, %dma_wait3A_236] : memref<1x120xi32, #tpu.memory_space<vmem>> -> memref<1x120xi32, #tpu.memory_space<vmem>>
      %dma_wait3A_238 = tpu.memref_squeeze %dma_wait3A_237 : memref<1x120xi32, #tpu.memory_space<vmem>> -> memref<120xi32, #tpu.memory_space<vmem>>
      %dma_wait3A_239 = arith.constant 0 : i32
      %dma_wait3A_240 = arith.constant 0 : i32
      %dma_wait3A_241 = tpu.memref_slice %arg2[%dma_wait3A_239, %dma_wait3A_240] : memref<10000x128xf32, #tpu.memory_space<hbm>> -> memref<10000x128xf32, #tpu.memory_space<hbm>>
      tpu.wait_indirect_dma semaphore(%arg37 : memref<!tpu.dma_semaphore, #tpu.memory_space<semaphore_mem>>) src(%dma_wait3A_241 : memref<10000x128xf32, #tpu.memory_space<hbm>>) dst(%arg21 : memref<120x128xf32, #tpu.memory_space<vmem>>)
      %dma_wait3A_242 = arith.constant 0 : i32
      %dma_wait3A_243 = arith.constant 0 : i32
      %dma_wait3A_244 = tpu.memref_slice %arg4[%add3A, %add3A_234, %dma_wait3A_242, %dma_wait3A_243] : memref<32x84x1x120xi32, #tpu.memory_space<hbm>> -> memref<1x1x1x120xi32, #tpu.memory_space<hbm>>
      %dma_wait3A_245 = tpu.memref_squeeze %dma_wait3A_244 : memref<1x1x1x120xi32, #tpu.memory_space<hbm>> -> memref<1x120xi32, #tpu.memory_space<hbm>>
      %dma_wait3A_246 = arith.constant 0 : i32
      %dma_wait3A_247 = arith.constant 0 : i32
      %dma_wait3A_248 = tpu.memref_slice %arg4[%add3A, %add3A_234, %dma_wait3A_246, %dma_wait3A_247] : memref<32x84x1x120xi32, #tpu.memory_space<hbm>> -> memref<1x1x1x120xi32, #tpu.memory_space<hbm>>
      %dma_wait3A_249 = tpu.memref_squeeze %dma_wait3A_248 : memref<1x1x1x120xi32, #tpu.memory_space<hbm>> -> memref<1x120xi32, #tpu.memory_space<hbm>>
      tpu.wait_dma2 semaphore(%arg31 : memref<!tpu.dma_semaphore, #tpu.memory_space<semaphore_mem>>) src(%dma_wait3A_249 : memref<1x120xi32, #tpu.memory_space<hbm>>) dst(%arg15 : memref<1x120xi32, #tpu.memory_space<vmem>>)
      %dma_start3A_250 = arith.constant 0 : i32
      %dma_start3A_251 = arith.constant 0 : i32
      %dma_start3A_252 = tpu.memref_slice %arg15[%dma_start3A_250, %dma_start3A_251] : memref<1x120xi32, #tpu.memory_space<vmem>> -> memref<1x120xi32, #tpu.memory_space<vmem>>
      %dma_start3A_253 = tpu.memref_squeeze %dma_start3A_252 : memref<1x120xi32, #tpu.memory_space<vmem>> -> memref<120xi32, #tpu.memory_space<vmem>>
      %dma_start3A_254 = arith.constant 0 : i32
      %dma_start3A_255 = arith.constant 0 : i32
      %dma_start3A_256 = tpu.memref_slice %arg22[%dma_start3A_254, %dma_start3A_255] : memref<10240x128xf32, #tpu.memory_space<vmem_shared>> -> memref<10240x128xf32, #tpu.memory_space<vmem_shared>>
      tpu.enqueue_indirect_dma source(%arg21 : memref<120x128xf32, #tpu.memory_space<vmem>>) target(%dma_start3A_256 : memref<10240x128xf32, #tpu.memory_space<vmem_shared>>) offsets(%dma_start3A_253 : memref<120xi32, #tpu.memory_space<vmem>>) semaphore(%arg40 : memref<!tpu.dma_semaphore, #tpu.memory_space<semaphore_mem>>) {add = true}
      %ge3A_257 = arith.constant 1 : i32
      %ge3A_258 = arith.cmpi sge, %add3A_234, %ge3A_257 : i32
      %convert_element_type3A_259 = arith.extui %ge3A_258 : i1 to i32
      %cond3A_260 = arith.constant 0 : i32
      %cond3A_261 = arith.cmpi ne, %convert_element_type3A_259, %cond3A_260 : i32
      scf.if %cond3A_261 {
        %dma_wait3A_383 = arith.constant 0 : i32
        %dma_wait3A_384 = arith.constant 0 : i32
        %dma_wait3A_385 = tpu.memref_slice %arg14[%dma_wait3A_383, %dma_wait3A_384] : memref<1x120xi32, #tpu.memory_space<vmem>> -> memref<1x120xi32, #tpu.memory_space<vmem>>
        %dma_wait3A_386 = tpu.memref_squeeze %dma_wait3A_385 : memref<1x120xi32, #tpu.memory_space<vmem>> -> memref<120xi32, #tpu.memory_space<vmem>>
        %dma_wait3A_387 = arith.constant 0 : i32
        %dma_wait3A_388 = arith.constant 0 : i32
        %dma_wait3A_389 = tpu.memref_slice %arg22[%dma_wait3A_387, %dma_wait3A_388] : memref<10240x128xf32, #tpu.memory_space<vmem_shared>> -> memref<10240x128xf32, #tpu.memory_space<vmem_shared>>
        tpu.wait_indirect_dma semaphore(%arg39 : memref<!tpu.dma_semaphore, #tpu.memory_space<semaphore_mem>>) src(%arg20 : memref<120x128xf32, #tpu.memory_space<vmem>>) dst(%dma_wait3A_389 : memref<10240x128xf32, #tpu.memory_space<vmem_shared>>)
        %add3A_390 = arith.constant 5 : i32
        %add3A_391 = arith.addi %add3A_234, %add3A_390 : i32
        %lt3A_392 = arith.constant 84 : i32
        %lt3A_393 = arith.cmpi slt, %add3A_391, %lt3A_392 : i32
        %convert_element_type3A_394 = arith.extui %lt3A_393 : i1 to i32
        %cond3A_395 = arith.constant 0 : i32
        %cond3A_396 = arith.cmpi ne, %convert_element_type3A_394, %cond3A_395 : i32
        scf.if %cond3A_396 {
          %add3A_397 = arith.constant 5 : i32
          %add3A_398 = arith.addi %add3A_234, %add3A_397 : i32
          %dma_start3A_399 = arith.constant 0 : i32
          %dma_start3A_400 = arith.constant 0 : i32
          %dma_start3A_401 = tpu.memref_slice %arg3[%add3A, %add3A_398, %dma_start3A_399, %dma_start3A_400] : memref<32x84x1x120xi32, #tpu.memory_space<hbm>> -> memref<1x1x1x120xi32, #tpu.memory_space<hbm>>
          %dma_start3A_402 = tpu.memref_squeeze %dma_start3A_401 : memref<1x1x1x120xi32, #tpu.memory_space<hbm>> -> memref<1x120xi32, #tpu.memory_space<hbm>>
          %dma_start3A_403 = arith.constant 0 : i32
          %dma_start3A_404 = arith.constant 0 : i32
          %dma_start3A_405 = tpu.memref_slice %arg3[%add3A, %add3A_398, %dma_start3A_403, %dma_start3A_404] : memref<32x84x1x120xi32, #tpu.memory_space<hbm>> -> memref<1x1x1x120xi32, #tpu.memory_space<hbm>>
          %dma_start3A_406 = tpu.memref_squeeze %dma_start3A_405 : memref<1x1x1x120xi32, #tpu.memory_space<hbm>> -> memref<1x120xi32, #tpu.memory_space<hbm>>
          tpu.enqueue_dma source(%dma_start3A_406 : memref<1x120xi32, #tpu.memory_space<hbm>>) target(%arg8 : memref<1x120xi32, #tpu.memory_space<vmem>>) target_semaphore(%arg24 : memref<!tpu.dma_semaphore, #tpu.memory_space<semaphore_mem>>)
          %add3A_407 = arith.constant 5 : i32
          %add3A_408 = arith.addi %add3A_234, %add3A_407 : i32
          %dma_start3A_409 = arith.constant 0 : i32
          %dma_start3A_410 = arith.constant 0 : i32
          %dma_start3A_411 = tpu.memref_slice %arg4[%add3A, %add3A_408, %dma_start3A_409, %dma_start3A_410] : memref<32x84x1x120xi32, #tpu.memory_space<hbm>> -> memref<1x1x1x120xi32, #tpu.memory_space<hbm>>
          %dma_start3A_412 = tpu.memref_squeeze %dma_start3A_411 : memref<1x1x1x120xi32, #tpu.memory_space<hbm>> -> memref<1x120xi32, #tpu.memory_space<hbm>>
          %dma_start3A_413 = arith.constant 0 : i32
          %dma_start3A_414 = arith.constant 0 : i32
          %dma_start3A_415 = tpu.memref_slice %arg4[%add3A, %add3A_408, %dma_start3A_413, %dma_start3A_414] : memref<32x84x1x120xi32, #tpu.memory_space<hbm>> -> memref<1x1x1x120xi32, #tpu.memory_space<hbm>>
          %dma_start3A_416 = tpu.memref_squeeze %dma_start3A_415 : memref<1x1x1x120xi32, #tpu.memory_space<hbm>> -> memref<1x120xi32, #tpu.memory_space<hbm>>
          tpu.enqueue_dma source(%dma_start3A_416 : memref<1x120xi32, #tpu.memory_space<hbm>>) target(%arg14 : memref<1x120xi32, #tpu.memory_space<vmem>>) target_semaphore(%arg30 : memref<!tpu.dma_semaphore, #tpu.memory_space<semaphore_mem>>)
        } else {
        }
      } else {
      }
      %add3A_262 = arith.constant 2 : i32
      %add3A_263 = arith.addi %add3A_234, %add3A_262 : i32
      %lt3A_264 = arith.constant 84 : i32
      %lt3A_265 = arith.cmpi slt, %add3A_263, %lt3A_264 : i32
      %convert_element_type3A_266 = arith.extui %lt3A_265 : i1 to i32
      %cond3A_267 = arith.constant 0 : i32
      %cond3A_268 = arith.cmpi ne, %convert_element_type3A_266, %cond3A_267 : i32
      scf.if %cond3A_268 {
        %add3A_383 = arith.constant 2 : i32
        %add3A_384 = arith.addi %add3A_234, %add3A_383 : i32
        %dma_wait3A_385 = arith.constant 0 : i32
        %dma_wait3A_386 = arith.constant 0 : i32
        %dma_wait3A_387 = tpu.memref_slice %arg3[%add3A, %add3A_384, %dma_wait3A_385, %dma_wait3A_386] : memref<32x84x1x120xi32, #tpu.memory_space<hbm>> -> memref<1x1x1x120xi32, #tpu.memory_space<hbm>>
        %dma_wait3A_388 = tpu.memref_squeeze %dma_wait3A_387 : memref<1x1x1x120xi32, #tpu.memory_space<hbm>> -> memref<1x120xi32, #tpu.memory_space<hbm>>
        %dma_wait3A_389 = arith.constant 0 : i32
        %dma_wait3A_390 = arith.constant 0 : i32
        %dma_wait3A_391 = tpu.memref_slice %arg3[%add3A, %add3A_384, %dma_wait3A_389, %dma_wait3A_390] : memref<32x84x1x120xi32, #tpu.memory_space<hbm>> -> memref<1x1x1x120xi32, #tpu.memory_space<hbm>>
        %dma_wait3A_392 = tpu.memref_squeeze %dma_wait3A_391 : memref<1x1x1x120xi32, #tpu.memory_space<hbm>> -> memref<1x120xi32, #tpu.memory_space<hbm>>
        tpu.wait_dma2 semaphore(%arg27 : memref<!tpu.dma_semaphore, #tpu.memory_space<semaphore_mem>>) src(%dma_wait3A_392 : memref<1x120xi32, #tpu.memory_space<hbm>>) dst(%arg11 : memref<1x120xi32, #tpu.memory_space<vmem>>)
        %dma_start3A_393 = arith.constant 0 : i32
        %dma_start3A_394 = arith.constant 0 : i32
        %dma_start3A_395 = tpu.memref_slice %arg11[%dma_start3A_393, %dma_start3A_394] : memref<1x120xi32, #tpu.memory_space<vmem>> -> memref<1x120xi32, #tpu.memory_space<vmem>>
        %dma_start3A_396 = tpu.memref_squeeze %dma_start3A_395 : memref<1x120xi32, #tpu.memory_space<vmem>> -> memref<120xi32, #tpu.memory_space<vmem>>
        %dma_start3A_397 = arith.constant 0 : i32
        %dma_start3A_398 = arith.constant 0 : i32
        %dma_start3A_399 = tpu.memref_slice %arg2[%dma_start3A_397, %dma_start3A_398] : memref<10000x128xf32, #tpu.memory_space<hbm>> -> memref<10000x128xf32, #tpu.memory_space<hbm>>
        tpu.enqueue_indirect_dma source(%dma_start3A_399 : memref<10000x128xf32, #tpu.memory_space<hbm>>) target(%arg20 : memref<120x128xf32, #tpu.memory_space<vmem>>) offsets(%dma_start3A_396 : memref<120xi32, #tpu.memory_space<vmem>>) semaphore(%arg36 : memref<!tpu.dma_semaphore, #tpu.memory_space<semaphore_mem>>)
      } else {
      }
      %mul3A_269 = arith.constant 6 : i32
      %mul3A_270 = arith.muli %mul3A_269, %scan3A_158 : i32
      %add3A_271 = arith.constant 3 : i32
      %add3A_272 = arith.addi %mul3A_270, %add3A_271 : i32
      %dma_wait3A_273 = arith.constant 0 : i32
      %dma_wait3A_274 = arith.constant 0 : i32
      %dma_wait3A_275 = tpu.memref_slice %arg10[%dma_wait3A_273, %dma_wait3A_274] : memref<1x120xi32, #tpu.memory_space<vmem>> -> memref<1x120xi32, #tpu.memory_space<vmem>>
      %dma_wait3A_276 = tpu.memref_squeeze %dma_wait3A_275 : memref<1x120xi32, #tpu.memory_space<vmem>> -> memref<120xi32, #tpu.memory_space<vmem>>
      %dma_wait3A_277 = arith.constant 0 : i32
      %dma_wait3A_278 = arith.constant 0 : i32
      %dma_wait3A_279 = tpu.memref_slice %arg2[%dma_wait3A_277, %dma_wait3A_278] : memref<10000x128xf32, #tpu.memory_space<hbm>> -> memref<10000x128xf32, #tpu.memory_space<hbm>>
      tpu.wait_indirect_dma semaphore(%arg35 : memref<!tpu.dma_semaphore, #tpu.memory_space<semaphore_mem>>) src(%dma_wait3A_279 : memref<10000x128xf32, #tpu.memory_space<hbm>>) dst(%arg19 : memref<120x128xf32, #tpu.memory_space<vmem>>)
      %dma_wait3A_280 = arith.constant 0 : i32
      %dma_wait3A_281 = arith.constant 0 : i32
      %dma_wait3A_282 = tpu.memref_slice %arg4[%add3A, %add3A_272, %dma_wait3A_280, %dma_wait3A_281] : memref<32x84x1x120xi32, #tpu.memory_space<hbm>> -> memref<1x1x1x120xi32, #tpu.memory_space<hbm>>
      %dma_wait3A_283 = tpu.memref_squeeze %dma_wait3A_282 : memref<1x1x1x120xi32, #tpu.memory_space<hbm>> -> memref<1x120xi32, #tpu.memory_space<hbm>>
      %dma_wait3A_284 = arith.constant 0 : i32
      %dma_wait3A_285 = arith.constant 0 : i32
      %dma_wait3A_286 = tpu.memref_slice %arg4[%add3A, %add3A_272, %dma_wait3A_284, %dma_wait3A_285] : memref<32x84x1x120xi32, #tpu.memory_space<hbm>> -> memref<1x1x1x120xi32, #tpu.memory_space<hbm>>
      %dma_wait3A_287 = tpu.memref_squeeze %dma_wait3A_286 : memref<1x1x1x120xi32, #tpu.memory_space<hbm>> -> memref<1x120xi32, #tpu.memory_space<hbm>>
      tpu.wait_dma2 semaphore(%arg32 : memref<!tpu.dma_semaphore, #tpu.memory_space<semaphore_mem>>) src(%dma_wait3A_287 : memref<1x120xi32, #tpu.memory_space<hbm>>) dst(%arg16 : memref<1x120xi32, #tpu.memory_space<vmem>>)
      %dma_start3A_288 = arith.constant 0 : i32
      %dma_start3A_289 = arith.constant 0 : i32
      %dma_start3A_290 = tpu.memref_slice %arg16[%dma_start3A_288, %dma_start3A_289] : memref<1x120xi32, #tpu.memory_space<vmem>> -> memref<1x120xi32, #tpu.memory_space<vmem>>
      %dma_start3A_291 = tpu.memref_squeeze %dma_start3A_290 : memref<1x120xi32, #tpu.memory_space<vmem>> -> memref<120xi32, #tpu.memory_space<vmem>>
      %dma_start3A_292 = arith.constant 0 : i32
      %dma_start3A_293 = arith.constant 0 : i32
      %dma_start3A_294 = tpu.memref_slice %arg22[%dma_start3A_292, %dma_start3A_293] : memref<10240x128xf32, #tpu.memory_space<vmem_shared>> -> memref<10240x128xf32, #tpu.memory_space<vmem_shared>>
      tpu.enqueue_indirect_dma source(%arg19 : memref<120x128xf32, #tpu.memory_space<vmem>>) target(%dma_start3A_294 : memref<10240x128xf32, #tpu.memory_space<vmem_shared>>) offsets(%dma_start3A_291 : memref<120xi32, #tpu.memory_space<vmem>>) semaphore(%arg38 : memref<!tpu.dma_semaphore, #tpu.memory_space<semaphore_mem>>) {add = true}
      %ge3A_295 = arith.constant 1 : i32
      %ge3A_296 = arith.cmpi sge, %add3A_272, %ge3A_295 : i32
      %convert_element_type3A_297 = arith.extui %ge3A_296 : i1 to i32
      %cond3A_298 = arith.constant 0 : i32
      %cond3A_299 = arith.cmpi ne, %convert_element_type3A_297, %cond3A_298 : i32
      scf.if %cond3A_299 {
        %dma_wait3A_383 = arith.constant 0 : i32
        %dma_wait3A_384 = arith.constant 0 : i32
        %dma_wait3A_385 = tpu.memref_slice %arg15[%dma_wait3A_383, %dma_wait3A_384] : memref<1x120xi32, #tpu.memory_space<vmem>> -> memref<1x120xi32, #tpu.memory_space<vmem>>
        %dma_wait3A_386 = tpu.memref_squeeze %dma_wait3A_385 : memref<1x120xi32, #tpu.memory_space<vmem>> -> memref<120xi32, #tpu.memory_space<vmem>>
        %dma_wait3A_387 = arith.constant 0 : i32
        %dma_wait3A_388 = arith.constant 0 : i32
        %dma_wait3A_389 = tpu.memref_slice %arg22[%dma_wait3A_387, %dma_wait3A_388] : memref<10240x128xf32, #tpu.memory_space<vmem_shared>> -> memref<10240x128xf32, #tpu.memory_space<vmem_shared>>
        tpu.wait_indirect_dma semaphore(%arg40 : memref<!tpu.dma_semaphore, #tpu.memory_space<semaphore_mem>>) src(%arg21 : memref<120x128xf32, #tpu.memory_space<vmem>>) dst(%dma_wait3A_389 : memref<10240x128xf32, #tpu.memory_space<vmem_shared>>)
        %add3A_390 = arith.constant 5 : i32
        %add3A_391 = arith.addi %add3A_272, %add3A_390 : i32
        %lt3A_392 = arith.constant 84 : i32
        %lt3A_393 = arith.cmpi slt, %add3A_391, %lt3A_392 : i32
        %convert_element_type3A_394 = arith.extui %lt3A_393 : i1 to i32
        %cond3A_395 = arith.constant 0 : i32
        %cond3A_396 = arith.cmpi ne, %convert_element_type3A_394, %cond3A_395 : i32
        scf.if %cond3A_396 {
          %add3A_397 = arith.constant 5 : i32
          %add3A_398 = arith.addi %add3A_272, %add3A_397 : i32
          %dma_start3A_399 = arith.constant 0 : i32
          %dma_start3A_400 = arith.constant 0 : i32
          %dma_start3A_401 = tpu.memref_slice %arg3[%add3A, %add3A_398, %dma_start3A_399, %dma_start3A_400] : memref<32x84x1x120xi32, #tpu.memory_space<hbm>> -> memref<1x1x1x120xi32, #tpu.memory_space<hbm>>
          %dma_start3A_402 = tpu.memref_squeeze %dma_start3A_401 : memref<1x1x1x120xi32, #tpu.memory_space<hbm>> -> memref<1x120xi32, #tpu.memory_space<hbm>>
          %dma_start3A_403 = arith.constant 0 : i32
          %dma_start3A_404 = arith.constant 0 : i32
          %dma_start3A_405 = tpu.memref_slice %arg3[%add3A, %add3A_398, %dma_start3A_403, %dma_start3A_404] : memref<32x84x1x120xi32, #tpu.memory_space<hbm>> -> memref<1x1x1x120xi32, #tpu.memory_space<hbm>>
          %dma_start3A_406 = tpu.memref_squeeze %dma_start3A_405 : memref<1x1x1x120xi32, #tpu.memory_space<hbm>> -> memref<1x120xi32, #tpu.memory_space<hbm>>
          tpu.enqueue_dma source(%dma_start3A_406 : memref<1x120xi32, #tpu.memory_space<hbm>>) target(%arg9 : memref<1x120xi32, #tpu.memory_space<vmem>>) target_semaphore(%arg25 : memref<!tpu.dma_semaphore, #tpu.memory_space<semaphore_mem>>)
          %add3A_407 = arith.constant 5 : i32
          %add3A_408 = arith.addi %add3A_272, %add3A_407 : i32
          %dma_start3A_409 = arith.constant 0 : i32
          %dma_start3A_410 = arith.constant 0 : i32
          %dma_start3A_411 = tpu.memref_slice %arg4[%add3A, %add3A_408, %dma_start3A_409, %dma_start3A_410] : memref<32x84x1x120xi32, #tpu.memory_space<hbm>> -> memref<1x1x1x120xi32, #tpu.memory_space<hbm>>
          %dma_start3A_412 = tpu.memref_squeeze %dma_start3A_411 : memref<1x1x1x120xi32, #tpu.memory_space<hbm>> -> memref<1x120xi32, #tpu.memory_space<hbm>>
          %dma_start3A_413 = arith.constant 0 : i32
          %dma_start3A_414 = arith.constant 0 : i32
          %dma_start3A_415 = tpu.memref_slice %arg4[%add3A, %add3A_408, %dma_start3A_413, %dma_start3A_414] : memref<32x84x1x120xi32, #tpu.memory_space<hbm>> -> memref<1x1x1x120xi32, #tpu.memory_space<hbm>>
          %dma_start3A_416 = tpu.memref_squeeze %dma_start3A_415 : memref<1x1x1x120xi32, #tpu.memory_space<hbm>> -> memref<1x120xi32, #tpu.memory_space<hbm>>
          tpu.enqueue_dma source(%dma_start3A_416 : memref<1x120xi32, #tpu.memory_space<hbm>>) target(%arg15 : memref<1x120xi32, #tpu.memory_space<vmem>>) target_semaphore(%arg31 : memref<!tpu.dma_semaphore, #tpu.memory_space<semaphore_mem>>)
        } else {
        }
      } else {
      }
      %add3A_300 = arith.constant 2 : i32
      %add3A_301 = arith.addi %add3A_272, %add3A_300 : i32
      %lt3A_302 = arith.constant 84 : i32
      %lt3A_303 = arith.cmpi slt, %add3A_301, %lt3A_302 : i32
      %convert_element_type3A_304 = arith.extui %lt3A_303 : i1 to i32
      %cond3A_305 = arith.constant 0 : i32
      %cond3A_306 = arith.cmpi ne, %convert_element_type3A_304, %cond3A_305 : i32
      scf.if %cond3A_306 {
        %add3A_383 = arith.constant 2 : i32
        %add3A_384 = arith.addi %add3A_272, %add3A_383 : i32
        %dma_wait3A_385 = arith.constant 0 : i32
        %dma_wait3A_386 = arith.constant 0 : i32
        %dma_wait3A_387 = tpu.memref_slice %arg3[%add3A, %add3A_384, %dma_wait3A_385, %dma_wait3A_386] : memref<32x84x1x120xi32, #tpu.memory_space<hbm>> -> memref<1x1x1x120xi32, #tpu.memory_space<hbm>>
        %dma_wait3A_388 = tpu.memref_squeeze %dma_wait3A_387 : memref<1x1x1x120xi32, #tpu.memory_space<hbm>> -> memref<1x120xi32, #tpu.memory_space<hbm>>
        %dma_wait3A_389 = arith.constant 0 : i32
        %dma_wait3A_390 = arith.constant 0 : i32
        %dma_wait3A_391 = tpu.memref_slice %arg3[%add3A, %add3A_384, %dma_wait3A_389, %dma_wait3A_390] : memref<32x84x1x120xi32, #tpu.memory_space<hbm>> -> memref<1x1x1x120xi32, #tpu.memory_space<hbm>>
        %dma_wait3A_392 = tpu.memref_squeeze %dma_wait3A_391 : memref<1x1x1x120xi32, #tpu.memory_space<hbm>> -> memref<1x120xi32, #tpu.memory_space<hbm>>
        tpu.wait_dma2 semaphore(%arg28 : memref<!tpu.dma_semaphore, #tpu.memory_space<semaphore_mem>>) src(%dma_wait3A_392 : memref<1x120xi32, #tpu.memory_space<hbm>>) dst(%arg12 : memref<1x120xi32, #tpu.memory_space<vmem>>)
        %dma_start3A_393 = arith.constant 0 : i32
        %dma_start3A_394 = arith.constant 0 : i32
        %dma_start3A_395 = tpu.memref_slice %arg12[%dma_start3A_393, %dma_start3A_394] : memref<1x120xi32, #tpu.memory_space<vmem>> -> memref<1x120xi32, #tpu.memory_space<vmem>>
        %dma_start3A_396 = tpu.memref_squeeze %dma_start3A_395 : memref<1x120xi32, #tpu.memory_space<vmem>> -> memref<120xi32, #tpu.memory_space<vmem>>
        %dma_start3A_397 = arith.constant 0 : i32
        %dma_start3A_398 = arith.constant 0 : i32
        %dma_start3A_399 = tpu.memref_slice %arg2[%dma_start3A_397, %dma_start3A_398] : memref<10000x128xf32, #tpu.memory_space<hbm>> -> memref<10000x128xf32, #tpu.memory_space<hbm>>
        tpu.enqueue_indirect_dma source(%dma_start3A_399 : memref<10000x128xf32, #tpu.memory_space<hbm>>) target(%arg21 : memref<120x128xf32, #tpu.memory_space<vmem>>) offsets(%dma_start3A_396 : memref<120xi32, #tpu.memory_space<vmem>>) semaphore(%arg37 : memref<!tpu.dma_semaphore, #tpu.memory_space<semaphore_mem>>)
      } else {
      }
      %mul3A_307 = arith.constant 6 : i32
      %mul3A_308 = arith.muli %mul3A_307, %scan3A_158 : i32
      %add3A_309 = arith.constant 4 : i32
      %add3A_310 = arith.addi %mul3A_308, %add3A_309 : i32
      %dma_wait3A_311 = arith.constant 0 : i32
      %dma_wait3A_312 = arith.constant 0 : i32
      %dma_wait3A_313 = tpu.memref_slice %arg11[%dma_wait3A_311, %dma_wait3A_312] : memref<1x120xi32, #tpu.memory_space<vmem>> -> memref<1x120xi32, #tpu.memory_space<vmem>>
      %dma_wait3A_314 = tpu.memref_squeeze %dma_wait3A_313 : memref<1x120xi32, #tpu.memory_space<vmem>> -> memref<120xi32, #tpu.memory_space<vmem>>
      %dma_wait3A_315 = arith.constant 0 : i32
      %dma_wait3A_316 = arith.constant 0 : i32
      %dma_wait3A_317 = tpu.memref_slice %arg2[%dma_wait3A_315, %dma_wait3A_316] : memref<10000x128xf32, #tpu.memory_space<hbm>> -> memref<10000x128xf32, #tpu.memory_space<hbm>>
      tpu.wait_indirect_dma semaphore(%arg36 : memref<!tpu.dma_semaphore, #tpu.memory_space<semaphore_mem>>) src(%dma_wait3A_317 : memref<10000x128xf32, #tpu.memory_space<hbm>>) dst(%arg20 : memref<120x128xf32, #tpu.memory_space<vmem>>)
      %dma_wait3A_318 = arith.constant 0 : i32
      %dma_wait3A_319 = arith.constant 0 : i32
      %dma_wait3A_320 = tpu.memref_slice %arg4[%add3A, %add3A_310, %dma_wait3A_318, %dma_wait3A_319] : memref<32x84x1x120xi32, #tpu.memory_space<hbm>> -> memref<1x1x1x120xi32, #tpu.memory_space<hbm>>
      %dma_wait3A_321 = tpu.memref_squeeze %dma_wait3A_320 : memref<1x1x1x120xi32, #tpu.memory_space<hbm>> -> memref<1x120xi32, #tpu.memory_space<hbm>>
      %dma_wait3A_322 = arith.constant 0 : i32
      %dma_wait3A_323 = arith.constant 0 : i32
      %dma_wait3A_324 = tpu.memref_slice %arg4[%add3A, %add3A_310, %dma_wait3A_322, %dma_wait3A_323] : memref<32x84x1x120xi32, #tpu.memory_space<hbm>> -> memref<1x1x1x120xi32, #tpu.memory_space<hbm>>
      %dma_wait3A_325 = tpu.memref_squeeze %dma_wait3A_324 : memref<1x1x1x120xi32, #tpu.memory_space<hbm>> -> memref<1x120xi32, #tpu.memory_space<hbm>>
      tpu.wait_dma2 semaphore(%arg33 : memref<!tpu.dma_semaphore, #tpu.memory_space<semaphore_mem>>) src(%dma_wait3A_325 : memref<1x120xi32, #tpu.memory_space<hbm>>) dst(%arg17 : memref<1x120xi32, #tpu.memory_space<vmem>>)
      %dma_start3A_326 = arith.constant 0 : i32
      %dma_start3A_327 = arith.constant 0 : i32
      %dma_start3A_328 = tpu.memref_slice %arg17[%dma_start3A_326, %dma_start3A_327] : memref<1x120xi32, #tpu.memory_space<vmem>> -> memref<1x120xi32, #tpu.memory_space<vmem>>
      %dma_start3A_329 = tpu.memref_squeeze %dma_start3A_328 : memref<1x120xi32, #tpu.memory_space<vmem>> -> memref<120xi32, #tpu.memory_space<vmem>>
      %dma_start3A_330 = arith.constant 0 : i32
      %dma_start3A_331 = arith.constant 0 : i32
      %dma_start3A_332 = tpu.memref_slice %arg22[%dma_start3A_330, %dma_start3A_331] : memref<10240x128xf32, #tpu.memory_space<vmem_shared>> -> memref<10240x128xf32, #tpu.memory_space<vmem_shared>>
      tpu.enqueue_indirect_dma source(%arg20 : memref<120x128xf32, #tpu.memory_space<vmem>>) target(%dma_start3A_332 : memref<10240x128xf32, #tpu.memory_space<vmem_shared>>) offsets(%dma_start3A_329 : memref<120xi32, #tpu.memory_space<vmem>>) semaphore(%arg39 : memref<!tpu.dma_semaphore, #tpu.memory_space<semaphore_mem>>) {add = true}
      %ge3A_333 = arith.constant 1 : i32
      %ge3A_334 = arith.cmpi sge, %add3A_310, %ge3A_333 : i32
      %convert_element_type3A_335 = arith.extui %ge3A_334 : i1 to i32
      %cond3A_336 = arith.constant 0 : i32
      %cond3A_337 = arith.cmpi ne, %convert_element_type3A_335, %cond3A_336 : i32
      scf.if %cond3A_337 {
        %dma_wait3A_383 = arith.constant 0 : i32
        %dma_wait3A_384 = arith.constant 0 : i32
        %dma_wait3A_385 = tpu.memref_slice %arg16[%dma_wait3A_383, %dma_wait3A_384] : memref<1x120xi32, #tpu.memory_space<vmem>> -> memref<1x120xi32, #tpu.memory_space<vmem>>
        %dma_wait3A_386 = tpu.memref_squeeze %dma_wait3A_385 : memref<1x120xi32, #tpu.memory_space<vmem>> -> memref<120xi32, #tpu.memory_space<vmem>>
        %dma_wait3A_387 = arith.constant 0 : i32
        %dma_wait3A_388 = arith.constant 0 : i32
        %dma_wait3A_389 = tpu.memref_slice %arg22[%dma_wait3A_387, %dma_wait3A_388] : memref<10240x128xf32, #tpu.memory_space<vmem_shared>> -> memref<10240x128xf32, #tpu.memory_space<vmem_shared>>
        tpu.wait_indirect_dma semaphore(%arg38 : memref<!tpu.dma_semaphore, #tpu.memory_space<semaphore_mem>>) src(%arg19 : memref<120x128xf32, #tpu.memory_space<vmem>>) dst(%dma_wait3A_389 : memref<10240x128xf32, #tpu.memory_space<vmem_shared>>)
        %add3A_390 = arith.constant 5 : i32
        %add3A_391 = arith.addi %add3A_310, %add3A_390 : i32
        %lt3A_392 = arith.constant 84 : i32
        %lt3A_393 = arith.cmpi slt, %add3A_391, %lt3A_392 : i32
        %convert_element_type3A_394 = arith.extui %lt3A_393 : i1 to i32
        %cond3A_395 = arith.constant 0 : i32
        %cond3A_396 = arith.cmpi ne, %convert_element_type3A_394, %cond3A_395 : i32
        scf.if %cond3A_396 {
          %add3A_397 = arith.constant 5 : i32
          %add3A_398 = arith.addi %add3A_310, %add3A_397 : i32
          %dma_start3A_399 = arith.constant 0 : i32
          %dma_start3A_400 = arith.constant 0 : i32
          %dma_start3A_401 = tpu.memref_slice %arg3[%add3A, %add3A_398, %dma_start3A_399, %dma_start3A_400] : memref<32x84x1x120xi32, #tpu.memory_space<hbm>> -> memref<1x1x1x120xi32, #tpu.memory_space<hbm>>
          %dma_start3A_402 = tpu.memref_squeeze %dma_start3A_401 : memref<1x1x1x120xi32, #tpu.memory_space<hbm>> -> memref<1x120xi32, #tpu.memory_space<hbm>>
          %dma_start3A_403 = arith.constant 0 : i32
          %dma_start3A_404 = arith.constant 0 : i32
          %dma_start3A_405 = tpu.memref_slice %arg3[%add3A, %add3A_398, %dma_start3A_403, %dma_start3A_404] : memref<32x84x1x120xi32, #tpu.memory_space<hbm>> -> memref<1x1x1x120xi32, #tpu.memory_space<hbm>>
          %dma_start3A_406 = tpu.memref_squeeze %dma_start3A_405 : memref<1x1x1x120xi32, #tpu.memory_space<hbm>> -> memref<1x120xi32, #tpu.memory_space<hbm>>
          tpu.enqueue_dma source(%dma_start3A_406 : memref<1x120xi32, #tpu.memory_space<hbm>>) target(%arg10 : memref<1x120xi32, #tpu.memory_space<vmem>>) target_semaphore(%arg26 : memref<!tpu.dma_semaphore, #tpu.memory_space<semaphore_mem>>)
          %add3A_407 = arith.constant 5 : i32
          %add3A_408 = arith.addi %add3A_310, %add3A_407 : i32
          %dma_start3A_409 = arith.constant 0 : i32
          %dma_start3A_410 = arith.constant 0 : i32
          %dma_start3A_411 = tpu.memref_slice %arg4[%add3A, %add3A_408, %dma_start3A_409, %dma_start3A_410] : memref<32x84x1x120xi32, #tpu.memory_space<hbm>> -> memref<1x1x1x120xi32, #tpu.memory_space<hbm>>
          %dma_start3A_412 = tpu.memref_squeeze %dma_start3A_411 : memref<1x1x1x120xi32, #tpu.memory_space<hbm>> -> memref<1x120xi32, #tpu.memory_space<hbm>>
          %dma_start3A_413 = arith.constant 0 : i32
          %dma_start3A_414 = arith.constant 0 : i32
          %dma_start3A_415 = tpu.memref_slice %arg4[%add3A, %add3A_408, %dma_start3A_413, %dma_start3A_414] : memref<32x84x1x120xi32, #tpu.memory_space<hbm>> -> memref<1x1x1x120xi32, #tpu.memory_space<hbm>>
          %dma_start3A_416 = tpu.memref_squeeze %dma_start3A_415 : memref<1x1x1x120xi32, #tpu.memory_space<hbm>> -> memref<1x120xi32, #tpu.memory_space<hbm>>
          tpu.enqueue_dma source(%dma_start3A_416 : memref<1x120xi32, #tpu.memory_space<hbm>>) target(%arg16 : memref<1x120xi32, #tpu.memory_space<vmem>>) target_semaphore(%arg32 : memref<!tpu.dma_semaphore, #tpu.memory_space<semaphore_mem>>)
        } else {
        }
      } else {
      }
      %add3A_338 = arith.constant 2 : i32
      %add3A_339 = arith.addi %add3A_310, %add3A_338 : i32
      %lt3A_340 = arith.constant 84 : i32
      %lt3A_341 = arith.cmpi slt, %add3A_339, %lt3A_340 : i32
      %convert_element_type3A_342 = arith.extui %lt3A_341 : i1 to i32
      %cond3A_343 = arith.constant 0 : i32
      %cond3A_344 = arith.cmpi ne, %convert_element_type3A_342, %cond3A_343 : i32
      scf.if %cond3A_344 {
        %add3A_383 = arith.constant 2 : i32
        %add3A_384 = arith.addi %add3A_310, %add3A_383 : i32
        %dma_wait3A_385 = arith.constant 0 : i32
        %dma_wait3A_386 = arith.constant 0 : i32
        %dma_wait3A_387 = tpu.memref_slice %arg3[%add3A, %add3A_384, %dma_wait3A_385, %dma_wait3A_386] : memref<32x84x1x120xi32, #tpu.memory_space<hbm>> -> memref<1x1x1x120xi32, #tpu.memory_space<hbm>>
        %dma_wait3A_388 = tpu.memref_squeeze %dma_wait3A_387 : memref<1x1x1x120xi32, #tpu.memory_space<hbm>> -> memref<1x120xi32, #tpu.memory_space<hbm>>
        %dma_wait3A_389 = arith.constant 0 : i32
        %dma_wait3A_390 = arith.constant 0 : i32
        %dma_wait3A_391 = tpu.memref_slice %arg3[%add3A, %add3A_384, %dma_wait3A_389, %dma_wait3A_390] : memref<32x84x1x120xi32, #tpu.memory_space<hbm>> -> memref<1x1x1x120xi32, #tpu.memory_space<hbm>>
        %dma_wait3A_392 = tpu.memref_squeeze %dma_wait3A_391 : memref<1x1x1x120xi32, #tpu.memory_space<hbm>> -> memref<1x120xi32, #tpu.memory_space<hbm>>
        tpu.wait_dma2 semaphore(%arg23 : memref<!tpu.dma_semaphore, #tpu.memory_space<semaphore_mem>>) src(%dma_wait3A_392 : memref<1x120xi32, #tpu.memory_space<hbm>>) dst(%arg7 : memref<1x120xi32, #tpu.memory_space<vmem>>)
        %dma_start3A_393 = arith.constant 0 : i32
        %dma_start3A_394 = arith.constant 0 : i32
        %dma_start3A_395 = tpu.memref_slice %arg7[%dma_start3A_393, %dma_start3A_394] : memref<1x120xi32, #tpu.memory_space<vmem>> -> memref<1x120xi32, #tpu.memory_space<vmem>>
        %dma_start3A_396 = tpu.memref_squeeze %dma_start3A_395 : memref<1x120xi32, #tpu.memory_space<vmem>> -> memref<120xi32, #tpu.memory_space<vmem>>
        %dma_start3A_397 = arith.constant 0 : i32
        %dma_start3A_398 = arith.constant 0 : i32
        %dma_start3A_399 = tpu.memref_slice %arg2[%dma_start3A_397, %dma_start3A_398] : memref<10000x128xf32, #tpu.memory_space<hbm>> -> memref<10000x128xf32, #tpu.memory_space<hbm>>
        tpu.enqueue_indirect_dma source(%dma_start3A_399 : memref<10000x128xf32, #tpu.memory_space<hbm>>) target(%arg19 : memref<120x128xf32, #tpu.memory_space<vmem>>) offsets(%dma_start3A_396 : memref<120xi32, #tpu.memory_space<vmem>>) semaphore(%arg35 : memref<!tpu.dma_semaphore, #tpu.memory_space<semaphore_mem>>)
      } else {
      }
      %mul3A_345 = arith.constant 6 : i32
      %mul3A_346 = arith.muli %mul3A_345, %scan3A_158 : i32
      %add3A_347 = arith.constant 5 : i32
      %add3A_348 = arith.addi %mul3A_346, %add3A_347 : i32
      %dma_wait3A_349 = arith.constant 0 : i32
      %dma_wait3A_350 = arith.constant 0 : i32
      %dma_wait3A_351 = tpu.memref_slice %arg12[%dma_wait3A_349, %dma_wait3A_350] : memref<1x120xi32, #tpu.memory_space<vmem>> -> memref<1x120xi32, #tpu.memory_space<vmem>>
      %dma_wait3A_352 = tpu.memref_squeeze %dma_wait3A_351 : memref<1x120xi32, #tpu.memory_space<vmem>> -> memref<120xi32, #tpu.memory_space<vmem>>
      %dma_wait3A_353 = arith.constant 0 : i32
      %dma_wait3A_354 = arith.constant 0 : i32
      %dma_wait3A_355 = tpu.memref_slice %arg2[%dma_wait3A_353, %dma_wait3A_354] : memref<10000x128xf32, #tpu.memory_space<hbm>> -> memref<10000x128xf32, #tpu.memory_space<hbm>>
      tpu.wait_indirect_dma semaphore(%arg37 : memref<!tpu.dma_semaphore, #tpu.memory_space<semaphore_mem>>) src(%dma_wait3A_355 : memref<10000x128xf32, #tpu.memory_space<hbm>>) dst(%arg21 : memref<120x128xf32, #tpu.memory_space<vmem>>)
      %dma_wait3A_356 = arith.constant 0 : i32
      %dma_wait3A_357 = arith.constant 0 : i32
      %dma_wait3A_358 = tpu.memref_slice %arg4[%add3A, %add3A_348, %dma_wait3A_356, %dma_wait3A_357] : memref<32x84x1x120xi32, #tpu.memory_space<hbm>> -> memref<1x1x1x120xi32, #tpu.memory_space<hbm>>
      %dma_wait3A_359 = tpu.memref_squeeze %dma_wait3A_358 : memref<1x1x1x120xi32, #tpu.memory_space<hbm>> -> memref<1x120xi32, #tpu.memory_space<hbm>>
      %dma_wait3A_360 = arith.constant 0 : i32
      %dma_wait3A_361 = arith.constant 0 : i32
      %dma_wait3A_362 = tpu.memref_slice %arg4[%add3A, %add3A_348, %dma_wait3A_360, %dma_wait3A_361] : memref<32x84x1x120xi32, #tpu.memory_space<hbm>> -> memref<1x1x1x120xi32, #tpu.memory_space<hbm>>
      %dma_wait3A_363 = tpu.memref_squeeze %dma_wait3A_362 : memref<1x1x1x120xi32, #tpu.memory_space<hbm>> -> memref<1x120xi32, #tpu.memory_space<hbm>>
      tpu.wait_dma2 semaphore(%arg34 : memref<!tpu.dma_semaphore, #tpu.memory_space<semaphore_mem>>) src(%dma_wait3A_363 : memref<1x120xi32, #tpu.memory_space<hbm>>) dst(%arg18 : memref<1x120xi32, #tpu.memory_space<vmem>>)
      %dma_start3A_364 = arith.constant 0 : i32
      %dma_start3A_365 = arith.constant 0 : i32
      %dma_start3A_366 = tpu.memref_slice %arg18[%dma_start3A_364, %dma_start3A_365] : memref<1x120xi32, #tpu.memory_space<vmem>> -> memref<1x120xi32, #tpu.memory_space<vmem>>
      %dma_start3A_367 = tpu.memref_squeeze %dma_start3A_366 : memref<1x120xi32, #tpu.memory_space<vmem>> -> memref<120xi32, #tpu.memory_space<vmem>>
      %dma_start3A_368 = arith.constant 0 : i32
      %dma_start3A_369 = arith.constant 0 : i32
      %dma_start3A_370 = tpu.memref_slice %arg22[%dma_start3A_368, %dma_start3A_369] : memref<10240x128xf32, #tpu.memory_space<vmem_shared>> -> memref<10240x128xf32, #tpu.memory_space<vmem_shared>>
      tpu.enqueue_indirect_dma source(%arg21 : memref<120x128xf32, #tpu.memory_space<vmem>>) target(%dma_start3A_370 : memref<10240x128xf32, #tpu.memory_space<vmem_shared>>) offsets(%dma_start3A_367 : memref<120xi32, #tpu.memory_space<vmem>>) semaphore(%arg40 : memref<!tpu.dma_semaphore, #tpu.memory_space<semaphore_mem>>) {add = true}
      %ge3A_371 = arith.constant 1 : i32
      %ge3A_372 = arith.cmpi sge, %add3A_348, %ge3A_371 : i32
      %convert_element_type3A_373 = arith.extui %ge3A_372 : i1 to i32
      %cond3A_374 = arith.constant 0 : i32
      %cond3A_375 = arith.cmpi ne, %convert_element_type3A_373, %cond3A_374 : i32
      scf.if %cond3A_375 {
        %dma_wait3A_383 = arith.constant 0 : i32
        %dma_wait3A_384 = arith.constant 0 : i32
        %dma_wait3A_385 = tpu.memref_slice %arg17[%dma_wait3A_383, %dma_wait3A_384] : memref<1x120xi32, #tpu.memory_space<vmem>> -> memref<1x120xi32, #tpu.memory_space<vmem>>
        %dma_wait3A_386 = tpu.memref_squeeze %dma_wait3A_385 : memref<1x120xi32, #tpu.memory_space<vmem>> -> memref<120xi32, #tpu.memory_space<vmem>>
        %dma_wait3A_387 = arith.constant 0 : i32
        %dma_wait3A_388 = arith.constant 0 : i32
        %dma_wait3A_389 = tpu.memref_slice %arg22[%dma_wait3A_387, %dma_wait3A_388] : memref<10240x128xf32, #tpu.memory_space<vmem_shared>> -> memref<10240x128xf32, #tpu.memory_space<vmem_shared>>
        tpu.wait_indirect_dma semaphore(%arg39 : memref<!tpu.dma_semaphore, #tpu.memory_space<semaphore_mem>>) src(%arg20 : memref<120x128xf32, #tpu.memory_space<vmem>>) dst(%dma_wait3A_389 : memref<10240x128xf32, #tpu.memory_space<vmem_shared>>)
        %add3A_390 = arith.constant 5 : i32
        %add3A_391 = arith.addi %add3A_348, %add3A_390 : i32
        %lt3A_392 = arith.constant 84 : i32
        %lt3A_393 = arith.cmpi slt, %add3A_391, %lt3A_392 : i32
        %convert_element_type3A_394 = arith.extui %lt3A_393 : i1 to i32
        %cond3A_395 = arith.constant 0 : i32
        %cond3A_396 = arith.cmpi ne, %convert_element_type3A_394, %cond3A_395 : i32
        scf.if %cond3A_396 {
          %add3A_397 = arith.constant 5 : i32
          %add3A_398 = arith.addi %add3A_348, %add3A_397 : i32
          %dma_start3A_399 = arith.constant 0 : i32
          %dma_start3A_400 = arith.constant 0 : i32
          %dma_start3A_401 = tpu.memref_slice %arg3[%add3A, %add3A_398, %dma_start3A_399, %dma_start3A_400] : memref<32x84x1x120xi32, #tpu.memory_space<hbm>> -> memref<1x1x1x120xi32, #tpu.memory_space<hbm>>
          %dma_start3A_402 = tpu.memref_squeeze %dma_start3A_401 : memref<1x1x1x120xi32, #tpu.memory_space<hbm>> -> memref<1x120xi32, #tpu.memory_space<hbm>>
          %dma_start3A_403 = arith.constant 0 : i32
          %dma_start3A_404 = arith.constant 0 : i32
          %dma_start3A_405 = tpu.memref_slice %arg3[%add3A, %add3A_398, %dma_start3A_403, %dma_start3A_404] : memref<32x84x1x120xi32, #tpu.memory_space<hbm>> -> memref<1x1x1x120xi32, #tpu.memory_space<hbm>>
          %dma_start3A_406 = tpu.memref_squeeze %dma_start3A_405 : memref<1x1x1x120xi32, #tpu.memory_space<hbm>> -> memref<1x120xi32, #tpu.memory_space<hbm>>
          tpu.enqueue_dma source(%dma_start3A_406 : memref<1x120xi32, #tpu.memory_space<hbm>>) target(%arg11 : memref<1x120xi32, #tpu.memory_space<vmem>>) target_semaphore(%arg27 : memref<!tpu.dma_semaphore, #tpu.memory_space<semaphore_mem>>)
          %add3A_407 = arith.constant 5 : i32
          %add3A_408 = arith.addi %add3A_348, %add3A_407 : i32
          %dma_start3A_409 = arith.constant 0 : i32
          %dma_start3A_410 = arith.constant 0 : i32
          %dma_start3A_411 = tpu.memref_slice %arg4[%add3A, %add3A_408, %dma_start3A_409, %dma_start3A_410] : memref<32x84x1x120xi32, #tpu.memory_space<hbm>> -> memref<1x1x1x120xi32, #tpu.memory_space<hbm>>
          %dma_start3A_412 = tpu.memref_squeeze %dma_start3A_411 : memref<1x1x1x120xi32, #tpu.memory_space<hbm>> -> memref<1x120xi32, #tpu.memory_space<hbm>>
          %dma_start3A_413 = arith.constant 0 : i32
          %dma_start3A_414 = arith.constant 0 : i32
          %dma_start3A_415 = tpu.memref_slice %arg4[%add3A, %add3A_408, %dma_start3A_413, %dma_start3A_414] : memref<32x84x1x120xi32, #tpu.memory_space<hbm>> -> memref<1x1x1x120xi32, #tpu.memory_space<hbm>>
          %dma_start3A_416 = tpu.memref_squeeze %dma_start3A_415 : memref<1x1x1x120xi32, #tpu.memory_space<hbm>> -> memref<1x120xi32, #tpu.memory_space<hbm>>
          tpu.enqueue_dma source(%dma_start3A_416 : memref<1x120xi32, #tpu.memory_space<hbm>>) target(%arg17 : memref<1x120xi32, #tpu.memory_space<vmem>>) target_semaphore(%arg33 : memref<!tpu.dma_semaphore, #tpu.memory_space<semaphore_mem>>)
        } else {
        }
      } else {
      }
      %add3A_376 = arith.constant 2 : i32
      %add3A_377 = arith.addi %add3A_348, %add3A_376 : i32
      %lt3A_378 = arith.constant 84 : i32
      %lt3A_379 = arith.cmpi slt, %add3A_377, %lt3A_378 : i32
      %convert_element_type3A_380 = arith.extui %lt3A_379 : i1 to i32
      %cond3A_381 = arith.constant 0 : i32
      %cond3A_382 = arith.cmpi ne, %convert_element_type3A_380, %cond3A_381 : i32
      scf.if %cond3A_382 {
        %add3A_383 = arith.constant 2 : i32
        %add3A_384 = arith.addi %add3A_348, %add3A_383 : i32
        %dma_wait3A_385 = arith.constant 0 : i32
        %dma_wait3A_386 = arith.constant 0 : i32
        %dma_wait3A_387 = tpu.memref_slice %arg3[%add3A, %add3A_384, %dma_wait3A_385, %dma_wait3A_386] : memref<32x84x1x120xi32, #tpu.memory_space<hbm>> -> memref<1x1x1x120xi32, #tpu.memory_space<hbm>>
        %dma_wait3A_388 = tpu.memref_squeeze %dma_wait3A_387 : memref<1x1x1x120xi32, #tpu.memory_space<hbm>> -> memref<1x120xi32, #tpu.memory_space<hbm>>
        %dma_wait3A_389 = arith.constant 0 : i32
        %dma_wait3A_390 = arith.constant 0 : i32
        %dma_wait3A_391 = tpu.memref_slice %arg3[%add3A, %add3A_384, %dma_wait3A_389, %dma_wait3A_390] : memref<32x84x1x120xi32, #tpu.memory_space<hbm>> -> memref<1x1x1x120xi32, #tpu.memory_space<hbm>>
        %dma_wait3A_392 = tpu.memref_squeeze %dma_wait3A_391 : memref<1x1x1x120xi32, #tpu.memory_space<hbm>> -> memref<1x120xi32, #tpu.memory_space<hbm>>
        tpu.wait_dma2 semaphore(%arg24 : memref<!tpu.dma_semaphore, #tpu.memory_space<semaphore_mem>>) src(%dma_wait3A_392 : memref<1x120xi32, #tpu.memory_space<hbm>>) dst(%arg8 : memref<1x120xi32, #tpu.memory_space<vmem>>)
        %dma_start3A_393 = arith.constant 0 : i32
        %dma_start3A_394 = arith.constant 0 : i32
        %dma_start3A_395 = tpu.memref_slice %arg8[%dma_start3A_393, %dma_start3A_394] : memref<1x120xi32, #tpu.memory_space<vmem>> -> memref<1x120xi32, #tpu.memory_space<vmem>>
        %dma_start3A_396 = tpu.memref_squeeze %dma_start3A_395 : memref<1x120xi32, #tpu.memory_space<vmem>> -> memref<120xi32, #tpu.memory_space<vmem>>
        %dma_start3A_397 = arith.constant 0 : i32
        %dma_start3A_398 = arith.constant 0 : i32
        %dma_start3A_399 = tpu.memref_slice %arg2[%dma_start3A_397, %dma_start3A_398] : memref<10000x128xf32, #tpu.memory_space<hbm>> -> memref<10000x128xf32, #tpu.memory_space<hbm>>
        tpu.enqueue_indirect_dma source(%dma_start3A_399 : memref<10000x128xf32, #tpu.memory_space<hbm>>) target(%arg20 : memref<120x128xf32, #tpu.memory_space<vmem>>) offsets(%dma_start3A_396 : memref<120xi32, #tpu.memory_space<vmem>>) semaphore(%arg36 : memref<!tpu.dma_semaphore, #tpu.memory_space<semaphore_mem>>)
      } else {
      }
    }
    %scan3A_145 = arith.constant 14 : i32
    %dma_wait3A_146 = arith.constant 0 : i32
    %dma_wait3A_147 = arith.constant 0 : i32
    %dma_wait3A_148 = tpu.memref_slice %arg18[%dma_wait3A_146, %dma_wait3A_147] : memref<1x120xi32, #tpu.memory_space<vmem>> -> memref<1x120xi32, #tpu.memory_space<vmem>>
    %dma_wait3A_149 = tpu.memref_squeeze %dma_wait3A_148 : memref<1x120xi32, #tpu.memory_space<vmem>> -> memref<120xi32, #tpu.memory_space<vmem>>
    %dma_wait3A_150 = arith.constant 0 : i32
    %dma_wait3A_151 = arith.constant 0 : i32
    %dma_wait3A_152 = tpu.memref_slice %arg22[%dma_wait3A_150, %dma_wait3A_151] : memref<10240x128xf32, #tpu.memory_space<vmem_shared>> -> memref<10240x128xf32, #tpu.memory_space<vmem_shared>>
    tpu.wait_indirect_dma semaphore(%arg40 : memref<!tpu.dma_semaphore, #tpu.memory_space<semaphore_mem>>) src(%arg21 : memref<120x128xf32, #tpu.memory_space<vmem>>) dst(%dma_wait3A_152 : memref<10240x128xf32, #tpu.memory_space<vmem_shared>>)
    %barrier3A_153 = arith.constant 0 : index
    tpu.barrier barrier_id(%barrier3A_153)
    %mul3A_154 = arith.constant 640 : i32
    %mul3A_155 = arith.muli %arg1, %mul3A_154 : i32
    %mul3A_156 = arith.constant 640 : i32
    %mul3A_157 = arith.muli %arg1, %mul3A_156 : i32
    "tpu.region"() ({
      %run_scoped3A = tpu.sem_alloc : memref<!tpu.dma_semaphore, #tpu.memory_space<semaphore_mem>>
      %dma_start3A_158 = arith.constant 0 : i32
      %dma_start3A_159 = tpu.memref_slice %arg6[%arg0, %mul3A_157, %dma_start3A_158] : memref<2x10240x128xf32, #tpu.memory_space<hbm>> -> memref<1x640x128xf32, #tpu.memory_space<hbm>>
      %dma_start3A_160 = tpu.memref_squeeze %dma_start3A_159 : memref<1x640x128xf32, #tpu.memory_space<hbm>> -> memref<640x128xf32, #tpu.memory_space<hbm>>
      %dma_start3A_161 = arith.constant 0 : i32
      %dma_start3A_162 = tpu.memref_slice %arg22[%mul3A_155, %dma_start3A_161] : memref<10240x128xf32, #tpu.memory_space<vmem_shared>> -> memref<640x128xf32, #tpu.memory_space<vmem_shared>>
      tpu.enqueue_dma source(%dma_start3A_162 : memref<640x128xf32, #tpu.memory_space<vmem_shared>>) target(%dma_start3A_160 : memref<640x128xf32, #tpu.memory_space<hbm>>) target_semaphore(%run_scoped3A : memref<!tpu.dma_semaphore, #tpu.memory_space<semaphore_mem>>)
      %dma_wait3A_163 = arith.constant 0 : i32
      %dma_wait3A_164 = tpu.memref_slice %arg6[%arg0, %mul3A_157, %dma_wait3A_163] : memref<2x10240x128xf32, #tpu.memory_space<hbm>> -> memref<1x640x128xf32, #tpu.memory_space<hbm>>
      %dma_wait3A_165 = tpu.memref_squeeze %dma_wait3A_164 : memref<1x640x128xf32, #tpu.memory_space<hbm>> -> memref<640x128xf32, #tpu.memory_space<hbm>>
      %dma_wait3A_166 = arith.constant 0 : i32
      %dma_wait3A_167 = tpu.memref_slice %arg22[%mul3A_155, %dma_wait3A_166] : memref<10240x128xf32, #tpu.memory_space<vmem_shared>> -> memref<640x128xf32, #tpu.memory_space<vmem_shared>>
      tpu.wait_dma2 semaphore(%run_scoped3A : memref<!tpu.dma_semaphore, #tpu.memory_space<semaphore_mem>>) src(%dma_wait3A_167 : memref<640x128xf32, #tpu.memory_space<vmem_shared>>) dst(%dma_wait3A_165 : memref<640x128xf32, #tpu.memory_space<hbm>>)
      tpu.yield
    }) : () -> ()
    return
  }
}

module attributes {stable_mosaic.version = 14 : i64} {
  func.func @_ka_body(%arg0: memref<2x10240xf32, #tpu.memory_space<vmem>>, %arg1: memref<10000x128xf32, #tpu.memory_space<vmem>>, %arg2: memref<128x128xf32, #tpu.memory_space<vmem>>, %arg3: memref<10240x1xf32, #tpu.memory_space<vmem>>, %arg4: memref<10000x128xf32, #tpu.memory_space<vmem>>) attributes {dimension_semantics = [], scalar_prefetch = 0 : i64, scratch_operands = 0 : i64, tpu.core_type = #tpu.core_type<tc>} {
    %get3A = arith.constant 0 : index
    %get3A_0 = arith.constant 0 : index
    %get3A_1 = vector.load %arg0[%get3A, %get3A_0] : memref<2x10240xf32, #tpu.memory_space<vmem>>, vector<1x10240xf32>
    %get3A_2 = vector.shape_cast %get3A_1 : vector<1x10240xf32> to vector<10240xf32>
    %get3A_3 = arith.constant 1 : index
    %get3A_4 = arith.constant 0 : index
    %get3A_5 = vector.load %arg0[%get3A_3, %get3A_4] : memref<2x10240xf32, #tpu.memory_space<vmem>>, vector<1x10240xf32>
    %get3A_6 = vector.shape_cast %get3A_5 : vector<1x10240xf32> to vector<10240xf32>
    %add3A = arith.addf %get3A_2, %get3A_6 : vector<10240xf32>
    %add3A_7 = arith.constant 1.000000e+00 : f32
    %add3A_8 = vector.broadcast %add3A_7 : f32 to vector<10240xf32>
    %add3A_9 = arith.addf %add3A, %add3A_8 : vector<10240xf32>
    %rsqrt3A = math.rsqrt %add3A_9 : vector<10240xf32>
    %broadcast_in_dim3A = vector.shape_cast %rsqrt3A : vector<10240xf32> to vector<10240x1xf32>
    %swap3A = arith.constant 0 : index
    %swap3A_10 = arith.constant 0 : index
    %swap3A_11 = vector.load %arg3[%swap3A, %swap3A_10] : memref<10240x1xf32, #tpu.memory_space<vmem>>, vector<10240x1xf32>
    tpu.vector_store %arg3[%swap3A, %swap3A_10], %broadcast_in_dim3A {strides = array<i32>} : memref<10240x1xf32, #tpu.memory_space<vmem>>, vector<10240x1xf32>,
    %get3A_12 = arith.constant 0 : index
    %get3A_13 = arith.constant 0 : index
    %get3A_14 = vector.load %arg1[%get3A_12, %get3A_13] : memref<10000x128xf32, #tpu.memory_space<vmem>>, vector<10000x128xf32>
    %get3A_15 = arith.constant 0 : index
    %get3A_16 = arith.constant 0 : index
    %get3A_17 = vector.load %arg2[%get3A_15, %get3A_16] : memref<128x128xf32, #tpu.memory_space<vmem>>, vector<128x128xf32>
    %dot_general3A = arith.constant dense<0.000000e+00> : vector<10000x128xf32>
    %dot_general3A_18 = tpu.matmul %get3A_14, %get3A_17, %dot_general3A {dimension_numbers = #tpu.dot_dimension_numbers<[1], [0], [0], [1], [0, 0, 1, 1], [], []>, transpose_lhs_hint = false} : vector<10000x128xf32>, vector<128x128xf32>, vector<10000x128xf32> -> vector<10000x128xf32>
    %slice3A = vector.extract_strided_slice %broadcast_in_dim3A {offsets = [0, 0], sizes = [10000, 1], strides = [1, 1]} : vector<10240x1xf32> to vector<10000x1xf32>
    %mul3A = vector.broadcast %slice3A : vector<10000x1xf32> to vector<10000x128xf32>
    %mul3A_19 = arith.mulf %dot_general3A_18, %mul3A : vector<10000x128xf32>
    %swap3A_20 = arith.constant 0 : index
    %swap3A_21 = arith.constant 0 : index
    %swap3A_22 = vector.load %arg4[%swap3A_20, %swap3A_21] : memref<10000x128xf32, #tpu.memory_space<vmem>>, vector<10000x128xf32>
    tpu.vector_store %arg4[%swap3A_20, %swap3A_21], %mul3A_19 {strides = array<i32>} : memref<10000x128xf32, #tpu.memory_space<vmem>>, vector<10000x128xf32>,
    return
  }
}

module attributes {stable_mosaic.version = 14 : i64} {
  func.func @_kmid_body(%arg0: memref<2x10240x128xf32, #tpu.memory_space<vmem>>, %arg1: memref<10000x128xf32, #tpu.memory_space<vmem>>, %arg2: memref<10240x1xf32, #tpu.memory_space<vmem>>, %arg3: memref<128xf32, #tpu.memory_space<vmem>>, %arg4: memref<128x128xf32, #tpu.memory_space<vmem>>, %arg5: memref<10000x128xf32, #tpu.memory_space<vmem>>) attributes {dimension_semantics = [], scalar_prefetch = 0 : i64, scratch_operands = 0 : i64, tpu.core_type = #tpu.core_type<tc>} {
    %get3A = arith.constant 0 : index
    %get3A_0 = arith.constant 0 : index
    %get3A_1 = vector.load %arg2[%get3A, %get3A_0] : memref<10240x1xf32, #tpu.memory_space<vmem>>, vector<10240x1xf32>
    %slice3A = vector.extract_strided_slice %get3A_1 {offsets = [0, 0], sizes = [10000, 1], strides = [1, 1]} : vector<10240x1xf32> to vector<10000x1xf32>
    %get3A_2 = arith.constant 0 : index
    %get3A_3 = arith.constant 0 : index
    %get3A_4 = arith.constant 0 : index
    %get3A_5 = vector.load %arg0[%get3A_2, %get3A_3, %get3A_4] : memref<2x10240x128xf32, #tpu.memory_space<vmem>>, vector<1x10000x128xf32>
    %get3A_6 = vector.shape_cast %get3A_5 : vector<1x10000x128xf32> to vector<10000x128xf32>
    %get3A_7 = arith.constant 1 : index
    %get3A_8 = arith.constant 0 : index
    %get3A_9 = arith.constant 0 : index
    %get3A_10 = vector.load %arg0[%get3A_7, %get3A_8, %get3A_9] : memref<2x10240x128xf32, #tpu.memory_space<vmem>>, vector<1x10000x128xf32>
    %get3A_11 = vector.shape_cast %get3A_10 : vector<1x10000x128xf32> to vector<10000x128xf32>
    %add3A = arith.addf %get3A_6, %get3A_11 : vector<10000x128xf32>
    %get3A_12 = arith.constant 0 : index
    %get3A_13 = arith.constant 0 : index
    %get3A_14 = vector.load %arg1[%get3A_12, %get3A_13] : memref<10000x128xf32, #tpu.memory_space<vmem>>, vector<10000x128xf32>
    %add3A_15 = arith.addf %add3A, %get3A_14 : vector<10000x128xf32>
    %mul3A = vector.broadcast %slice3A : vector<10000x1xf32> to vector<10000x128xf32>
    %mul3A_16 = arith.mulf %add3A_15, %mul3A : vector<10000x128xf32>
    %get3A_17 = arith.constant 0 : index
    %get3A_18 = vector.load %arg3[%get3A_17] : memref<128xf32, #tpu.memory_space<vmem>>, vector<128xf32>
    %broadcast_in_dim3A = vector.shape_cast %get3A_18 : vector<128xf32> to vector<1x128xf32>
    %add3A_19 = vector.broadcast %broadcast_in_dim3A : vector<1x128xf32> to vector<10000x128xf32>
    %add3A_20 = arith.addf %mul3A_16, %add3A_19 : vector<10000x128xf32>
    %max3A = arith.constant 0.000000e+00 : f32
    %max3A_21 = vector.broadcast %max3A : f32 to vector<10000x128xf32>
    %max3A_22 = arith.maximumf %add3A_20, %max3A_21 : vector<10000x128xf32>
    %get3A_23 = arith.constant 0 : index
    %get3A_24 = arith.constant 0 : index
    %get3A_25 = vector.load %arg4[%get3A_23, %get3A_24] : memref<128x128xf32, #tpu.memory_space<vmem>>, vector<128x128xf32>
    %dot_general3A = arith.constant dense<0.000000e+00> : vector<10000x128xf32>
    %dot_general3A_26 = tpu.matmul %max3A_22, %get3A_25, %dot_general3A {dimension_numbers = #tpu.dot_dimension_numbers<[1], [0], [0], [1], [0, 0, 1, 1], [], []>, transpose_lhs_hint = false} : vector<10000x128xf32>, vector<128x128xf32>, vector<10000x128xf32> -> vector<10000x128xf32>
    %mul3A_27 = vector.broadcast %slice3A : vector<10000x1xf32> to vector<10000x128xf32>
    %mul3A_28 = arith.mulf %dot_general3A_26, %mul3A_27 : vector<10000x128xf32>
    %swap3A = arith.constant 0 : index
    %swap3A_29 = arith.constant 0 : index
    %swap3A_30 = vector.load %arg5[%swap3A, %swap3A_29] : memref<10000x128xf32, #tpu.memory_space<vmem>>, vector<10000x128xf32>
    tpu.vector_store %arg5[%swap3A, %swap3A_29], %mul3A_28 {strides = array<i32>} : memref<10000x128xf32, #tpu.memory_space<vmem>>, vector<10000x128xf32>,
    return
  }
}

module attributes {stable_mosaic.version = 14 : i64} {
  func.func @_kmid_body(%arg0: memref<2x10240x128xf32, #tpu.memory_space<vmem>>, %arg1: memref<10000x128xf32, #tpu.memory_space<vmem>>, %arg2: memref<10240x1xf32, #tpu.memory_space<vmem>>, %arg3: memref<128xf32, #tpu.memory_space<vmem>>, %arg4: memref<128x40xf32, #tpu.memory_space<vmem>>, %arg5: memref<10000x64xf32, #tpu.memory_space<vmem>>) attributes {dimension_semantics = [], scalar_prefetch = 0 : i64, scratch_operands = 0 : i64, tpu.core_type = #tpu.core_type<tc>} {
    %get3A = arith.constant 0 : index
    %get3A_0 = arith.constant 0 : index
    %get3A_1 = vector.load %arg2[%get3A, %get3A_0] : memref<10240x1xf32, #tpu.memory_space<vmem>>, vector<10240x1xf32>
    %slice3A = vector.extract_strided_slice %get3A_1 {offsets = [0, 0], sizes = [10000, 1], strides = [1, 1]} : vector<10240x1xf32> to vector<10000x1xf32>
    %get3A_2 = arith.constant 0 : index
    %get3A_3 = arith.constant 0 : index
    %get3A_4 = arith.constant 0 : index
    %get3A_5 = vector.load %arg0[%get3A_2, %get3A_3, %get3A_4] : memref<2x10240x128xf32, #tpu.memory_space<vmem>>, vector<1x10000x128xf32>
    %get3A_6 = vector.shape_cast %get3A_5 : vector<1x10000x128xf32> to vector<10000x128xf32>
    %get3A_7 = arith.constant 1 : index
    %get3A_8 = arith.constant 0 : index
    %get3A_9 = arith.constant 0 : index
    %get3A_10 = vector.load %arg0[%get3A_7, %get3A_8, %get3A_9] : memref<2x10240x128xf32, #tpu.memory_space<vmem>>, vector<1x10000x128xf32>
    %get3A_11 = vector.shape_cast %get3A_10 : vector<1x10000x128xf32> to vector<10000x128xf32>
    %add3A = arith.addf %get3A_6, %get3A_11 : vector<10000x128xf32>
    %get3A_12 = arith.constant 0 : index
    %get3A_13 = arith.constant 0 : index
    %get3A_14 = vector.load %arg1[%get3A_12, %get3A_13] : memref<10000x128xf32, #tpu.memory_space<vmem>>, vector<10000x128xf32>
    %add3A_15 = arith.addf %add3A, %get3A_14 : vector<10000x128xf32>
    %mul3A = vector.broadcast %slice3A : vector<10000x1xf32> to vector<10000x128xf32>
    %mul3A_16 = arith.mulf %add3A_15, %mul3A : vector<10000x128xf32>
    %get3A_17 = arith.constant 0 : index
    %get3A_18 = vector.load %arg3[%get3A_17] : memref<128xf32, #tpu.memory_space<vmem>>, vector<128xf32>
    %broadcast_in_dim3A = vector.shape_cast %get3A_18 : vector<128xf32> to vector<1x128xf32>
    %add3A_19 = vector.broadcast %broadcast_in_dim3A : vector<1x128xf32> to vector<10000x128xf32>
    %add3A_20 = arith.addf %mul3A_16, %add3A_19 : vector<10000x128xf32>
    %max3A = arith.constant 0.000000e+00 : f32
    %max3A_21 = vector.broadcast %max3A : f32 to vector<10000x128xf32>
    %max3A_22 = arith.maximumf %add3A_20, %max3A_21 : vector<10000x128xf32>
    %get3A_23 = arith.constant 0 : index
    %get3A_24 = arith.constant 0 : index
    %get3A_25 = vector.load %arg4[%get3A_23, %get3A_24] : memref<128x40xf32, #tpu.memory_space<vmem>>, vector<128x40xf32>
    %dot_general3A = arith.constant dense<0.000000e+00> : vector<10000x40xf32>
    %dot_general3A_26 = tpu.matmul %max3A_22, %get3A_25, %dot_general3A {dimension_numbers = #tpu.dot_dimension_numbers<[1], [0], [0], [1], [0, 0, 1, 1], [], []>, transpose_lhs_hint = false} : vector<10000x128xf32>, vector<128x40xf32>, vector<10000x40xf32> -> vector<10000x40xf32>
    %broadcast_in_dim3A_27 = arith.constant 0.000000e+00 : f32
    %broadcast_in_dim3A_28 = vector.broadcast %broadcast_in_dim3A_27 : f32 to vector<10000x24xf32>
    %concatenate3A = tpu.concatenate %dot_general3A_26, %broadcast_in_dim3A_28 in 1 : vector<10000x40xf32>, vector<10000x24xf32> -> vector<10000x64xf32>
    %mul3A_29 = vector.broadcast %slice3A : vector<10000x1xf32> to vector<10000x64xf32>
    %mul3A_30 = arith.mulf %concatenate3A, %mul3A_29 : vector<10000x64xf32>
    %swap3A = arith.constant 0 : index
    %swap3A_31 = arith.constant 0 : index
    %swap3A_32 = vector.load %arg5[%swap3A, %swap3A_31] : memref<10000x64xf32, #tpu.memory_space<vmem>>, vector<10000x64xf32>
    tpu.vector_store %arg5[%swap3A, %swap3A_31], %mul3A_30 {strides = array<i32>} : memref<10000x64xf32, #tpu.memory_space<vmem>>, vector<10000x64xf32>,
    return
  }
}

module attributes {stable_mosaic.version = 14 : i64} {
  func.func @_kd_body(%arg0: memref<2x10240x64xf32, #tpu.memory_space<vmem>>, %arg1: memref<10000x64xf32, #tpu.memory_space<vmem>>, %arg2: memref<10240x1xf32, #tpu.memory_space<vmem>>, %arg3: memref<40xf32, #tpu.memory_space<vmem>>, %arg4: memref<10000xi32, #tpu.memory_space<vmem>>, %arg5: memref<64x40xf32, #tpu.memory_space<vmem>>) attributes {dimension_semantics = [], scalar_prefetch = 0 : i64, scratch_operands = 0 : i64, tpu.core_type = #tpu.core_type<tc>} {
    %get3A = arith.constant 0 : index
    %get3A_0 = arith.constant 0 : index
    %get3A_1 = vector.load %arg2[%get3A, %get3A_0] : memref<10240x1xf32, #tpu.memory_space<vmem>>, vector<10240x1xf32>
    %slice3A = vector.extract_strided_slice %get3A_1 {offsets = [0, 0], sizes = [10000, 1], strides = [1, 1]} : vector<10240x1xf32> to vector<10000x1xf32>
    %get3A_2 = arith.constant 0 : index
    %get3A_3 = arith.constant 0 : index
    %get3A_4 = arith.constant 0 : index
    %get3A_5 = vector.load %arg0[%get3A_2, %get3A_3, %get3A_4] : memref<2x10240x64xf32, #tpu.memory_space<vmem>>, vector<1x10000x64xf32>
    %get3A_6 = vector.shape_cast %get3A_5 : vector<1x10000x64xf32> to vector<10000x64xf32>
    %get3A_7 = arith.constant 1 : index
    %get3A_8 = arith.constant 0 : index
    %get3A_9 = arith.constant 0 : index
    %get3A_10 = vector.load %arg0[%get3A_7, %get3A_8, %get3A_9] : memref<2x10240x64xf32, #tpu.memory_space<vmem>>, vector<1x10000x64xf32>
    %get3A_11 = vector.shape_cast %get3A_10 : vector<1x10000x64xf32> to vector<10000x64xf32>
    %add3A = arith.addf %get3A_6, %get3A_11 : vector<10000x64xf32>
    %get3A_12 = arith.constant 0 : index
    %get3A_13 = arith.constant 0 : index
    %get3A_14 = vector.load %arg1[%get3A_12, %get3A_13] : memref<10000x64xf32, #tpu.memory_space<vmem>>, vector<10000x64xf32>
    %add3A_15 = arith.addf %add3A, %get3A_14 : vector<10000x64xf32>
    %slice3A_16 = vector.extract_strided_slice %add3A_15 {offsets = [0, 0], sizes = [10000, 40], strides = [1, 1]} : vector<10000x64xf32> to vector<10000x40xf32>
    %mul3A = vector.broadcast %slice3A : vector<10000x1xf32> to vector<10000x40xf32>
    %mul3A_17 = arith.mulf %slice3A_16, %mul3A : vector<10000x40xf32>
    %get3A_18 = arith.constant 0 : index
    %get3A_19 = vector.load %arg3[%get3A_18] : memref<40xf32, #tpu.memory_space<vmem>>, vector<40xf32>
    %broadcast_in_dim3A = vector.shape_cast %get3A_19 : vector<40xf32> to vector<1x40xf32>
    %add3A_20 = vector.broadcast %broadcast_in_dim3A : vector<1x40xf32> to vector<10000x40xf32>
    %add3A_21 = arith.addf %mul3A_17, %add3A_20 : vector<10000x40xf32>
    %get3A_22 = arith.constant 0 : index
    %get3A_23 = vector.load %arg4[%get3A_22] : memref<10000xi32, #tpu.memory_space<vmem>>, vector<10000xi32>
    %broadcast_in_dim3A_24 = vector.shape_cast %get3A_23 : vector<10000xi32> to vector<10000x1xi32>
    %iota3A = tpu.iota {dimensions = array<i32: 1>} : vector<10000x64xi32>
    %eq3A = vector.broadcast %broadcast_in_dim3A_24 : vector<10000x1xi32> to vector<10000x64xi32>
    %eq3A_25 = arith.cmpi eq, %eq3A, %iota3A : vector<10000x64xi32>
    %convert_element_type3A = arith.extui %eq3A_25 : vector<10000x64xi1> to vector<10000x64xi32>
    %convert_element_type3A_26 = arith.sitofp %convert_element_type3A : vector<10000x64xi32> to vector<10000x64xf32>
    %dot_general3A = arith.constant dense<0.000000e+00> : vector<64x40xf32>
    %dot_general3A_27 = tpu.matmul %convert_element_type3A_26, %add3A_21, %dot_general3A {dimension_numbers = #tpu.dot_dimension_numbers<[0], [0], [1], [1], [0, 1, 1, 1], [], []>, transpose_lhs_hint = false} : vector<10000x64xf32>, vector<10000x40xf32>, vector<64x40xf32> -> vector<64x40xf32>
    %reduce_sum3A = arith.constant dense<0.000000e+00> : vector<64xf32>
    %reduce_sum3A_28 = vector.multi_reduction <add>, %convert_element_type3A_26, %reduce_sum3A [0] : vector<10000x64xf32> to vector<64xf32>
    %broadcast_in_dim3A_29 = vector.shape_cast %reduce_sum3A_28 : vector<64xf32> to vector<64x1xf32>
    %max3A = arith.constant 1.000000e+00 : f32
    %max3A_30 = vector.broadcast %max3A : f32 to vector<64x1xf32>
    %max3A_31 = arith.maximumf %broadcast_in_dim3A_29, %max3A_30 : vector<64x1xf32>
    %div3A = vector.broadcast %max3A_31 : vector<64x1xf32> to vector<64x40xf32>
    %div3A_32 = arith.divf %dot_general3A_27, %div3A : vector<64x40xf32>
    %reduce_max3A = arith.constant dense<0xFF800000> : vector<64xf32>
    %reduce_max3A_33 = vector.multi_reduction <maximumf>, %div3A_32, %reduce_max3A [1] : vector<64x40xf32> to vector<64xf32>
    %broadcast_in_dim3A_34 = vector.shape_cast %reduce_max3A_33 : vector<64xf32> to vector<64x1xf32>
    %sub3A = vector.broadcast %broadcast_in_dim3A_34 : vector<64x1xf32> to vector<64x40xf32>
    %sub3A_35 = arith.subf %div3A_32, %sub3A : vector<64x40xf32>
    %exp3A = math.exp %sub3A_35 : vector<64x40xf32>
    %reduce_sum3A_36 = arith.constant dense<0.000000e+00> : vector<64xf32>
    %reduce_sum3A_37 = vector.multi_reduction <add>, %exp3A, %reduce_sum3A_36 [1] : vector<64x40xf32> to vector<64xf32>
    %broadcast_in_dim3A_38 = vector.shape_cast %reduce_sum3A_37 : vector<64xf32> to vector<64x1xf32>
    %div3A_39 = vector.broadcast %broadcast_in_dim3A_38 : vector<64x1xf32> to vector<64x40xf32>
    %div3A_40 = arith.divf %exp3A, %div3A_39 : vector<64x40xf32>
    %swap3A = arith.constant 0 : index
    %swap3A_41 = arith.constant 0 : index
    %swap3A_42 = vector.load %arg5[%swap3A, %swap3A_41] : memref<64x40xf32, #tpu.memory_space<vmem>>, vector<64x40xf32>
    tpu.vector_store %arg5[%swap3A, %swap3A_41], %div3A_40 {strides = array<i32>} : memref<64x40xf32, #tpu.memory_space<vmem>>, vector<64x40xf32>,
    return
  }
}

</mosaic_0001>

<sc_bundles>
// kernel: kernel.10.cloned.1.call-start
scs
__scs_entry_jumppad:
0x0: {  	(pc) =	sbr.rel $0x88, $3  }
0x1: {  	(tag) =	ssettag $0x0;
	lr =	simm.s32 $0x1  }
0x2: {  	[smem:$0x3F98] =	sst lr;
	_ =	strace $0xD0000000  }
0x3: {  	_ = 	snop  }
0x4: {  	_ = 	snop  }
0x5: {  	_ = 	snop  }
0x6: {  	_ = 	snop  }
0x7: {  	_ = 	snop  }
__scs_overlays_trampoline_lowered:
0x8: {  	[smem:$0x3FA7] =	sst s0  }
0x9: {  	[smem:$0x3FA8] =	sst s1  }
0xa: {  	[smem:$0x3FA9] =	sst s2  }
0xb: {  	[smem:$0x3FAA] =	sst s3  }
0xc: {  	[smem:$0x3FAB] =	sst s4  }
0xd: {  	[smem:$0x3FAC] =	sst s5  }
0xe: {  	[smem:$0x3FAD] =	sst s6  }
0xf: {  	[smem:$0x3FAE] =	sst s7  }
0x10: {  	[smem:$0x3FAF] =	sst s8  }
0x11: {  	[smem:$0x3FB0] =	sst s9;
	s0 =	simm.s32 @!p0 $0x0  }
0x12: {  	s1 =	sld [smem:$0x3F96];
	s0 =	simm.s32 @p0 $0x1  }
0x13: {  	[smem:$0x3FB1] =	sst s0;
	s0 =	simm.s32 @!p1 $0x0  }
0x14: {  	s2 =	sld [smem:$0x3F95];
	s0 =	simm.s32 @p1 $0x1  }
0x15: {  	[smem:$0x3FB2] =	sst s0;
	s0 =	simm.s32 @!p2 $0x0  }
0x16: {  	s3 =	sld [smem:$0x3FDB];
	s0 =	simm.s32 @p2 $0x1  }
0x17: {  	s4 =	simm.s32 $0x1BF5;
	[smem:$0x3FB4] =	sst s0  }
0x18: {  	s0 =	sld [smem:$0x3F97];
	_ =	swait.ge [sflag:s4], $0x0  }
0x19: {  	s7 =	sld [smem:$0x3F98]  }
0x1a: {  	s8 =	sadd.s32 $0xFFFFE003, lr  }
0x1b: {  	s9 =	sadd.s32 $0xFFFFFEF7, lr;
	s5 =	simm.s32 $0xFFFFFFFF;
	p2 =	slt.u32 s8, $0xFFFFF086  }
0x1c: {  	p1 =	slt.u32 s9, $0xF7A;
	s5 =	simm.s32 @!p2 $0x0  }
0x1d: {  	s5 =	simm.s32 @p1 $0x1;
	p0 =	seq.s32 s7, s2  }
0x1e: {  	s7 =	smul.u32 @!p0 $0xF7A, s2;
	p2 =	seq.s32 @!p0 s5, $0x0  }
0x1f: {  	s9 =	smul.u32 $0xF7A, s1;
	s8 =	simm.s32 @!p0 $0x1BF5;
	p2 =	por !p2, p0  }
0x20: {  	[sflag:s8] =	ssyncset.s32 @!p0 $0xFFFFF086;
	s6 =	sadd.s32 @!p0 s3, s7;
	s7 =	simm.s32 @!p0 $0x108  }
0x21: {  	s3 =	sadd.s32 s3, s9;
	s6 =	sadd.s32 @!p0 $0x88, s6;
	s7 =	simm.s32 @p2 $0x1082  }
0x22: {  	[simem:s7], [sflag:s8] =	dma.local @!p0 [hbm:s6], $0xF7A  }
0x23: {  	s9 =	sor.u32 $0xD0000000, s2;
	s6 =	simm.s32 $0x108;
	_ =	swait.ge @!p0 [sflag:s8], $0x0  }
0x24: {  	s3 =	sadd.s32 $0x88, s3;
	s6 =	simm.s32 @!p1 $0x1082;
	[sflag:s4] =	ssyncset.s32 $0xFFFFF086  }
0x25: {  	[simem:s6], [sflag:s4] =	dma.local [hbm:s3], $0xF7A  }
0x26: {  	[smem:$0x3F98] =	sst s1;
	(tag) =	ssettag s2;
	_ =	strace s9  }
0x27: {  	s1 =	sld [smem:$0x3FA8]  }
0x28: {  	s2 =	sld [smem:$0x3FA9]  }
0x29: {  	s4 =	sld [smem:$0x3FAB]  }
0x2a: {  	p0 =	seq.s32 s5, $0x0;
	s5 =	sld [smem:$0x3FAC]  }
0x2b: {  	s6 =	sld [smem:$0x3FAD]  }
0x2c: {  	s7 =	sld [smem:$0x3FAE]  }
0x2d: {  	s3 =	simm.s32 $0x108;
	s8 =	sld [smem:$0x3FAF]  }
0x2e: {  	s3 =	simm.s32 @!p0 $0x1082;
	s9 =	sld [smem:$0x3FB0]  }
0x2f: {  	lr =	sadd.s32 s0, s3;
	s0 =	sld [smem:$0x3FA7]  }
0x30: {  	s3 =	sld [smem:$0x3FAA]  }
0x31: {  	[smem:$0x3FB3] =	sst s10  }
0x32: {  	s10 =	sld [smem:$0x3FB1];
	_ =	sdelay $0x3  }
0x33: {  	p0 =	seq.s32 s10, $0x1;
	s10 =	sld [smem:$0x3FB3];
	_ =	sdelay $0x3  }
0x34: {  	[smem:$0x3FB3] =	sst s10  }
0x35: {  	s10 =	sld [smem:$0x3FB2];
	_ =	sdelay $0x3  }
0x36: {  	p1 =	seq.s32 s10, $0x1;
	s10 =	sld [smem:$0x3FB3];
	_ =	sdelay $0x3  }
0x37: {  	[smem:$0x3FB3] =	sst s10  }
0x38: {  	s10 =	sld [smem:$0x3FB4]  }
0x39: {  	_ = 	snop;
	(pc) =	sbr.ind lr, $3  }
0x3a: {  	_ = 	snop  }
0x3b: {  	_ = 	snop  }
0x3c: {  	p2 =	seq.s32 s10, $0x1;
	s10 =	sld [smem:$0x3FB3]  }
0x3d: {  	_ =	shalt  }
0x3e: {  	_ =	shalt  }
0x3f: {  	_ =	shalt  }
0x40: {  	_ =	shalt  }
0x41: {  	_ =	shalt  }
0x42: {  	_ =	shalt  }
0x43: {  	_ =	shalt  }
0x44: {  	_ =	shalt  }
0x45: {  	_ =	shalt  }
0x46: {  	_ =	shalt  }
0x47: {  	_ =	shalt  }
0x48: {  	_ =	shalt  }
0x49: {  	_ =	shalt  }
0x4a: {  	_ =	shalt  }
0x4b: {  	_ =	shalt  }
0x4c: {  	_ =	shalt  }
0x4d: {  	_ =	shalt  }
0x4e: {  	_ =	shalt  }
0x4f: {  	_ =	shalt  }
0x50: {  	_ =	shalt  }
0x51: {  	_ =	shalt  }
0x52: {  	_ =	shalt  }
0x53: {  	_ =	shalt  }
0x54: {  	_ =	shalt  }
0x55: {  	_ =	shalt  }
0x56: {  	_ =	shalt  }
0x57: {  	_ =	shalt  }
0x58: {  	_ =	shalt  }
0x59: {  	_ =	shalt  }
0x5a: {  	_ =	shalt  }
0x5b: {  	_ =	shalt  }
0x5c: {  	_ =	shalt  }
0x5d: {  	_ =	shalt  }
0x5e: {  	_ =	shalt  }
0x5f: {  	_ =	shalt  }
0x60: {  	_ =	shalt  }
0x61: {  	_ =	shalt  }
0x62: {  	_ =	shalt  }
0x63: {  	_ =	shalt  }
0x64: {  	_ =	shalt  }
0x65: {  	_ =	shalt  }
0x66: {  	_ =	shalt  }
0x67: {  	_ =	shalt  }
0x68: {  	_ =	shalt  }
0x69: {  	_ =	shalt  }
0x6a: {  	_ =	shalt  }
0x6b: {  	_ =	shalt  }
0x6c: {  	_ =	shalt  }
0x6d: {  	_ =	shalt  }
0x6e: {  	_ =	shalt  }
0x6f: {  	_ =	shalt  }
0x70: {  	_ =	shalt  }
0x71: {  	_ =	shalt  }
0x72: {  	_ =	shalt  }
0x73: {  	_ =	shalt  }
0x74: {  	_ =	shalt  }
0x75: {  	_ =	shalt  }
0x76: {  	_ =	shalt  }
0x77: {  	_ =	shalt  }
0x78: {  	_ =	shalt  }
0x79: {  	_ =	shalt  }
0x7a: {  	_ =	shalt  }
0x7b: {  	_ =	shalt  }
0x7c: {  	_ =	shalt  }
0x7d: {  	_ =	shalt  }
0x7e: {  	_ =	shalt  }
0x7f: {  	_ =	shalt  }
0x80: {  	_ =	shalt  }
0x81: {  	_ =	shalt  }
0x82: {  	_ =	shalt  }
0x83: {  	_ =	shalt  }
0x84: {  	_ =	shalt  }
0x85: {  	_ =	shalt  }
0x86: {  	_ =	shalt  }
0x87: {  	_ =	shalt  }
.Lfunc_end0:
.L_simem_size_0:
called_computation_lowered:
.L_overlay_start_0:
0x88: {  	s2 =	sld [smem:$0x3FD9]  }
0x89: {  	s3 =	sld [smem:$0x3FFE];
	_ =	sdelay $0x1  }
0x8a: {  	s1 =	srdreg.scid  }
0x8b: {  	s0 =	sand.u32 $0x1, s1  }
0x8c: {  	s17 =	sshll.u32 s0, $0xA;
	s2 =	sadd.s32 s3, s2  }
0x8d: {  	s2 =	sadd.s32 s2, s17  }
0x8e: {  	[smem:$0x3FBF] =	sst s2  }
0x8f: {  	_ = 	snop  }
0x90: {  	s2 =	sld [smem:$0x3FD0];
	(tm) =	ssettm $0x1  }
0x91: {  	s18 =	sld [smem:$0x3FFB];
	_ =	sdelay $0x3  }
0x92: {  	_ =	strace s18  }
0x93: {  	s3 =	sld [smem:$0x3FFC];
	_ =	sdelay $0x3  }
0x94: {  	_ =	strace s3  }
0x95: {  	s3 =	sld [smem:$0x3FFD];
	_ =	sdelay $0x3  }
0x96: {  	_ =	strace s3  }
0x97: {  	_ =	strace $0x8FFFFFFF  }
0x98: {  	s19 =	sld [smem:$0x3FDB];
	_ =	sdelay $0x1  }
0x99: {  	s4 =	simm.s32 $_scs_section_size  }
0x9a: {  	s5 =	simm.s32 $_size__tile_overlayer_lowered;
	s6 =	simm.s32 $_tile_overlayer_lowered  }
0x9b: {  	s22 =	simm.s32 $0x1BFF;
	s21 =	sshll.u32 s6, $0x1;
	s3 =	sadd.s32 s4, s19  }
0x9c: {  	s7 =	simm.s32 $0x0;
	s20 =	sshll.u32 s5, $0x1;
	s5 =	sadd.s32 s21, s3  }
0x9d: {  	[timem:s7], [sflag:s22] =	dma.local [hbm:s5], s20  }
0x9e: {  	_ =	swait.ge [sflag:s22], s20  }
0x9f: {  	s4 =	ssub.s32 $0x0, s20;
	[sflag:s22] =	ssyncset.done $0x0  }
0xa0: {  	[sflag:s22] =	ssyncadd.s32 s4;
	_ =	sdelay $0x1  }
0xa1: {  	s23 =	simm.s32 $0x1B8B  }
0xa2: {  	_ =	swait.ge [sflag:s23], $0x1  }
0xa3: {  	[sflag:s23] =	ssyncset.done $0x0  }
0xa4: {  	s25 =	simm.s32 $0x1B8E;
	s24 =	sld [smem:$0x3FFE];
	[sflag:s23] =	ssyncadd.s32 $0xFFFFFFFF  }
0xa5: {  	s26 =	simm.s32 $execute0_lowered;
	[smem:$0x3FD2] =	sst s25  }
0xa6: {  	s5 =	sshll.u32 s26, $0x1;
	_ =	strace $0x80000046;
	[dreg:$0x1] =	wrdreg $0xFFFFFFFF  }
0xa7: {  	s28 =	simm.s32 $_size_execute0_lowered;
	s3 =	sadd.s32 s3, s5;
	[dreg:$0x0] =	wrdreg $0x0  }
0xa8: {  	s5 =	sshll.u32 s28, $0x1;
	[dreg:$0x2] =	wrdreg s3  }
0xa9: {  	[dreg:$0x3] =	wrdreg s5  }
0xaa: {  	[dreg:$0x4] =	wrdreg $0xC0  }
0xab: {  	_ =	task [dreg:s7], $0x5FFFF  }
0xac: {  	[dreg:$0x1] =	wrdreg $0xFFFFFFFF  }
0xad: {  	[dreg:$0x0] =	wrdreg $0x60  }
0xae: {  	[dreg:$0x2] =	wrdreg s24  }
0xaf: {  	[dreg:$0x3] =	wrdreg s2  }
0xb0: {  	[dreg:$0x4] =	wrdreg $0x28800  }
0xb1: {  	[dreg:$0x5] =	wrdreg $0x9  }
0xb2: {  	_ =	task.clear_ibuf [dreg:s7], $0x6FFFF;
	_ =	strace $0x90000046  }
0xb3: {  	s29 =	simm.s32 $0x9;
	_ =	strace $0x80000048  }
0xb4: {  	_ =	swait.ge [sflag:s29], $0x1  }
0xb5: {  	[sflag:s29] =	ssyncadd.s32 $0xFFFFFFFF  }
0xb6: {  	_ =	strace $0x90000048  }
0xb7: {  	_ =	sfence  }
0xb8: {  	s30 =	sld [smem:$0x0];
	_ =	sdelay $0x2  }
0xb9: {  	s31 =	sshll.u32 s1, $0xD;
	s1 =	sshrl.u32 s1, $0x2  }
0xba: {  	s3 =	sand.u32 $0x4000, s31;
	s1 =	sadd.s32 s1, s30  }
0xbb: {  	s0 =	sor.u32 s3, s0;
	s1 =	sshll.u32 s1, $0x11  }
0xbc: {  	s0 =	sor.u32 s1, s0  }
0xbd: {  	s0 =	sadd.s32 $0x8F2B, s0  }
0xbe: {  	[sflag:s0] =	ssyncadd.remote.s32 $0x1  }
0xbf: {  	_ =	sfence.sel $0xFFFF  }
0xc0: {  	[dreg:$0x0] =	wrdreg $0xFFFFFFFF;
	(pc) =	sbr.abs _section_cstart, $3  }
0xc1: {  	[dreg:$0x1] =	wrdreg $0xFFFFFFFF  }
0xc2: {  	_ =	task.clear_ibuf [dreg:s7], $0x2FFFF;
	_ =	strace $0x9FFFFFFF  }
0xc3: {  	(tm) =	ssettm $0x7FFFFFFF  }
tec
execute0_lowered:
.L_overlay_start_1:
0x0: {  	(tag) =	ssettag $0x1  }
0x1: {  	s5 =	rddreg [dreg:$0x0]  }
0x2: {  	s7 =	rddreg [dreg:$0x1]  }
0x3: {  	s0 =	srdreg.scid;
	s2 =	rddreg [dreg:$0x2]  }
0x4: {  	s3 =	simm.s32 $0x0;
	s14 =	simm.s32 $0x2800;
	s15 =	simm.s32 $0x20  }
0x5: {  	s16 =	simm.s32 $0x0;
	s4 =	sand.u32 $0x1, s0;
	s0 =	stileid.u32  }
0x6: {  	[smem:$0x7FF] =	sst s3;
	s1 =	sshll.u32 s4, $0x4;
	s11 =	smul.u32 $0x500, s0  }
0x7: {  	s10 =	sshll.u32 s0, $0x7;
	s12 =	sshll.u32 s4, $0x7;
	s26 =	smul.u32 $0xA00, s0  }
0x8: {  	s4 =	ssub.s32 $0x2, s4;
	s30 =	sshll.u32 s0, $0x6;
	s1 =	sor.u32 s0, s1  }
0x9: {  	s10 =	sand.u32 $0x380, s10;
	s28 =	sshrl.u32 s4, $0x1;
	s6 =	smul.u32 $0x500, s1  }
0xa: {  	s8 =	sshrl.u32 s1, $0x3;
	s1 =	rddreg [dreg:$0x3];
	_ =	strace $0x80000047  }
0xb: {  	s11 =	sor.u32 s12, s11;
	s12 =	sshrl.u32 s26, $0x2;
	s13 =	ssub.s32 s4, s28  }
0xc: {  	s9 =	smul.u32 $0x1400, s8;
	s11 =	sshrl.u32 s11, $0x3;
	s8 =	sshll.u32 s8, $0xA  }
0xd: {  	s12 =	sadd.s32 s12, s2;
	s6 =	sadd.s32 s6, s5;
	s29 =	sor.u32 s10, s8  }
0xe: {  	s11 =	sadd.s32 s11, s5;
	s9 =	sor.u32 s10, s9;
	s31 =	sshrl.u32 s29, $0x3  }
0xf: {  	s6 =	sadd.s32 $0x3000, s6;
	s8 =	sadd.s32 $0xDA00, s11;
	s10 =	sshrl.u32 s12, $0x3  }
0x10: {  	s11 =	simm.s32 $0x1;
	s12 =	simm.s32 $0x10;
	s9 =	sshrl.u32 s9, $0x3  }
0x11: {  	s7 =	sadd.s32 s7, s31;
	s9 =	sadd.s32 s9, s5;
	s5 =	sor.u32 $0x1C01, s30  }
0x12: {  	s4 =	sadd.s32 $0xD000, s9;
	s9 =	smax.u32 s13, $0x1;
	s13 =	simm.s32 $0x80  }
.LBB2_1:
0x13: {  	[spmem:s10@s12], [sflag:s5] =	dma.strided [hbm:s4@s13], $0x50, s11, $0x10   }
0x14: {  	_ =	swait.ge [sflag:s11], $0x50  }
0x15: {  	[sflag:s11] =	ssyncset.done $0x0  }
0x16: {  	[sflag:s11] =	ssyncadd.s32 $0xFFFFFFB0  }
0x17: {  	[tilespmem:s3], [sflag:$0x1] =	stream.linear.gather [hbm4b:s6+s3], $0x2800, $0x38;
	[tilespmem:$0x2B00] =	vst v63  }
0x18: {  	_ =	swait.ge [sflag:s11], $0x2800  }
0x19: {  	[sflag:s11] =	ssyncset.done $0x0  }
0x1a: {  	[sflag:s11] =	ssyncadd.s32 $0xFFFFD800  }
0x1b: {  	[tilespmem:s14], [sflag:$0x1] =	stream.linear.gather [hbm4b:s7+s3], $0x80, $0x38;
	[tilespmem:$0x2B00] =	vst v63  }
0x1c: {  	_ =	swait.ge [sflag:s11], $0x80  }
0x1d: {  	[sflag:s11] =	ssyncset.done $0x0  }
0x1e: {  	[sflag:s11] =	ssyncadd.s32 $0xFFFFFF80  }
0x1f: {  	s17 =	simm.s32 $0x0;
	[bflag:$0x0] =	sbarrier.arrive $0xFFFF  }
0x20: {  	[spmem:s2] =	stream.indirect.scatter.add.f32 [tilespmem:s14], [sflag:$0x1], $0x1, s17, s13, $0xb8;
	[tilespmem:$0x2B00] =	vst v63  }
0x21: {  	_ =	swait.ge [sflag:s11], $0x80  }
0x22: {  	s17 =	simm.s32 $0x200;
	[sflag:s11] =	ssyncset.done $0x0  }
.LBB2_2:
0x23: {  	s18 =	sshra.s32 s17, $0x2;
	[sflag:s11] =	ssyncadd.s32 $0xFFFFFF80;
	p0 =	sne.s32 s17, $0x9E00  }
0x24: {  	[spmem:s2] =	stream.indirect.scatter.add.f32 [tilespmem:s14], [sflag:$0x1], $0x1, s18, s13, $0xb8;
	[tilespmem:$0x2B00] =	vst v63  }
.Ltmp0:
0x25: {  	_ = 	snop;
	(pc) =	sbr.rel @p0 .LBB2_2-.Ltmp0, $4  }
0x26: {  	_ = 	snop  }
0x27: {  	s17 =	sadd.s32 $0x200, s17  }
0x28: {  	_ =	swait.ge [sflag:s11], $0x80  }
0x29: {  	[sflag:s11] =	ssyncset.done $0x0  }
0x2a: {  	s16 =	sadd.s32 $0x1, s16  }
0x2b: {  	[sflag:s11] =	ssyncadd.s32 $0xFFFFFF80;
	p0 =	sne.s32 s16, s9  }
.Ltmp1:
0x2c: {  	[bflag:$0x0] =	sbarrier.arrive $0xFFFF;
	(pc) =	sbr.rel @p0 .LBB2_1-.Ltmp1, $4  }
0x2d: {  	[hbm:s8@s15], [sflag:s5] =	dma.strided [spmem:s10@s12], $0x50, s11, $0x10   }
0x2e: {  	_ =	swait.ge [sflag:s11], $0x50  }
0x2f: {  	[sflag:s11] =	ssyncset.done $0x0  }
0x30: {  	[sflag:s11] =	ssyncadd.s32 $0xFFFFFFB0  }
0x31: {  	_ =	sfence.sel $0x180000  }
0x32: {  	[bflag:$0x0] =	sbarrier.arrive $0xFFFF  }
0x33: {  	p0 =	sne.s32 s0, $0x0;
	_ =	strace $0x90000047  }
0x34: {  	s0 =	sadd.s32 @!p0 $0x100000, s1;
	[bflag:$0x2] =	sbarrier.arrive $0xFFFF  }
0x35: {  	[sflag:s0] =	ssyncadd.tile.s32 @!p0 $0x1;
	_ =	shalt  }
.Lfunc_end2:
_tile_overlayer_lowered:
.L_overlay_start_2:
0x36: {  	(tag) =	ssettag $0x2  }
0x37: {  	s0 =	rddreg [dreg:$0x0];
	s2 =	stileid.u32  }
0x38: {  	s1 =	rddreg [dreg:$0x1];
	p0 =	sne.s32 s2, $0x0  }
0x39: {  	s3 =	rddreg [dreg:$0x2];
	[bflag:$0x3] =	sbarrier.arrive $0xFFFF;
	s2 =	simm.s32 @!p0 $0x1C01  }
0x3a: {  	[timem:s3], [sflag:s2] =	dma.local @!p0 [hbm:s0], s1  }
0x3b: {  	s0 =	simm.s32 @!p0 $0x1  }
0x3c: {  	_ =	swait.ge @!p0 [sflag:s0], s1  }
0x3d: {  	s1 =	ssub.s32 @!p0 $0x0, s1;
	[sflag:s0] =	ssyncset.done @!p0 $0x0  }
0x3e: {  	[sflag:s0] =	ssyncadd.s32 @!p0 s1  }
0x3f: {  	[bflag:$0x3] =	sbarrier.arrive $0xFFFF  }
0x40: {  	_ =	shalt  }

// kernel: kernel.13.cloned.1.call-start
scs
__scs_entry_jumppad:
0x0: {  	(pc) =	sbr.rel $0x88, $3  }
0x1: {  	(tag) =	ssettag $0x0;
	lr =	simm.s32 $0x1  }
0x2: {  	[smem:$0x3F98] =	sst lr;
	_ =	strace $0xD0000000  }
0x3: {  	_ = 	snop  }
0x4: {  	_ = 	snop  }
0x5: {  	_ = 	snop  }
0x6: {  	_ = 	snop  }
0x7: {  	_ = 	snop  }
__scs_overlays_trampoline_lowered:
0x8: {  	[smem:$0x3FA7] =	sst s0  }
0x9: {  	[smem:$0x3FA8] =	sst s1  }
0xa: {  	[smem:$0x3FA9] =	sst s2  }
0xb: {  	[smem:$0x3FAA] =	sst s3  }
0xc: {  	[smem:$0x3FAB] =	sst s4  }
0xd: {  	[smem:$0x3FAC] =	sst s5  }
0xe: {  	[smem:$0x3FAD] =	sst s6  }
0xf: {  	[smem:$0x3FAE] =	sst s7  }
0x10: {  	[smem:$0x3FAF] =	sst s8  }
0x11: {  	[smem:$0x3FB0] =	sst s9;
	s0 =	simm.s32 @!p0 $0x0  }
0x12: {  	s1 =	sld [smem:$0x3F96];
	s0 =	simm.s32 @p0 $0x1  }
0x13: {  	[smem:$0x3FB1] =	sst s0;
	s0 =	simm.s32 @!p1 $0x0  }
0x14: {  	s2 =	sld [smem:$0x3F95];
	s0 =	simm.s32 @p1 $0x1  }
0x15: {  	[smem:$0x3FB2] =	sst s0;
	s0 =	simm.s32 @!p2 $0x0  }
0x16: {  	s3 =	sld [smem:$0x3FDB];
	s0 =	simm.s32 @p2 $0x1  }
0x17: {  	s4 =	simm.s32 $0x1BF5;
	[smem:$0x3FB4] =	sst s0  }
0x18: {  	s0 =	sld [smem:$0x3F97];
	_ =	swait.ge [sflag:s4], $0x0  }
0x19: {  	s7 =	sld [smem:$0x3F98]  }
0x1a: {  	s8 =	sadd.s32 $0xFFFFE003, lr  }
0x1b: {  	s9 =	sadd.s32 $0xFFFFFEF7, lr;
	s5 =	simm.s32 $0xFFFFFFFF;
	p2 =	slt.u32 s8, $0xFFFFF086  }
0x1c: {  	p1 =	slt.u32 s9, $0xF7A;
	s5 =	simm.s32 @!p2 $0x0  }
0x1d: {  	s5 =	simm.s32 @p1 $0x1;
	p0 =	seq.s32 s7, s2  }
0x1e: {  	s7 =	smul.u32 @!p0 $0xF7A, s2;
	p2 =	seq.s32 @!p0 s5, $0x0  }
0x1f: {  	s9 =	smul.u32 $0xF7A, s1;
	s8 =	simm.s32 @!p0 $0x1BF5;
	p2 =	por !p2, p0  }
0x20: {  	[sflag:s8] =	ssyncset.s32 @!p0 $0xFFFFF086;
	s6 =	sadd.s32 @!p0 s3, s7;
	s7 =	simm.s32 @!p0 $0x108  }
0x21: {  	s3 =	sadd.s32 s3, s9;
	s6 =	sadd.s32 @!p0 $0x88, s6;
	s7 =	simm.s32 @p2 $0x1082  }
0x22: {  	[simem:s7], [sflag:s8] =	dma.local @!p0 [hbm:s6], $0xF7A  }
0x23: {  	s9 =	sor.u32 $0xD0000000, s2;
	s6 =	simm.s32 $0x108;
	_ =	swait.ge @!p0 [sflag:s8], $0x0  }
0x24: {  	s3 =	sadd.s32 $0x88, s3;
	s6 =	simm.s32 @!p1 $0x1082;
	[sflag:s4] =	ssyncset.s32 $0xFFFFF086  }
0x25: {  	[simem:s6], [sflag:s4] =	dma.local [hbm:s3], $0xF7A  }
0x26: {  	[smem:$0x3F98] =	sst s1;
	(tag) =	ssettag s2;
	_ =	strace s9  }
0x27: {  	s1 =	sld [smem:$0x3FA8]  }
0x28: {  	s2 =	sld [smem:$0x3FA9]  }
0x29: {  	s4 =	sld [smem:$0x3FAB]  }
0x2a: {  	p0 =	seq.s32 s5, $0x0;
	s5 =	sld [smem:$0x3FAC]  }
0x2b: {  	s6 =	sld [smem:$0x3FAD]  }
0x2c: {  	s7 =	sld [smem:$0x3FAE]  }
0x2d: {  	s3 =	simm.s32 $0x108;
	s8 =	sld [smem:$0x3FAF]  }
0x2e: {  	s3 =	simm.s32 @!p0 $0x1082;
	s9 =	sld [smem:$0x3FB0]  }
0x2f: {  	lr =	sadd.s32 s0, s3;
	s0 =	sld [smem:$0x3FA7]  }
0x30: {  	s3 =	sld [smem:$0x3FAA]  }
0x31: {  	[smem:$0x3FB3] =	sst s10  }
0x32: {  	s10 =	sld [smem:$0x3FB1];
	_ =	sdelay $0x3  }
0x33: {  	p0 =	seq.s32 s10, $0x1;
	s10 =	sld [smem:$0x3FB3];
	_ =	sdelay $0x3  }
0x34: {  	[smem:$0x3FB3] =	sst s10  }
0x35: {  	s10 =	sld [smem:$0x3FB2];
	_ =	sdelay $0x3  }
0x36: {  	p1 =	seq.s32 s10, $0x1;
	s10 =	sld [smem:$0x3FB3];
	_ =	sdelay $0x3  }
0x37: {  	[smem:$0x3FB3] =	sst s10  }
0x38: {  	s10 =	sld [smem:$0x3FB4]  }
0x39: {  	_ = 	snop;
	(pc) =	sbr.ind lr, $3  }
0x3a: {  	_ = 	snop  }
0x3b: {  	_ = 	snop  }
0x3c: {  	p2 =	seq.s32 s10, $0x1;
	s10 =	sld [smem:$0x3FB3]  }
0x3d: {  	_ =	shalt  }
0x3e: {  	_ =	shalt  }
0x3f: {  	_ =	shalt  }
0x40: {  	_ =	shalt  }
0x41: {  	_ =	shalt  }
0x42: {  	_ =	shalt  }
0x43: {  	_ =	shalt  }
0x44: {  	_ =	shalt  }
0x45: {  	_ =	shalt  }
0x46: {  	_ =	shalt  }
0x47: {  	_ =	shalt  }
0x48: {  	_ =	shalt  }
0x49: {  	_ =	shalt  }
0x4a: {  	_ =	shalt  }
0x4b: {  	_ =	shalt  }
0x4c: {  	_ =	shalt  }
0x4d: {  	_ =	shalt  }
0x4e: {  	_ =	shalt  }
0x4f: {  	_ =	shalt  }
0x50: {  	_ =	shalt  }
0x51: {  	_ =	shalt  }
0x52: {  	_ =	shalt  }
0x53: {  	_ =	shalt  }
0x54: {  	_ =	shalt  }
0x55: {  	_ =	shalt  }
0x56: {  	_ =	shalt  }
0x57: {  	_ =	shalt  }
0x58: {  	_ =	shalt  }
0x59: {  	_ =	shalt  }
0x5a: {  	_ =	shalt  }
0x5b: {  	_ =	shalt  }
0x5c: {  	_ =	shalt  }
0x5d: {  	_ =	shalt  }
0x5e: {  	_ =	shalt  }
0x5f: {  	_ =	shalt  }
0x60: {  	_ =	shalt  }
0x61: {  	_ =	shalt  }
0x62: {  	_ =	shalt  }
0x63: {  	_ =	shalt  }
0x64: {  	_ =	shalt  }
0x65: {  	_ =	shalt  }
0x66: {  	_ =	shalt  }
0x67: {  	_ =	shalt  }
0x68: {  	_ =	shalt  }
0x69: {  	_ =	shalt  }
0x6a: {  	_ =	shalt  }
0x6b: {  	_ =	shalt  }
0x6c: {  	_ =	shalt  }
0x6d: {  	_ =	shalt  }
0x6e: {  	_ =	shalt  }
0x6f: {  	_ =	shalt  }
0x70: {  	_ =	shalt  }
0x71: {  	_ =	shalt  }
0x72: {  	_ =	shalt  }
0x73: {  	_ =	shalt  }
0x74: {  	_ =	shalt  }
0x75: {  	_ =	shalt  }
0x76: {  	_ =	shalt  }
0x77: {  	_ =	shalt  }
0x78: {  	_ =	shalt  }
0x79: {  	_ =	shalt  }
0x7a: {  	_ =	shalt  }
0x7b: {  	_ =	shalt  }
0x7c: {  	_ =	shalt  }
0x7d: {  	_ =	shalt  }
0x7e: {  	_ =	shalt  }
0x7f: {  	_ =	shalt  }
0x80: {  	_ =	shalt  }
0x81: {  	_ =	shalt  }
0x82: {  	_ =	shalt  }
0x83: {  	_ =	shalt  }
0x84: {  	_ =	shalt  }
0x85: {  	_ =	shalt  }
0x86: {  	_ =	shalt  }
0x87: {  	_ =	shalt  }
.Lfunc_end0:
.L_simem_size_0:
called_computation.1_lowered:
.L_overlay_start_0:
0x88: {  	s2 =	sld [smem:$0x3FD9]  }
0x89: {  	s3 =	sld [smem:$0x3FFE];
	_ =	sdelay $0x1  }
0x8a: {  	s1 =	srdreg.scid  }
0x8b: {  	s0 =	sand.u32 $0x1, s1  }
0x8c: {  	s16 =	sshll.u32 s0, $0xA;
	s2 =	sadd.s32 s3, s2  }
0x8d: {  	s2 =	sadd.s32 s2, s16  }
0x8e: {  	[smem:$0x3FBF] =	sst s2  }
0x8f: {  	_ = 	snop  }
0x90: {  	(tm) =	ssettm $0x1  }
0x91: {  	s17 =	sld [smem:$0x3FFB];
	_ =	sdelay $0x3  }
0x92: {  	_ =	strace s17  }
0x93: {  	s2 =	sld [smem:$0x3FFC];
	_ =	sdelay $0x3  }
0x94: {  	_ =	strace s2  }
0x95: {  	s2 =	sld [smem:$0x3FFD];
	_ =	sdelay $0x3  }
0x96: {  	_ =	strace s2  }
0x97: {  	_ =	strace $0x8FFFFFFF  }
0x98: {  	s18 =	sld [smem:$0x3FDB];
	_ =	sdelay $0x1  }
0x99: {  	s19 =	simm.s32 $_scs_section_size  }
0x9a: {  	s4 =	simm.s32 $_size__tile_overlayer_lowered;
	s5 =	simm.s32 $_tile_overlayer_lowered  }
0x9b: {  	s22 =	simm.s32 $0x1BFF;
	s21 =	sshll.u32 s5, $0x1;
	s2 =	sadd.s32 s19, s18  }
0x9c: {  	s6 =	simm.s32 $0x0;
	s20 =	sshll.u32 s4, $0x1;
	s4 =	sadd.s32 s21, s2  }
0x9d: {  	[timem:s6], [sflag:s22] =	dma.local [hbm:s4], s20  }
0x9e: {  	_ =	swait.ge [sflag:s22], s20  }
0x9f: {  	s3 =	ssub.s32 $0x0, s20;
	[sflag:s22] =	ssyncset.done $0x0  }
0xa0: {  	[sflag:s22] =	ssyncadd.s32 s3;
	_ =	sdelay $0x1  }
0xa1: {  	s23 =	simm.s32 $0x1B8B  }
0xa2: {  	_ =	swait.ge [sflag:s23], $0x1  }
0xa3: {  	[sflag:s23] =	ssyncset.done $0x0  }
0xa4: {  	s25 =	simm.s32 $0x1B8E;
	s24 =	sld [smem:$0x3FFE];
	[sflag:s23] =	ssyncadd.s32 $0xFFFFFFFF  }
0xa5: {  	s26 =	simm.s32 $execute0_lowered;
	[smem:$0x3FD2] =	sst s25  }
0xa6: {  	s4 =	sshll.u32 s26, $0x1;
	_ =	strace $0x80000049;
	[dreg:$0x1] =	wrdreg $0xFFFFFFFF  }
0xa7: {  	s28 =	simm.s32 $_size_execute0_lowered;
	s2 =	sadd.s32 s2, s4;
	[dreg:$0x0] =	wrdreg $0x0  }
0xa8: {  	s4 =	sshll.u32 s28, $0x1;
	[dreg:$0x2] =	wrdreg s2  }
0xa9: {  	[dreg:$0x3] =	wrdreg s4  }
0xaa: {  	[dreg:$0x4] =	wrdreg $0xC0  }
0xab: {  	_ =	task [dreg:s6], $0x5FFFF  }
0xac: {  	[dreg:$0x1] =	wrdreg $0xFFFFFFFF  }
0xad: {  	[dreg:$0x0] =	wrdreg $0x60  }
0xae: {  	[dreg:$0x2] =	wrdreg s24  }
0xaf: {  	[dreg:$0x3] =	wrdreg $0xBA000  }
0xb0: {  	[dreg:$0x4] =	wrdreg $0x9  }
0xb1: {  	_ =	task.clear_ibuf [dreg:s6], $0x5FFFF;
	_ =	strace $0x90000049  }
0xb2: {  	s29 =	simm.s32 $0x9;
	_ =	strace $0x8000004B  }
0xb3: {  	_ =	swait.ge [sflag:s29], $0x1  }
0xb4: {  	[sflag:s29] =	ssyncadd.s32 $0xFFFFFFFF  }
0xb5: {  	_ =	strace $0x9000004B  }
0xb6: {  	_ =	sfence  }
0xb7: {  	s30 =	sld [smem:$0x0];
	_ =	sdelay $0x2  }
0xb8: {  	s31 =	sshll.u32 s1, $0xD;
	s1 =	sshrl.u32 s1, $0x2  }
0xb9: {  	s3 =	sand.u32 $0x4000, s31;
	s1 =	sadd.s32 s1, s30  }
0xba: {  	s0 =	sor.u32 s3, s0;
	s1 =	sshll.u32 s1, $0x11  }
0xbb: {  	s0 =	sor.u32 s1, s0  }
0xbc: {  	s0 =	sadd.s32 $0x8F2B, s0  }
0xbd: {  	[sflag:s0] =	ssyncadd.remote.s32 $0x1  }
0xbe: {  	_ =	sfence.sel $0xFFFF  }
0xbf: {  	[dreg:$0x0] =	wrdreg $0xFFFFFFFF;
	(pc) =	sbr.abs _section_cstart, $3  }
0xc0: {  	[dreg:$0x1] =	wrdreg $0xFFFFFFFF  }
0xc1: {  	_ =	task.clear_ibuf [dreg:s6], $0x2FFFF;
	_ =	strace $0x9FFFFFFF  }
0xc2: {  	(tm) =	ssettm $0x7FFFFFFF  }
0xc3: {  	_ =	shalt  }
tec
execute0_lowered:
.L_overlay_start_1:
0x0: {  	(tag) =	ssettag $0x1  }
0x1: {  	s0 =	rddreg [dreg:$0x0]  }
0x2: {  	s1 =	rddreg [dreg:$0x1];
	s2 =	srdreg.scid  }
0x3: {  	s3 =	simm.s32 $0x0;
	s10 =	stileid.u32;
	s28 =	simm.s32 $0xA  }
0x4: {  	s29 =	simm.s32 $0x12;
	s30 =	simm.s32 $0x6;
	s31 =	simm.s32 $0xB  }
0x5: {  	s2 =	sand.u32 $0x1, s2;
	[smem:$0x7FF] =	sst s3;
	s7 =	smul.u32 $0x14000, s10  }
0x6: {  	s4 =	sadd.s32 $0x37000, s0;
	s11 =	sadd.s32 $0x22000, s0;
	s20 =	smul.u32 $0x50000, s10  }
0x7: {  	s12 =	sadd.s32 $0x2C800, s0;
	s22 =	sshll.u32 s10, $0x6;
	s17 =	smul.u32 $0x2A00, s10  }
0x8: {  	s5 =	smul.u32 $0x140000, s2;
	s6 =	sshll.u32 s2, $0x4;
	_ =	strace $0x8000004A  }
0x9: {  	s21 =	ssub.s32 $0x2, s2;
	s16 =	sor.u32 $0x1C13, s22;
	[dreg:$0x4] =	wrdreg s12  }
0xa: {  	s2 =	smul.u32 $0x2A000, s2;
	[dreg:$0x3] =	wrdreg s11;
	s6 =	sor.u32 s10, s6  }
0xb: {  	s9 =	sshrl.u32 s21, $0x1;
	[dreg:$0x7] =	wrdreg s16;
	s8 =	smul.u32 $0x2800, s6  }
0xc: {  	s5 =	sadd.s32 s7, s5;
	s7 =	sshrl.u32 s20, $0x2;
	s6 =	smul.u32 $0x2A00, s6  }
0xd: {  	s2 =	sadd.s32 s17, s2;
	s7 =	sadd.s32 s7, s1;
	s8 =	sadd.s32 s8, s0  }
0xe: {  	[dreg:$0x5] =	wrdreg s7;
	s6 =	sshrl.u32 s6, $0x3;
	s8 =	sadd.s32 $0x5E200, s8  }
0xf: {  	s5 =	sshrl.u32 s5, $0x3;
	s23 =	sadd.s32 s11, s6;
	[dreg:$0x6] =	wrdreg s8  }
0x10: {  	s0 =	sadd.s32 s5, s0;
	s24 =	sadd.s32 s12, s6;
	[dreg:$0x8] =	wrdreg s23  }
0x11: {  	s5 =	ssub.s32 s21, s9;
	s0 =	sadd.s32 $0xAE200, s0;
	[dreg:$0x9] =	wrdreg s24  }
0x12: {  	s25 =	sor.u32 $0x10, s6;
	s5 =	smax.u32 s5, $0x1;
	[dreg:$0x14] =	wrdreg s0  }
0x13: {  	s22 =	sadd.s32 $0x500, s2;
	s26 =	sadd.s32 s11, s25;
	[dreg:$0x15] =	wrdreg s5  }
0x14: {  	s9 =	sor.u32 $0x20, s6;
	s7 =	sadd.s32 s12, s25;
	[dreg:$0xa] =	wrdreg s26  }
0x15: {  	s14 =	sor.u32 $0x30, s6;
	s13 =	sadd.s32 s11, s9;
	[dreg:$0xb] =	wrdreg s7  }
0x16: {  	s15 =	sadd.s32 $0x40, s6;
	s18 =	sadd.s32 s11, s14;
	[dreg:$0xc] =	wrdreg s13  }
0x17: {  	s6 =	sadd.s32 $0x50, s6;
	s19 =	sadd.s32 s11, s15;
	[dreg:$0xe] =	wrdreg s18  }
0x18: {  	s20 =	sadd.s32 s12, s15;
	s21 =	sadd.s32 s11, s6;
	[dreg:$0x10] =	wrdreg s19  }
0x19: {  	s6 =	sadd.s32 s12, s6;
	s23 =	sshrl.u32 s22, $0x3;
	[dreg:$0x11] =	wrdreg s20  }
0x1a: {  	s24 =	sadd.s32 $0x480, s2;
	s8 =	sadd.s32 $0x400, s2;
	[dreg:$0x12] =	wrdreg s21  }
0x1b: {  	s22 =	simm.s32 $0x1;
	s7 =	sadd.s32 s12, s9;
	[dreg:$0x13] =	wrdreg s6  }
0x1c: {  	s25 =	sshrl.u32 s24, $0x3;
	s26 =	sadd.s32 s23, s12;
	s0 =	sadd.s32 s23, s11  }
0x1d: {  	s9 =	sadd.s32 $0x380, s2;
	s13 =	sadd.s32 $0x280, s2;
	s2 =	sadd.s32 $0x300, s2  }
0x1e: {  	s19 =	simm.s32 $0x200;
	s23 =	simm.s32 $0x78;
	s20 =	simm.s32 $0x8  }
0x1f: {  	s21 =	simm.s32 $0x10;
	s6 =	simm.s32 $0xF;
	[dreg:$0xd] =	wrdreg s7  }
0x20: {  	s24 =	simm.s32 $0x9;
	s18 =	simm.s32 $0x0;
	[dreg:$0x16] =	wrdreg s26  }
0x21: {  	s7 =	sadd.s32 s12, s14;
	[dreg:$0x17] =	wrdreg s0;
	s5 =	sadd.s32 s25, s11  }
0x22: {  	s0 =	sshrl.u32 s8, $0x3;
	s14 =	sshrl.u32 s13, $0x3;
	[dreg:$0x1e] =	wrdreg s2  }
0x23: {  	s8 =	simm.s32 $0x13;
	s2 =	simm.s32 $0x600;
	[smem:$0x7FD] =	sst s18  }
0x24: {  	s13 =	simm.s32 $0x3;
	s26 =	simm.s32 $0x5;
	[dreg:$0xf] =	wrdreg s7  }
0x25: {  	s7 =	sadd.s32 s25, s12;
	[dreg:$0x19] =	wrdreg s5;
	s5 =	sshrl.u32 s9, $0x3  }
0x26: {  	s10 =	sadd.s32 s0, s12;
	s0 =	sadd.s32 s0, s11;
	[dreg:$0x18] =	wrdreg s7  }
0x27: {  	s17 =	sadd.s32 s14, s12;
	s9 =	simm.s32 $0x2;
	[dreg:$0x1a] =	wrdreg s10  }
0x28: {  	s25 =	simm.s32 $0x11;
	[dreg:$0x1b] =	wrdreg s0;
	s15 =	sadd.s32 s5, s12  }
.Ltmp0:
0x29: {  	s5 =	sadd.s32 s5, s11;
	[dreg:$0x1f] =	wrdreg s17;
	(pc) =	sbr.rel .LBB2_1-.Ltmp0, $4  }
0x2a: {  	s0 =	sadd.s32 s14, s11;
	s17 =	simm.s32 $0x580;
	[dreg:$0x1c] =	wrdreg s15  }
0x2b: {  	s10 =	simm.s32 $0x4200;
	s11 =	simm.s32 $0xD;
	[dreg:$0x1d] =	wrdreg s5  }
0x2c: {  	s12 =	simm.s32 $0x7;
	s14 =	simm.s32 $0x7E00;
	[smem:$0x7FC] =	sst s0  }
0x2d: {  	s15 =	simm.s32 $0xE;
	s5 =	simm.s32 $0x4;
	s0 =	simm.s32 $0xC  }
.LBB2_4:
0x2e: {  	_ =	swait.ge [sflag:s6], $0x3C00  }
0x2f: {  	[sflag:s6] =	ssyncset.done $0x0  }
0x30: {  	[sflag:s6] =	ssyncadd.s32 $0xFFFFC400  }
0x31: {  	_ =	swait.ge [sflag:s0], $0x80  }
0x32: {  	[sflag:s0] =	ssyncset.done $0x0  }
0x33: {  	s17 =	simm.s32 $0x580;
	[sflag:s0] =	ssyncadd.s32 $0xFFFFFF80  }
0x34: {  	[spmem:s1] =	stream.indirect.scatter.add.f32 [tilespmem:s14], [sflag:$0x12], $0x80, s17, s23, $0xb8;
	[tilespmem:$0x1FA00] =	vst v63  }
0x35: {  	_ =	swait.ge [sflag:s25], $0x3C00  }
0x36: {  	[sflag:s25] =	ssyncset.done $0x0  }
0x37: {  	[sflag:s25] =	ssyncadd.s32 $0xFFFFC400  }
0x38: {  	_ =	swait.ge [sflag:s29], $0x3C00  }
0x39: {  	[sflag:s29] =	ssyncset.done $0x0  }
0x3a: {  	[sflag:s29] =	ssyncadd.s32 $0xFFFFC400  }
0x3b: {  	[bflag:$0x0] =	sbarrier.arrive $0xFFFF  }
0x3c: {  	s8 =	sld [smem:$0x7FB]  }
0x3d: {  	s16 =	rddreg [dreg:$0x7]  }
0x3e: {  	s7 =	rddreg [dreg:$0x14]  }
0x3f: {  	[hbm:s7], [sflag:s16] =	dma.local [spmem:s8], $0x2800  }
0x40: {  	s8 =	simm.s32 $0x13  }
0x41: {  	_ =	swait.ge [sflag:s8], $0x2800  }
0x42: {  	s18 =	sld [smem:$0x7FD];
	_ =	sdelay $0x2  }
0x43: {  	s19 =	rddreg [dreg:$0x15];
	s18 =	sadd.s32 $0x1, s18  }
0x44: {  	p0 =	sne.s32 s18, s19  }
.Ltmp1:
0x45: {  	_ = 	snop;
	(pc) =	sbr.rel @!p0 .LBB2_5-.Ltmp1, $3  }
0x46: {  	_ =	sdelay $0x1  }
0x47: {  	[sflag:s8] =	ssyncset.done $0x0  }
0x48: {  	[sflag:s8] =	ssyncadd.s32 $0xFFFFD800;
	[smem:$0x7FD] =	sst s18;
	s19 =	simm.s32 $0x200  }
.LBB2_1:
0x49: {  	s7 =	rddreg [dreg:$0x5]  }
0x4a: {  	s18 =	smov.u32 s16;
	s16 =	sshrl.u32 s7, $0x3;
	s7 =	rddreg [dreg:$0x6]  }
0x4b: {  	[smem:$0x7FB] =	sst s16  }
0x4c: {  	[spmem:s16], [sflag:s18] =	dma.local [hbm:s7], $0x2800  }
0x4d: {  	_ =	swait.ge [sflag:s8], $0x2800  }
0x4e: {  	[sflag:s8] =	ssyncset.done $0x0  }
0x4f: {  	[sflag:s8] =	ssyncadd.s32 $0xFFFFD800  }
0x50: {  	[bflag:$0x0] =	sbarrier.arrive $0xFFFF  }
0x51: {  	s18 =	rddreg [dreg:$0x8]  }
0x52: {  	[tilespmem:s3], [sflag:$0x1] =	stream.linear.gather [hbm4b:s18+s3], $0x80, $0x38;
	[tilespmem:$0x1FA00] =	vst v63  }
0x53: {  	s16 =	simm.s32 $0x300;
	s8 =	rddreg [dreg:$0x9]  }
0x54: {  	[tilespmem:s16], [sflag:$0x7] =	stream.linear.gather [hbm4b:s8+s3], $0x80, $0x38;
	[tilespmem:$0x1FA00] =	vst v63  }
0x55: {  	s18 =	rddreg [dreg:$0xa];
	s8 =	simm.s32 $0x80  }
0x56: {  	[tilespmem:s8], [sflag:$0x2] =	stream.linear.gather [hbm4b:s18+s3], $0x80, $0x38;
	[tilespmem:$0x1FA00] =	vst v63  }
0x57: {  	s16 =	rddreg [dreg:$0xb];
	s18 =	simm.s32 $0x380  }
0x58: {  	[tilespmem:s18], [sflag:$0x8] =	stream.linear.gather [hbm4b:s16+s3], $0x80, $0x38;
	[tilespmem:$0x1FA00] =	vst v63  }
0x59: {  	s16 =	rddreg [dreg:$0xc];
	s18 =	simm.s32 $0x100  }
0x5a: {  	[tilespmem:s18], [sflag:$0x3] =	stream.linear.gather [hbm4b:s16+s3], $0x80, $0x38;
	[tilespmem:$0x1FA00] =	vst v63  }
0x5b: {  	s16 =	rddreg [dreg:$0xd];
	s18 =	simm.s32 $0x400  }
0x5c: {  	[tilespmem:s18], [sflag:$0x9] =	stream.linear.gather [hbm4b:s16+s3], $0x80, $0x38;
	[tilespmem:$0x1FA00] =	vst v63  }
0x5d: {  	s16 =	rddreg [dreg:$0xe];
	s18 =	simm.s32 $0x180  }
0x5e: {  	[tilespmem:s18], [sflag:$0x4] =	stream.linear.gather [hbm4b:s16+s3], $0x80, $0x38;
	[tilespmem:$0x1FA00] =	vst v63  }
0x5f: {  	s16 =	rddreg [dreg:$0xf];
	s18 =	simm.s32 $0x480  }
0x60: {  	[tilespmem:s18], [sflag:$0xA] =	stream.linear.gather [hbm4b:s16+s3], $0x80, $0x38;
	[tilespmem:$0x1FA00] =	vst v63  }
0x61: {  	s16 =	rddreg [dreg:$0x10]  }
0x62: {  	[tilespmem:s19], [sflag:$0x5] =	stream.linear.gather [hbm4b:s16+s3], $0x80, $0x38;
	[tilespmem:$0x1FA00] =	vst v63  }
0x63: {  	s18 =	rddreg [dreg:$0x11];
	s19 =	simm.s32 $0x500  }
0x64: {  	[tilespmem:s19], [sflag:$0xB] =	stream.linear.gather [hbm4b:s18+s3], $0x80, $0x38;
	[tilespmem:$0x1FA00] =	vst v63  }
0x65: {  	s16 =	rddreg [dreg:$0x12];
	s18 =	simm.s32 $0x280  }
0x66: {  	[tilespmem:s18], [sflag:$0x6] =	stream.linear.gather [hbm4b:s16+s3], $0x80, $0x38;
	[tilespmem:$0x1FA00] =	vst v63  }
0x67: {  	s18 =	rddreg [dreg:$0x13]  }
0x68: {  	[tilespmem:s17], [sflag:$0xC] =	stream.linear.gather [hbm4b:s18+s3], $0x80, $0x38;
	[tilespmem:$0x1FA00] =	vst v63  }
0x69: {  	_ =	swait.ge [sflag:s22], $0x80  }
0x6a: {  	[sflag:s22] =	ssyncset.done $0x0  }
0x6b: {  	[sflag:s22] =	ssyncadd.s32 $0xFFFFFF80  }
0x6c: {  	[tilespmem:s2], [sflag:$0xD] =	stream.indirect.gather [hbm4b:s4+s23], $0x80, s3, s23, $0xb8;
	[tilespmem:$0x1FA00] =	vst v63  }
0x6d: {  	_ =	swait.ge [sflag:s9], $0x80  }
0x6e: {  	[sflag:s9] =	ssyncset.done $0x0  }
0x6f: {  	[sflag:s9] =	ssyncadd.s32 $0xFFFFFF80  }
0x70: {  	[tilespmem:s10], [sflag:$0xE] =	stream.indirect.gather [hbm4b:s4+s23], $0x80, s8, s23, $0xb8;
	[tilespmem:$0x1FA00] =	vst v63  }
0x71: {  	s7 =	rddreg [dreg:$0x1e];
	s8 =	simm.s32 $0x0  }
.LBB2_2:
0x72: {  	_ =	swait.ge [sflag:s11], $0x3C00  }
0x73: {  	[sflag:s11] =	ssyncset.done $0x0  }
0x74: {  	[sflag:s11] =	ssyncadd.s32 $0xFFFFC400  }
0x75: {  	_ =	swait.ge [sflag:s12], $0x80  }
0x76: {  	[sflag:s12] =	ssyncset.done $0x0  }
0x77: {  	s16 =	simm.s32 $0x300;
	p0 =	seq.s32 s8, $0x0;
	[sflag:s12] =	ssyncadd.s32 $0xFFFFFF80  }
0x78: {  	[spmem:s1] =	stream.indirect.scatter.add.f32 [tilespmem:s2], [sflag:$0x10], $0x80, s16, s23, $0xb8;
	[tilespmem:$0x1FA00] =	vst v63  }
0x79: {  	s16 =	simm.s32 @!p0 $0x12  }
0x7a: {  	_ =	swait.ge @!p0 [sflag:s16], $0x3C00  }
0x7b: {  	[sflag:s16] =	ssyncset.done @!p0 $0x0  }
0x7c: {  	[sflag:s16] =	ssyncadd.s32 @!p0 $0xFFFFC400;
	s16 =	sld [smem:$0x7FC];
	_ =	sdelay $0x2  }
0x7d: {  	s17 =	simm.s32 @!p0 $0x0;
	s18 =	simm.s32 @!p0 $0x280;
	s16 =	sadd.s32 @!p0 s8, s16  }
0x7e: {  	[tilespmem:s18], [sflag:$0x6] =	stream.linear.gather @!p0 [hbm4b:s16+s17], $0x80, $0x38;
	[tilespmem:$0x1FA00] =	vst v63  }
0x7f: {  	s16 =	rddreg [dreg:$0x1f]  }
0x80: {  	s18 =	simm.s32 @!p0 $0x580;
	s16 =	sadd.s32 @!p0 s8, s16  }
0x81: {  	[tilespmem:s18], [sflag:$0xC] =	stream.linear.gather @!p0 [hbm4b:s16+s17], $0x80, $0x38;
	[tilespmem:$0x1FA00] =	vst v63  }
0x82: {  	_ =	swait.ge [sflag:s13], $0x80  }
0x83: {  	[sflag:s13] =	ssyncset.done $0x0  }
0x84: {  	s17 =	simm.s32 $0x100;
	[sflag:s13] =	ssyncadd.s32 $0xFFFFFF80  }
0x85: {  	[tilespmem:s14], [sflag:$0xF] =	stream.indirect.gather [hbm4b:s4+s23], $0x80, s17, s23, $0xb8;
	[tilespmem:$0x1FA00] =	vst v63  }
0x86: {  	_ =	swait.ge [sflag:s15], $0x3C00  }
0x87: {  	[sflag:s15] =	ssyncset.done $0x0  }
0x88: {  	[sflag:s15] =	ssyncadd.s32 $0xFFFFC400  }
0x89: {  	_ =	swait.ge [sflag:s20], $0x80  }
0x8a: {  	[sflag:s20] =	ssyncset.done $0x0  }
0x8b: {  	s18 =	simm.s32 $0x380;
	[sflag:s20] =	ssyncadd.s32 $0xFFFFFF80  }
0x8c: {  	[spmem:s1] =	stream.indirect.scatter.add.f32 [tilespmem:s10], [sflag:$0x11], $0x80, s18, s23, $0xb8;
	[tilespmem:$0x1FA00] =	vst v63  }
0x8d: {  	p0 =	seq.s32 s8, $0x4E0;
	_ =	swait.ge [sflag:s21], $0x3C00  }
0x8e: {  	s16 =	sshrl.u32 @!p0 s7, $0x3;
	[sflag:s21] =	ssyncset.done $0x0;
	s17 =	rddreg [dreg:$0x3]  }
0x8f: {  	s18 =	simm.s32 @!p0 $0x0;
	[sflag:s21] =	ssyncadd.s32 $0xFFFFC400;
	s17 =	sadd.s32 @!p0 s17, s16  }
0x90: {  	[tilespmem:s18], [sflag:$0x1] =	stream.linear.gather @!p0 [hbm4b:s17+s18], $0x80, $0x38;
	[tilespmem:$0x1FA00] =	vst v63  }
0x91: {  	s17 =	rddreg [dreg:$0x4]  }
0x92: {  	s16 =	sadd.s32 @!p0 s17, s16;
	s17 =	simm.s32 @!p0 $0x300  }
0x93: {  	[tilespmem:s17], [sflag:$0x7] =	stream.linear.gather @!p0 [hbm4b:s16+s18], $0x80, $0x38;
	[tilespmem:$0x1FA00] =	vst v63  }
0x94: {  	_ =	swait.ge [sflag:s5], $0x80  }
0x95: {  	[sflag:s5] =	ssyncset.done $0x0  }
0x96: {  	s17 =	simm.s32 $0x180;
	[sflag:s5] =	ssyncadd.s32 $0xFFFFFF80  }
0x97: {  	[tilespmem:s2], [sflag:$0xD] =	stream.indirect.gather [hbm4b:s4+s23], $0x80, s17, s23, $0xb8;
	[tilespmem:$0x1FA00] =	vst v63  }
0x98: {  	_ =	swait.ge [sflag:s6], $0x3C00  }
0x99: {  	[sflag:s6] =	ssyncset.done $0x0  }
0x9a: {  	[sflag:s6] =	ssyncadd.s32 $0xFFFFC400  }
0x9b: {  	_ =	swait.ge [sflag:s24], $0x80  }
0x9c: {  	[sflag:s24] =	ssyncset.done $0x0  }
0x9d: {  	s17 =	simm.s32 $0x400;
	[sflag:s24] =	ssyncadd.s32 $0xFFFFFF80  }
0x9e: {  	[spmem:s1] =	stream.indirect.scatter.add.f32 [tilespmem:s14], [sflag:$0x12], $0x80, s17, s23, $0xb8;
	[tilespmem:$0x1FA00] =	vst v63  }
0x9f: {  	_ =	swait.ge [sflag:s25], $0x3C00  }
0xa0: {  	[sflag:s25] =	ssyncset.done $0x0;
	s16 =	rddreg [dreg:$0x1d]  }
0xa1: {  	s17 =	simm.s32 @!p0 $0x80;
	[sflag:s25] =	ssyncadd.s32 $0xFFFFC400;
	s16 =	sadd.s32 @!p0 s8, s16  }
0xa2: {  	[tilespmem:s17], [sflag:$0x2] =	stream.linear.gather @!p0 [hbm4b:s16+s18], $0x80, $0x38;
	[tilespmem:$0x1FA00] =	vst v63  }
0xa3: {  	s16 =	rddreg [dreg:$0x1c]  }
0xa4: {  	s17 =	simm.s32 @!p0 $0x380;
	s16 =	sadd.s32 @!p0 s8, s16  }
0xa5: {  	[tilespmem:s17], [sflag:$0x8] =	stream.linear.gather @!p0 [hbm4b:s16+s18], $0x80, $0x38;
	[tilespmem:$0x1FA00] =	vst v63  }
0xa6: {  	_ =	swait.ge [sflag:s26], $0x80  }
0xa7: {  	[sflag:s26] =	ssyncset.done $0x0  }
0xa8: {  	s17 =	simm.s32 $0x200;
	[sflag:s26] =	ssyncadd.s32 $0xFFFFFF80  }
0xa9: {  	[tilespmem:s10], [sflag:$0xE] =	stream.indirect.gather [hbm4b:s4+s23], $0x80, s17, s23, $0xb8;
	[tilespmem:$0x1FA00] =	vst v63  }
0xaa: {  	_ =	swait.ge [sflag:s11], $0x3C00  }
0xab: {  	[sflag:s11] =	ssyncset.done $0x0  }
0xac: {  	[sflag:s11] =	ssyncadd.s32 $0xFFFFC400  }
0xad: {  	_ =	swait.ge [sflag:s28], $0x80  }
0xae: {  	[sflag:s28] =	ssyncset.done $0x0  }
0xaf: {  	s17 =	simm.s32 $0x480;
	[sflag:s28] =	ssyncadd.s32 $0xFFFFFF80  }
0xb0: {  	[spmem:s1] =	stream.indirect.scatter.add.f32 [tilespmem:s2], [sflag:$0x10], $0x80, s17, s23, $0xb8;
	[tilespmem:$0x1FA00] =	vst v63  }
0xb1: {  	_ =	swait.ge [sflag:s29], $0x3C00  }
0xb2: {  	[sflag:s29] =	ssyncset.done $0x0;
	s16 =	rddreg [dreg:$0x1b]  }
0xb3: {  	s17 =	simm.s32 @!p0 $0x100;
	[sflag:s29] =	ssyncadd.s32 $0xFFFFC400;
	s16 =	sadd.s32 @!p0 s8, s16  }
0xb4: {  	[tilespmem:s17], [sflag:$0x3] =	stream.linear.gather @!p0 [hbm4b:s16+s18], $0x80, $0x38;
	[tilespmem:$0x1FA00] =	vst v63  }
0xb5: {  	s16 =	rddreg [dreg:$0x1a]  }
0xb6: {  	s17 =	simm.s32 @!p0 $0x400;
	s16 =	sadd.s32 @!p0 s8, s16  }
0xb7: {  	[tilespmem:s17], [sflag:$0x9] =	stream.linear.gather @!p0 [hbm4b:s16+s18], $0x80, $0x38;
	[tilespmem:$0x1FA00] =	vst v63  }
0xb8: {  	_ =	swait.ge [sflag:s30], $0x80  }
0xb9: {  	[sflag:s30] =	ssyncset.done $0x0  }
0xba: {  	s18 =	simm.s32 $0x280;
	[sflag:s30] =	ssyncadd.s32 $0xFFFFFF80  }
0xbb: {  	[tilespmem:s14], [sflag:$0xF] =	stream.indirect.gather [hbm4b:s4+s23], $0x80, s18, s23, $0xb8;
	[tilespmem:$0x1FA00] =	vst v63  }
0xbc: {  	_ =	swait.ge [sflag:s15], $0x3C00  }
0xbd: {  	[sflag:s15] =	ssyncset.done $0x0  }
0xbe: {  	[sflag:s15] =	ssyncadd.s32 $0xFFFFC400  }
0xbf: {  	_ =	swait.ge [sflag:s31], $0x80  }
0xc0: {  	[sflag:s31] =	ssyncset.done $0x0  }
.Ltmp2:
0xc1: {  	[sflag:s31] =	ssyncadd.s32 $0xFFFFFF80;
	(pc) =	sbr.rel @p0 .LBB2_4-.Ltmp2, $4  }
0xc2: {  	[spmem:s1] =	stream.indirect.scatter.add.f32 [tilespmem:s10], [sflag:$0x11], $0x80, s19, s23, $0xb8;
	[tilespmem:$0x1FA00] =	vst v63  }
0xc3: {  	_ =	swait.ge [sflag:s21], $0x3C00  }
0xc4: {  	[sflag:s21] =	ssyncset.done $0x0  }
0xc5: {  	s17 =	simm.s32 $0x500;
	[sflag:s21] =	ssyncadd.s32 $0xFFFFC400  }
0xc6: {  	s16 =	rddreg [dreg:$0x19]  }
0xc7: {  	s18 =	simm.s32 $0x180;
	s16 =	sadd.s32 s8, s16  }
0xc8: {  	[tilespmem:s18], [sflag:$0x4] =	stream.linear.gather [hbm4b:s16+s3], $0x80, $0x38;
	[tilespmem:$0x1FA00] =	vst v63  }
0xc9: {  	s18 =	rddreg [dreg:$0x18]  }
0xca: {  	s19 =	simm.s32 $0x480;
	s16 =	sadd.s32 s8, s18  }
0xcb: {  	[tilespmem:s19], [sflag:$0xA] =	stream.linear.gather [hbm4b:s16+s3], $0x80, $0x38;
	[tilespmem:$0x1FA00] =	vst v63  }
0xcc: {  	_ =	swait.ge [sflag:s22], $0x80  }
0xcd: {  	[sflag:s22] =	ssyncset.done $0x0  }
0xce: {  	[sflag:s22] =	ssyncadd.s32 $0xFFFFFF80  }
0xcf: {  	[tilespmem:s2], [sflag:$0xD] =	stream.indirect.gather [hbm4b:s4+s23], $0x80, s3, s23, $0xb8;
	[tilespmem:$0x1FA00] =	vst v63  }
0xd0: {  	_ =	swait.ge [sflag:s6], $0x3C00  }
0xd1: {  	[sflag:s6] =	ssyncset.done $0x0  }
0xd2: {  	[sflag:s6] =	ssyncadd.s32 $0xFFFFC400  }
0xd3: {  	_ =	swait.ge [sflag:s0], $0x80  }
0xd4: {  	[sflag:s0] =	ssyncset.done $0x0  }
0xd5: {  	s19 =	simm.s32 $0x580;
	[sflag:s0] =	ssyncadd.s32 $0xFFFFFF80  }
0xd6: {  	[spmem:s1] =	stream.indirect.scatter.add.f32 [tilespmem:s14], [sflag:$0x12], $0x80, s19, s23, $0xb8;
	[tilespmem:$0x1FA00] =	vst v63  }
0xd7: {  	_ =	swait.ge [sflag:s25], $0x3C00  }
0xd8: {  	s19 =	simm.s32 $0x200;
	[sflag:s25] =	ssyncset.done $0x0;
	s18 =	rddreg [dreg:$0x17]  }
0xd9: {  	[sflag:s25] =	ssyncadd.s32 $0xFFFFC400;
	s16 =	sadd.s32 s8, s18;
	s18 =	rddreg [dreg:$0x16]  }
0xda: {  	[tilespmem:s19], [sflag:$0x5] =	stream.linear.gather [hbm4b:s16+s3], $0x80, $0x38;
	[tilespmem:$0x1FA00] =	vst v63  }
0xdb: {  	s16 =	sadd.s32 s8, s18  }
0xdc: {  	[tilespmem:s17], [sflag:$0xB] =	stream.linear.gather [hbm4b:s16+s3], $0x80, $0x38;
	[tilespmem:$0x1FA00] =	vst v63  }
.Ltmp3:
0xdd: {  	_ =	swait.ge [sflag:s9], $0x80;
	(pc) =	sbr.rel .LBB2_2-.Ltmp3, $4  }
0xde: {  	[sflag:s9] =	ssyncset.done $0x0  }
0xdf: {  	s19 =	simm.s32 $0x80;
	[sflag:s9] =	ssyncadd.s32 $0xFFFFFF80  }
0xe0: {  	[tilespmem:s10], [sflag:$0xE] =	stream.indirect.gather [hbm4b:s4+s23], $0x80, s19, s23, $0xb8;
	[tilespmem:$0x1FA00] =	vst v63  }
0xe1: {  	s7 =	sadd.s32 $0x300, s7;
	s8 =	sadd.s32 $0x60, s8;
	s19 =	simm.s32 $0x500  }
.LBB2_5:
0xe2: {  	_ =	sfence.sel $0x180000  }
0xe3: {  	[bflag:$0x0] =	sbarrier.arrive $0xFFFF  }
0xe4: {  	_ =	strace $0x9000004A  }
0xe5: {  	s0 =	stileid.u32;
	[bflag:$0x2] =	sbarrier.arrive $0xFFFF  }
0xe6: {  	p0 =	sne.s32 s0, $0x0;
	s0 =	rddreg [dreg:$0x2]  }
0xe7: {  	s0 =	sadd.s32 @!p0 $0x100000, s0  }
0xe8: {  	[sflag:s0] =	ssyncadd.tile.s32 @!p0 $0x1;
	_ =	shalt  }
.Lfunc_end2:
_tile_overlayer_lowered:
.L_overlay_start_2:
0xe9: {  	(tag) =	ssettag $0x2  }
0xea: {  	s0 =	rddreg [dreg:$0x0];
	s2 =	stileid.u32  }
0xeb: {  	s1 =	rddreg [dreg:$0x1];
	p0 =	sne.s32 s2, $0x0  }
0xec: {  	s3 =	rddreg [dreg:$0x2];
	[bflag:$0x3] =	sbarrier.arrive $0xFFFF;
	s2 =	simm.s32 @!p0 $0x1C13  }
0xed: {  	[timem:s3], [sflag:s2] =	dma.local @!p0 [hbm:s0], s1  }
0xee: {  	s0 =	simm.s32 @!p0 $0x13  }
0xef: {  	_ =	swait.ge @!p0 [sflag:s0], s1  }
0xf0: {  	s1 =	ssub.s32 @!p0 $0x0, s1;
	[sflag:s0] =	ssyncset.done @!p0 $0x0  }
0xf1: {  	[sflag:s0] =	ssyncadd.s32 @!p0 s1  }
0xf2: {  	[bflag:$0x3] =	sbarrier.arrive $0xFFFF  }
0xf3: {  	_ =	shalt  }

// kernel: kernel.16.cloned.1.call-start
scs
__scs_entry_jumppad:
0x0: {  	(pc) =	sbr.rel $0x88, $3  }
0x1: {  	(tag) =	ssettag $0x0;
	lr =	simm.s32 $0x1  }
0x2: {  	[smem:$0x3F98] =	sst lr;
	_ =	strace $0xD0000000  }
0x3: {  	_ = 	snop  }
0x4: {  	_ = 	snop  }
0x5: {  	_ = 	snop  }
0x6: {  	_ = 	snop  }
0x7: {  	_ = 	snop  }
__scs_overlays_trampoline_lowered:
0x8: {  	[smem:$0x3FA7] =	sst s0  }
0x9: {  	[smem:$0x3FA8] =	sst s1  }
0xa: {  	[smem:$0x3FA9] =	sst s2  }
0xb: {  	[smem:$0x3FAA] =	sst s3  }
0xc: {  	[smem:$0x3FAB] =	sst s4  }
0xd: {  	[smem:$0x3FAC] =	sst s5  }
0xe: {  	[smem:$0x3FAD] =	sst s6  }
0xf: {  	[smem:$0x3FAE] =	sst s7  }
0x10: {  	[smem:$0x3FAF] =	sst s8  }
0x11: {  	[smem:$0x3FB0] =	sst s9;
	s0 =	simm.s32 @!p0 $0x0  }
0x12: {  	s1 =	sld [smem:$0x3F96];
	s0 =	simm.s32 @p0 $0x1  }
0x13: {  	[smem:$0x3FB1] =	sst s0;
	s0 =	simm.s32 @!p1 $0x0  }
0x14: {  	s2 =	sld [smem:$0x3F95];
	s0 =	simm.s32 @p1 $0x1  }
0x15: {  	[smem:$0x3FB2] =	sst s0;
	s0 =	simm.s32 @!p2 $0x0  }
0x16: {  	s3 =	sld [smem:$0x3FDB];
	s0 =	simm.s32 @p2 $0x1  }
0x17: {  	s4 =	simm.s32 $0x1BF5;
	[smem:$0x3FB4] =	sst s0  }
0x18: {  	s0 =	sld [smem:$0x3F97];
	_ =	swait.ge [sflag:s4], $0x0  }
0x19: {  	s7 =	sld [smem:$0x3F98]  }
0x1a: {  	s8 =	sadd.s32 $0xFFFFE003, lr  }
0x1b: {  	s9 =	sadd.s32 $0xFFFFFEF7, lr;
	s5 =	simm.s32 $0xFFFFFFFF;
	p2 =	slt.u32 s8, $0xFFFFF086  }
0x1c: {  	p1 =	slt.u32 s9, $0xF7A;
	s5 =	simm.s32 @!p2 $0x0  }
0x1d: {  	s5 =	simm.s32 @p1 $0x1;
	p0 =	seq.s32 s7, s2  }
0x1e: {  	s7 =	smul.u32 @!p0 $0xF7A, s2;
	p2 =	seq.s32 @!p0 s5, $0x0  }
0x1f: {  	s9 =	smul.u32 $0xF7A, s1;
	s8 =	simm.s32 @!p0 $0x1BF5;
	p2 =	por !p2, p0  }
0x20: {  	[sflag:s8] =	ssyncset.s32 @!p0 $0xFFFFF086;
	s6 =	sadd.s32 @!p0 s3, s7;
	s7 =	simm.s32 @!p0 $0x108  }
0x21: {  	s3 =	sadd.s32 s3, s9;
	s6 =	sadd.s32 @!p0 $0x88, s6;
	s7 =	simm.s32 @p2 $0x1082  }
0x22: {  	[simem:s7], [sflag:s8] =	dma.local @!p0 [hbm:s6], $0xF7A  }
0x23: {  	s9 =	sor.u32 $0xD0000000, s2;
	s6 =	simm.s32 $0x108;
	_ =	swait.ge @!p0 [sflag:s8], $0x0  }
0x24: {  	s3 =	sadd.s32 $0x88, s3;
	s6 =	simm.s32 @!p1 $0x1082;
	[sflag:s4] =	ssyncset.s32 $0xFFFFF086  }
0x25: {  	[simem:s6], [sflag:s4] =	dma.local [hbm:s3], $0xF7A  }
0x26: {  	[smem:$0x3F98] =	sst s1;
	(tag) =	ssettag s2;
	_ =	strace s9  }
0x27: {  	s1 =	sld [smem:$0x3FA8]  }
0x28: {  	s2 =	sld [smem:$0x3FA9]  }
0x29: {  	s4 =	sld [smem:$0x3FAB]  }
0x2a: {  	p0 =	seq.s32 s5, $0x0;
	s5 =	sld [smem:$0x3FAC]  }
0x2b: {  	s6 =	sld [smem:$0x3FAD]  }
0x2c: {  	s7 =	sld [smem:$0x3FAE]  }
0x2d: {  	s3 =	simm.s32 $0x108;
	s8 =	sld [smem:$0x3FAF]  }
0x2e: {  	s3 =	simm.s32 @!p0 $0x1082;
	s9 =	sld [smem:$0x3FB0]  }
0x2f: {  	lr =	sadd.s32 s0, s3;
	s0 =	sld [smem:$0x3FA7]  }
0x30: {  	s3 =	sld [smem:$0x3FAA]  }
0x31: {  	[smem:$0x3FB3] =	sst s10  }
0x32: {  	s10 =	sld [smem:$0x3FB1];
	_ =	sdelay $0x3  }
0x33: {  	p0 =	seq.s32 s10, $0x1;
	s10 =	sld [smem:$0x3FB3];
	_ =	sdelay $0x3  }
0x34: {  	[smem:$0x3FB3] =	sst s10  }
0x35: {  	s10 =	sld [smem:$0x3FB2];
	_ =	sdelay $0x3  }
0x36: {  	p1 =	seq.s32 s10, $0x1;
	s10 =	sld [smem:$0x3FB3];
	_ =	sdelay $0x3  }
0x37: {  	[smem:$0x3FB3] =	sst s10  }
0x38: {  	s10 =	sld [smem:$0x3FB4]  }
0x39: {  	_ = 	snop;
	(pc) =	sbr.ind lr, $3  }
0x3a: {  	_ = 	snop  }
0x3b: {  	_ = 	snop  }
0x3c: {  	p2 =	seq.s32 s10, $0x1;
	s10 =	sld [smem:$0x3FB3]  }
0x3d: {  	_ =	shalt  }
0x3e: {  	_ =	shalt  }
0x3f: {  	_ =	shalt  }
0x40: {  	_ =	shalt  }
0x41: {  	_ =	shalt  }
0x42: {  	_ =	shalt  }
0x43: {  	_ =	shalt  }
0x44: {  	_ =	shalt  }
0x45: {  	_ =	shalt  }
0x46: {  	_ =	shalt  }
0x47: {  	_ =	shalt  }
0x48: {  	_ =	shalt  }
0x49: {  	_ =	shalt  }
0x4a: {  	_ =	shalt  }
0x4b: {  	_ =	shalt  }
0x4c: {  	_ =	shalt  }
0x4d: {  	_ =	shalt  }
0x4e: {  	_ =	shalt  }
0x4f: {  	_ =	shalt  }
0x50: {  	_ =	shalt  }
0x51: {  	_ =	shalt  }
0x52: {  	_ =	shalt  }
0x53: {  	_ =	shalt  }
0x54: {  	_ =	shalt  }
0x55: {  	_ =	shalt  }
0x56: {  	_ =	shalt  }
0x57: {  	_ =	shalt  }
0x58: {  	_ =	shalt  }
0x59: {  	_ =	shalt  }
0x5a: {  	_ =	shalt  }
0x5b: {  	_ =	shalt  }
0x5c: {  	_ =	shalt  }
0x5d: {  	_ =	shalt  }
0x5e: {  	_ =	shalt  }
0x5f: {  	_ =	shalt  }
0x60: {  	_ =	shalt  }
0x61: {  	_ =	shalt  }
0x62: {  	_ =	shalt  }
0x63: {  	_ =	shalt  }
0x64: {  	_ =	shalt  }
0x65: {  	_ =	shalt  }
0x66: {  	_ =	shalt  }
0x67: {  	_ =	shalt  }
0x68: {  	_ =	shalt  }
0x69: {  	_ =	shalt  }
0x6a: {  	_ =	shalt  }
0x6b: {  	_ =	shalt  }
0x6c: {  	_ =	shalt  }
0x6d: {  	_ =	shalt  }
0x6e: {  	_ =	shalt  }
0x6f: {  	_ =	shalt  }
0x70: {  	_ =	shalt  }
0x71: {  	_ =	shalt  }
0x72: {  	_ =	shalt  }
0x73: {  	_ =	shalt  }
0x74: {  	_ =	shalt  }
0x75: {  	_ =	shalt  }
0x76: {  	_ =	shalt  }
0x77: {  	_ =	shalt  }
0x78: {  	_ =	shalt  }
0x79: {  	_ =	shalt  }
0x7a: {  	_ =	shalt  }
0x7b: {  	_ =	shalt  }
0x7c: {  	_ =	shalt  }
0x7d: {  	_ =	shalt  }
0x7e: {  	_ =	shalt  }
0x7f: {  	_ =	shalt  }
0x80: {  	_ =	shalt  }
0x81: {  	_ =	shalt  }
0x82: {  	_ =	shalt  }
0x83: {  	_ =	shalt  }
0x84: {  	_ =	shalt  }
0x85: {  	_ =	shalt  }
0x86: {  	_ =	shalt  }
0x87: {  	_ =	shalt  }
.Lfunc_end0:
.L_simem_size_0:
called_computation.2_lowered:
.L_overlay_start_0:
0x88: {  	s2 =	sld [smem:$0x3FD9]  }
0x89: {  	s3 =	sld [smem:$0x3FFE];
	_ =	sdelay $0x1  }
0x8a: {  	s1 =	srdreg.scid  }
0x8b: {  	s0 =	sand.u32 $0x1, s1  }
0x8c: {  	s16 =	sshll.u32 s0, $0xA;
	s2 =	sadd.s32 s3, s2  }
0x8d: {  	s2 =	sadd.s32 s2, s16  }
0x8e: {  	[smem:$0x3FBF] =	sst s2  }
0x8f: {  	_ = 	snop  }
0x90: {  	(tm) =	ssettm $0x1  }
0x91: {  	s17 =	sld [smem:$0x3FFB];
	_ =	sdelay $0x3  }
0x92: {  	_ =	strace s17  }
0x93: {  	s2 =	sld [smem:$0x3FFC];
	_ =	sdelay $0x3  }
0x94: {  	_ =	strace s2  }
0x95: {  	s2 =	sld [smem:$0x3FFD];
	_ =	sdelay $0x3  }
0x96: {  	_ =	strace s2  }
0x97: {  	_ =	strace $0x8FFFFFFF  }
0x98: {  	s18 =	sld [smem:$0x3FDB];
	_ =	sdelay $0x1  }
0x99: {  	s19 =	simm.s32 $_scs_section_size  }
0x9a: {  	s4 =	simm.s32 $_size__tile_overlayer_lowered;
	s5 =	simm.s32 $_tile_overlayer_lowered  }
0x9b: {  	s22 =	simm.s32 $0x1BFF;
	s21 =	sshll.u32 s5, $0x1;
	s2 =	sadd.s32 s19, s18  }
0x9c: {  	s6 =	simm.s32 $0x0;
	s20 =	sshll.u32 s4, $0x1;
	s4 =	sadd.s32 s21, s2  }
0x9d: {  	[timem:s6], [sflag:s22] =	dma.local [hbm:s4], s20  }
0x9e: {  	_ =	swait.ge [sflag:s22], s20  }
0x9f: {  	s3 =	ssub.s32 $0x0, s20;
	[sflag:s22] =	ssyncset.done $0x0  }
0xa0: {  	[sflag:s22] =	ssyncadd.s32 s3;
	_ =	sdelay $0x1  }
0xa1: {  	s23 =	simm.s32 $0x1B8B  }
0xa2: {  	_ =	swait.ge [sflag:s23], $0x1  }
0xa3: {  	[sflag:s23] =	ssyncset.done $0x0  }
0xa4: {  	s25 =	simm.s32 $0x1B8E;
	s24 =	sld [smem:$0x3FFE];
	[sflag:s23] =	ssyncadd.s32 $0xFFFFFFFF  }
0xa5: {  	s26 =	simm.s32 $execute0_lowered;
	[smem:$0x3FD2] =	sst s25  }
0xa6: {  	s4 =	sshll.u32 s26, $0x1;
	_ =	strace $0x8000004C;
	[dreg:$0x1] =	wrdreg $0xFFFFFFFF  }
0xa7: {  	s28 =	simm.s32 $_size_execute0_lowered;
	s2 =	sadd.s32 s2, s4;
	[dreg:$0x0] =	wrdreg $0x0  }
0xa8: {  	s4 =	sshll.u32 s28, $0x1;
	[dreg:$0x2] =	wrdreg s2  }
0xa9: {  	[dreg:$0x3] =	wrdreg s4  }
0xaa: {  	[dreg:$0x4] =	wrdreg $0xC0  }
0xab: {  	_ =	task [dreg:s6], $0x5FFFF  }
0xac: {  	[dreg:$0x1] =	wrdreg $0xFFFFFFFF  }
0xad: {  	[dreg:$0x0] =	wrdreg $0x60  }
0xae: {  	[dreg:$0x2] =	wrdreg s24  }
0xaf: {  	[dreg:$0x3] =	wrdreg $0xBA000  }
0xb0: {  	[dreg:$0x4] =	wrdreg $0x9  }
0xb1: {  	_ =	task.clear_ibuf [dreg:s6], $0x5FFFF;
	_ =	strace $0x9000004C  }
0xb2: {  	s29 =	simm.s32 $0x9;
	_ =	strace $0x8000004E  }
0xb3: {  	_ =	swait.ge [sflag:s29], $0x1  }
0xb4: {  	[sflag:s29] =	ssyncadd.s32 $0xFFFFFFFF  }
0xb5: {  	_ =	strace $0x9000004E  }
0xb6: {  	_ =	sfence  }
0xb7: {  	s30 =	sld [smem:$0x0];
	_ =	sdelay $0x2  }
0xb8: {  	s31 =	sshll.u32 s1, $0xD;
	s1 =	sshrl.u32 s1, $0x2  }
0xb9: {  	s3 =	sand.u32 $0x4000, s31;
	s1 =	sadd.s32 s1, s30  }
0xba: {  	s0 =	sor.u32 s3, s0;
	s1 =	sshll.u32 s1, $0x11  }
0xbb: {  	s0 =	sor.u32 s1, s0  }
0xbc: {  	s0 =	sadd.s32 $0x8F2B, s0  }
0xbd: {  	[sflag:s0] =	ssyncadd.remote.s32 $0x1  }
0xbe: {  	_ =	sfence.sel $0xFFFF  }
0xbf: {  	[dreg:$0x0] =	wrdreg $0xFFFFFFFF;
	(pc) =	sbr.abs _section_cstart, $3  }
0xc0: {  	[dreg:$0x1] =	wrdreg $0xFFFFFFFF  }
0xc1: {  	_ =	task.clear_ibuf [dreg:s6], $0x2FFFF;
	_ =	strace $0x9FFFFFFF  }
0xc2: {  	(tm) =	ssettm $0x7FFFFFFF  }
0xc3: {  	_ =	shalt  }
tec
execute0_lowered:
.L_overlay_start_1:
0x0: {  	(tag) =	ssettag $0x1  }
0x1: {  	s0 =	rddreg [dreg:$0x0]  }
0x2: {  	s1 =	rddreg [dreg:$0x1];
	s2 =	srdreg.scid  }
0x3: {  	s3 =	simm.s32 $0x0;
	s10 =	stileid.u32;
	s28 =	simm.s32 $0xA  }
0x4: {  	s29 =	simm.s32 $0x12;
	s30 =	simm.s32 $0x6;
	s31 =	simm.s32 $0xB  }
0x5: {  	s2 =	sand.u32 $0x1, s2;
	[smem:$0x7FF] =	sst s3;
	s7 =	smul.u32 $0x14000, s10  }
0x6: {  	s4 =	sadd.s32 $0x37000, s0;
	s11 =	sadd.s32 $0x22000, s0;
	s20 =	smul.u32 $0x50000, s10  }
0x7: {  	s12 =	sadd.s32 $0x2C800, s0;
	s22 =	sshll.u32 s10, $0x6;
	s17 =	smul.u32 $0x2A00, s10  }
0x8: {  	s5 =	smul.u32 $0x140000, s2;
	s6 =	sshll.u32 s2, $0x4;
	_ =	strace $0x8000004D  }
0x9: {  	s21 =	ssub.s32 $0x2, s2;
	s16 =	sor.u32 $0x1C13, s22;
	[dreg:$0x4] =	wrdreg s12  }
0xa: {  	s2 =	smul.u32 $0x2A000, s2;
	[dreg:$0x3] =	wrdreg s11;
	s6 =	sor.u32 s10, s6  }
0xb: {  	s9 =	sshrl.u32 s21, $0x1;
	[dreg:$0x7] =	wrdreg s16;
	s8 =	smul.u32 $0x2800, s6  }
0xc: {  	s5 =	sadd.s32 s7, s5;
	s7 =	sshrl.u32 s20, $0x2;
	s6 =	smul.u32 $0x2A00, s6  }
0xd: {  	s2 =	sadd.s32 s17, s2;
	s7 =	sadd.s32 s7, s1;
	s8 =	sadd.s32 s8, s0  }
0xe: {  	[dreg:$0x5] =	wrdreg s7;
	s6 =	sshrl.u32 s6, $0x3;
	s8 =	sadd.s32 $0x5E200, s8  }
0xf: {  	s5 =	sshrl.u32 s5, $0x3;
	s23 =	sadd.s32 s11, s6;
	[dreg:$0x6] =	wrdreg s8  }
0x10: {  	s0 =	sadd.s32 s5, s0;
	s24 =	sadd.s32 s12, s6;
	[dreg:$0x8] =	wrdreg s23  }
0x11: {  	s5 =	ssub.s32 s21, s9;
	s0 =	sadd.s32 $0xAE200, s0;
	[dreg:$0x9] =	wrdreg s24  }
0x12: {  	s25 =	sor.u32 $0x10, s6;
	s5 =	smax.u32 s5, $0x1;
	[dreg:$0x14] =	wrdreg s0  }
0x13: {  	s22 =	sadd.s32 $0x500, s2;
	s26 =	sadd.s32 s11, s25;
	[dreg:$0x15] =	wrdreg s5  }
0x14: {  	s9 =	sor.u32 $0x20, s6;
	s7 =	sadd.s32 s12, s25;
	[dreg:$0xa] =	wrdreg s26  }
0x15: {  	s14 =	sor.u32 $0x30, s6;
	s13 =	sadd.s32 s11, s9;
	[dreg:$0xb] =	wrdreg s7  }
0x16: {  	s15 =	sadd.s32 $0x40, s6;
	s18 =	sadd.s32 s11, s14;
	[dreg:$0xc] =	wrdreg s13  }
0x17: {  	s6 =	sadd.s32 $0x50, s6;
	s19 =	sadd.s32 s11, s15;
	[dreg:$0xe] =	wrdreg s18  }
0x18: {  	s20 =	sadd.s32 s12, s15;
	s21 =	sadd.s32 s11, s6;
	[dreg:$0x10] =	wrdreg s19  }
0x19: {  	s6 =	sadd.s32 s12, s6;
	s23 =	sshrl.u32 s22, $0x3;
	[dreg:$0x11] =	wrdreg s20  }
0x1a: {  	s24 =	sadd.s32 $0x480, s2;
	s8 =	sadd.s32 $0x400, s2;
	[dreg:$0x12] =	wrdreg s21  }
0x1b: {  	s22 =	simm.s32 $0x1;
	s7 =	sadd.s32 s12, s9;
	[dreg:$0x13] =	wrdreg s6  }
0x1c: {  	s25 =	sshrl.u32 s24, $0x3;
	s26 =	sadd.s32 s23, s12;
	s0 =	sadd.s32 s23, s11  }
0x1d: {  	s9 =	sadd.s32 $0x380, s2;
	s13 =	sadd.s32 $0x280, s2;
	s2 =	sadd.s32 $0x300, s2  }
0x1e: {  	s19 =	simm.s32 $0x200;
	s23 =	simm.s32 $0x78;
	s20 =	simm.s32 $0x8  }
0x1f: {  	s21 =	simm.s32 $0x10;
	s6 =	simm.s32 $0xF;
	[dreg:$0xd] =	wrdreg s7  }
0x20: {  	s24 =	simm.s32 $0x9;
	s18 =	simm.s32 $0x0;
	[dreg:$0x16] =	wrdreg s26  }
0x21: {  	s7 =	sadd.s32 s12, s14;
	[dreg:$0x17] =	wrdreg s0;
	s5 =	sadd.s32 s25, s11  }
0x22: {  	s0 =	sshrl.u32 s8, $0x3;
	s14 =	sshrl.u32 s13, $0x3;
	[dreg:$0x1e] =	wrdreg s2  }
0x23: {  	s8 =	simm.s32 $0x13;
	s2 =	simm.s32 $0x600;
	[smem:$0x7FD] =	sst s18  }
0x24: {  	s13 =	simm.s32 $0x3;
	s26 =	simm.s32 $0x5;
	[dreg:$0xf] =	wrdreg s7  }
0x25: {  	s7 =	sadd.s32 s25, s12;
	[dreg:$0x19] =	wrdreg s5;
	s5 =	sshrl.u32 s9, $0x3  }
0x26: {  	s10 =	sadd.s32 s0, s12;
	s0 =	sadd.s32 s0, s11;
	[dreg:$0x18] =	wrdreg s7  }
0x27: {  	s17 =	sadd.s32 s14, s12;
	s9 =	simm.s32 $0x2;
	[dreg:$0x1a] =	wrdreg s10  }
0x28: {  	s25 =	simm.s32 $0x11;
	[dreg:$0x1b] =	wrdreg s0;
	s15 =	sadd.s32 s5, s12  }
.Ltmp0:
0x29: {  	s5 =	sadd.s32 s5, s11;
	[dreg:$0x1f] =	wrdreg s17;
	(pc) =	sbr.rel .LBB2_1-.Ltmp0, $4  }
0x2a: {  	s0 =	sadd.s32 s14, s11;
	s17 =	simm.s32 $0x580;
	[dreg:$0x1c] =	wrdreg s15  }
0x2b: {  	s10 =	simm.s32 $0x4200;
	s11 =	simm.s32 $0xD;
	[dreg:$0x1d] =	wrdreg s5  }
0x2c: {  	s12 =	simm.s32 $0x7;
	s14 =	simm.s32 $0x7E00;
	[smem:$0x7FC] =	sst s0  }
0x2d: {  	s15 =	simm.s32 $0xE;
	s5 =	simm.s32 $0x4;
	s0 =	simm.s32 $0xC  }
.LBB2_4:
0x2e: {  	_ =	swait.ge [sflag:s6], $0x3C00  }
0x2f: {  	[sflag:s6] =	ssyncset.done $0x0  }
0x30: {  	[sflag:s6] =	ssyncadd.s32 $0xFFFFC400  }
0x31: {  	_ =	swait.ge [sflag:s0], $0x80  }
0x32: {  	[sflag:s0] =	ssyncset.done $0x0  }
0x33: {  	s17 =	simm.s32 $0x580;
	[sflag:s0] =	ssyncadd.s32 $0xFFFFFF80  }
0x34: {  	[spmem:s1] =	stream.indirect.scatter.add.f32 [tilespmem:s14], [sflag:$0x12], $0x80, s17, s23, $0xb8;
	[tilespmem:$0x1FA00] =	vst v63  }
0x35: {  	_ =	swait.ge [sflag:s25], $0x3C00  }
0x36: {  	[sflag:s25] =	ssyncset.done $0x0  }
0x37: {  	[sflag:s25] =	ssyncadd.s32 $0xFFFFC400  }
0x38: {  	_ =	swait.ge [sflag:s29], $0x3C00  }
0x39: {  	[sflag:s29] =	ssyncset.done $0x0  }
0x3a: {  	[sflag:s29] =	ssyncadd.s32 $0xFFFFC400  }
0x3b: {  	[bflag:$0x0] =	sbarrier.arrive $0xFFFF  }
0x3c: {  	s8 =	sld [smem:$0x7FB]  }
0x3d: {  	s16 =	rddreg [dreg:$0x7]  }
0x3e: {  	s7 =	rddreg [dreg:$0x14]  }
0x3f: {  	[hbm:s7], [sflag:s16] =	dma.local [spmem:s8], $0x2800  }
0x40: {  	s8 =	simm.s32 $0x13  }
0x41: {  	_ =	swait.ge [sflag:s8], $0x2800  }
0x42: {  	s18 =	sld [smem:$0x7FD];
	_ =	sdelay $0x2  }
0x43: {  	s19 =	rddreg [dreg:$0x15];
	s18 =	sadd.s32 $0x1, s18  }
0x44: {  	p0 =	sne.s32 s18, s19  }
.Ltmp1:
0x45: {  	_ = 	snop;
	(pc) =	sbr.rel @!p0 .LBB2_5-.Ltmp1, $3  }
0x46: {  	_ =	sdelay $0x1  }
0x47: {  	[sflag:s8] =	ssyncset.done $0x0  }
0x48: {  	[sflag:s8] =	ssyncadd.s32 $0xFFFFD800;
	[smem:$0x7FD] =	sst s18;
	s19 =	simm.s32 $0x200  }
.LBB2_1:
0x49: {  	s7 =	rddreg [dreg:$0x5]  }
0x4a: {  	s18 =	smov.u32 s16;
	s16 =	sshrl.u32 s7, $0x3;
	s7 =	rddreg [dreg:$0x6]  }
0x4b: {  	[smem:$0x7FB] =	sst s16  }
0x4c: {  	[spmem:s16], [sflag:s18] =	dma.local [hbm:s7], $0x2800  }
0x4d: {  	_ =	swait.ge [sflag:s8], $0x2800  }
0x4e: {  	[sflag:s8] =	ssyncset.done $0x0  }
0x4f: {  	[sflag:s8] =	ssyncadd.s32 $0xFFFFD800  }
0x50: {  	[bflag:$0x0] =	sbarrier.arrive $0xFFFF  }
0x51: {  	s18 =	rddreg [dreg:$0x8]  }
0x52: {  	[tilespmem:s3], [sflag:$0x1] =	stream.linear.gather [hbm4b:s18+s3], $0x80, $0x38;
	[tilespmem:$0x1FA00] =	vst v63  }
0x53: {  	s16 =	simm.s32 $0x300;
	s8 =	rddreg [dreg:$0x9]  }
0x54: {  	[tilespmem:s16], [sflag:$0x7] =	stream.linear.gather [hbm4b:s8+s3], $0x80, $0x38;
	[tilespmem:$0x1FA00] =	vst v63  }
0x55: {  	s18 =	rddreg [dreg:$0xa];
	s8 =	simm.s32 $0x80  }
0x56: {  	[tilespmem:s8], [sflag:$0x2] =	stream.linear.gather [hbm4b:s18+s3], $0x80, $0x38;
	[tilespmem:$0x1FA00] =	vst v63  }
0x57: {  	s16 =	rddreg [dreg:$0xb];
	s18 =	simm.s32 $0x380  }
0x58: {  	[tilespmem:s18], [sflag:$0x8] =	stream.linear.gather [hbm4b:s16+s3], $0x80, $0x38;
	[tilespmem:$0x1FA00] =	vst v63  }
0x59: {  	s16 =	rddreg [dreg:$0xc];
	s18 =	simm.s32 $0x100  }
0x5a: {  	[tilespmem:s18], [sflag:$0x3] =	stream.linear.gather [hbm4b:s16+s3], $0x80, $0x38;
	[tilespmem:$0x1FA00] =	vst v63  }
0x5b: {  	s16 =	rddreg [dreg:$0xd];
	s18 =	simm.s32 $0x400  }
0x5c: {  	[tilespmem:s18], [sflag:$0x9] =	stream.linear.gather [hbm4b:s16+s3], $0x80, $0x38;
	[tilespmem:$0x1FA00] =	vst v63  }
0x5d: {  	s16 =	rddreg [dreg:$0xe];
	s18 =	simm.s32 $0x180  }
0x5e: {  	[tilespmem:s18], [sflag:$0x4] =	stream.linear.gather [hbm4b:s16+s3], $0x80, $0x38;
	[tilespmem:$0x1FA00] =	vst v63  }
0x5f: {  	s16 =	rddreg [dreg:$0xf];
	s18 =	simm.s32 $0x480  }
0x60: {  	[tilespmem:s18], [sflag:$0xA] =	stream.linear.gather [hbm4b:s16+s3], $0x80, $0x38;
	[tilespmem:$0x1FA00] =	vst v63  }
0x61: {  	s16 =	rddreg [dreg:$0x10]  }
0x62: {  	[tilespmem:s19], [sflag:$0x5] =	stream.linear.gather [hbm4b:s16+s3], $0x80, $0x38;
	[tilespmem:$0x1FA00] =	vst v63  }
0x63: {  	s18 =	rddreg [dreg:$0x11];
	s19 =	simm.s32 $0x500  }
0x64: {  	[tilespmem:s19], [sflag:$0xB] =	stream.linear.gather [hbm4b:s18+s3], $0x80, $0x38;
	[tilespmem:$0x1FA00] =	vst v63  }
0x65: {  	s16 =	rddreg [dreg:$0x12];
	s18 =	simm.s32 $0x280  }
0x66: {  	[tilespmem:s18], [sflag:$0x6] =	stream.linear.gather [hbm4b:s16+s3], $0x80, $0x38;
	[tilespmem:$0x1FA00] =	vst v63  }
0x67: {  	s18 =	rddreg [dreg:$0x13]  }
0x68: {  	[tilespmem:s17], [sflag:$0xC] =	stream.linear.gather [hbm4b:s18+s3], $0x80, $0x38;
	[tilespmem:$0x1FA00] =	vst v63  }
0x69: {  	_ =	swait.ge [sflag:s22], $0x80  }
0x6a: {  	[sflag:s22] =	ssyncset.done $0x0  }
0x6b: {  	[sflag:s22] =	ssyncadd.s32 $0xFFFFFF80  }
0x6c: {  	[tilespmem:s2], [sflag:$0xD] =	stream.indirect.gather [hbm4b:s4+s23], $0x80, s3, s23, $0xb8;
	[tilespmem:$0x1FA00] =	vst v63  }
0x6d: {  	_ =	swait.ge [sflag:s9], $0x80  }
0x6e: {  	[sflag:s9] =	ssyncset.done $0x0  }
0x6f: {  	[sflag:s9] =	ssyncadd.s32 $0xFFFFFF80  }
0x70: {  	[tilespmem:s10], [sflag:$0xE] =	stream.indirect.gather [hbm4b:s4+s23], $0x80, s8, s23, $0xb8;
	[tilespmem:$0x1FA00] =	vst v63  }
0x71: {  	s7 =	rddreg [dreg:$0x1e];
	s8 =	simm.s32 $0x0  }
.LBB2_2:
0x72: {  	_ =	swait.ge [sflag:s11], $0x3C00  }
0x73: {  	[sflag:s11] =	ssyncset.done $0x0  }
0x74: {  	[sflag:s11] =	ssyncadd.s32 $0xFFFFC400  }
0x75: {  	_ =	swait.ge [sflag:s12], $0x80  }
0x76: {  	[sflag:s12] =	ssyncset.done $0x0  }
0x77: {  	s16 =	simm.s32 $0x300;
	p0 =	seq.s32 s8, $0x0;
	[sflag:s12] =	ssyncadd.s32 $0xFFFFFF80  }
0x78: {  	[spmem:s1] =	stream.indirect.scatter.add.f32 [tilespmem:s2], [sflag:$0x10], $0x80, s16, s23, $0xb8;
	[tilespmem:$0x1FA00] =	vst v63  }
0x79: {  	s16 =	simm.s32 @!p0 $0x12  }
0x7a: {  	_ =	swait.ge @!p0 [sflag:s16], $0x3C00  }
0x7b: {  	[sflag:s16] =	ssyncset.done @!p0 $0x0  }
0x7c: {  	[sflag:s16] =	ssyncadd.s32 @!p0 $0xFFFFC400;
	s16 =	sld [smem:$0x7FC];
	_ =	sdelay $0x2  }
0x7d: {  	s17 =	simm.s32 @!p0 $0x0;
	s18 =	simm.s32 @!p0 $0x280;
	s16 =	sadd.s32 @!p0 s8, s16  }
0x7e: {  	[tilespmem:s18], [sflag:$0x6] =	stream.linear.gather @!p0 [hbm4b:s16+s17], $0x80, $0x38;
	[tilespmem:$0x1FA00] =	vst v63  }
0x7f: {  	s16 =	rddreg [dreg:$0x1f]  }
0x80: {  	s18 =	simm.s32 @!p0 $0x580;
	s16 =	sadd.s32 @!p0 s8, s16  }
0x81: {  	[tilespmem:s18], [sflag:$0xC] =	stream.linear.gather @!p0 [hbm4b:s16+s17], $0x80, $0x38;
	[tilespmem:$0x1FA00] =	vst v63  }
0x82: {  	_ =	swait.ge [sflag:s13], $0x80  }
0x83: {  	[sflag:s13] =	ssyncset.done $0x0  }
0x84: {  	s17 =	simm.s32 $0x100;
	[sflag:s13] =	ssyncadd.s32 $0xFFFFFF80  }
0x85: {  	[tilespmem:s14], [sflag:$0xF] =	stream.indirect.gather [hbm4b:s4+s23], $0x80, s17, s23, $0xb8;
	[tilespmem:$0x1FA00] =	vst v63  }
0x86: {  	_ =	swait.ge [sflag:s15], $0x3C00  }
0x87: {  	[sflag:s15] =	ssyncset.done $0x0  }
0x88: {  	[sflag:s15] =	ssyncadd.s32 $0xFFFFC400  }
0x89: {  	_ =	swait.ge [sflag:s20], $0x80  }
0x8a: {  	[sflag:s20] =	ssyncset.done $0x0  }
0x8b: {  	s18 =	simm.s32 $0x380;
	[sflag:s20] =	ssyncadd.s32 $0xFFFFFF80  }
0x8c: {  	[spmem:s1] =	stream.indirect.scatter.add.f32 [tilespmem:s10], [sflag:$0x11], $0x80, s18, s23, $0xb8;
	[tilespmem:$0x1FA00] =	vst v63  }
0x8d: {  	p0 =	seq.s32 s8, $0x4E0;
	_ =	swait.ge [sflag:s21], $0x3C00  }
0x8e: {  	s16 =	sshrl.u32 @!p0 s7, $0x3;
	[sflag:s21] =	ssyncset.done $0x0;
	s17 =	rddreg [dreg:$0x3]  }
0x8f: {  	s18 =	simm.s32 @!p0 $0x0;
	[sflag:s21] =	ssyncadd.s32 $0xFFFFC400;
	s17 =	sadd.s32 @!p0 s17, s16  }
0x90: {  	[tilespmem:s18], [sflag:$0x1] =	stream.linear.gather @!p0 [hbm4b:s17+s18], $0x80, $0x38;
	[tilespmem:$0x1FA00] =	vst v63  }
0x91: {  	s17 =	rddreg [dreg:$0x4]  }
0x92: {  	s16 =	sadd.s32 @!p0 s17, s16;
	s17 =	simm.s32 @!p0 $0x300  }
0x93: {  	[tilespmem:s17], [sflag:$0x7] =	stream.linear.gather @!p0 [hbm4b:s16+s18], $0x80, $0x38;
	[tilespmem:$0x1FA00] =	vst v63  }
0x94: {  	_ =	swait.ge [sflag:s5], $0x80  }
0x95: {  	[sflag:s5] =	ssyncset.done $0x0  }
0x96: {  	s17 =	simm.s32 $0x180;
	[sflag:s5] =	ssyncadd.s32 $0xFFFFFF80  }
0x97: {  	[tilespmem:s2], [sflag:$0xD] =	stream.indirect.gather [hbm4b:s4+s23], $0x80, s17, s23, $0xb8;
	[tilespmem:$0x1FA00] =	vst v63  }
0x98: {  	_ =	swait.ge [sflag:s6], $0x3C00  }
0x99: {  	[sflag:s6] =	ssyncset.done $0x0  }
0x9a: {  	[sflag:s6] =	ssyncadd.s32 $0xFFFFC400  }
0x9b: {  	_ =	swait.ge [sflag:s24], $0x80  }
0x9c: {  	[sflag:s24] =	ssyncset.done $0x0  }
0x9d: {  	s17 =	simm.s32 $0x400;
	[sflag:s24] =	ssyncadd.s32 $0xFFFFFF80  }
0x9e: {  	[spmem:s1] =	stream.indirect.scatter.add.f32 [tilespmem:s14], [sflag:$0x12], $0x80, s17, s23, $0xb8;
	[tilespmem:$0x1FA00] =	vst v63  }
0x9f: {  	_ =	swait.ge [sflag:s25], $0x3C00  }
0xa0: {  	[sflag:s25] =	ssyncset.done $0x0;
	s16 =	rddreg [dreg:$0x1d]  }
0xa1: {  	s17 =	simm.s32 @!p0 $0x80;
	[sflag:s25] =	ssyncadd.s32 $0xFFFFC400;
	s16 =	sadd.s32 @!p0 s8, s16  }
0xa2: {  	[tilespmem:s17], [sflag:$0x2] =	stream.linear.gather @!p0 [hbm4b:s16+s18], $0x80, $0x38;
	[tilespmem:$0x1FA00] =	vst v63  }
0xa3: {  	s16 =	rddreg [dreg:$0x1c]  }
0xa4: {  	s17 =	simm.s32 @!p0 $0x380;
	s16 =	sadd.s32 @!p0 s8, s16  }
0xa5: {  	[tilespmem:s17], [sflag:$0x8] =	stream.linear.gather @!p0 [hbm4b:s16+s18], $0x80, $0x38;
	[tilespmem:$0x1FA00] =	vst v63  }
0xa6: {  	_ =	swait.ge [sflag:s26], $0x80  }
0xa7: {  	[sflag:s26] =	ssyncset.done $0x0  }
0xa8: {  	s17 =	simm.s32 $0x200;
	[sflag:s26] =	ssyncadd.s32 $0xFFFFFF80  }
0xa9: {  	[tilespmem:s10], [sflag:$0xE] =	stream.indirect.gather [hbm4b:s4+s23], $0x80, s17, s23, $0xb8;
	[tilespmem:$0x1FA00] =	vst v63  }
0xaa: {  	_ =	swait.ge [sflag:s11], $0x3C00  }
0xab: {  	[sflag:s11] =	ssyncset.done $0x0  }
0xac: {  	[sflag:s11] =	ssyncadd.s32 $0xFFFFC400  }
0xad: {  	_ =	swait.ge [sflag:s28], $0x80  }
0xae: {  	[sflag:s28] =	ssyncset.done $0x0  }
0xaf: {  	s17 =	simm.s32 $0x480;
	[sflag:s28] =	ssyncadd.s32 $0xFFFFFF80  }
0xb0: {  	[spmem:s1] =	stream.indirect.scatter.add.f32 [tilespmem:s2], [sflag:$0x10], $0x80, s17, s23, $0xb8;
	[tilespmem:$0x1FA00] =	vst v63  }
0xb1: {  	_ =	swait.ge [sflag:s29], $0x3C00  }
0xb2: {  	[sflag:s29] =	ssyncset.done $0x0;
	s16 =	rddreg [dreg:$0x1b]  }
0xb3: {  	s17 =	simm.s32 @!p0 $0x100;
	[sflag:s29] =	ssyncadd.s32 $0xFFFFC400;
	s16 =	sadd.s32 @!p0 s8, s16  }
0xb4: {  	[tilespmem:s17], [sflag:$0x3] =	stream.linear.gather @!p0 [hbm4b:s16+s18], $0x80, $0x38;
	[tilespmem:$0x1FA00] =	vst v63  }
0xb5: {  	s16 =	rddreg [dreg:$0x1a]  }
0xb6: {  	s17 =	simm.s32 @!p0 $0x400;
	s16 =	sadd.s32 @!p0 s8, s16  }
0xb7: {  	[tilespmem:s17], [sflag:$0x9] =	stream.linear.gather @!p0 [hbm4b:s16+s18], $0x80, $0x38;
	[tilespmem:$0x1FA00] =	vst v63  }
0xb8: {  	_ =	swait.ge [sflag:s30], $0x80  }
0xb9: {  	[sflag:s30] =	ssyncset.done $0x0  }
0xba: {  	s18 =	simm.s32 $0x280;
	[sflag:s30] =	ssyncadd.s32 $0xFFFFFF80  }
0xbb: {  	[tilespmem:s14], [sflag:$0xF] =	stream.indirect.gather [hbm4b:s4+s23], $0x80, s18, s23, $0xb8;
	[tilespmem:$0x1FA00] =	vst v63  }
0xbc: {  	_ =	swait.ge [sflag:s15], $0x3C00  }
0xbd: {  	[sflag:s15] =	ssyncset.done $0x0  }
0xbe: {  	[sflag:s15] =	ssyncadd.s32 $0xFFFFC400  }
0xbf: {  	_ =	swait.ge [sflag:s31], $0x80  }
0xc0: {  	[sflag:s31] =	ssyncset.done $0x0  }
.Ltmp2:
0xc1: {  	[sflag:s31] =	ssyncadd.s32 $0xFFFFFF80;
	(pc) =	sbr.rel @p0 .LBB2_4-.Ltmp2, $4  }
0xc2: {  	[spmem:s1] =	stream.indirect.scatter.add.f32 [tilespmem:s10], [sflag:$0x11], $0x80, s19, s23, $0xb8;
	[tilespmem:$0x1FA00] =	vst v63  }
0xc3: {  	_ =	swait.ge [sflag:s21], $0x3C00  }
0xc4: {  	[sflag:s21] =	ssyncset.done $0x0  }
0xc5: {  	s17 =	simm.s32 $0x500;
	[sflag:s21] =	ssyncadd.s32 $0xFFFFC400  }
0xc6: {  	s16 =	rddreg [dreg:$0x19]  }
0xc7: {  	s18 =	simm.s32 $0x180;
	s16 =	sadd.s32 s8, s16  }
0xc8: {  	[tilespmem:s18], [sflag:$0x4] =	stream.linear.gather [hbm4b:s16+s3], $0x80, $0x38;
	[tilespmem:$0x1FA00] =	vst v63  }
0xc9: {  	s18 =	rddreg [dreg:$0x18]  }
0xca: {  	s19 =	simm.s32 $0x480;
	s16 =	sadd.s32 s8, s18  }
0xcb: {  	[tilespmem:s19], [sflag:$0xA] =	stream.linear.gather [hbm4b:s16+s3], $0x80, $0x38;
	[tilespmem:$0x1FA00] =	vst v63  }
0xcc: {  	_ =	swait.ge [sflag:s22], $0x80  }
0xcd: {  	[sflag:s22] =	ssyncset.done $0x0  }
0xce: {  	[sflag:s22] =	ssyncadd.s32 $0xFFFFFF80  }
0xcf: {  	[tilespmem:s2], [sflag:$0xD] =	stream.indirect.gather [hbm4b:s4+s23], $0x80, s3, s23, $0xb8;
	[tilespmem:$0x1FA00] =	vst v63  }
0xd0: {  	_ =	swait.ge [sflag:s6], $0x3C00  }
0xd1: {  	[sflag:s6] =	ssyncset.done $0x0  }
0xd2: {  	[sflag:s6] =	ssyncadd.s32 $0xFFFFC400  }
0xd3: {  	_ =	swait.ge [sflag:s0], $0x80  }
0xd4: {  	[sflag:s0] =	ssyncset.done $0x0  }
0xd5: {  	s19 =	simm.s32 $0x580;
	[sflag:s0] =	ssyncadd.s32 $0xFFFFFF80  }
0xd6: {  	[spmem:s1] =	stream.indirect.scatter.add.f32 [tilespmem:s14], [sflag:$0x12], $0x80, s19, s23, $0xb8;
	[tilespmem:$0x1FA00] =	vst v63  }
0xd7: {  	_ =	swait.ge [sflag:s25], $0x3C00  }
0xd8: {  	s19 =	simm.s32 $0x200;
	[sflag:s25] =	ssyncset.done $0x0;
	s18 =	rddreg [dreg:$0x17]  }
0xd9: {  	[sflag:s25] =	ssyncadd.s32 $0xFFFFC400;
	s16 =	sadd.s32 s8, s18;
	s18 =	rddreg [dreg:$0x16]  }
0xda: {  	[tilespmem:s19], [sflag:$0x5] =	stream.linear.gather [hbm4b:s16+s3], $0x80, $0x38;
	[tilespmem:$0x1FA00] =	vst v63  }
0xdb: {  	s16 =	sadd.s32 s8, s18  }
0xdc: {  	[tilespmem:s17], [sflag:$0xB] =	stream.linear.gather [hbm4b:s16+s3], $0x80, $0x38;
	[tilespmem:$0x1FA00] =	vst v63  }
.Ltmp3:
0xdd: {  	_ =	swait.ge [sflag:s9], $0x80;
	(pc) =	sbr.rel .LBB2_2-.Ltmp3, $4  }
0xde: {  	[sflag:s9] =	ssyncset.done $0x0  }
0xdf: {  	s19 =	simm.s32 $0x80;
	[sflag:s9] =	ssyncadd.s32 $0xFFFFFF80  }
0xe0: {  	[tilespmem:s10], [sflag:$0xE] =	stream.indirect.gather [hbm4b:s4+s23], $0x80, s19, s23, $0xb8;
	[tilespmem:$0x1FA00] =	vst v63  }
0xe1: {  	s7 =	sadd.s32 $0x300, s7;
	s8 =	sadd.s32 $0x60, s8;
	s19 =	simm.s32 $0x500  }
.LBB2_5:
0xe2: {  	_ =	sfence.sel $0x180000  }
0xe3: {  	[bflag:$0x0] =	sbarrier.arrive $0xFFFF  }
0xe4: {  	_ =	strace $0x9000004D  }
0xe5: {  	s0 =	stileid.u32;
	[bflag:$0x2] =	sbarrier.arrive $0xFFFF  }
0xe6: {  	p0 =	sne.s32 s0, $0x0;
	s0 =	rddreg [dreg:$0x2]  }
0xe7: {  	s0 =	sadd.s32 @!p0 $0x100000, s0  }
0xe8: {  	[sflag:s0] =	ssyncadd.tile.s32 @!p0 $0x1;
	_ =	shalt  }
.Lfunc_end2:
_tile_overlayer_lowered:
.L_overlay_start_2:
0xe9: {  	(tag) =	ssettag $0x2  }
0xea: {  	s0 =	rddreg [dreg:$0x0];
	s2 =	stileid.u32  }
0xeb: {  	s1 =	rddreg [dreg:$0x1];
	p0 =	sne.s32 s2, $0x0  }
0xec: {  	s3 =	rddreg [dreg:$0x2];
	[bflag:$0x3] =	sbarrier.arrive $0xFFFF;
	s2 =	simm.s32 @!p0 $0x1C13  }
0xed: {  	[timem:s3], [sflag:s2] =	dma.local @!p0 [hbm:s0], s1  }
0xee: {  	s0 =	simm.s32 @!p0 $0x13  }
0xef: {  	_ =	swait.ge @!p0 [sflag:s0], s1  }
0xf0: {  	s1 =	ssub.s32 @!p0 $0x0, s1;
	[sflag:s0] =	ssyncset.done @!p0 $0x0  }
0xf1: {  	[sflag:s0] =	ssyncadd.s32 @!p0 s1  }
0xf2: {  	[bflag:$0x3] =	sbarrier.arrive $0xFFFF  }
0xf3: {  	_ =	shalt  }

// kernel: kernel.19.cloned.1.call-start
scs
__scs_entry_jumppad:
0x0: {  	(pc) =	sbr.rel $0x88, $3  }
0x1: {  	(tag) =	ssettag $0x0;
	lr =	simm.s32 $0x1  }
0x2: {  	[smem:$0x3F98] =	sst lr;
	_ =	strace $0xD0000000  }
0x3: {  	_ = 	snop  }
0x4: {  	_ = 	snop  }
0x5: {  	_ = 	snop  }
0x6: {  	_ = 	snop  }
0x7: {  	_ = 	snop  }
__scs_overlays_trampoline_lowered:
0x8: {  	[smem:$0x3FA7] =	sst s0  }
0x9: {  	[smem:$0x3FA8] =	sst s1  }
0xa: {  	[smem:$0x3FA9] =	sst s2  }
0xb: {  	[smem:$0x3FAA] =	sst s3  }
0xc: {  	[smem:$0x3FAB] =	sst s4  }
0xd: {  	[smem:$0x3FAC] =	sst s5  }
0xe: {  	[smem:$0x3FAD] =	sst s6  }
0xf: {  	[smem:$0x3FAE] =	sst s7  }
0x10: {  	[smem:$0x3FAF] =	sst s8  }
0x11: {  	[smem:$0x3FB0] =	sst s9;
	s0 =	simm.s32 @!p0 $0x0  }
0x12: {  	s1 =	sld [smem:$0x3F96];
	s0 =	simm.s32 @p0 $0x1  }
0x13: {  	[smem:$0x3FB1] =	sst s0;
	s0 =	simm.s32 @!p1 $0x0  }
0x14: {  	s2 =	sld [smem:$0x3F95];
	s0 =	simm.s32 @p1 $0x1  }
0x15: {  	[smem:$0x3FB2] =	sst s0;
	s0 =	simm.s32 @!p2 $0x0  }
0x16: {  	s3 =	sld [smem:$0x3FDB];
	s0 =	simm.s32 @p2 $0x1  }
0x17: {  	s4 =	simm.s32 $0x1BF5;
	[smem:$0x3FB4] =	sst s0  }
0x18: {  	s0 =	sld [smem:$0x3F97];
	_ =	swait.ge [sflag:s4], $0x0  }
0x19: {  	s7 =	sld [smem:$0x3F98]  }
0x1a: {  	s8 =	sadd.s32 $0xFFFFE003, lr  }
0x1b: {  	s9 =	sadd.s32 $0xFFFFFEF7, lr;
	s5 =	simm.s32 $0xFFFFFFFF;
	p2 =	slt.u32 s8, $0xFFFFF086  }
0x1c: {  	p1 =	slt.u32 s9, $0xF7A;
	s5 =	simm.s32 @!p2 $0x0  }
0x1d: {  	s5 =	simm.s32 @p1 $0x1;
	p0 =	seq.s32 s7, s2  }
0x1e: {  	s7 =	smul.u32 @!p0 $0xF7A, s2;
	p2 =	seq.s32 @!p0 s5, $0x0  }
0x1f: {  	s9 =	smul.u32 $0xF7A, s1;
	s8 =	simm.s32 @!p0 $0x1BF5;
	p2 =	por !p2, p0  }
0x20: {  	[sflag:s8] =	ssyncset.s32 @!p0 $0xFFFFF086;
	s6 =	sadd.s32 @!p0 s3, s7;
	s7 =	simm.s32 @!p0 $0x108  }
0x21: {  	s3 =	sadd.s32 s3, s9;
	s6 =	sadd.s32 @!p0 $0x88, s6;
	s7 =	simm.s32 @p2 $0x1082  }
0x22: {  	[simem:s7], [sflag:s8] =	dma.local @!p0 [hbm:s6], $0xF7A  }
0x23: {  	s9 =	sor.u32 $0xD0000000, s2;
	s6 =	simm.s32 $0x108;
	_ =	swait.ge @!p0 [sflag:s8], $0x0  }
0x24: {  	s3 =	sadd.s32 $0x88, s3;
	s6 =	simm.s32 @!p1 $0x1082;
	[sflag:s4] =	ssyncset.s32 $0xFFFFF086  }
0x25: {  	[simem:s6], [sflag:s4] =	dma.local [hbm:s3], $0xF7A  }
0x26: {  	[smem:$0x3F98] =	sst s1;
	(tag) =	ssettag s2;
	_ =	strace s9  }
0x27: {  	s1 =	sld [smem:$0x3FA8]  }
0x28: {  	s2 =	sld [smem:$0x3FA9]  }
0x29: {  	s4 =	sld [smem:$0x3FAB]  }
0x2a: {  	p0 =	seq.s32 s5, $0x0;
	s5 =	sld [smem:$0x3FAC]  }
0x2b: {  	s6 =	sld [smem:$0x3FAD]  }
0x2c: {  	s7 =	sld [smem:$0x3FAE]  }
0x2d: {  	s3 =	simm.s32 $0x108;
	s8 =	sld [smem:$0x3FAF]  }
0x2e: {  	s3 =	simm.s32 @!p0 $0x1082;
	s9 =	sld [smem:$0x3FB0]  }
0x2f: {  	lr =	sadd.s32 s0, s3;
	s0 =	sld [smem:$0x3FA7]  }
0x30: {  	s3 =	sld [smem:$0x3FAA]  }
0x31: {  	[smem:$0x3FB3] =	sst s10  }
0x32: {  	s10 =	sld [smem:$0x3FB1];
	_ =	sdelay $0x3  }
0x33: {  	p0 =	seq.s32 s10, $0x1;
	s10 =	sld [smem:$0x3FB3];
	_ =	sdelay $0x3  }
0x34: {  	[smem:$0x3FB3] =	sst s10  }
0x35: {  	s10 =	sld [smem:$0x3FB2];
	_ =	sdelay $0x3  }
0x36: {  	p1 =	seq.s32 s10, $0x1;
	s10 =	sld [smem:$0x3FB3];
	_ =	sdelay $0x3  }
0x37: {  	[smem:$0x3FB3] =	sst s10  }
0x38: {  	s10 =	sld [smem:$0x3FB4]  }
0x39: {  	_ = 	snop;
	(pc) =	sbr.ind lr, $3  }
0x3a: {  	_ = 	snop  }
0x3b: {  	_ = 	snop  }
0x3c: {  	p2 =	seq.s32 s10, $0x1;
	s10 =	sld [smem:$0x3FB3]  }
0x3d: {  	_ =	shalt  }
0x3e: {  	_ =	shalt  }
0x3f: {  	_ =	shalt  }
0x40: {  	_ =	shalt  }
0x41: {  	_ =	shalt  }
0x42: {  	_ =	shalt  }
0x43: {  	_ =	shalt  }
0x44: {  	_ =	shalt  }
0x45: {  	_ =	shalt  }
0x46: {  	_ =	shalt  }
0x47: {  	_ =	shalt  }
0x48: {  	_ =	shalt  }
0x49: {  	_ =	shalt  }
0x4a: {  	_ =	shalt  }
0x4b: {  	_ =	shalt  }
0x4c: {  	_ =	shalt  }
0x4d: {  	_ =	shalt  }
0x4e: {  	_ =	shalt  }
0x4f: {  	_ =	shalt  }
0x50: {  	_ =	shalt  }
0x51: {  	_ =	shalt  }
0x52: {  	_ =	shalt  }
0x53: {  	_ =	shalt  }
0x54: {  	_ =	shalt  }
0x55: {  	_ =	shalt  }
0x56: {  	_ =	shalt  }
0x57: {  	_ =	shalt  }
0x58: {  	_ =	shalt  }
0x59: {  	_ =	shalt  }
0x5a: {  	_ =	shalt  }
0x5b: {  	_ =	shalt  }
0x5c: {  	_ =	shalt  }
0x5d: {  	_ =	shalt  }
0x5e: {  	_ =	shalt  }
0x5f: {  	_ =	shalt  }
0x60: {  	_ =	shalt  }
0x61: {  	_ =	shalt  }
0x62: {  	_ =	shalt  }
0x63: {  	_ =	shalt  }
0x64: {  	_ =	shalt  }
0x65: {  	_ =	shalt  }
0x66: {  	_ =	shalt  }
0x67: {  	_ =	shalt  }
0x68: {  	_ =	shalt  }
0x69: {  	_ =	shalt  }
0x6a: {  	_ =	shalt  }
0x6b: {  	_ =	shalt  }
0x6c: {  	_ =	shalt  }
0x6d: {  	_ =	shalt  }
0x6e: {  	_ =	shalt  }
0x6f: {  	_ =	shalt  }
0x70: {  	_ =	shalt  }
0x71: {  	_ =	shalt  }
0x72: {  	_ =	shalt  }
0x73: {  	_ =	shalt  }
0x74: {  	_ =	shalt  }
0x75: {  	_ =	shalt  }
0x76: {  	_ =	shalt  }
0x77: {  	_ =	shalt  }
0x78: {  	_ =	shalt  }
0x79: {  	_ =	shalt  }
0x7a: {  	_ =	shalt  }
0x7b: {  	_ =	shalt  }
0x7c: {  	_ =	shalt  }
0x7d: {  	_ =	shalt  }
0x7e: {  	_ =	shalt  }
0x7f: {  	_ =	shalt  }
0x80: {  	_ =	shalt  }
0x81: {  	_ =	shalt  }
0x82: {  	_ =	shalt  }
0x83: {  	_ =	shalt  }
0x84: {  	_ =	shalt  }
0x85: {  	_ =	shalt  }
0x86: {  	_ =	shalt  }
0x87: {  	_ =	shalt  }
.Lfunc_end0:
.L_simem_size_0:
called_computation.3_lowered:
.L_overlay_start_0:
0x88: {  	s2 =	sld [smem:$0x3FD9]  }
0x89: {  	s3 =	sld [smem:$0x3FFE];
	_ =	sdelay $0x1  }
0x8a: {  	s1 =	srdreg.scid  }
0x8b: {  	s0 =	sand.u32 $0x1, s1  }
0x8c: {  	s16 =	sshll.u32 s0, $0xA;
	s2 =	sadd.s32 s3, s2  }
0x8d: {  	s2 =	sadd.s32 s2, s16  }
0x8e: {  	[smem:$0x3FBF] =	sst s2  }
0x8f: {  	_ = 	snop  }
0x90: {  	(tm) =	ssettm $0x1  }
0x91: {  	s17 =	sld [smem:$0x3FFB];
	_ =	sdelay $0x3  }
0x92: {  	_ =	strace s17  }
0x93: {  	s2 =	sld [smem:$0x3FFC];
	_ =	sdelay $0x3  }
0x94: {  	_ =	strace s2  }
0x95: {  	s2 =	sld [smem:$0x3FFD];
	_ =	sdelay $0x3  }
0x96: {  	_ =	strace s2  }
0x97: {  	_ =	strace $0x8FFFFFFF  }
0x98: {  	s18 =	sld [smem:$0x3FDB];
	_ =	sdelay $0x1  }
0x99: {  	s19 =	simm.s32 $_scs_section_size  }
0x9a: {  	s4 =	simm.s32 $_size__tile_overlayer_lowered;
	s5 =	simm.s32 $_tile_overlayer_lowered  }
0x9b: {  	s22 =	simm.s32 $0x1BFF;
	s21 =	sshll.u32 s5, $0x1;
	s2 =	sadd.s32 s19, s18  }
0x9c: {  	s6 =	simm.s32 $0x0;
	s20 =	sshll.u32 s4, $0x1;
	s4 =	sadd.s32 s21, s2  }
0x9d: {  	[timem:s6], [sflag:s22] =	dma.local [hbm:s4], s20  }
0x9e: {  	_ =	swait.ge [sflag:s22], s20  }
0x9f: {  	s3 =	ssub.s32 $0x0, s20;
	[sflag:s22] =	ssyncset.done $0x0  }
0xa0: {  	[sflag:s22] =	ssyncadd.s32 s3;
	_ =	sdelay $0x1  }
0xa1: {  	s23 =	simm.s32 $0x1B8B  }
0xa2: {  	_ =	swait.ge [sflag:s23], $0x1  }
0xa3: {  	[sflag:s23] =	ssyncset.done $0x0  }
0xa4: {  	s25 =	simm.s32 $0x1B8E;
	s24 =	sld [smem:$0x3FFE];
	[sflag:s23] =	ssyncadd.s32 $0xFFFFFFFF  }
0xa5: {  	s26 =	simm.s32 $execute0_lowered;
	[smem:$0x3FD2] =	sst s25  }
0xa6: {  	s4 =	sshll.u32 s26, $0x1;
	_ =	strace $0x8000004F;
	[dreg:$0x1] =	wrdreg $0xFFFFFFFF  }
0xa7: {  	s28 =	simm.s32 $_size_execute0_lowered;
	s2 =	sadd.s32 s2, s4;
	[dreg:$0x0] =	wrdreg $0x0  }
0xa8: {  	s4 =	sshll.u32 s28, $0x1;
	[dreg:$0x2] =	wrdreg s2  }
0xa9: {  	[dreg:$0x3] =	wrdreg s4  }
0xaa: {  	[dreg:$0x4] =	wrdreg $0xC0  }
0xab: {  	_ =	task [dreg:s6], $0x5FFFF  }
0xac: {  	[dreg:$0x1] =	wrdreg $0xFFFFFFFF  }
0xad: {  	[dreg:$0x0] =	wrdreg $0x60  }
0xae: {  	[dreg:$0x2] =	wrdreg s24  }
0xaf: {  	[dreg:$0x3] =	wrdreg $0xA8C00  }
0xb0: {  	[dreg:$0x4] =	wrdreg $0x9  }
0xb1: {  	_ =	task.clear_ibuf [dreg:s6], $0x5FFFF;
	_ =	strace $0x9000004F  }
0xb2: {  	s29 =	simm.s32 $0x9;
	_ =	strace $0x80000051  }
0xb3: {  	_ =	swait.ge [sflag:s29], $0x1  }
0xb4: {  	[sflag:s29] =	ssyncadd.s32 $0xFFFFFFFF  }
0xb5: {  	_ =	strace $0x90000051  }
0xb6: {  	_ =	sfence  }
0xb7: {  	s30 =	sld [smem:$0x0];
	_ =	sdelay $0x2  }
0xb8: {  	s31 =	sshll.u32 s1, $0xD;
	s1 =	sshrl.u32 s1, $0x2  }
0xb9: {  	s3 =	sand.u32 $0x4000, s31;
	s1 =	sadd.s32 s1, s30  }
0xba: {  	s0 =	sor.u32 s3, s0;
	s1 =	sshll.u32 s1, $0x11  }
0xbb: {  	s0 =	sor.u32 s1, s0  }
0xbc: {  	s0 =	sadd.s32 $0x8F2B, s0  }
0xbd: {  	[sflag:s0] =	ssyncadd.remote.s32 $0x1  }
0xbe: {  	_ =	sfence.sel $0xFFFF  }
0xbf: {  	[dreg:$0x0] =	wrdreg $0xFFFFFFFF;
	(pc) =	sbr.abs _section_cstart, $3  }
0xc0: {  	[dreg:$0x1] =	wrdreg $0xFFFFFFFF  }
0xc1: {  	_ =	task.clear_ibuf [dreg:s6], $0x2FFFF;
	_ =	strace $0x9FFFFFFF  }
0xc2: {  	(tm) =	ssettm $0x7FFFFFFF  }
0xc3: {  	_ =	shalt  }
tec
execute0_lowered:
.L_overlay_start_1:
0x0: {  	(tag) =	ssettag $0x1  }
0x1: {  	s0 =	rddreg [dreg:$0x0]  }
0x2: {  	s2 =	rddreg [dreg:$0x1]  }
0x3: {  	s1 =	srdreg.scid;
	s10 =	stileid.u32;
	s3 =	simm.s32 $0x0  }
0x4: {  	s12 =	simm.s32 $0x7;
	s13 =	simm.s32 $0x2760;
	s14 =	simm.s32 $0x78  }
0x5: {  	s15 =	simm.s32 $0x4EC0;
	s16 =	simm.s32 $0x6CC0;
	s17 =	simm.s32 $0x1  }
0x6: {  	s19 =	simm.s32 $0x8AC0;
	s20 =	simm.s32 $0x2;
	s21 =	simm.s32 $0x27D8  }
0x7: {  	s22 =	simm.s32 $0x4;
	s23 =	simm.s32 $0x168;
	s24 =	simm.s32 $0x3  }
0x8: {  	s25 =	simm.s32 $0x2850;
	s26 =	simm.s32 $0x5;
	s28 =	simm.s32 $0x1E0  }
0x9: {  	s29 =	simm.s32 $0x6;
	s30 =	simm.s32 $0x0;
	s1 =	sand.u32 $0x1, s1  }
0xa: {  	s5 =	smul.u32 $0xA000, s10;
	[smem:$0x7FF] =	sst s3;
	s4 =	sshll.u32 s1, $0x4  }
0xb: {  	s31 =	sshll.u32 s10, $0x6;
	s7 =	smul.u32 $0xA0000, s1;
	s6 =	sor.u32 s10, s4  }
0xc: {  	_ =	strace $0x80000050;
	s1 =	ssub.s32 $0x2, s1;
	s8 =	smul.u32 $0x4EC, s6  }
0xd: {  	s4 =	sadd.s32 $0x22000, s0;
	s9 =	sshrl.u32 s1, $0x1;
	s6 =	smul.u32 $0x1400, s6  }
.Ltmp0:
0xe: {  	s11 =	sadd.s32 s5, s2;
	s7 =	sadd.s32 s5, s7;
	(pc) =	sbr.rel .LBB2_1-.Ltmp0, $4  }
0xf: {  	s1 =	ssub.s32 s1, s9;
	s11 =	sshrl.u32 s11, $0x3;
	s7 =	sshrl.u32 s7, $0x3  }
0x10: {  	s10 =	smax.u32 s1, $0x1;
	s8 =	sadd.s32 s8, s0;
	s6 =	sadd.s32 s6, s0  }
0x11: {  	s0 =	sadd.s32 s7, s0;
	s5 =	sadd.s32 $0x35A00, s6;
	s6 =	sor.u32 $0x1C07, s31  }
0x12: {  	s7 =	sadd.s32 $0xE400, s8;
	s8 =	sadd.s32 $0x18200, s8;
	s9 =	sadd.s32 $0x5DA00, s0  }
.LBB2_4:
0x13: {  	_ =	swait.ge [sflag:s24], $0x1E00  }
0x14: {  	[sflag:s24] =	ssyncset.done $0x0  }
0x15: {  	[sflag:s24] =	ssyncadd.s32 $0xFFFFE200  }
0x16: {  	[spmem:s2] =	stream.indirect.scatter.add.f32 [tilespmem:s19], [sflag:$0x6], $0x40, s1, s14, $0xb8;
	[tilespmem:$0x148C0] =	vst v63  }
0x17: {  	_ =	swait.ge [sflag:s26], $0x1E00  }
0x18: {  	[sflag:s26] =	ssyncset.done $0x0  }
0x19: {  	[sflag:s26] =	ssyncadd.s32 $0xFFFFE200  }
0x1a: {  	_ =	swait.ge [sflag:s29], $0x1E00  }
0x1b: {  	s30 =	sadd.s32 $0x1, s30;
	[sflag:s29] =	ssyncset.done $0x0  }
0x1c: {  	p0 =	sne.s32 s30, s10;
	[sflag:s29] =	ssyncadd.s32 $0xFFFFE200  }
.Ltmp1:
0x1d: {  	[bflag:$0x0] =	sbarrier.arrive $0xFFFF;
	(pc) =	sbr.rel @!p0 .LBB2_5-.Ltmp1, $4  }
0x1e: {  	[hbm:s9], [sflag:s6] =	dma.local [spmem:s11], $0x1400  }
0x1f: {  	_ =	swait.ge [sflag:s12], $0x1400  }
0x20: {  	[sflag:s12] =	ssyncset.done $0x0  }
0x21: {  	[sflag:s12] =	ssyncadd.s32 $0xFFFFEC00  }
.LBB2_1:
0x22: {  	[spmem:s11], [sflag:s6] =	dma.local [hbm:s5], $0x1400  }
0x23: {  	_ =	swait.ge [sflag:s12], $0x1400  }
0x24: {  	[sflag:s12] =	ssyncset.done $0x0  }
0x25: {  	[sflag:s12] =	ssyncadd.s32 $0xFFFFEC00  }
0x26: {  	[tilespmem:s3], [sflag:$0x7] =	stream.linear.gather [hbm4b:s7+s3], $0x2760, $0x38;
	[tilespmem:$0x148C0] =	vst v63  }
0x27: {  	_ =	swait.ge [sflag:s12], $0x2760  }
0x28: {  	[sflag:s12] =	ssyncset.done $0x0  }
0x29: {  	[sflag:s12] =	ssyncadd.s32 $0xFFFFD8A0  }
0x2a: {  	[tilespmem:s13], [sflag:$0x7] =	stream.linear.gather [hbm4b:s8+s3], $0x2760, $0x38;
	[tilespmem:$0x148C0] =	vst v63  }
0x2b: {  	_ =	swait.ge [sflag:s12], $0x2760  }
0x2c: {  	[sflag:s12] =	ssyncset.done $0x0  }
0x2d: {  	[sflag:s12] =	ssyncadd.s32 $0xFFFFD8A0  }
0x2e: {  	[bflag:$0x0] =	sbarrier.arrive $0xFFFF  }
0x2f: {  	[tilespmem:s15], [sflag:$0x1] =	stream.indirect.gather [hbm4b:s4+s14], $0x40, s3, s14, $0xb8;
	[tilespmem:$0x148C0] =	vst v63  }
0x30: {  	_ = 	snop  }
0x31: {  	[tilespmem:s16], [sflag:$0x2] =	stream.indirect.gather [hbm4b:s4+s14], $0x40, s14, s14, $0xb8;
	[tilespmem:$0x148C0] =	vst v63  }
0x32: {  	_ =	swait.ge [sflag:s17], $0x1E00  }
0x33: {  	[sflag:s17] =	ssyncset.done $0x0  }
0x34: {  	[sflag:s17] =	ssyncadd.s32 $0xFFFFE200  }
0x35: {  	[spmem:s2] =	stream.indirect.scatter.add.f32 [tilespmem:s15], [sflag:$0x4], $0x40, s13, s14, $0xb8;
	[tilespmem:$0x148C0] =	vst v63  }
0x36: {  	s0 =	simm.s32 $0xF0  }
0x37: {  	[tilespmem:s19], [sflag:$0x3] =	stream.indirect.gather [hbm4b:s4+s14], $0x40, s0, s14, $0xb8;
	[tilespmem:$0x148C0] =	vst v63  }
0x38: {  	_ =	swait.ge [sflag:s20], $0x1E00  }
0x39: {  	[sflag:s20] =	ssyncset.done $0x0  }
0x3a: {  	[sflag:s20] =	ssyncadd.s32 $0xFFFFE200  }
0x3b: {  	[spmem:s2] =	stream.indirect.scatter.add.f32 [tilespmem:s16], [sflag:$0x5], $0x40, s21, s14, $0xb8;
	[tilespmem:$0x148C0] =	vst v63  }
0x3c: {  	_ =	swait.ge [sflag:s22], $0x1E00  }
0x3d: {  	[sflag:s22] =	ssyncset.done $0x0  }
0x3e: {  	[sflag:s22] =	ssyncadd.s32 $0xFFFFE200  }
0x3f: {  	[tilespmem:s15], [sflag:$0x1] =	stream.indirect.gather [hbm4b:s4+s14], $0x40, s23, s14, $0xb8;
	[tilespmem:$0x148C0] =	vst v63  }
0x40: {  	_ =	swait.ge [sflag:s24], $0x1E00  }
0x41: {  	[sflag:s24] =	ssyncset.done $0x0  }
0x42: {  	[sflag:s24] =	ssyncadd.s32 $0xFFFFE200  }
0x43: {  	[spmem:s2] =	stream.indirect.scatter.add.f32 [tilespmem:s19], [sflag:$0x6], $0x40, s25, s14, $0xb8;
	[tilespmem:$0x148C0] =	vst v63  }
0x44: {  	_ =	swait.ge [sflag:s26], $0x1E00  }
0x45: {  	[sflag:s26] =	ssyncset.done $0x0  }
0x46: {  	s31 =	simm.s32 $0x0;
	[sflag:s26] =	ssyncadd.s32 $0xFFFFE200  }
0x47: {  	[tilespmem:s16], [sflag:$0x2] =	stream.indirect.gather [hbm4b:s4+s14], $0x40, s28, s14, $0xb8;
	[tilespmem:$0x148C0] =	vst v63  }
.LBB2_2:
0x48: {  	_ =	swait.ge [sflag:s17], $0x1E00  }
0x49: {  	s0 =	sshra.s32 s31, $0x2;
	[sflag:s17] =	ssyncset.done $0x0  }
0x4a: {  	s1 =	sadd.s32 $0x28C8, s0;
	[sflag:s17] =	ssyncadd.s32 $0xFFFFE200  }
0x4b: {  	[spmem:s2] =	stream.indirect.scatter.add.f32 [tilespmem:s15], [sflag:$0x4], $0x40, s1, s14, $0xb8;
	[tilespmem:$0x148C0] =	vst v63  }
0x4c: {  	_ =	swait.ge [sflag:s29], $0x1E00  }
0x4d: {  	[sflag:s29] =	ssyncset.done $0x0  }
0x4e: {  	s18 =	sadd.s32 $0x258, s0;
	[sflag:s29] =	ssyncadd.s32 $0xFFFFE200  }
0x4f: {  	[tilespmem:s19], [sflag:$0x3] =	stream.indirect.gather [hbm4b:s4+s14], $0x40, s18, s14, $0xb8;
	[tilespmem:$0x148C0] =	vst v63  }
0x50: {  	_ =	swait.ge [sflag:s20], $0x1E00  }
0x51: {  	p0 =	seq.s32 s31, $0x9240;
	[sflag:s20] =	ssyncset.done $0x0  }
.Ltmp2:
0x52: {  	s18 =	sadd.s32 $0x2940, s0;
	[sflag:s20] =	ssyncadd.s32 $0xFFFFE200;
	(pc) =	sbr.rel @p0 .LBB2_4-.Ltmp2, $4  }
0x53: {  	[spmem:s2] =	stream.indirect.scatter.add.f32 [tilespmem:s16], [sflag:$0x5], $0x40, s18, s14, $0xb8;
	[tilespmem:$0x148C0] =	vst v63  }
0x54: {  	_ =	swait.ge [sflag:s22], $0x1E00  }
0x55: {  	[sflag:s22] =	ssyncset.done $0x0  }
0x56: {  	s1 =	sadd.s32 $0x29B8, s0;
	[sflag:s22] =	ssyncadd.s32 $0xFFFFE200  }
0x57: {  	s18 =	sadd.s32 $0x2D0, s0  }
0x58: {  	[tilespmem:s15], [sflag:$0x1] =	stream.indirect.gather [hbm4b:s4+s14], $0x40, s18, s14, $0xb8;
	[tilespmem:$0x148C0] =	vst v63  }
0x59: {  	_ =	swait.ge [sflag:s24], $0x1E00  }
0x5a: {  	[sflag:s24] =	ssyncset.done $0x0  }
0x5b: {  	[sflag:s24] =	ssyncadd.s32 $0xFFFFE200  }
0x5c: {  	[spmem:s2] =	stream.indirect.scatter.add.f32 [tilespmem:s19], [sflag:$0x6], $0x40, s1, s14, $0xb8;
	[tilespmem:$0x148C0] =	vst v63  }
.Ltmp3:
0x5d: {  	_ = 	snop;
	(pc) =	sbr.rel .LBB2_2-.Ltmp3, $4  }
0x5e: {  	_ =	swait.ge [sflag:s26], $0x1E00  }
0x5f: {  	[sflag:s26] =	ssyncset.done $0x0  }
0x60: {  	s31 =	sadd.s32 $0x5A0, s31;
	s18 =	sadd.s32 $0x348, s0;
	[sflag:s26] =	ssyncadd.s32 $0xFFFFE200  }
0x61: {  	[tilespmem:s16], [sflag:$0x2] =	stream.indirect.gather [hbm4b:s4+s14], $0x40, s18, s14, $0xb8;
	[tilespmem:$0x148C0] =	vst v63  }
.LBB2_5:
0x62: {  	_ =	sfence.sel $0x180000  }
0x63: {  	[bflag:$0x0] =	sbarrier.arrive $0xFFFF  }
0x64: {  	_ =	strace $0x90000050  }
0x65: {  	s0 =	stileid.u32;
	[bflag:$0x2] =	sbarrier.arrive $0xFFFF  }
0x66: {  	p0 =	sne.s32 s0, $0x0;
	s0 =	rddreg [dreg:$0x2]  }
0x67: {  	s0 =	sadd.s32 @!p0 $0x100000, s0  }
0x68: {  	[sflag:s0] =	ssyncadd.tile.s32 @!p0 $0x1;
	_ =	shalt  }
.Lfunc_end2:
_tile_overlayer_lowered:
.L_overlay_start_2:
0x69: {  	(tag) =	ssettag $0x2  }
0x6a: {  	s0 =	rddreg [dreg:$0x0];
	s2 =	stileid.u32  }
0x6b: {  	s1 =	rddreg [dreg:$0x1];
	p0 =	sne.s32 s2, $0x0  }
0x6c: {  	s3 =	rddreg [dreg:$0x2];
	[bflag:$0x3] =	sbarrier.arrive $0xFFFF;
	s2 =	simm.s32 @!p0 $0x1C07  }
0x6d: {  	[timem:s3], [sflag:s2] =	dma.local @!p0 [hbm:s0], s1  }
0x6e: {  	s0 =	simm.s32 @!p0 $0x7  }
0x6f: {  	_ =	swait.ge @!p0 [sflag:s0], s1  }
0x70: {  	s1 =	ssub.s32 @!p0 $0x0, s1;
	[sflag:s0] =	ssyncset.done @!p0 $0x0  }
0x71: {  	[sflag:s0] =	ssyncadd.s32 @!p0 s1  }
0x72: {  	[bflag:$0x3] =	sbarrier.arrive $0xFFFF  }
0x73: {  	_ =	shalt  }

</sc_bundles>
